<compile_context>
chip_gen: v7x
topology: tpu7x:2x2x1
jax: 0.10.2.dev20260603
libtpu: 0.0.44.dev20260713+nightly
codegen_flags: <defaults>
</compile_context>

<pallas_src>
import functools

import jax
import jax.numpy as jnp
from jax import lax
from jax.experimental import pallas as pl
from jax.experimental.pallas import tpu as pltpu
from jax.experimental.pallas import tpu_sc as plsc

M = 2048
NN = 32
LOC = 16
LHID = 128
G = 4
DIN = 64
DOUT = 64
B = 2
E = M * NN
BF = B * DOUT
YW = B * G * DOUT

_EB = 2048


def _attn_body(maps_ref, w1_ref, b1_ref, w2_ref, b2_ref, w_ref):
    mp = maps_ref[...]
    h = jnp.tanh(
        jnp.dot(mp, w1_ref[...], preferred_element_type=jnp.float32)
        + b1_ref[...])
    cols = []
    for g in range(G):
        hg = h[:, g * LHID:(g + 1) * LHID]
        cg = jnp.sum(hg * w2_ref[g:g + 1, :], axis=1, keepdims=True)
        cols.append(cg + b2_ref[0:1, g:g + 1])
    c3 = jnp.concatenate(cols, axis=1).reshape(_EB // NN, NN, G)
    m = jnp.max(c3, axis=1, keepdims=True)
    ex = jnp.exp(c3 - m)
    s = jnp.sum(ex, axis=1, keepdims=True)
    w = (ex / s).reshape(_EB, G)
    row = lax.broadcasted_iota(jnp.int32, (G, G * 16), 0)
    colg = lax.broadcasted_iota(jnp.int32, (G, G * 16), 1) // 16
    k_mat = (row == colg).astype(jnp.float32)
    w_ref[...] = jnp.dot(w, k_mat, preferred_element_type=jnp.float32)


def _attn(maps_flat, w1cat, b1cat, w2rows, b2row):
    return pl.pallas_call(
        _attn_body,
        grid=(E // _EB,),
        in_specs=[
            pl.BlockSpec((_EB, LOC), lambda i: (i, 0)),
            pl.BlockSpec((LOC, G * LHID), lambda i: (0, 0)),
            pl.BlockSpec((1, G * LHID), lambda i: (0, 0)),
            pl.BlockSpec((G, LHID), lambda i: (0, 0)),
            pl.BlockSpec((1, G), lambda i: (0, 0)),
        ],
        out_specs=pl.BlockSpec((_EB, G * 16), lambda i: (i, 0)),
        out_shape=jax.ShapeDtypeStruct((E, G * 16), jnp.float32),
    )(maps_flat, w1cat, b1cat, w2rows, b2row)


_YB = 256


def _y_body(x_ref, w_ref, y_ref):
    pieces = []
    for b in range(B):
        xb = x_ref[b]
        for g in range(G):
            pieces.append(jnp.dot(xb, w_ref[g],
                                  preferred_element_type=jnp.float32))
    y_ref[...] = jnp.concatenate(pieces, axis=1)


def _y_table(x, xe_W):
    return pl.pallas_call(
        _y_body,
        grid=(M // _YB,),
        in_specs=[
            pl.BlockSpec((B, _YB, DIN), lambda i: (0, i, 0)),
            pl.BlockSpec((G, DIN, DOUT), lambda i: (0, 0, 0)),
        ],
        out_specs=pl.BlockSpec((_YB, YW), lambda i: (i, 0)),
        out_shape=jax.ShapeDtypeStruct((M, YW), jnp.float32),
    )(x, xe_W)


_CH = 64
_NTILES = 32
_EPT = E // _NTILES
_NCH = _EPT // _CH
_RPT = M // 16


def _agg_body(lidx_hbm, w_hbm, y_hbm, win_hbm, part_hbm,
              idx_v, col_v, row_v, w_v, rows_v, msg_v, win_v, acc_sh,
              gsem0, gsem1, lsem0, lsem1, wsem0, wsem1, ssem0, ssem1):
    c = lax.axis_index("c")
    s = lax.axis_index("s")
    wid = c * 16 + s
    base = wid * _EPT
    gsems = (gsem0, gsem1)
    lsems = (lsem0, lsem1)
    wsems = (wsem0, wsem1)
    ssems = (ssem0, ssem1)

    def zrow(i, carry):
        for j in range(BF // 16):
            msg_v[0, i, pl.ds(j * 16, 16)] = jnp.zeros((16,), jnp.float32)
            msg_v[1, i, pl.ds(j * 16, 16)] = jnp.zeros((16,), jnp.float32)
        return carry
    lax.fori_loop(0, _CH, zrow, 0)
    pltpu.sync_copy(msg_v.at[0], acc_sh.at[pl.ds(s * _RPT, _RPT // 2), :])
    pltpu.sync_copy(msg_v.at[1],
                    acc_sh.at[pl.ds(s * _RPT + _RPT // 2, _RPT // 2), :])

    pltpu.sync_copy(lidx_hbm.at[pl.ds(pl.multiple_of(base, _EPT), _EPT)],
                    idx_v)

    def rcsplit(chi, carry):
        for k in range(_CH // 16):
            iv = idx_v[pl.ds(chi * _CH + k * 16, 16)]
            col_v[pl.ds(chi * _CH + k * 16, 16)] = lax.bitwise_and(iv, M - 1)
        return carry
    lax.fori_loop(0, _NCH, rcsplit, 0)
    plsc.subcore_barrier()

    def _stage(ch, bi):
        off = pl.multiple_of(base + ch * _CH, _CH)
        pltpu.async_copy(w_hbm.at[pl.ds(off, _CH), :], w_v.at[bi], lsems[bi])
        pltpu.async_copy(win_hbm.at[idx_v.at[pl.ds(ch * _CH, _CH)]],
                         win_v.at[bi], wsems[bi])
        pltpu.async_copy(y_hbm.at[col_v.at[pl.ds(ch * _CH, _CH)]],
                         rows_v.at[bi], gsems[bi])

    def _compute(ch, bi):
        pltpu.make_async_copy(y_hbm.at[col_v.at[pl.ds(0, _CH)]],
                              rows_v.at[bi], gsems[bi]).wait()
        pltpu.make_async_copy(w_hbm.at[pl.ds(0, _CH), :], w_v.at[bi],
                              lsems[bi]).wait()
        pltpu.make_async_copy(win_hbm.at[pl.ds(0, _CH)], win_v.at[bi],
                              wsems[bi]).wait()

        for k in range(_CH // 16):
            iv = idx_v[pl.ds(ch * _CH + k * 16, 16)]
            rw = lax.shift_right_logical(iv, 11)
            eid = base + ch * _CH + k * 16 + jnp.arange(16, dtype=jnp.int32)
            wn = win_v[bi, pl.ds(k * 16, 16)]
            row_v[ch, pl.ds(k * 16, 16)] = jnp.where(wn == eid, rw, M)

        @plsc.parallel_loop(0, _CH, 1, unroll=8)
        def edge(e):
            ws = [w_v[bi, e, pl.ds(g * 16, 16)] for g in range(G)]
            for b in range(B):
                for k in range(DOUT // 16):
                    acc = ws[0] * rows_v[bi, e, pl.ds(b * G * DOUT + k * 16,
                                                      16)]
                    for g in range(1, G):
                        acc = acc + ws[g] * rows_v[
                            bi, e, pl.ds(b * G * DOUT + g * DOUT + k * 16, 16)]
                    msg_v[bi, e, pl.ds(b * DOUT + k * 16, 16)] = acc
        pltpu.async_copy(msg_v.at[bi], acc_sh.at[row_v.at[ch]], ssems[bi],
                         add=True)

    def _scatter_wait(bi):
        pltpu.make_async_copy(msg_v.at[bi], acc_sh.at[row_v.at[0]],
                              ssems[bi]).wait()

    _stage(0, 0)

    def chunk(it, carry):
        ch = it * 2
        _stage(ch + 1, 1)

        @pl.when(ch >= 2)
        def _():
            _scatter_wait(0)
        _compute(ch, 0)

        @pl.when(ch + 2 < _NCH)
        def _():
            _stage(ch + 2, 0)

        @pl.when(ch >= 2)
        def _():
            _scatter_wait(1)
        _compute(ch + 1, 1)
        return carry
    lax.fori_loop(0, _NCH // 2, chunk, 0)

    _scatter_wait(0)
    _scatter_wait(1)
    plsc.subcore_barrier()
    pltpu.sync_copy(acc_sh.at[pl.ds(s * _RPT, _RPT), :],
                    part_hbm.at[c, pl.ds(s * _RPT, _RPT), :])


def _aggregate(lidx, w_eg, y, winner):
    mesh = plsc.VectorSubcoreMesh(core_axis_name="c", subcore_axis_name="s")
    agg = functools.partial(
        pl.kernel,
        mesh=mesh,
        out_type=jax.ShapeDtypeStruct((2, M, BF), jnp.float32),
        scratch_types=[
            pltpu.VMEM((_EPT,), jnp.int32),
            pltpu.VMEM((_EPT,), jnp.int32),
            pltpu.VMEM((_NCH, _CH), jnp.int32),
            pltpu.VMEM((2, _CH, G * 16), jnp.float32),
            pltpu.VMEM((2, _CH, YW), jnp.float32),
            pltpu.VMEM((2, _CH, BF), jnp.float32),
            pltpu.VMEM((2, _CH), jnp.int32),
            pltpu.VMEM_SHARED((M + 16, BF), jnp.float32),
            pltpu.SemaphoreType.DMA,
            pltpu.SemaphoreType.DMA,
            pltpu.SemaphoreType.DMA,
            pltpu.SemaphoreType.DMA,
            pltpu.SemaphoreType.DMA,
            pltpu.SemaphoreType.DMA,
            pltpu.SemaphoreType.DMA,
            pltpu.SemaphoreType.DMA,
        ],
    )(_agg_body)
    return agg(lidx, w_eg, y, winner)


_FB = 256


def _finish_body(p_ref, b_ref, o_ref):
    p = p_ref[...]
    t = p[0] + p[1]
    outs = [t[:, b * DOUT:(b + 1) * DOUT] + b_ref[...] for b in range(B)]
    o_ref[...] = jnp.stack(outs, axis=0)


def _finish(part, bias_row):
    return pl.pallas_call(
        _finish_body,
        grid=(M // _FB,),
        in_specs=[
            pl.BlockSpec((2, _FB, BF), lambda i: (0, i, 0)),
            pl.BlockSpec((1, DOUT), lambda i: (0, 0)),
        ],
        out_specs=pl.BlockSpec((B, _FB, DOUT), lambda i: (0, i, 0)),
        out_shape=jax.ShapeDtypeStruct((B, M, DOUT), jnp.float32),
    )(part, bias_row)


def kernel(x, maps, L_idx, fc1_W, fc1_b, fc2_W, fc2_b, xe_W, xe_b):
    lidx = L_idx.astype(jnp.int32)

    iota = jnp.arange(E, dtype=jnp.int32)
    winner = jnp.zeros((M * M,), jnp.int32).at[lidx].max(iota)

    maps_flat = maps.reshape(E, LOC)
    w1cat = jnp.transpose(fc1_W, (1, 0, 2)).reshape(LOC, G * LHID)
    b1cat = fc1_b.reshape(1, G * LHID)
    w2rows = fc2_W.reshape(G, LHID)
    b2row = fc2_b.reshape(1, G)

    w_exp = _attn(maps_flat, w1cat, b1cat, w2rows, b2row)
    y = _y_table(x, xe_W)
    part = _aggregate(lidx, w_exp, y, winner)
    return _finish(part, xe_b.reshape(1, DOUT))

# --- scband reference (transcript-rebuilt; emitter-appended) ---
"""Pipeline reference for scband-graph-conv-38594576122649 (READ-ONLY COPY).

The authoritative reference and input builder live on the scoring server;
editing this copy changes nothing except your own understanding.
"""

import jax, jax.numpy as jnp
import numpy as np

M = 2048      # node_num
NN = 32       # neighbors per node (L_idx.size(0) / node_num)
LOC = 16      # loc_feature
LHID = 128    # hidden dim of attention MLP
G = 4         # graph_num
DIN = 64      # in_feature
DOUT = 64     # out_feature
B = 2         # batch size


def setup_inputs(seed: int = 0) -> dict:
    key = jax.random.key(seed)
    ks = jax.random.split(key, 8)
    x = jax.random.normal(ks[0], (B, M, DIN), dtype=jnp.float32)
    maps = jax.random.normal(ks[1], (M, NN, LOC), dtype=jnp.float32)
    L_idx = jax.random.randint(ks[2], (M * NN,), 0, M * M)
    fc1_W = jax.random.normal(ks[3], (G, LOC, LHID), dtype=jnp.float32) * 0.1
    fc1_b = jnp.zeros((G, LHID), dtype=jnp.float32)
    fc2_W = jax.random.normal(ks[4], (G, LHID, 1), dtype=jnp.float32) * 0.1
    fc2_b = jnp.zeros((G, 1), dtype=jnp.float32)
    xe_W = jax.random.normal(ks[5], (G, DIN, DOUT), dtype=jnp.float32) * 0.05
    xe_b = jnp.zeros((DOUT,), dtype=jnp.float32)
    return {"x": x, "maps": maps, "L_idx": L_idx, "fc1_W": fc1_W,
            "fc1_b": fc1_b, "fc2_W": fc2_W, "fc2_b": fc2_b,
            "xe_W": xe_W, "xe_b": xe_b}


def reference(x, maps, L_idx, fc1_W, fc1_b, fc2_W, fc2_b, xe_W, xe_b):
    # x: [B, M, DIN]; maps: [M, NN, LOC]; L_idx: [M*NN] flat indices into M*M
    maps_flat = maps.reshape(-1, LOC)  # [M*NN, LOC]
    out = jnp.zeros((x.shape[0], M, DOUT), dtype=x.dtype)
    for i in range(G):
        # per-graph location attention MLP
        c = jnp.tanh(maps_flat @ fc1_W[i] + fc1_b[i])      # [M*NN, LHID]
        c = c @ fc2_W[i] + fc2_b[i]                        # [M*NN, 1]
        c = c.reshape(M, NN)
        attn = jax.nn.softmax(c, axis=-1).reshape(M * NN)  # row-wise softmax
        # scatter attention weights into dense Laplacian (overwrite semantics)
        L = jnp.zeros((M * M,), dtype=x.dtype).at[L_idx].set(attn).reshape(M, M)
        # XeLayer: per-graph propagation L @ x @ W_i, summed over graphs
        out = out + jnp.einsum('mn,bnf,fo->bmo', L, x, xe_W[i])
    return out + xe_b

if __name__ == "__main__":
    import jax
    _d = setup_inputs()
    print(jax.jit(kernel)(*tuple(_d.values())))

</pallas_src>

<mosaic_0001>
#map = affine_map<(d0, d1) -> (0)>
#map1 = affine_map<(d0, d1) -> (0, 0)>
#map2 = affine_map<(d0, d1) -> (0, 0, 0)>
module attributes {stable_mosaic.version = 14 : i64} {
  func.func @_agg_body(%arg0: i32, %arg1: i32, %arg2: memref<65536xi32, #tpu.memory_space<hbm>>, %arg3: memref<65536x64xf32, #tpu.memory_space<hbm>>, %arg4: memref<2048x512xf32, #tpu.memory_space<hbm>>, %arg5: memref<4194304xi32, #tpu.memory_space<hbm>>, %arg6: memref<2x2048x128xf32, #tpu.memory_space<hbm>>, %arg7: memref<2048xi32, #tpu.memory_space<vmem>>, %arg8: memref<2048xi32, #tpu.memory_space<vmem>>, %arg9: memref<32x64xi32, #tpu.memory_space<vmem>>, %arg10: memref<2x64x64xf32, #tpu.memory_space<vmem>>, %arg11: memref<2x64x512xf32, #tpu.memory_space<vmem>>, %arg12: memref<2x64x128xf32, #tpu.memory_space<vmem>>, %arg13: memref<2x64xi32, #tpu.memory_space<vmem>>, %arg14: memref<2064x128xf32, #tpu.memory_space<vmem_shared>>, %arg15: memref<!tpu.dma_semaphore, #tpu.memory_space<semaphore_mem>>, %arg16: memref<!tpu.dma_semaphore, #tpu.memory_space<semaphore_mem>>, %arg17: memref<!tpu.dma_semaphore, #tpu.memory_space<semaphore_mem>>, %arg18: memref<!tpu.dma_semaphore, #tpu.memory_space<semaphore_mem>>, %arg19: memref<!tpu.dma_semaphore, #tpu.memory_space<semaphore_mem>>, %arg20: memref<!tpu.dma_semaphore, #tpu.memory_space<semaphore_mem>>, %arg21: memref<!tpu.dma_semaphore, #tpu.memory_space<semaphore_mem>>, %arg22: memref<!tpu.dma_semaphore, #tpu.memory_space<semaphore_mem>>) attributes {dimension_semantics = [#tpu.dimension_semantics<core_parallel>, #tpu.dimension_semantics<subcore_parallel>], iteration_bounds = array<i64: 2, 16>, scalar_prefetch = 0 : i64, scratch_operands = 16 : i64, tpu.core_type = #tpu.core_type<sc_vector_subcore>, window_params = [{transform_indices = #map}, {transform_indices = #map1}, {transform_indices = #map1}, {transform_indices = #map}, {transform_indices = #map2}]} {
    %mul3A = arith.constant 16 : i32
    %mul3A_0 = arith.muli %arg0, %mul3A : i32
    %add3A = arith.addi %mul3A_0, %arg1 : i32
    %mul3A_1 = arith.constant 2048 : i32
    %mul3A_2 = arith.muli %add3A, %mul3A_1 : i32
    %scan3A = arith.constant 0 : i32
    %scan3A_3 = arith.constant 0 : i32
    %scan3A_4 = arith.constant 64 : i32
    %scan3A_5 = arith.addi %scan3A_3, %scan3A_4 : i32
    %scan3A_6 = arith.constant 1 : i32
    scf.for %scan3A_88 = %scan3A_3 to %scan3A_5 step %scan3A_6  : i32 {
      %broadcast_in_dim3A = arith.constant 0.000000e+00 : f32
      %broadcast_in_dim3A_89 = vector.broadcast %broadcast_in_dim3A : f32 to vector<16xf32>
      %swap3A = arith.constant 0 : i32
      %swap3A_90 = arith.index_cast %swap3A : i32 to index
      %swap3A_91 = arith.index_cast %scan3A_88 : i32 to index
      %swap3A_92 = arith.constant 0 : index
      %swap3A_93 = tpu.vector_load %arg12[%swap3A_90, %swap3A_91, %swap3A_92] {strides = array<i32>} : memref<2x64x128xf32, #tpu.memory_space<vmem>>, vector<1x1x16xf32>,
      %swap3A_94 = vector.shape_cast %swap3A_93 : vector<1x1x16xf32> to vector<16xf32>
      %swap3A_95 = vector.shape_cast %broadcast_in_dim3A_89 : vector<16xf32> to vector<1x1x16xf32>
      tpu.vector_store %arg12[%swap3A_90, %swap3A_91, %swap3A_92], %swap3A_95 {strides = array<i32>} : memref<2x64x128xf32, #tpu.memory_space<vmem>>, vector<1x1x16xf32>,
      %broadcast_in_dim3A_96 = arith.constant 0.000000e+00 : f32
      %broadcast_in_dim3A_97 = vector.broadcast %broadcast_in_dim3A_96 : f32 to vector<16xf32>
      %swap3A_98 = arith.constant 1 : i32
      %swap3A_99 = arith.index_cast %swap3A_98 : i32 to index
      %swap3A_100 = arith.index_cast %scan3A_88 : i32 to index
      %swap3A_101 = arith.constant 0 : index
      %swap3A_102 = tpu.vector_load %arg12[%swap3A_99, %swap3A_100, %swap3A_101] {strides = array<i32>} : memref<2x64x128xf32, #tpu.memory_space<vmem>>, vector<1x1x16xf32>,
      %swap3A_103 = vector.shape_cast %swap3A_102 : vector<1x1x16xf32> to vector<16xf32>
      %swap3A_104 = vector.shape_cast %broadcast_in_dim3A_97 : vector<16xf32> to vector<1x1x16xf32>
      tpu.vector_store %arg12[%swap3A_99, %swap3A_100, %swap3A_101], %swap3A_104 {strides = array<i32>} : memref<2x64x128xf32, #tpu.memory_space<vmem>>, vector<1x1x16xf32>,
      %broadcast_in_dim3A_105 = arith.constant 0.000000e+00 : f32
      %broadcast_in_dim3A_106 = vector.broadcast %broadcast_in_dim3A_105 : f32 to vector<16xf32>
      %swap3A_107 = arith.constant 0 : i32
      %swap3A_108 = arith.index_cast %swap3A_107 : i32 to index
      %swap3A_109 = arith.index_cast %scan3A_88 : i32 to index
      %swap3A_110 = arith.constant 16 : index
      %swap3A_111 = tpu.vector_load %arg12[%swap3A_108, %swap3A_109, %swap3A_110] {strides = array<i32>} : memref<2x64x128xf32, #tpu.memory_space<vmem>>, vector<1x1x16xf32>,
      %swap3A_112 = vector.shape_cast %swap3A_111 : vector<1x1x16xf32> to vector<16xf32>
      %swap3A_113 = vector.shape_cast %broadcast_in_dim3A_106 : vector<16xf32> to vector<1x1x16xf32>
      tpu.vector_store %arg12[%swap3A_108, %swap3A_109, %swap3A_110], %swap3A_113 {strides = array<i32>} : memref<2x64x128xf32, #tpu.memory_space<vmem>>, vector<1x1x16xf32>,
      %broadcast_in_dim3A_114 = arith.constant 0.000000e+00 : f32
      %broadcast_in_dim3A_115 = vector.broadcast %broadcast_in_dim3A_114 : f32 to vector<16xf32>
      %swap3A_116 = arith.constant 1 : i32
      %swap3A_117 = arith.index_cast %swap3A_116 : i32 to index
      %swap3A_118 = arith.index_cast %scan3A_88 : i32 to index
      %swap3A_119 = arith.constant 16 : index
      %swap3A_120 = tpu.vector_load %arg12[%swap3A_117, %swap3A_118, %swap3A_119] {strides = array<i32>} : memref<2x64x128xf32, #tpu.memory_space<vmem>>, vector<1x1x16xf32>,
      %swap3A_121 = vector.shape_cast %swap3A_120 : vector<1x1x16xf32> to vector<16xf32>
      %swap3A_122 = vector.shape_cast %broadcast_in_dim3A_115 : vector<16xf32> to vector<1x1x16xf32>
      tpu.vector_store %arg12[%swap3A_117, %swap3A_118, %swap3A_119], %swap3A_122 {strides = array<i32>} : memref<2x64x128xf32, #tpu.memory_space<vmem>>, vector<1x1x16xf32>,
      %broadcast_in_dim3A_123 = arith.constant 0.000000e+00 : f32
      %broadcast_in_dim3A_124 = vector.broadcast %broadcast_in_dim3A_123 : f32 to vector<16xf32>
      %swap3A_125 = arith.constant 0 : i32
      %swap3A_126 = arith.index_cast %swap3A_125 : i32 to index
      %swap3A_127 = arith.index_cast %scan3A_88 : i32 to index
      %swap3A_128 = arith.constant 32 : index
      %swap3A_129 = tpu.vector_load %arg12[%swap3A_126, %swap3A_127, %swap3A_128] {strides = array<i32>} : memref<2x64x128xf32, #tpu.memory_space<vmem>>, vector<1x1x16xf32>,
      %swap3A_130 = vector.shape_cast %swap3A_129 : vector<1x1x16xf32> to vector<16xf32>
      %swap3A_131 = vector.shape_cast %broadcast_in_dim3A_124 : vector<16xf32> to vector<1x1x16xf32>
      tpu.vector_store %arg12[%swap3A_126, %swap3A_127, %swap3A_128], %swap3A_131 {strides = array<i32>} : memref<2x64x128xf32, #tpu.memory_space<vmem>>, vector<1x1x16xf32>,
      %broadcast_in_dim3A_132 = arith.constant 0.000000e+00 : f32
      %broadcast_in_dim3A_133 = vector.broadcast %broadcast_in_dim3A_132 : f32 to vector<16xf32>
      %swap3A_134 = arith.constant 1 : i32
      %swap3A_135 = arith.index_cast %swap3A_134 : i32 to index
      %swap3A_136 = arith.index_cast %scan3A_88 : i32 to index
      %swap3A_137 = arith.constant 32 : index
      %swap3A_138 = tpu.vector_load %arg12[%swap3A_135, %swap3A_136, %swap3A_137] {strides = array<i32>} : memref<2x64x128xf32, #tpu.memory_space<vmem>>, vector<1x1x16xf32>,
      %swap3A_139 = vector.shape_cast %swap3A_138 : vector<1x1x16xf32> to vector<16xf32>
      %swap3A_140 = vector.shape_cast %broadcast_in_dim3A_133 : vector<16xf32> to vector<1x1x16xf32>
      tpu.vector_store %arg12[%swap3A_135, %swap3A_136, %swap3A_137], %swap3A_140 {strides = array<i32>} : memref<2x64x128xf32, #tpu.memory_space<vmem>>, vector<1x1x16xf32>,
      %broadcast_in_dim3A_141 = arith.constant 0.000000e+00 : f32
      %broadcast_in_dim3A_142 = vector.broadcast %broadcast_in_dim3A_141 : f32 to vector<16xf32>
      %swap3A_143 = arith.constant 0 : i32
      %swap3A_144 = arith.index_cast %swap3A_143 : i32 to index
      %swap3A_145 = arith.index_cast %scan3A_88 : i32 to index
      %swap3A_146 = arith.constant 48 : index
      %swap3A_147 = tpu.vector_load %arg12[%swap3A_144, %swap3A_145, %swap3A_146] {strides = array<i32>} : memref<2x64x128xf32, #tpu.memory_space<vmem>>, vector<1x1x16xf32>,
      %swap3A_148 = vector.shape_cast %swap3A_147 : vector<1x1x16xf32> to vector<16xf32>
      %swap3A_149 = vector.shape_cast %broadcast_in_dim3A_142 : vector<16xf32> to vector<1x1x16xf32>
      tpu.vector_store %arg12[%swap3A_144, %swap3A_145, %swap3A_146], %swap3A_149 {strides = array<i32>} : memref<2x64x128xf32, #tpu.memory_space<vmem>>, vector<1x1x16xf32>,
      %broadcast_in_dim3A_150 = arith.constant 0.000000e+00 : f32
      %broadcast_in_dim3A_151 = vector.broadcast %broadcast_in_dim3A_150 : f32 to vector<16xf32>
      %swap3A_152 = arith.constant 1 : i32
      %swap3A_153 = arith.index_cast %swap3A_152 : i32 to index
      %swap3A_154 = arith.index_cast %scan3A_88 : i32 to index
      %swap3A_155 = arith.constant 48 : index
      %swap3A_156 = tpu.vector_load %arg12[%swap3A_153, %swap3A_154, %swap3A_155] {strides = array<i32>} : memref<2x64x128xf32, #tpu.memory_space<vmem>>, vector<1x1x16xf32>,
      %swap3A_157 = vector.shape_cast %swap3A_156 : vector<1x1x16xf32> to vector<16xf32>
      %swap3A_158 = vector.shape_cast %broadcast_in_dim3A_151 : vector<16xf32> to vector<1x1x16xf32>
      tpu.vector_store %arg12[%swap3A_153, %swap3A_154, %swap3A_155], %swap3A_158 {strides = array<i32>} : memref<2x64x128xf32, #tpu.memory_space<vmem>>, vector<1x1x16xf32>,
      %broadcast_in_dim3A_159 = arith.constant 0.000000e+00 : f32
      %broadcast_in_dim3A_160 = vector.broadcast %broadcast_in_dim3A_159 : f32 to vector<16xf32>
      %swap3A_161 = arith.constant 0 : i32
      %swap3A_162 = arith.index_cast %swap3A_161 : i32 to index
      %swap3A_163 = arith.index_cast %scan3A_88 : i32 to index
      %swap3A_164 = arith.constant 64 : index
      %swap3A_165 = tpu.vector_load %arg12[%swap3A_162, %swap3A_163, %swap3A_164] {strides = array<i32>} : memref<2x64x128xf32, #tpu.memory_space<vmem>>, vector<1x1x16xf32>,
      %swap3A_166 = vector.shape_cast %swap3A_165 : vector<1x1x16xf32> to vector<16xf32>
      %swap3A_167 = vector.shape_cast %broadcast_in_dim3A_160 : vector<16xf32> to vector<1x1x16xf32>
      tpu.vector_store %arg12[%swap3A_162, %swap3A_163, %swap3A_164], %swap3A_167 {strides = array<i32>} : memref<2x64x128xf32, #tpu.memory_space<vmem>>, vector<1x1x16xf32>,
      %broadcast_in_dim3A_168 = arith.constant 0.000000e+00 : f32
      %broadcast_in_dim3A_169 = vector.broadcast %broadcast_in_dim3A_168 : f32 to vector<16xf32>
      %swap3A_170 = arith.constant 1 : i32
      %swap3A_171 = arith.index_cast %swap3A_170 : i32 to index
      %swap3A_172 = arith.index_cast %scan3A_88 : i32 to index
      %swap3A_173 = arith.constant 64 : index
      %swap3A_174 = tpu.vector_load %arg12[%swap3A_171, %swap3A_172, %swap3A_173] {strides = array<i32>} : memref<2x64x128xf32, #tpu.memory_space<vmem>>, vector<1x1x16xf32>,
      %swap3A_175 = vector.shape_cast %swap3A_174 : vector<1x1x16xf32> to vector<16xf32>
      %swap3A_176 = vector.shape_cast %broadcast_in_dim3A_169 : vector<16xf32> to vector<1x1x16xf32>
      tpu.vector_store %arg12[%swap3A_171, %swap3A_172, %swap3A_173], %swap3A_176 {strides = array<i32>} : memref<2x64x128xf32, #tpu.memory_space<vmem>>, vector<1x1x16xf32>,
      %broadcast_in_dim3A_177 = arith.constant 0.000000e+00 : f32
      %broadcast_in_dim3A_178 = vector.broadcast %broadcast_in_dim3A_177 : f32 to vector<16xf32>
      %swap3A_179 = arith.constant 0 : i32
      %swap3A_180 = arith.index_cast %swap3A_179 : i32 to index
      %swap3A_181 = arith.index_cast %scan3A_88 : i32 to index
      %swap3A_182 = arith.constant 80 : index
      %swap3A_183 = tpu.vector_load %arg12[%swap3A_180, %swap3A_181, %swap3A_182] {strides = array<i32>} : memref<2x64x128xf32, #tpu.memory_space<vmem>>, vector<1x1x16xf32>,
      %swap3A_184 = vector.shape_cast %swap3A_183 : vector<1x1x16xf32> to vector<16xf32>
      %swap3A_185 = vector.shape_cast %broadcast_in_dim3A_178 : vector<16xf32> to vector<1x1x16xf32>
      tpu.vector_store %arg12[%swap3A_180, %swap3A_181, %swap3A_182], %swap3A_185 {strides = array<i32>} : memref<2x64x128xf32, #tpu.memory_space<vmem>>, vector<1x1x16xf32>,
      %broadcast_in_dim3A_186 = arith.constant 0.000000e+00 : f32
      %broadcast_in_dim3A_187 = vector.broadcast %broadcast_in_dim3A_186 : f32 to vector<16xf32>
      %swap3A_188 = arith.constant 1 : i32
      %swap3A_189 = arith.index_cast %swap3A_188 : i32 to index
      %swap3A_190 = arith.index_cast %scan3A_88 : i32 to index
      %swap3A_191 = arith.constant 80 : index
      %swap3A_192 = tpu.vector_load %arg12[%swap3A_189, %swap3A_190, %swap3A_191] {strides = array<i32>} : memref<2x64x128xf32, #tpu.memory_space<vmem>>, vector<1x1x16xf32>,
      %swap3A_193 = vector.shape_cast %swap3A_192 : vector<1x1x16xf32> to vector<16xf32>
      %swap3A_194 = vector.shape_cast %broadcast_in_dim3A_187 : vector<16xf32> to vector<1x1x16xf32>
      tpu.vector_store %arg12[%swap3A_189, %swap3A_190, %swap3A_191], %swap3A_194 {strides = array<i32>} : memref<2x64x128xf32, #tpu.memory_space<vmem>>, vector<1x1x16xf32>,
      %broadcast_in_dim3A_195 = arith.constant 0.000000e+00 : f32
      %broadcast_in_dim3A_196 = vector.broadcast %broadcast_in_dim3A_195 : f32 to vector<16xf32>
      %swap3A_197 = arith.constant 0 : i32
      %swap3A_198 = arith.index_cast %swap3A_197 : i32 to index
      %swap3A_199 = arith.index_cast %scan3A_88 : i32 to index
      %swap3A_200 = arith.constant 96 : index
      %swap3A_201 = tpu.vector_load %arg12[%swap3A_198, %swap3A_199, %swap3A_200] {strides = array<i32>} : memref<2x64x128xf32, #tpu.memory_space<vmem>>, vector<1x1x16xf32>,
      %swap3A_202 = vector.shape_cast %swap3A_201 : vector<1x1x16xf32> to vector<16xf32>
      %swap3A_203 = vector.shape_cast %broadcast_in_dim3A_196 : vector<16xf32> to vector<1x1x16xf32>
      tpu.vector_store %arg12[%swap3A_198, %swap3A_199, %swap3A_200], %swap3A_203 {strides = array<i32>} : memref<2x64x128xf32, #tpu.memory_space<vmem>>, vector<1x1x16xf32>,
      %broadcast_in_dim3A_204 = arith.constant 0.000000e+00 : f32
      %broadcast_in_dim3A_205 = vector.broadcast %broadcast_in_dim3A_204 : f32 to vector<16xf32>
      %swap3A_206 = arith.constant 1 : i32
      %swap3A_207 = arith.index_cast %swap3A_206 : i32 to index
      %swap3A_208 = arith.index_cast %scan3A_88 : i32 to index
      %swap3A_209 = arith.constant 96 : index
      %swap3A_210 = tpu.vector_load %arg12[%swap3A_207, %swap3A_208, %swap3A_209] {strides = array<i32>} : memref<2x64x128xf32, #tpu.memory_space<vmem>>, vector<1x1x16xf32>,
      %swap3A_211 = vector.shape_cast %swap3A_210 : vector<1x1x16xf32> to vector<16xf32>
      %swap3A_212 = vector.shape_cast %broadcast_in_dim3A_205 : vector<16xf32> to vector<1x1x16xf32>
      tpu.vector_store %arg12[%swap3A_207, %swap3A_208, %swap3A_209], %swap3A_212 {strides = array<i32>} : memref<2x64x128xf32, #tpu.memory_space<vmem>>, vector<1x1x16xf32>,
      %broadcast_in_dim3A_213 = arith.constant 0.000000e+00 : f32
      %broadcast_in_dim3A_214 = vector.broadcast %broadcast_in_dim3A_213 : f32 to vector<16xf32>
      %swap3A_215 = arith.constant 0 : i32
      %swap3A_216 = arith.index_cast %swap3A_215 : i32 to index
      %swap3A_217 = arith.index_cast %scan3A_88 : i32 to index
      %swap3A_218 = arith.constant 112 : index
      %swap3A_219 = tpu.vector_load %arg12[%swap3A_216, %swap3A_217, %swap3A_218] {strides = array<i32>} : memref<2x64x128xf32, #tpu.memory_space<vmem>>, vector<1x1x16xf32>,
      %swap3A_220 = vector.shape_cast %swap3A_219 : vector<1x1x16xf32> to vector<16xf32>
      %swap3A_221 = vector.shape_cast %broadcast_in_dim3A_214 : vector<16xf32> to vector<1x1x16xf32>
      tpu.vector_store %arg12[%swap3A_216, %swap3A_217, %swap3A_218], %swap3A_221 {strides = array<i32>} : memref<2x64x128xf32, #tpu.memory_space<vmem>>, vector<1x1x16xf32>,
      %broadcast_in_dim3A_222 = arith.constant 0.000000e+00 : f32
      %broadcast_in_dim3A_223 = vector.broadcast %broadcast_in_dim3A_222 : f32 to vector<16xf32>
      %swap3A_224 = arith.constant 1 : i32
      %swap3A_225 = arith.index_cast %swap3A_224 : i32 to index
      %swap3A_226 = arith.index_cast %scan3A_88 : i32 to index
      %swap3A_227 = arith.constant 112 : index
      %swap3A_228 = tpu.vector_load %arg12[%swap3A_225, %swap3A_226, %swap3A_227] {strides = array<i32>} : memref<2x64x128xf32, #tpu.memory_space<vmem>>, vector<1x1x16xf32>,
      %swap3A_229 = vector.shape_cast %swap3A_228 : vector<1x1x16xf32> to vector<16xf32>
      %swap3A_230 = vector.shape_cast %broadcast_in_dim3A_223 : vector<16xf32> to vector<1x1x16xf32>
      tpu.vector_store %arg12[%swap3A_225, %swap3A_226, %swap3A_227], %swap3A_230 {strides = array<i32>} : memref<2x64x128xf32, #tpu.memory_space<vmem>>, vector<1x1x16xf32>,
    }
    %scan3A_7 = arith.constant 64 : i32
    %mul3A_8 = arith.constant 128 : i32
    %mul3A_9 = arith.muli %arg1, %mul3A_8 : i32
    %run_scoped3A = arith.constant 0 : i32
    "tpu.region"() ({
      %run_scoped3A_88 = tpu.sem_alloc : memref<!tpu.dma_semaphore, #tpu.memory_space<semaphore_mem>>
      %dma_start3A_89 = arith.constant 0 : i32
      %dma_start3A_90 = arith.constant 0 : i32
      %dma_start3A_91 = tpu.memref_slice %arg12[%run_scoped3A, %dma_start3A_89, %dma_start3A_90] : memref<2x64x128xf32, #tpu.memory_space<vmem>> -> memref<1x64x128xf32, #tpu.memory_space<vmem>>
      %dma_start3A_92 = tpu.memref_squeeze %dma_start3A_91 : memref<1x64x128xf32, #tpu.memory_space<vmem>> -> memref<64x128xf32, #tpu.memory_space<vmem>>
      %dma_start3A_93 = arith.constant 0 : i32
      %dma_start3A_94 = tpu.memref_slice %arg14[%mul3A_9, %dma_start3A_93] : memref<2064x128xf32, #tpu.memory_space<vmem_shared>> -> memref<64x128xf32, #tpu.memory_space<vmem_shared>>
      %dma_start3A_95 = arith.constant 0 : i32
      %dma_start3A_96 = tpu.memref_slice %arg14[%mul3A_9, %dma_start3A_95] : memref<2064x128xf32, #tpu.memory_space<vmem_shared>> -> memref<64x128xf32, #tpu.memory_space<vmem_shared>>
      %dma_start3A_97 = arith.constant 0 : i32
      %dma_start3A_98 = arith.constant 0 : i32
      %dma_start3A_99 = tpu.memref_slice %arg12[%run_scoped3A, %dma_start3A_97, %dma_start3A_98] : memref<2x64x128xf32, #tpu.memory_space<vmem>> -> memref<1x64x128xf32, #tpu.memory_space<vmem>>
      %dma_start3A_100 = tpu.memref_squeeze %dma_start3A_99 : memref<1x64x128xf32, #tpu.memory_space<vmem>> -> memref<64x128xf32, #tpu.memory_space<vmem>>
      tpu.enqueue_dma source(%dma_start3A_100 : memref<64x128xf32, #tpu.memory_space<vmem>>) target(%dma_start3A_96 : memref<64x128xf32, #tpu.memory_space<vmem_shared>>) target_semaphore(%run_scoped3A_88 : memref<!tpu.dma_semaphore, #tpu.memory_space<semaphore_mem>>)
      %dma_wait3A_101 = arith.constant 0 : i32
      %dma_wait3A_102 = arith.constant 0 : i32
      %dma_wait3A_103 = tpu.memref_slice %arg12[%run_scoped3A, %dma_wait3A_101, %dma_wait3A_102] : memref<2x64x128xf32, #tpu.memory_space<vmem>> -> memref<1x64x128xf32, #tpu.memory_space<vmem>>
      %dma_wait3A_104 = tpu.memref_squeeze %dma_wait3A_103 : memref<1x64x128xf32, #tpu.memory_space<vmem>> -> memref<64x128xf32, #tpu.memory_space<vmem>>
      %dma_wait3A_105 = arith.constant 0 : i32
      %dma_wait3A_106 = tpu.memref_slice %arg14[%mul3A_9, %dma_wait3A_105] : memref<2064x128xf32, #tpu.memory_space<vmem_shared>> -> memref<64x128xf32, #tpu.memory_space<vmem_shared>>
      %dma_wait3A_107 = arith.constant 0 : i32
      %dma_wait3A_108 = tpu.memref_slice %arg14[%mul3A_9, %dma_wait3A_107] : memref<2064x128xf32, #tpu.memory_space<vmem_shared>> -> memref<64x128xf32, #tpu.memory_space<vmem_shared>>
      %dma_wait3A_109 = arith.constant 0 : i32
      %dma_wait3A_110 = arith.constant 0 : i32
      %dma_wait3A_111 = tpu.memref_slice %arg12[%run_scoped3A, %dma_wait3A_109, %dma_wait3A_110] : memref<2x64x128xf32, #tpu.memory_space<vmem>> -> memref<1x64x128xf32, #tpu.memory_space<vmem>>
      %dma_wait3A_112 = tpu.memref_squeeze %dma_wait3A_111 : memref<1x64x128xf32, #tpu.memory_space<vmem>> -> memref<64x128xf32, #tpu.memory_space<vmem>>
      tpu.wait_dma2 semaphore(%run_scoped3A_88 : memref<!tpu.dma_semaphore, #tpu.memory_space<semaphore_mem>>) src(%dma_wait3A_112 : memref<64x128xf32, #tpu.memory_space<vmem>>) dst(%dma_wait3A_108 : memref<64x128xf32, #tpu.memory_space<vmem_shared>>)
      tpu.yield
    }) : () -> ()
    %mul3A_10 = arith.constant 128 : i32
    %mul3A_11 = arith.muli %arg1, %mul3A_10 : i32
    %add3A_12 = arith.constant 64 : i32
    %add3A_13 = arith.addi %mul3A_11, %add3A_12 : i32
    %run_scoped3A_14 = arith.constant 1 : i32
    "tpu.region"() ({
      %run_scoped3A_88 = tpu.sem_alloc : memref<!tpu.dma_semaphore, #tpu.memory_space<semaphore_mem>>
      %dma_start3A_89 = arith.constant 0 : i32
      %dma_start3A_90 = arith.constant 0 : i32
      %dma_start3A_91 = tpu.memref_slice %arg12[%run_scoped3A_14, %dma_start3A_89, %dma_start3A_90] : memref<2x64x128xf32, #tpu.memory_space<vmem>> -> memref<1x64x128xf32, #tpu.memory_space<vmem>>
      %dma_start3A_92 = tpu.memref_squeeze %dma_start3A_91 : memref<1x64x128xf32, #tpu.memory_space<vmem>> -> memref<64x128xf32, #tpu.memory_space<vmem>>
      %dma_start3A_93 = arith.constant 0 : i32
      %dma_start3A_94 = tpu.memref_slice %arg14[%add3A_13, %dma_start3A_93] : memref<2064x128xf32, #tpu.memory_space<vmem_shared>> -> memref<64x128xf32, #tpu.memory_space<vmem_shared>>
      %dma_start3A_95 = arith.constant 0 : i32
      %dma_start3A_96 = tpu.memref_slice %arg14[%add3A_13, %dma_start3A_95] : memref<2064x128xf32, #tpu.memory_space<vmem_shared>> -> memref<64x128xf32, #tpu.memory_space<vmem_shared>>
      %dma_start3A_97 = arith.constant 0 : i32
      %dma_start3A_98 = arith.constant 0 : i32
      %dma_start3A_99 = tpu.memref_slice %arg12[%run_scoped3A_14, %dma_start3A_97, %dma_start3A_98] : memref<2x64x128xf32, #tpu.memory_space<vmem>> -> memref<1x64x128xf32, #tpu.memory_space<vmem>>
      %dma_start3A_100 = tpu.memref_squeeze %dma_start3A_99 : memref<1x64x128xf32, #tpu.memory_space<vmem>> -> memref<64x128xf32, #tpu.memory_space<vmem>>
      tpu.enqueue_dma source(%dma_start3A_100 : memref<64x128xf32, #tpu.memory_space<vmem>>) target(%dma_start3A_96 : memref<64x128xf32, #tpu.memory_space<vmem_shared>>) target_semaphore(%run_scoped3A_88 : memref<!tpu.dma_semaphore, #tpu.memory_space<semaphore_mem>>)
      %dma_wait3A_101 = arith.constant 0 : i32
      %dma_wait3A_102 = arith.constant 0 : i32
      %dma_wait3A_103 = tpu.memref_slice %arg12[%run_scoped3A_14, %dma_wait3A_101, %dma_wait3A_102] : memref<2x64x128xf32, #tpu.memory_space<vmem>> -> memref<1x64x128xf32, #tpu.memory_space<vmem>>
      %dma_wait3A_104 = tpu.memref_squeeze %dma_wait3A_103 : memref<1x64x128xf32, #tpu.memory_space<vmem>> -> memref<64x128xf32, #tpu.memory_space<vmem>>
      %dma_wait3A_105 = arith.constant 0 : i32
      %dma_wait3A_106 = tpu.memref_slice %arg14[%add3A_13, %dma_wait3A_105] : memref<2064x128xf32, #tpu.memory_space<vmem_shared>> -> memref<64x128xf32, #tpu.memory_space<vmem_shared>>
      %dma_wait3A_107 = arith.constant 0 : i32
      %dma_wait3A_108 = tpu.memref_slice %arg14[%add3A_13, %dma_wait3A_107] : memref<2064x128xf32, #tpu.memory_space<vmem_shared>> -> memref<64x128xf32, #tpu.memory_space<vmem_shared>>
      %dma_wait3A_109 = arith.constant 0 : i32
      %dma_wait3A_110 = arith.constant 0 : i32
      %dma_wait3A_111 = tpu.memref_slice %arg12[%run_scoped3A_14, %dma_wait3A_109, %dma_wait3A_110] : memref<2x64x128xf32, #tpu.memory_space<vmem>> -> memref<1x64x128xf32, #tpu.memory_space<vmem>>
      %dma_wait3A_112 = tpu.memref_squeeze %dma_wait3A_111 : memref<1x64x128xf32, #tpu.memory_space<vmem>> -> memref<64x128xf32, #tpu.memory_space<vmem>>
      tpu.wait_dma2 semaphore(%run_scoped3A_88 : memref<!tpu.dma_semaphore, #tpu.memory_space<semaphore_mem>>) src(%dma_wait3A_112 : memref<64x128xf32, #tpu.memory_space<vmem>>) dst(%dma_wait3A_108 : memref<64x128xf32, #tpu.memory_space<vmem_shared>>)
      tpu.yield
    }) : () -> ()
    %multiple_of3A = tpu.assume_multiple %mul3A_2, 2048 : i32
    "tpu.region"() ({
      %run_scoped3A_88 = tpu.sem_alloc : memref<!tpu.dma_semaphore, #tpu.memory_space<semaphore_mem>>
      %dma_start3A_89 = tpu.memref_slice %arg2[%multiple_of3A] : memref<65536xi32, #tpu.memory_space<hbm>> -> memref<2048xi32, #tpu.memory_space<hbm>>
      %dma_start3A_90 = tpu.memref_slice %arg2[%multiple_of3A] : memref<65536xi32, #tpu.memory_space<hbm>> -> memref<2048xi32, #tpu.memory_space<hbm>>
      tpu.enqueue_dma source(%dma_start3A_90 : memref<2048xi32, #tpu.memory_space<hbm>>) target(%arg7 : memref<2048xi32, #tpu.memory_space<vmem>>) target_semaphore(%run_scoped3A_88 : memref<!tpu.dma_semaphore, #tpu.memory_space<semaphore_mem>>)
      %dma_wait3A_91 = tpu.memref_slice %arg2[%multiple_of3A] : memref<65536xi32, #tpu.memory_space<hbm>> -> memref<2048xi32, #tpu.memory_space<hbm>>
      %dma_wait3A_92 = tpu.memref_slice %arg2[%multiple_of3A] : memref<65536xi32, #tpu.memory_space<hbm>> -> memref<2048xi32, #tpu.memory_space<hbm>>
      tpu.wait_dma2 semaphore(%run_scoped3A_88 : memref<!tpu.dma_semaphore, #tpu.memory_space<semaphore_mem>>) src(%dma_wait3A_92 : memref<2048xi32, #tpu.memory_space<hbm>>) dst(%arg7 : memref<2048xi32, #tpu.memory_space<vmem>>)
      tpu.yield
    }) : () -> ()
    %scan3A_15 = arith.constant 0 : i32
    %scan3A_16 = arith.constant 0 : i32
    %scan3A_17 = arith.constant 32 : i32
    %scan3A_18 = arith.addi %scan3A_16, %scan3A_17 : i32
    %scan3A_19 = arith.constant 1 : i32
    scf.for %scan3A_88 = %scan3A_16 to %scan3A_18 step %scan3A_19  : i32 {
      %mul3A_89 = arith.constant 64 : i32
      %mul3A_90 = arith.muli %scan3A_88, %mul3A_89 : i32
      %add3A_91 = arith.constant 0 : i32
      %add3A_92 = arith.addi %mul3A_90, %add3A_91 : i32
      %get3A = arith.index_cast %add3A_92 : i32 to index
      %get3A_93 = tpu.vector_load %arg7[%get3A] {strides = array<i32>} : memref<2048xi32, #tpu.memory_space<vmem>>, vector<16xi32>,
      %get3A_94 = vector.shape_cast %get3A_93 : vector<16xi32> to vector<16xi32>
      %and3A = arith.constant 2047 : i32
      %and3A_95 = vector.broadcast %and3A : i32 to vector<16xi32>
      %and3A_96 = arith.andi %get3A_94, %and3A_95 : vector<16xi32>
      %mul3A_97 = arith.constant 64 : i32
      %mul3A_98 = arith.muli %scan3A_88, %mul3A_97 : i32
      %add3A_99 = arith.constant 0 : i32
      %add3A_100 = arith.addi %mul3A_98, %add3A_99 : i32
      %swap3A = arith.index_cast %add3A_100 : i32 to index
      %swap3A_101 = tpu.vector_load %arg8[%swap3A] {strides = array<i32>} : memref<2048xi32, #tpu.memory_space<vmem>>, vector<16xi32>,
      %swap3A_102 = vector.shape_cast %swap3A_101 : vector<16xi32> to vector<16xi32>
      %swap3A_103 = vector.shape_cast %and3A_96 : vector<16xi32> to vector<16xi32>
      tpu.vector_store %arg8[%swap3A], %swap3A_103 {strides = array<i32>} : memref<2048xi32, #tpu.memory_space<vmem>>, vector<16xi32>,
      %mul3A_104 = arith.constant 64 : i32
      %mul3A_105 = arith.muli %scan3A_88, %mul3A_104 : i32
      %add3A_106 = arith.constant 16 : i32
      %add3A_107 = arith.addi %mul3A_105, %add3A_106 : i32
      %get3A_108 = arith.index_cast %add3A_107 : i32 to index
      %get3A_109 = tpu.vector_load %arg7[%get3A_108] {strides = array<i32>} : memref<2048xi32, #tpu.memory_space<vmem>>, vector<16xi32>,
      %get3A_110 = vector.shape_cast %get3A_109 : vector<16xi32> to vector<16xi32>
      %and3A_111 = arith.constant 2047 : i32
      %and3A_112 = vector.broadcast %and3A_111 : i32 to vector<16xi32>
      %and3A_113 = arith.andi %get3A_110, %and3A_112 : vector<16xi32>
      %mul3A_114 = arith.constant 64 : i32
      %mul3A_115 = arith.muli %scan3A_88, %mul3A_114 : i32
      %add3A_116 = arith.constant 16 : i32
      %add3A_117 = arith.addi %mul3A_115, %add3A_116 : i32
      %swap3A_118 = arith.index_cast %add3A_117 : i32 to index
      %swap3A_119 = tpu.vector_load %arg8[%swap3A_118] {strides = array<i32>} : memref<2048xi32, #tpu.memory_space<vmem>>, vector<16xi32>,
      %swap3A_120 = vector.shape_cast %swap3A_119 : vector<16xi32> to vector<16xi32>
      %swap3A_121 = vector.shape_cast %and3A_113 : vector<16xi32> to vector<16xi32>
      tpu.vector_store %arg8[%swap3A_118], %swap3A_121 {strides = array<i32>} : memref<2048xi32, #tpu.memory_space<vmem>>, vector<16xi32>,
      %mul3A_122 = arith.constant 64 : i32
      %mul3A_123 = arith.muli %scan3A_88, %mul3A_122 : i32
      %add3A_124 = arith.constant 32 : i32
      %add3A_125 = arith.addi %mul3A_123, %add3A_124 : i32
      %get3A_126 = arith.index_cast %add3A_125 : i32 to index
      %get3A_127 = tpu.vector_load %arg7[%get3A_126] {strides = array<i32>} : memref<2048xi32, #tpu.memory_space<vmem>>, vector<16xi32>,
      %get3A_128 = vector.shape_cast %get3A_127 : vector<16xi32> to vector<16xi32>
      %and3A_129 = arith.constant 2047 : i32
      %and3A_130 = vector.broadcast %and3A_129 : i32 to vector<16xi32>
      %and3A_131 = arith.andi %get3A_128, %and3A_130 : vector<16xi32>
      %mul3A_132 = arith.constant 64 : i32
      %mul3A_133 = arith.muli %scan3A_88, %mul3A_132 : i32
      %add3A_134 = arith.constant 32 : i32
      %add3A_135 = arith.addi %mul3A_133, %add3A_134 : i32
      %swap3A_136 = arith.index_cast %add3A_135 : i32 to index
      %swap3A_137 = tpu.vector_load %arg8[%swap3A_136] {strides = array<i32>} : memref<2048xi32, #tpu.memory_space<vmem>>, vector<16xi32>,
      %swap3A_138 = vector.shape_cast %swap3A_137 : vector<16xi32> to vector<16xi32>
      %swap3A_139 = vector.shape_cast %and3A_131 : vector<16xi32> to vector<16xi32>
      tpu.vector_store %arg8[%swap3A_136], %swap3A_139 {strides = array<i32>} : memref<2048xi32, #tpu.memory_space<vmem>>, vector<16xi32>,
      %mul3A_140 = arith.constant 64 : i32
      %mul3A_141 = arith.muli %scan3A_88, %mul3A_140 : i32
      %add3A_142 = arith.constant 48 : i32
      %add3A_143 = arith.addi %mul3A_141, %add3A_142 : i32
      %get3A_144 = arith.index_cast %add3A_143 : i32 to index
      %get3A_145 = tpu.vector_load %arg7[%get3A_144] {strides = array<i32>} : memref<2048xi32, #tpu.memory_space<vmem>>, vector<16xi32>,
      %get3A_146 = vector.shape_cast %get3A_145 : vector<16xi32> to vector<16xi32>
      %and3A_147 = arith.constant 2047 : i32
      %and3A_148 = vector.broadcast %and3A_147 : i32 to vector<16xi32>
      %and3A_149 = arith.andi %get3A_146, %and3A_148 : vector<16xi32>
      %mul3A_150 = arith.constant 64 : i32
      %mul3A_151 = arith.muli %scan3A_88, %mul3A_150 : i32
      %add3A_152 = arith.constant 48 : i32
      %add3A_153 = arith.addi %mul3A_151, %add3A_152 : i32
      %swap3A_154 = arith.index_cast %add3A_153 : i32 to index
      %swap3A_155 = tpu.vector_load %arg8[%swap3A_154] {strides = array<i32>} : memref<2048xi32, #tpu.memory_space<vmem>>, vector<16xi32>,
      %swap3A_156 = vector.shape_cast %swap3A_155 : vector<16xi32> to vector<16xi32>
      %swap3A_157 = vector.shape_cast %and3A_149 : vector<16xi32> to vector<16xi32>
      tpu.vector_store %arg8[%swap3A_154], %swap3A_157 {strides = array<i32>} : memref<2048xi32, #tpu.memory_space<vmem>>, vector<16xi32>,
    }
    %scan3A_20 = arith.constant 32 : i32
    %barrier3A = arith.constant 0 : index
    tpu.barrier barrier_id(%barrier3A)
    %add3A_21 = arith.constant 0 : i32
    %add3A_22 = arith.addi %mul3A_2, %add3A_21 : i32
    %multiple_of3A_23 = tpu.assume_multiple %add3A_22, 64 : i32
    %dma_start3A = arith.constant 0 : i32
    %dma_start3A_24 = arith.constant 0 : i32
    %dma_start3A_25 = arith.constant 0 : i32
    %dma_start3A_26 = tpu.memref_slice %arg10[%dma_start3A, %dma_start3A_24, %dma_start3A_25] : memref<2x64x64xf32, #tpu.memory_space<vmem>> -> memref<1x64x64xf32, #tpu.memory_space<vmem>>
    %dma_start3A_27 = tpu.memref_squeeze %dma_start3A_26 : memref<1x64x64xf32, #tpu.memory_space<vmem>> -> memref<64x64xf32, #tpu.memory_space<vmem>>
    %dma_start3A_28 = arith.constant 0 : i32
    %dma_start3A_29 = tpu.memref_slice %arg3[%multiple_of3A_23, %dma_start3A_28] : memref<65536x64xf32, #tpu.memory_space<hbm>> -> memref<64x64xf32, #tpu.memory_space<hbm>>
    %dma_start3A_30 = arith.constant 0 : i32
    %dma_start3A_31 = arith.constant 0 : i32
    %dma_start3A_32 = tpu.memref_slice %arg10[%dma_start3A, %dma_start3A_30, %dma_start3A_31] : memref<2x64x64xf32, #tpu.memory_space<vmem>> -> memref<1x64x64xf32, #tpu.memory_space<vmem>>
    %dma_start3A_33 = tpu.memref_squeeze %dma_start3A_32 : memref<1x64x64xf32, #tpu.memory_space<vmem>> -> memref<64x64xf32, #tpu.memory_space<vmem>>
    %dma_start3A_34 = arith.constant 0 : i32
    %dma_start3A_35 = tpu.memref_slice %arg3[%multiple_of3A_23, %dma_start3A_34] : memref<65536x64xf32, #tpu.memory_space<hbm>> -> memref<64x64xf32, #tpu.memory_space<hbm>>
    tpu.enqueue_dma source(%dma_start3A_35 : memref<64x64xf32, #tpu.memory_space<hbm>>) target(%dma_start3A_33 : memref<64x64xf32, #tpu.memory_space<vmem>>) target_semaphore(%arg17 : memref<!tpu.dma_semaphore, #tpu.memory_space<semaphore_mem>>)
    %dma_start3A_36 = arith.constant 0 : i32
    %dma_start3A_37 = arith.constant 0 : i32
    %dma_start3A_38 = tpu.memref_slice %arg13[%dma_start3A_36, %dma_start3A_37] : memref<2x64xi32, #tpu.memory_space<vmem>> -> memref<1x64xi32, #tpu.memory_space<vmem>>
    %dma_start3A_39 = tpu.memref_squeeze %dma_start3A_38 : memref<1x64xi32, #tpu.memory_space<vmem>> -> memref<64xi32, #tpu.memory_space<vmem>>
    %dma_start3A_40 = arith.constant 0 : i32
    %dma_start3A_41 = tpu.memref_slice %arg7[%dma_start3A_40] : memref<2048xi32, #tpu.memory_space<vmem>> -> memref<64xi32, #tpu.memory_space<vmem>>
    %dma_start3A_42 = arith.constant 0 : i32
    %dma_start3A_43 = tpu.memref_slice %arg5[%dma_start3A_42] : memref<4194304xi32, #tpu.memory_space<hbm>> -> memref<4194304xi32, #tpu.memory_space<hbm>>
    tpu.enqueue_indirect_dma source(%dma_start3A_43 : memref<4194304xi32, #tpu.memory_space<hbm>>) target(%dma_start3A_39 : memref<64xi32, #tpu.memory_space<vmem>>) offsets(%dma_start3A_41 : memref<64xi32, #tpu.memory_space<vmem>>) semaphore(%arg19 : memref<!tpu.dma_semaphore, #tpu.memory_space<semaphore_mem>>)
    %dma_start3A_44 = arith.constant 0 : i32
    %dma_start3A_45 = arith.constant 0 : i32
    %dma_start3A_46 = arith.constant 0 : i32
    %dma_start3A_47 = tpu.memref_slice %arg11[%dma_start3A_44, %dma_start3A_45, %dma_start3A_46] : memref<2x64x512xf32, #tpu.memory_space<vmem>> -> memref<1x64x512xf32, #tpu.memory_space<vmem>>
    %dma_start3A_48 = tpu.memref_squeeze %dma_start3A_47 : memref<1x64x512xf32, #tpu.memory_space<vmem>> -> memref<64x512xf32, #tpu.memory_space<vmem>>
    %dma_start3A_49 = arith.constant 0 : i32
    %dma_start3A_50 = tpu.memref_slice %arg8[%dma_start3A_49] : memref<2048xi32, #tpu.memory_space<vmem>> -> memref<64xi32, #tpu.memory_space<vmem>>
    %dma_start3A_51 = arith.constant 0 : i32
    %dma_start3A_52 = arith.constant 0 : i32
    %dma_start3A_53 = tpu.memref_slice %arg4[%dma_start3A_51, %dma_start3A_52] : memref<2048x512xf32, #tpu.memory_space<hbm>> -> memref<2048x512xf32, #tpu.memory_space<hbm>>
    tpu.enqueue_indirect_dma source(%dma_start3A_53 : memref<2048x512xf32, #tpu.memory_space<hbm>>) target(%dma_start3A_48 : memref<64x512xf32, #tpu.memory_space<vmem>>) offsets(%dma_start3A_50 : memref<64xi32, #tpu.memory_space<vmem>>) semaphore(%arg15 : memref<!tpu.dma_semaphore, #tpu.memory_space<semaphore_mem>>)
    %scan3A_54 = arith.constant 0 : i32
    %scan3A_55 = arith.constant 0 : i32
    %scan3A_56 = arith.constant 16 : i32
    %scan3A_57 = arith.addi %scan3A_55, %scan3A_56 : i32
    %scan3A_58 = arith.constant 1 : i32
    scf.for %scan3A_88 = %scan3A_55 to %scan3A_57 step %scan3A_58  : i32 {
      %mul3A_89 = arith.constant 2 : i32
      %mul3A_90 = arith.muli %scan3A_88, %mul3A_89 : i32
      %add3A_91 = arith.constant 1 : i32
      %add3A_92 = arith.addi %mul3A_90, %add3A_91 : i32
      %mul3A_93 = arith.constant 64 : i32
      %mul3A_94 = arith.muli %add3A_92, %mul3A_93 : i32
      %add3A_95 = arith.addi %mul3A_2, %mul3A_94 : i32
      %multiple_of3A_96 = tpu.assume_multiple %add3A_95, 64 : i32
      %dma_start3A_97 = arith.constant 1 : i32
      %dma_start3A_98 = arith.constant 0 : i32
      %dma_start3A_99 = arith.constant 0 : i32
      %dma_start3A_100 = tpu.memref_slice %arg10[%dma_start3A_97, %dma_start3A_98, %dma_start3A_99] : memref<2x64x64xf32, #tpu.memory_space<vmem>> -> memref<1x64x64xf32, #tpu.memory_space<vmem>>
      %dma_start3A_101 = tpu.memref_squeeze %dma_start3A_100 : memref<1x64x64xf32, #tpu.memory_space<vmem>> -> memref<64x64xf32, #tpu.memory_space<vmem>>
      %dma_start3A_102 = arith.constant 0 : i32
      %dma_start3A_103 = tpu.memref_slice %arg3[%multiple_of3A_96, %dma_start3A_102] : memref<65536x64xf32, #tpu.memory_space<hbm>> -> memref<64x64xf32, #tpu.memory_space<hbm>>
      %dma_start3A_104 = arith.constant 0 : i32
      %dma_start3A_105 = arith.constant 0 : i32
      %dma_start3A_106 = tpu.memref_slice %arg10[%dma_start3A_97, %dma_start3A_104, %dma_start3A_105] : memref<2x64x64xf32, #tpu.memory_space<vmem>> -> memref<1x64x64xf32, #tpu.memory_space<vmem>>
      %dma_start3A_107 = tpu.memref_squeeze %dma_start3A_106 : memref<1x64x64xf32, #tpu.memory_space<vmem>> -> memref<64x64xf32, #tpu.memory_space<vmem>>
      %dma_start3A_108 = arith.constant 0 : i32
      %dma_start3A_109 = tpu.memref_slice %arg3[%multiple_of3A_96, %dma_start3A_108] : memref<65536x64xf32, #tpu.memory_space<hbm>> -> memref<64x64xf32, #tpu.memory_space<hbm>>
      tpu.enqueue_dma source(%dma_start3A_109 : memref<64x64xf32, #tpu.memory_space<hbm>>) target(%dma_start3A_107 : memref<64x64xf32, #tpu.memory_space<vmem>>) target_semaphore(%arg18 : memref<!tpu.dma_semaphore, #tpu.memory_space<semaphore_mem>>)
      %mul3A_110 = arith.constant 64 : i32
      %mul3A_111 = arith.muli %add3A_92, %mul3A_110 : i32
      %dma_start3A_112 = arith.constant 1 : i32
      %dma_start3A_113 = arith.constant 0 : i32
      %dma_start3A_114 = tpu.memref_slice %arg13[%dma_start3A_112, %dma_start3A_113] : memref<2x64xi32, #tpu.memory_space<vmem>> -> memref<1x64xi32, #tpu.memory_space<vmem>>
      %dma_start3A_115 = tpu.memref_squeeze %dma_start3A_114 : memref<1x64xi32, #tpu.memory_space<vmem>> -> memref<64xi32, #tpu.memory_space<vmem>>
      %dma_start3A_116 = tpu.memref_slice %arg7[%mul3A_111] : memref<2048xi32, #tpu.memory_space<vmem>> -> memref<64xi32, #tpu.memory_space<vmem>>
      %dma_start3A_117 = arith.constant 0 : i32
      %dma_start3A_118 = tpu.memref_slice %arg5[%dma_start3A_117] : memref<4194304xi32, #tpu.memory_space<hbm>> -> memref<4194304xi32, #tpu.memory_space<hbm>>
      tpu.enqueue_indirect_dma source(%dma_start3A_118 : memref<4194304xi32, #tpu.memory_space<hbm>>) target(%dma_start3A_115 : memref<64xi32, #tpu.memory_space<vmem>>) offsets(%dma_start3A_116 : memref<64xi32, #tpu.memory_space<vmem>>) semaphore(%arg20 : memref<!tpu.dma_semaphore, #tpu.memory_space<semaphore_mem>>)
      %mul3A_119 = arith.constant 64 : i32
      %mul3A_120 = arith.muli %add3A_92, %mul3A_119 : i32
      %dma_start3A_121 = arith.constant 1 : i32
      %dma_start3A_122 = arith.constant 0 : i32
      %dma_start3A_123 = arith.constant 0 : i32
      %dma_start3A_124 = tpu.memref_slice %arg11[%dma_start3A_121, %dma_start3A_122, %dma_start3A_123] : memref<2x64x512xf32, #tpu.memory_space<vmem>> -> memref<1x64x512xf32, #tpu.memory_space<vmem>>
      %dma_start3A_125 = tpu.memref_squeeze %dma_start3A_124 : memref<1x64x512xf32, #tpu.memory_space<vmem>> -> memref<64x512xf32, #tpu.memory_space<vmem>>
      %dma_start3A_126 = tpu.memref_slice %arg8[%mul3A_120] : memref<2048xi32, #tpu.memory_space<vmem>> -> memref<64xi32, #tpu.memory_space<vmem>>
      %dma_start3A_127 = arith.constant 0 : i32
      %dma_start3A_128 = arith.constant 0 : i32
      %dma_start3A_129 = tpu.memref_slice %arg4[%dma_start3A_127, %dma_start3A_128] : memref<2048x512xf32, #tpu.memory_space<hbm>> -> memref<2048x512xf32, #tpu.memory_space<hbm>>
      tpu.enqueue_indirect_dma source(%dma_start3A_129 : memref<2048x512xf32, #tpu.memory_space<hbm>>) target(%dma_start3A_125 : memref<64x512xf32, #tpu.memory_space<vmem>>) offsets(%dma_start3A_126 : memref<64xi32, #tpu.memory_space<vmem>>) semaphore(%arg16 : memref<!tpu.dma_semaphore, #tpu.memory_space<semaphore_mem>>)
      %ge3A = arith.constant 2 : i32
      %ge3A_130 = arith.cmpi sge, %mul3A_90, %ge3A : i32
      %convert_element_type3A = arith.extui %ge3A_130 : i1 to i32
      %cond3A = arith.constant 0 : i32
      %cond3A_131 = arith.cmpi ne, %convert_element_type3A, %cond3A : i32
      scf.if %cond3A_131 {
        %dma_wait3A_492 = arith.constant 0 : i32
        %dma_wait3A_493 = arith.constant 0 : i32
        %dma_wait3A_494 = arith.constant 0 : i32
        %dma_wait3A_495 = arith.constant 0 : i32
        %dma_wait3A_496 = tpu.memref_slice %arg12[%dma_wait3A_492, %dma_wait3A_494, %dma_wait3A_495] : memref<2x64x128xf32, #tpu.memory_space<vmem>> -> memref<1x64x128xf32, #tpu.memory_space<vmem>>
        %dma_wait3A_497 = tpu.memref_squeeze %dma_wait3A_496 : memref<1x64x128xf32, #tpu.memory_space<vmem>> -> memref<64x128xf32, #tpu.memory_space<vmem>>
        %dma_wait3A_498 = arith.constant 0 : i32
        %dma_wait3A_499 = tpu.memref_slice %arg9[%dma_wait3A_493, %dma_wait3A_498] : memref<32x64xi32, #tpu.memory_space<vmem>> -> memref<1x64xi32, #tpu.memory_space<vmem>>
        %dma_wait3A_500 = tpu.memref_squeeze %dma_wait3A_499 : memref<1x64xi32, #tpu.memory_space<vmem>> -> memref<64xi32, #tpu.memory_space<vmem>>
        %dma_wait3A_501 = arith.constant 0 : i32
        %dma_wait3A_502 = arith.constant 0 : i32
        %dma_wait3A_503 = tpu.memref_slice %arg14[%dma_wait3A_501, %dma_wait3A_502] : memref<2064x128xf32, #tpu.memory_space<vmem_shared>> -> memref<2064x128xf32, #tpu.memory_space<vmem_shared>>
        tpu.wait_indirect_dma semaphore(%arg21 : memref<!tpu.dma_semaphore, #tpu.memory_space<semaphore_mem>>) src(%dma_wait3A_497 : memref<64x128xf32, #tpu.memory_space<vmem>>) dst(%dma_wait3A_503 : memref<2064x128xf32, #tpu.memory_space<vmem_shared>>)
      } else {
      }
      %dma_wait3A_132 = arith.constant 0 : i32
      %dma_wait3A_133 = arith.constant 0 : i32
      %dma_wait3A_134 = arith.constant 0 : i32
      %dma_wait3A_135 = tpu.memref_slice %arg11[%dma_wait3A_132, %dma_wait3A_133, %dma_wait3A_134] : memref<2x64x512xf32, #tpu.memory_space<vmem>> -> memref<1x64x512xf32, #tpu.memory_space<vmem>>
      %dma_wait3A_136 = tpu.memref_squeeze %dma_wait3A_135 : memref<1x64x512xf32, #tpu.memory_space<vmem>> -> memref<64x512xf32, #tpu.memory_space<vmem>>
      %dma_wait3A_137 = arith.constant 0 : i32
      %dma_wait3A_138 = tpu.memref_slice %arg8[%dma_wait3A_137] : memref<2048xi32, #tpu.memory_space<vmem>> -> memref<64xi32, #tpu.memory_space<vmem>>
      %dma_wait3A_139 = arith.constant 0 : i32
      %dma_wait3A_140 = arith.constant 0 : i32
      %dma_wait3A_141 = tpu.memref_slice %arg4[%dma_wait3A_139, %dma_wait3A_140] : memref<2048x512xf32, #tpu.memory_space<hbm>> -> memref<2048x512xf32, #tpu.memory_space<hbm>>
      tpu.wait_indirect_dma semaphore(%arg15 : memref<!tpu.dma_semaphore, #tpu.memory_space<semaphore_mem>>) src(%dma_wait3A_141 : memref<2048x512xf32, #tpu.memory_space<hbm>>) dst(%dma_wait3A_136 : memref<64x512xf32, #tpu.memory_space<vmem>>)
      %dma_wait3A_142 = arith.constant 0 : i32
      %dma_wait3A_143 = arith.constant 0 : i32
      %dma_wait3A_144 = arith.constant 0 : i32
      %dma_wait3A_145 = tpu.memref_slice %arg10[%dma_wait3A_142, %dma_wait3A_143, %dma_wait3A_144] : memref<2x64x64xf32, #tpu.memory_space<vmem>> -> memref<1x64x64xf32, #tpu.memory_space<vmem>>
      %dma_wait3A_146 = tpu.memref_squeeze %dma_wait3A_145 : memref<1x64x64xf32, #tpu.memory_space<vmem>> -> memref<64x64xf32, #tpu.memory_space<vmem>>
      %dma_wait3A_147 = arith.constant 0 : i32
      %dma_wait3A_148 = arith.constant 0 : i32
      %dma_wait3A_149 = tpu.memref_slice %arg3[%dma_wait3A_147, %dma_wait3A_148] : memref<65536x64xf32, #tpu.memory_space<hbm>> -> memref<64x64xf32, #tpu.memory_space<hbm>>
      %dma_wait3A_150 = arith.constant 0 : i32
      %dma_wait3A_151 = arith.constant 0 : i32
      %dma_wait3A_152 = tpu.memref_slice %arg10[%dma_wait3A_142, %dma_wait3A_150, %dma_wait3A_151] : memref<2x64x64xf32, #tpu.memory_space<vmem>> -> memref<1x64x64xf32, #tpu.memory_space<vmem>>
      %dma_wait3A_153 = tpu.memref_squeeze %dma_wait3A_152 : memref<1x64x64xf32, #tpu.memory_space<vmem>> -> memref<64x64xf32, #tpu.memory_space<vmem>>
      %dma_wait3A_154 = arith.constant 0 : i32
      %dma_wait3A_155 = arith.constant 0 : i32
      %dma_wait3A_156 = tpu.memref_slice %arg3[%dma_wait3A_154, %dma_wait3A_155] : memref<65536x64xf32, #tpu.memory_space<hbm>> -> memref<64x64xf32, #tpu.memory_space<hbm>>
      tpu.wait_dma2 semaphore(%arg17 : memref<!tpu.dma_semaphore, #tpu.memory_space<semaphore_mem>>) src(%dma_wait3A_156 : memref<64x64xf32, #tpu.memory_space<hbm>>) dst(%dma_wait3A_153 : memref<64x64xf32, #tpu.memory_space<vmem>>)
      %dma_wait3A_157 = arith.constant 0 : i32
      %dma_wait3A_158 = arith.constant 0 : i32
      %dma_wait3A_159 = tpu.memref_slice %arg13[%dma_wait3A_157, %dma_wait3A_158] : memref<2x64xi32, #tpu.memory_space<vmem>> -> memref<1x64xi32, #tpu.memory_space<vmem>>
      %dma_wait3A_160 = tpu.memref_squeeze %dma_wait3A_159 : memref<1x64xi32, #tpu.memory_space<vmem>> -> memref<64xi32, #tpu.memory_space<vmem>>
      %dma_wait3A_161 = arith.constant 0 : i32
      %dma_wait3A_162 = tpu.memref_slice %arg5[%dma_wait3A_161] : memref<4194304xi32, #tpu.memory_space<hbm>> -> memref<64xi32, #tpu.memory_space<hbm>>
      %dma_wait3A_163 = arith.constant 0 : i32
      %dma_wait3A_164 = tpu.memref_slice %arg13[%dma_wait3A_157, %dma_wait3A_163] : memref<2x64xi32, #tpu.memory_space<vmem>> -> memref<1x64xi32, #tpu.memory_space<vmem>>
      %dma_wait3A_165 = tpu.memref_squeeze %dma_wait3A_164 : memref<1x64xi32, #tpu.memory_space<vmem>> -> memref<64xi32, #tpu.memory_space<vmem>>
      %dma_wait3A_166 = arith.constant 0 : i32
      %dma_wait3A_167 = tpu.memref_slice %arg5[%dma_wait3A_166] : memref<4194304xi32, #tpu.memory_space<hbm>> -> memref<64xi32, #tpu.memory_space<hbm>>
      tpu.wait_dma2 semaphore(%arg19 : memref<!tpu.dma_semaphore, #tpu.memory_space<semaphore_mem>>) src(%dma_wait3A_167 : memref<64xi32, #tpu.memory_space<hbm>>) dst(%dma_wait3A_165 : memref<64xi32, #tpu.memory_space<vmem>>)
      %mul3A_168 = arith.constant 64 : i32
      %mul3A_169 = arith.muli %mul3A_90, %mul3A_168 : i32
      %add3A_170 = arith.constant 0 : i32
      %add3A_171 = arith.addi %mul3A_169, %add3A_170 : i32
      %get3A = arith.index_cast %add3A_171 : i32 to index
      %get3A_172 = tpu.vector_load %arg7[%get3A] {strides = array<i32>} : memref<2048xi32, #tpu.memory_space<vmem>>, vector<16xi32>,
      %get3A_173 = vector.shape_cast %get3A_172 : vector<16xi32> to vector<16xi32>
      %shift_right_logical3A = arith.constant 11 : i32
      %shift_right_logical3A_174 = vector.broadcast %shift_right_logical3A : i32 to vector<16xi32>
      %shift_right_logical3A_175 = arith.shrui %get3A_173, %shift_right_logical3A_174 : vector<16xi32>
      %mul3A_176 = arith.constant 64 : i32
      %mul3A_177 = arith.muli %mul3A_90, %mul3A_176 : i32
      %add3A_178 = arith.addi %mul3A_2, %mul3A_177 : i32
      %add3A_179 = arith.constant 0 : i32
      %add3A_180 = arith.addi %add3A_178, %add3A_179 : i32
      %iota3A = tpu.iota {dimensions = array<i32: 0>} : vector<16xi32>
      %add3A_181 = vector.broadcast %add3A_180 : i32 to vector<16xi32>
      %add3A_182 = arith.addi %add3A_181, %iota3A : vector<16xi32>
      %get3A_183 = arith.constant 0 : i32
      %get3A_184 = arith.index_cast %get3A_183 : i32 to index
      %get3A_185 = arith.constant 0 : index
      %get3A_186 = tpu.vector_load %arg13[%get3A_184, %get3A_185] {strides = array<i32>} : memref<2x64xi32, #tpu.memory_space<vmem>>, vector<1x16xi32>,
      %get3A_187 = vector.shape_cast %get3A_186 : vector<1x16xi32> to vector<16xi32>
      %eq3A = arith.cmpi eq, %get3A_187, %add3A_182 : vector<16xi32>
      %jit3A = arith.constant 2048 : i32
      %broadcast_in_dim3A = vector.broadcast %jit3A : i32 to vector<16xi32>
      %select_n3A = arith.select %eq3A, %shift_right_logical3A_175, %broadcast_in_dim3A : vector<16xi1>, vector<16xi32>
      %swap3A = arith.index_cast %mul3A_90 : i32 to index
      %swap3A_188 = arith.constant 0 : index
      %swap3A_189 = tpu.vector_load %arg9[%swap3A, %swap3A_188] {strides = array<i32>} : memref<32x64xi32, #tpu.memory_space<vmem>>, vector<1x16xi32>,
      %swap3A_190 = vector.shape_cast %swap3A_189 : vector<1x16xi32> to vector<16xi32>
      %swap3A_191 = vector.shape_cast %select_n3A : vector<16xi32> to vector<1x16xi32>
      tpu.vector_store %arg9[%swap3A, %swap3A_188], %swap3A_191 {strides = array<i32>} : memref<32x64xi32, #tpu.memory_space<vmem>>, vector<1x16xi32>,
      %mul3A_192 = arith.constant 64 : i32
      %mul3A_193 = arith.muli %mul3A_90, %mul3A_192 : i32
      %add3A_194 = arith.constant 16 : i32
      %add3A_195 = arith.addi %mul3A_193, %add3A_194 : i32
      %get3A_196 = arith.index_cast %add3A_195 : i32 to index
      %get3A_197 = tpu.vector_load %arg7[%get3A_196] {strides = array<i32>} : memref<2048xi32, #tpu.memory_space<vmem>>, vector<16xi32>,
      %get3A_198 = vector.shape_cast %get3A_197 : vector<16xi32> to vector<16xi32>
      %shift_right_logical3A_199 = arith.constant 11 : i32
      %shift_right_logical3A_200 = vector.broadcast %shift_right_logical3A_199 : i32 to vector<16xi32>
      %shift_right_logical3A_201 = arith.shrui %get3A_198, %shift_right_logical3A_200 : vector<16xi32>
      %mul3A_202 = arith.constant 64 : i32
      %mul3A_203 = arith.muli %mul3A_90, %mul3A_202 : i32
      %add3A_204 = arith.addi %mul3A_2, %mul3A_203 : i32
      %add3A_205 = arith.constant 16 : i32
      %add3A_206 = arith.addi %add3A_204, %add3A_205 : i32
      %iota3A_207 = tpu.iota {dimensions = array<i32: 0>} : vector<16xi32>
      %add3A_208 = vector.broadcast %add3A_206 : i32 to vector<16xi32>
      %add3A_209 = arith.addi %add3A_208, %iota3A_207 : vector<16xi32>
      %get3A_210 = arith.constant 0 : i32
      %get3A_211 = arith.index_cast %get3A_210 : i32 to index
      %get3A_212 = arith.constant 16 : index
      %get3A_213 = tpu.vector_load %arg13[%get3A_211, %get3A_212] {strides = array<i32>} : memref<2x64xi32, #tpu.memory_space<vmem>>, vector<1x16xi32>,
      %get3A_214 = vector.shape_cast %get3A_213 : vector<1x16xi32> to vector<16xi32>
      %eq3A_215 = arith.cmpi eq, %get3A_214, %add3A_209 : vector<16xi32>
      %jit3A_216 = arith.constant 2048 : i32
      %broadcast_in_dim3A_217 = vector.broadcast %jit3A_216 : i32 to vector<16xi32>
      %select_n3A_218 = arith.select %eq3A_215, %shift_right_logical3A_201, %broadcast_in_dim3A_217 : vector<16xi1>, vector<16xi32>
      %swap3A_219 = arith.index_cast %mul3A_90 : i32 to index
      %swap3A_220 = arith.constant 16 : index
      %swap3A_221 = tpu.vector_load %arg9[%swap3A_219, %swap3A_220] {strides = array<i32>} : memref<32x64xi32, #tpu.memory_space<vmem>>, vector<1x16xi32>,
      %swap3A_222 = vector.shape_cast %swap3A_221 : vector<1x16xi32> to vector<16xi32>
      %swap3A_223 = vector.shape_cast %select_n3A_218 : vector<16xi32> to vector<1x16xi32>
      tpu.vector_store %arg9[%swap3A_219, %swap3A_220], %swap3A_223 {strides = array<i32>} : memref<32x64xi32, #tpu.memory_space<vmem>>, vector<1x16xi32>,
      %mul3A_224 = arith.constant 64 : i32
      %mul3A_225 = arith.muli %mul3A_90, %mul3A_224 : i32
      %add3A_226 = arith.constant 32 : i32
      %add3A_227 = arith.addi %mul3A_225, %add3A_226 : i32
      %get3A_228 = arith.index_cast %add3A_227 : i32 to index
      %get3A_229 = tpu.vector_load %arg7[%get3A_228] {strides = array<i32>} : memref<2048xi32, #tpu.memory_space<vmem>>, vector<16xi32>,
      %get3A_230 = vector.shape_cast %get3A_229 : vector<16xi32> to vector<16xi32>
      %shift_right_logical3A_231 = arith.constant 11 : i32
      %shift_right_logical3A_232 = vector.broadcast %shift_right_logical3A_231 : i32 to vector<16xi32>
      %shift_right_logical3A_233 = arith.shrui %get3A_230, %shift_right_logical3A_232 : vector<16xi32>
      %mul3A_234 = arith.constant 64 : i32
      %mul3A_235 = arith.muli %mul3A_90, %mul3A_234 : i32
      %add3A_236 = arith.addi %mul3A_2, %mul3A_235 : i32
      %add3A_237 = arith.constant 32 : i32
      %add3A_238 = arith.addi %add3A_236, %add3A_237 : i32
      %iota3A_239 = tpu.iota {dimensions = array<i32: 0>} : vector<16xi32>
      %add3A_240 = vector.broadcast %add3A_238 : i32 to vector<16xi32>
      %add3A_241 = arith.addi %add3A_240, %iota3A_239 : vector<16xi32>
      %get3A_242 = arith.constant 0 : i32
      %get3A_243 = arith.index_cast %get3A_242 : i32 to index
      %get3A_244 = arith.constant 32 : index
      %get3A_245 = tpu.vector_load %arg13[%get3A_243, %get3A_244] {strides = array<i32>} : memref<2x64xi32, #tpu.memory_space<vmem>>, vector<1x16xi32>,
      %get3A_246 = vector.shape_cast %get3A_245 : vector<1x16xi32> to vector<16xi32>
      %eq3A_247 = arith.cmpi eq, %get3A_246, %add3A_241 : vector<16xi32>
      %jit3A_248 = arith.constant 2048 : i32
      %broadcast_in_dim3A_249 = vector.broadcast %jit3A_248 : i32 to vector<16xi32>
      %select_n3A_250 = arith.select %eq3A_247, %shift_right_logical3A_233, %broadcast_in_dim3A_249 : vector<16xi1>, vector<16xi32>
      %swap3A_251 = arith.index_cast %mul3A_90 : i32 to index
      %swap3A_252 = arith.constant 32 : index
      %swap3A_253 = tpu.vector_load %arg9[%swap3A_251, %swap3A_252] {strides = array<i32>} : memref<32x64xi32, #tpu.memory_space<vmem>>, vector<1x16xi32>,
      %swap3A_254 = vector.shape_cast %swap3A_253 : vector<1x16xi32> to vector<16xi32>
      %swap3A_255 = vector.shape_cast %select_n3A_250 : vector<16xi32> to vector<1x16xi32>
      tpu.vector_store %arg9[%swap3A_251, %swap3A_252], %swap3A_255 {strides = array<i32>} : memref<32x64xi32, #tpu.memory_space<vmem>>, vector<1x16xi32>,
      %mul3A_256 = arith.constant 64 : i32
      %mul3A_257 = arith.muli %mul3A_90, %mul3A_256 : i32
      %add3A_258 = arith.constant 48 : i32
      %add3A_259 = arith.addi %mul3A_257, %add3A_258 : i32
      %get3A_260 = arith.index_cast %add3A_259 : i32 to index
      %get3A_261 = tpu.vector_load %arg7[%get3A_260] {strides = array<i32>} : memref<2048xi32, #tpu.memory_space<vmem>>, vector<16xi32>,
      %get3A_262 = vector.shape_cast %get3A_261 : vector<16xi32> to vector<16xi32>
      %shift_right_logical3A_263 = arith.constant 11 : i32
      %shift_right_logical3A_264 = vector.broadcast %shift_right_logical3A_263 : i32 to vector<16xi32>
      %shift_right_logical3A_265 = arith.shrui %get3A_262, %shift_right_logical3A_264 : vector<16xi32>
      %mul3A_266 = arith.constant 64 : i32
      %mul3A_267 = arith.muli %mul3A_90, %mul3A_266 : i32
      %add3A_268 = arith.addi %mul3A_2, %mul3A_267 : i32
      %add3A_269 = arith.constant 48 : i32
      %add3A_270 = arith.addi %add3A_268, %add3A_269 : i32
      %iota3A_271 = tpu.iota {dimensions = array<i32: 0>} : vector<16xi32>
      %add3A_272 = vector.broadcast %add3A_270 : i32 to vector<16xi32>
      %add3A_273 = arith.addi %add3A_272, %iota3A_271 : vector<16xi32>
      %get3A_274 = arith.constant 0 : i32
      %get3A_275 = arith.index_cast %get3A_274 : i32 to index
      %get3A_276 = arith.constant 48 : index
      %get3A_277 = tpu.vector_load %arg13[%get3A_275, %get3A_276] {strides = array<i32>} : memref<2x64xi32, #tpu.memory_space<vmem>>, vector<1x16xi32>,
      %get3A_278 = vector.shape_cast %get3A_277 : vector<1x16xi32> to vector<16xi32>
      %eq3A_279 = arith.cmpi eq, %get3A_278, %add3A_273 : vector<16xi32>
      %jit3A_280 = arith.constant 2048 : i32
      %broadcast_in_dim3A_281 = vector.broadcast %jit3A_280 : i32 to vector<16xi32>
      %select_n3A_282 = arith.select %eq3A_279, %shift_right_logical3A_265, %broadcast_in_dim3A_281 : vector<16xi1>, vector<16xi32>
      %swap3A_283 = arith.index_cast %mul3A_90 : i32 to index
      %swap3A_284 = arith.constant 48 : index
      %swap3A_285 = tpu.vector_load %arg9[%swap3A_283, %swap3A_284] {strides = array<i32>} : memref<32x64xi32, #tpu.memory_space<vmem>>, vector<1x16xi32>,
      %swap3A_286 = vector.shape_cast %swap3A_285 : vector<1x16xi32> to vector<16xi32>
      %swap3A_287 = vector.shape_cast %select_n3A_282 : vector<16xi32> to vector<1x16xi32>
      tpu.vector_store %arg9[%swap3A_283, %swap3A_284], %swap3A_287 {strides = array<i32>} : memref<32x64xi32, #tpu.memory_space<vmem>>, vector<1x16xi32>,
      %parallel_loop3A = arith.constant 0 : i32
      %parallel_loop3A_288 = arith.constant 64 : i32
      %parallel_loop3A_289 = arith.constant 1 : i32
      scf.for %parallel_loop3A_492 = %parallel_loop3A to %parallel_loop3A_288 step %parallel_loop3A_289  : i32 {
        %parallel_loop3A_493 = arith.constant 0 : i32
        %parallel_loop3A_494 = arith.index_cast %parallel_loop3A_493 : i32 to index
        %parallel_loop3A_495 = arith.index_cast %parallel_loop3A_492 : i32 to index
        %parallel_loop3A_496 = arith.constant 0 : index
        %parallel_loop3A_497 = tpu.vector_load %arg10[%parallel_loop3A_494, %parallel_loop3A_495, %parallel_loop3A_496] {strides = array<i32>} : memref<2x64x64xf32, #tpu.memory_space<vmem>>, vector<1x1x16xf32>,
        %parallel_loop3A_498 = vector.shape_cast %parallel_loop3A_497 : vector<1x1x16xf32> to vector<16xf32>
        %parallel_loop3A_499 = arith.constant 0 : i32
        %parallel_loop3A_500 = arith.index_cast %parallel_loop3A_499 : i32 to index
        %parallel_loop3A_501 = arith.index_cast %parallel_loop3A_492 : i32 to index
        %parallel_loop3A_502 = arith.constant 16 : index
        %parallel_loop3A_503 = tpu.vector_load %arg10[%parallel_loop3A_500, %parallel_loop3A_501, %parallel_loop3A_502] {strides = array<i32>} : memref<2x64x64xf32, #tpu.memory_space<vmem>>, vector<1x1x16xf32>,
        %parallel_loop3A_504 = vector.shape_cast %parallel_loop3A_503 : vector<1x1x16xf32> to vector<16xf32>
        %parallel_loop3A_505 = arith.constant 0 : i32
        %parallel_loop3A_506 = arith.index_cast %parallel_loop3A_505 : i32 to index
        %parallel_loop3A_507 = arith.index_cast %parallel_loop3A_492 : i32 to index
        %parallel_loop3A_508 = arith.constant 32 : index
        %parallel_loop3A_509 = tpu.vector_load %arg10[%parallel_loop3A_506, %parallel_loop3A_507, %parallel_loop3A_508] {strides = array<i32>} : memref<2x64x64xf32, #tpu.memory_space<vmem>>, vector<1x1x16xf32>,
        %parallel_loop3A_510 = vector.shape_cast %parallel_loop3A_509 : vector<1x1x16xf32> to vector<16xf32>
        %parallel_loop3A_511 = arith.constant 0 : i32
        %parallel_loop3A_512 = arith.index_cast %parallel_loop3A_511 : i32 to index
        %parallel_loop3A_513 = arith.index_cast %parallel_loop3A_492 : i32 to index
        %parallel_loop3A_514 = arith.constant 48 : index
        %parallel_loop3A_515 = tpu.vector_load %arg10[%parallel_loop3A_512, %parallel_loop3A_513, %parallel_loop3A_514] {strides = array<i32>} : memref<2x64x64xf32, #tpu.memory_space<vmem>>, vector<1x1x16xf32>,
        %parallel_loop3A_516 = vector.shape_cast %parallel_loop3A_515 : vector<1x1x16xf32> to vector<16xf32>
        %parallel_loop3A_517 = arith.constant 0 : i32
        %parallel_loop3A_518 = arith.index_cast %parallel_loop3A_517 : i32 to index
        %parallel_loop3A_519 = arith.index_cast %parallel_loop3A_492 : i32 to index
        %parallel_loop3A_520 = arith.constant 0 : index
        %parallel_loop3A_521 = tpu.vector_load %arg11[%parallel_loop3A_518, %parallel_loop3A_519, %parallel_loop3A_520] {strides = array<i32>} : memref<2x64x512xf32, #tpu.memory_space<vmem>>, vector<1x1x16xf32>,
        %parallel_loop3A_522 = vector.shape_cast %parallel_loop3A_521 : vector<1x1x16xf32> to vector<16xf32>
        %parallel_loop3A_523 = arith.mulf %parallel_loop3A_498, %parallel_loop3A_522 : vector<16xf32>
        %parallel_loop3A_524 = arith.constant 0 : i32
        %parallel_loop3A_525 = arith.index_cast %parallel_loop3A_524 : i32 to index
        %parallel_loop3A_526 = arith.index_cast %parallel_loop3A_492 : i32 to index
        %parallel_loop3A_527 = arith.constant 64 : index
        %parallel_loop3A_528 = tpu.vector_load %arg11[%parallel_loop3A_525, %parallel_loop3A_526, %parallel_loop3A_527] {strides = array<i32>} : memref<2x64x512xf32, #tpu.memory_space<vmem>>, vector<1x1x16xf32>,
        %parallel_loop3A_529 = vector.shape_cast %parallel_loop3A_528 : vector<1x1x16xf32> to vector<16xf32>
        %parallel_loop3A_530 = arith.mulf %parallel_loop3A_504, %parallel_loop3A_529 : vector<16xf32>
        %parallel_loop3A_531 = arith.addf %parallel_loop3A_523, %parallel_loop3A_530 : vector<16xf32>
        %parallel_loop3A_532 = arith.constant 0 : i32
        %parallel_loop3A_533 = arith.index_cast %parallel_loop3A_532 : i32 to index
        %parallel_loop3A_534 = arith.index_cast %parallel_loop3A_492 : i32 to index
        %parallel_loop3A_535 = arith.constant 128 : index
        %parallel_loop3A_536 = tpu.vector_load %arg11[%parallel_loop3A_533, %parallel_loop3A_534, %parallel_loop3A_535] {strides = array<i32>} : memref<2x64x512xf32, #tpu.memory_space<vmem>>, vector<1x1x16xf32>,
        %parallel_loop3A_537 = vector.shape_cast %parallel_loop3A_536 : vector<1x1x16xf32> to vector<16xf32>
        %parallel_loop3A_538 = arith.mulf %parallel_loop3A_510, %parallel_loop3A_537 : vector<16xf32>
        %parallel_loop3A_539 = arith.addf %parallel_loop3A_531, %parallel_loop3A_538 : vector<16xf32>
        %parallel_loop3A_540 = arith.constant 0 : i32
        %parallel_loop3A_541 = arith.index_cast %parallel_loop3A_540 : i32 to index
        %parallel_loop3A_542 = arith.index_cast %parallel_loop3A_492 : i32 to index
        %parallel_loop3A_543 = arith.constant 192 : index
        %parallel_loop3A_544 = tpu.vector_load %arg11[%parallel_loop3A_541, %parallel_loop3A_542, %parallel_loop3A_543] {strides = array<i32>} : memref<2x64x512xf32, #tpu.memory_space<vmem>>, vector<1x1x16xf32>,
        %parallel_loop3A_545 = vector.shape_cast %parallel_loop3A_544 : vector<1x1x16xf32> to vector<16xf32>
        %parallel_loop3A_546 = arith.mulf %parallel_loop3A_516, %parallel_loop3A_545 : vector<16xf32>
        %parallel_loop3A_547 = arith.addf %parallel_loop3A_539, %parallel_loop3A_546 : vector<16xf32>
        %parallel_loop3A_548 = arith.constant 0 : i32
        %parallel_loop3A_549 = arith.index_cast %parallel_loop3A_548 : i32 to index
        %parallel_loop3A_550 = arith.index_cast %parallel_loop3A_492 : i32 to index
        %parallel_loop3A_551 = arith.constant 0 : index
        %parallel_loop3A_552 = tpu.vector_load %arg12[%parallel_loop3A_549, %parallel_loop3A_550, %parallel_loop3A_551] {strides = array<i32>} : memref<2x64x128xf32, #tpu.memory_space<vmem>>, vector<1x1x16xf32>,
        %parallel_loop3A_553 = vector.shape_cast %parallel_loop3A_552 : vector<1x1x16xf32> to vector<16xf32>
        %parallel_loop3A_554 = vector.shape_cast %parallel_loop3A_547 : vector<16xf32> to vector<1x1x16xf32>
        tpu.vector_store %arg12[%parallel_loop3A_549, %parallel_loop3A_550, %parallel_loop3A_551], %parallel_loop3A_554 {strides = array<i32>} : memref<2x64x128xf32, #tpu.memory_space<vmem>>, vector<1x1x16xf32>,
        %parallel_loop3A_555 = arith.constant 0 : i32
        %parallel_loop3A_556 = arith.index_cast %parallel_loop3A_555 : i32 to index
        %parallel_loop3A_557 = arith.index_cast %parallel_loop3A_492 : i32 to index
        %parallel_loop3A_558 = arith.constant 16 : index
        %parallel_loop3A_559 = tpu.vector_load %arg11[%parallel_loop3A_556, %parallel_loop3A_557, %parallel_loop3A_558] {strides = array<i32>} : memref<2x64x512xf32, #tpu.memory_space<vmem>>, vector<1x1x16xf32>,
        %parallel_loop3A_560 = vector.shape_cast %parallel_loop3A_559 : vector<1x1x16xf32> to vector<16xf32>
        %parallel_loop3A_561 = arith.mulf %parallel_loop3A_498, %parallel_loop3A_560 : vector<16xf32>
        %parallel_loop3A_562 = arith.constant 0 : i32
        %parallel_loop3A_563 = arith.index_cast %parallel_loop3A_562 : i32 to index
        %parallel_loop3A_564 = arith.index_cast %parallel_loop3A_492 : i32 to index
        %parallel_loop3A_565 = arith.constant 80 : index
        %parallel_loop3A_566 = tpu.vector_load %arg11[%parallel_loop3A_563, %parallel_loop3A_564, %parallel_loop3A_565] {strides = array<i32>} : memref<2x64x512xf32, #tpu.memory_space<vmem>>, vector<1x1x16xf32>,
        %parallel_loop3A_567 = vector.shape_cast %parallel_loop3A_566 : vector<1x1x16xf32> to vector<16xf32>
        %parallel_loop3A_568 = arith.mulf %parallel_loop3A_504, %parallel_loop3A_567 : vector<16xf32>
        %parallel_loop3A_569 = arith.addf %parallel_loop3A_561, %parallel_loop3A_568 : vector<16xf32>
        %parallel_loop3A_570 = arith.constant 0 : i32
        %parallel_loop3A_571 = arith.index_cast %parallel_loop3A_570 : i32 to index
        %parallel_loop3A_572 = arith.index_cast %parallel_loop3A_492 : i32 to index
        %parallel_loop3A_573 = arith.constant 144 : index
        %parallel_loop3A_574 = tpu.vector_load %arg11[%parallel_loop3A_571, %parallel_loop3A_572, %parallel_loop3A_573] {strides = array<i32>} : memref<2x64x512xf32, #tpu.memory_space<vmem>>, vector<1x1x16xf32>,
        %parallel_loop3A_575 = vector.shape_cast %parallel_loop3A_574 : vector<1x1x16xf32> to vector<16xf32>
        %parallel_loop3A_576 = arith.mulf %parallel_loop3A_510, %parallel_loop3A_575 : vector<16xf32>
        %parallel_loop3A_577 = arith.addf %parallel_loop3A_569, %parallel_loop3A_576 : vector<16xf32>
        %parallel_loop3A_578 = arith.constant 0 : i32
        %parallel_loop3A_579 = arith.index_cast %parallel_loop3A_578 : i32 to index
        %parallel_loop3A_580 = arith.index_cast %parallel_loop3A_492 : i32 to index
        %parallel_loop3A_581 = arith.constant 208 : index
        %parallel_loop3A_582 = tpu.vector_load %arg11[%parallel_loop3A_579, %parallel_loop3A_580, %parallel_loop3A_581] {strides = array<i32>} : memref<2x64x512xf32, #tpu.memory_space<vmem>>, vector<1x1x16xf32>,
        %parallel_loop3A_583 = vector.shape_cast %parallel_loop3A_582 : vector<1x1x16xf32> to vector<16xf32>
        %parallel_loop3A_584 = arith.mulf %parallel_loop3A_516, %parallel_loop3A_583 : vector<16xf32>
        %parallel_loop3A_585 = arith.addf %parallel_loop3A_577, %parallel_loop3A_584 : vector<16xf32>
        %parallel_loop3A_586 = arith.constant 0 : i32
        %parallel_loop3A_587 = arith.index_cast %parallel_loop3A_586 : i32 to index
        %parallel_loop3A_588 = arith.index_cast %parallel_loop3A_492 : i32 to index
        %parallel_loop3A_589 = arith.constant 16 : index
        %parallel_loop3A_590 = tpu.vector_load %arg12[%parallel_loop3A_587, %parallel_loop3A_588, %parallel_loop3A_589] {strides = array<i32>} : memref<2x64x128xf32, #tpu.memory_space<vmem>>, vector<1x1x16xf32>,
        %parallel_loop3A_591 = vector.shape_cast %parallel_loop3A_590 : vector<1x1x16xf32> to vector<16xf32>
        %parallel_loop3A_592 = vector.shape_cast %parallel_loop3A_585 : vector<16xf32> to vector<1x1x16xf32>
        tpu.vector_store %arg12[%parallel_loop3A_587, %parallel_loop3A_588, %parallel_loop3A_589], %parallel_loop3A_592 {strides = array<i32>} : memref<2x64x128xf32, #tpu.memory_space<vmem>>, vector<1x1x16xf32>,
        %parallel_loop3A_593 = arith.constant 0 : i32
        %parallel_loop3A_594 = arith.index_cast %parallel_loop3A_593 : i32 to index
        %parallel_loop3A_595 = arith.index_cast %parallel_loop3A_492 : i32 to index
        %parallel_loop3A_596 = arith.constant 32 : index
        %parallel_loop3A_597 = tpu.vector_load %arg11[%parallel_loop3A_594, %parallel_loop3A_595, %parallel_loop3A_596] {strides = array<i32>} : memref<2x64x512xf32, #tpu.memory_space<vmem>>, vector<1x1x16xf32>,
        %parallel_loop3A_598 = vector.shape_cast %parallel_loop3A_597 : vector<1x1x16xf32> to vector<16xf32>
        %parallel_loop3A_599 = arith.mulf %parallel_loop3A_498, %parallel_loop3A_598 : vector<16xf32>
        %parallel_loop3A_600 = arith.constant 0 : i32
        %parallel_loop3A_601 = arith.index_cast %parallel_loop3A_600 : i32 to index
        %parallel_loop3A_602 = arith.index_cast %parallel_loop3A_492 : i32 to index
        %parallel_loop3A_603 = arith.constant 96 : index
        %parallel_loop3A_604 = tpu.vector_load %arg11[%parallel_loop3A_601, %parallel_loop3A_602, %parallel_loop3A_603] {strides = array<i32>} : memref<2x64x512xf32, #tpu.memory_space<vmem>>, vector<1x1x16xf32>,
        %parallel_loop3A_605 = vector.shape_cast %parallel_loop3A_604 : vector<1x1x16xf32> to vector<16xf32>
        %parallel_loop3A_606 = arith.mulf %parallel_loop3A_504, %parallel_loop3A_605 : vector<16xf32>
        %parallel_loop3A_607 = arith.addf %parallel_loop3A_599, %parallel_loop3A_606 : vector<16xf32>
        %parallel_loop3A_608 = arith.constant 0 : i32
        %parallel_loop3A_609 = arith.index_cast %parallel_loop3A_608 : i32 to index
        %parallel_loop3A_610 = arith.index_cast %parallel_loop3A_492 : i32 to index
        %parallel_loop3A_611 = arith.constant 160 : index
        %parallel_loop3A_612 = tpu.vector_load %arg11[%parallel_loop3A_609, %parallel_loop3A_610, %parallel_loop3A_611] {strides = array<i32>} : memref<2x64x512xf32, #tpu.memory_space<vmem>>, vector<1x1x16xf32>,
        %parallel_loop3A_613 = vector.shape_cast %parallel_loop3A_612 : vector<1x1x16xf32> to vector<16xf32>
        %parallel_loop3A_614 = arith.mulf %parallel_loop3A_510, %parallel_loop3A_613 : vector<16xf32>
        %parallel_loop3A_615 = arith.addf %parallel_loop3A_607, %parallel_loop3A_614 : vector<16xf32>
        %parallel_loop3A_616 = arith.constant 0 : i32
        %parallel_loop3A_617 = arith.index_cast %parallel_loop3A_616 : i32 to index
        %parallel_loop3A_618 = arith.index_cast %parallel_loop3A_492 : i32 to index
        %parallel_loop3A_619 = arith.constant 224 : index
        %parallel_loop3A_620 = tpu.vector_load %arg11[%parallel_loop3A_617, %parallel_loop3A_618, %parallel_loop3A_619] {strides = array<i32>} : memref<2x64x512xf32, #tpu.memory_space<vmem>>, vector<1x1x16xf32>,
        %parallel_loop3A_621 = vector.shape_cast %parallel_loop3A_620 : vector<1x1x16xf32> to vector<16xf32>
        %parallel_loop3A_622 = arith.mulf %parallel_loop3A_516, %parallel_loop3A_621 : vector<16xf32>
        %parallel_loop3A_623 = arith.addf %parallel_loop3A_615, %parallel_loop3A_622 : vector<16xf32>
        %parallel_loop3A_624 = arith.constant 0 : i32
        %parallel_loop3A_625 = arith.index_cast %parallel_loop3A_624 : i32 to index
        %parallel_loop3A_626 = arith.index_cast %parallel_loop3A_492 : i32 to index
        %parallel_loop3A_627 = arith.constant 32 : index
        %parallel_loop3A_628 = tpu.vector_load %arg12[%parallel_loop3A_625, %parallel_loop3A_626, %parallel_loop3A_627] {strides = array<i32>} : memref<2x64x128xf32, #tpu.memory_space<vmem>>, vector<1x1x16xf32>,
        %parallel_loop3A_629 = vector.shape_cast %parallel_loop3A_628 : vector<1x1x16xf32> to vector<16xf32>
        %parallel_loop3A_630 = vector.shape_cast %parallel_loop3A_623 : vector<16xf32> to vector<1x1x16xf32>
        tpu.vector_store %arg12[%parallel_loop3A_625, %parallel_loop3A_626, %parallel_loop3A_627], %parallel_loop3A_630 {strides = array<i32>} : memref<2x64x128xf32, #tpu.memory_space<vmem>>, vector<1x1x16xf32>,
        %parallel_loop3A_631 = arith.constant 0 : i32
        %parallel_loop3A_632 = arith.index_cast %parallel_loop3A_631 : i32 to index
        %parallel_loop3A_633 = arith.index_cast %parallel_loop3A_492 : i32 to index
        %parallel_loop3A_634 = arith.constant 48 : index
        %parallel_loop3A_635 = tpu.vector_load %arg11[%parallel_loop3A_632, %parallel_loop3A_633, %parallel_loop3A_634] {strides = array<i32>} : memref<2x64x512xf32, #tpu.memory_space<vmem>>, vector<1x1x16xf32>,
        %parallel_loop3A_636 = vector.shape_cast %parallel_loop3A_635 : vector<1x1x16xf32> to vector<16xf32>
        %parallel_loop3A_637 = arith.mulf %parallel_loop3A_498, %parallel_loop3A_636 : vector<16xf32>
        %parallel_loop3A_638 = arith.constant 0 : i32
        %parallel_loop3A_639 = arith.index_cast %parallel_loop3A_638 : i32 to index
        %parallel_loop3A_640 = arith.index_cast %parallel_loop3A_492 : i32 to index
        %parallel_loop3A_641 = arith.constant 112 : index
        %parallel_loop3A_642 = tpu.vector_load %arg11[%parallel_loop3A_639, %parallel_loop3A_640, %parallel_loop3A_641] {strides = array<i32>} : memref<2x64x512xf32, #tpu.memory_space<vmem>>, vector<1x1x16xf32>,
        %parallel_loop3A_643 = vector.shape_cast %parallel_loop3A_642 : vector<1x1x16xf32> to vector<16xf32>
        %parallel_loop3A_644 = arith.mulf %parallel_loop3A_504, %parallel_loop3A_643 : vector<16xf32>
        %parallel_loop3A_645 = arith.addf %parallel_loop3A_637, %parallel_loop3A_644 : vector<16xf32>
        %parallel_loop3A_646 = arith.constant 0 : i32
        %parallel_loop3A_647 = arith.index_cast %parallel_loop3A_646 : i32 to index
        %parallel_loop3A_648 = arith.index_cast %parallel_loop3A_492 : i32 to index
        %parallel_loop3A_649 = arith.constant 176 : index
        %parallel_loop3A_650 = tpu.vector_load %arg11[%parallel_loop3A_647, %parallel_loop3A_648, %parallel_loop3A_649] {strides = array<i32>} : memref<2x64x512xf32, #tpu.memory_space<vmem>>, vector<1x1x16xf32>,
        %parallel_loop3A_651 = vector.shape_cast %parallel_loop3A_650 : vector<1x1x16xf32> to vector<16xf32>
        %parallel_loop3A_652 = arith.mulf %parallel_loop3A_510, %parallel_loop3A_651 : vector<16xf32>
        %parallel_loop3A_653 = arith.addf %parallel_loop3A_645, %parallel_loop3A_652 : vector<16xf32>
        %parallel_loop3A_654 = arith.constant 0 : i32
        %parallel_loop3A_655 = arith.index_cast %parallel_loop3A_654 : i32 to index
        %parallel_loop3A_656 = arith.index_cast %parallel_loop3A_492 : i32 to index
        %parallel_loop3A_657 = arith.constant 240 : index
        %parallel_loop3A_658 = tpu.vector_load %arg11[%parallel_loop3A_655, %parallel_loop3A_656, %parallel_loop3A_657] {strides = array<i32>} : memref<2x64x512xf32, #tpu.memory_space<vmem>>, vector<1x1x16xf32>,
        %parallel_loop3A_659 = vector.shape_cast %parallel_loop3A_658 : vector<1x1x16xf32> to vector<16xf32>
        %parallel_loop3A_660 = arith.mulf %parallel_loop3A_516, %parallel_loop3A_659 : vector<16xf32>
        %parallel_loop3A_661 = arith.addf %parallel_loop3A_653, %parallel_loop3A_660 : vector<16xf32>
        %parallel_loop3A_662 = arith.constant 0 : i32
        %parallel_loop3A_663 = arith.index_cast %parallel_loop3A_662 : i32 to index
        %parallel_loop3A_664 = arith.index_cast %parallel_loop3A_492 : i32 to index
        %parallel_loop3A_665 = arith.constant 48 : index
        %parallel_loop3A_666 = tpu.vector_load %arg12[%parallel_loop3A_663, %parallel_loop3A_664, %parallel_loop3A_665] {strides = array<i32>} : memref<2x64x128xf32, #tpu.memory_space<vmem>>, vector<1x1x16xf32>,
        %parallel_loop3A_667 = vector.shape_cast %parallel_loop3A_666 : vector<1x1x16xf32> to vector<16xf32>
        %parallel_loop3A_668 = vector.shape_cast %parallel_loop3A_661 : vector<16xf32> to vector<1x1x16xf32>
        tpu.vector_store %arg12[%parallel_loop3A_663, %parallel_loop3A_664, %parallel_loop3A_665], %parallel_loop3A_668 {strides = array<i32>} : memref<2x64x128xf32, #tpu.memory_space<vmem>>, vector<1x1x16xf32>,
        %parallel_loop3A_669 = arith.constant 0 : i32
        %parallel_loop3A_670 = arith.index_cast %parallel_loop3A_669 : i32 to index
        %parallel_loop3A_671 = arith.index_cast %parallel_loop3A_492 : i32 to index
        %parallel_loop3A_672 = arith.constant 256 : index
        %parallel_loop3A_673 = tpu.vector_load %arg11[%parallel_loop3A_670, %parallel_loop3A_671, %parallel_loop3A_672] {strides = array<i32>} : memref<2x64x512xf32, #tpu.memory_space<vmem>>, vector<1x1x16xf32>,
        %parallel_loop3A_674 = vector.shape_cast %parallel_loop3A_673 : vector<1x1x16xf32> to vector<16xf32>
        %parallel_loop3A_675 = arith.mulf %parallel_loop3A_498, %parallel_loop3A_674 : vector<16xf32>
        %parallel_loop3A_676 = arith.constant 0 : i32
        %parallel_loop3A_677 = arith.index_cast %parallel_loop3A_676 : i32 to index
        %parallel_loop3A_678 = arith.index_cast %parallel_loop3A_492 : i32 to index
        %parallel_loop3A_679 = arith.constant 320 : index
        %parallel_loop3A_680 = tpu.vector_load %arg11[%parallel_loop3A_677, %parallel_loop3A_678, %parallel_loop3A_679] {strides = array<i32>} : memref<2x64x512xf32, #tpu.memory_space<vmem>>, vector<1x1x16xf32>,
        %parallel_loop3A_681 = vector.shape_cast %parallel_loop3A_680 : vector<1x1x16xf32> to vector<16xf32>
        %parallel_loop3A_682 = arith.mulf %parallel_loop3A_504, %parallel_loop3A_681 : vector<16xf32>
        %parallel_loop3A_683 = arith.addf %parallel_loop3A_675, %parallel_loop3A_682 : vector<16xf32>
        %parallel_loop3A_684 = arith.constant 0 : i32
        %parallel_loop3A_685 = arith.index_cast %parallel_loop3A_684 : i32 to index
        %parallel_loop3A_686 = arith.index_cast %parallel_loop3A_492 : i32 to index
        %parallel_loop3A_687 = arith.constant 384 : index
        %parallel_loop3A_688 = tpu.vector_load %arg11[%parallel_loop3A_685, %parallel_loop3A_686, %parallel_loop3A_687] {strides = array<i32>} : memref<2x64x512xf32, #tpu.memory_space<vmem>>, vector<1x1x16xf32>,
        %parallel_loop3A_689 = vector.shape_cast %parallel_loop3A_688 : vector<1x1x16xf32> to vector<16xf32>
        %parallel_loop3A_690 = arith.mulf %parallel_loop3A_510, %parallel_loop3A_689 : vector<16xf32>
        %parallel_loop3A_691 = arith.addf %parallel_loop3A_683, %parallel_loop3A_690 : vector<16xf32>
        %parallel_loop3A_692 = arith.constant 0 : i32
        %parallel_loop3A_693 = arith.index_cast %parallel_loop3A_692 : i32 to index
        %parallel_loop3A_694 = arith.index_cast %parallel_loop3A_492 : i32 to index
        %parallel_loop3A_695 = arith.constant 448 : index
        %parallel_loop3A_696 = tpu.vector_load %arg11[%parallel_loop3A_693, %parallel_loop3A_694, %parallel_loop3A_695] {strides = array<i32>} : memref<2x64x512xf32, #tpu.memory_space<vmem>>, vector<1x1x16xf32>,
        %parallel_loop3A_697 = vector.shape_cast %parallel_loop3A_696 : vector<1x1x16xf32> to vector<16xf32>
        %parallel_loop3A_698 = arith.mulf %parallel_loop3A_516, %parallel_loop3A_697 : vector<16xf32>
        %parallel_loop3A_699 = arith.addf %parallel_loop3A_691, %parallel_loop3A_698 : vector<16xf32>
        %parallel_loop3A_700 = arith.constant 0 : i32
        %parallel_loop3A_701 = arith.index_cast %parallel_loop3A_700 : i32 to index
        %parallel_loop3A_702 = arith.index_cast %parallel_loop3A_492 : i32 to index
        %parallel_loop3A_703 = arith.constant 64 : index
        %parallel_loop3A_704 = tpu.vector_load %arg12[%parallel_loop3A_701, %parallel_loop3A_702, %parallel_loop3A_703] {strides = array<i32>} : memref<2x64x128xf32, #tpu.memory_space<vmem>>, vector<1x1x16xf32>,
        %parallel_loop3A_705 = vector.shape_cast %parallel_loop3A_704 : vector<1x1x16xf32> to vector<16xf32>
        %parallel_loop3A_706 = vector.shape_cast %parallel_loop3A_699 : vector<16xf32> to vector<1x1x16xf32>
        tpu.vector_store %arg12[%parallel_loop3A_701, %parallel_loop3A_702, %parallel_loop3A_703], %parallel_loop3A_706 {strides = array<i32>} : memref<2x64x128xf32, #tpu.memory_space<vmem>>, vector<1x1x16xf32>,
        %parallel_loop3A_707 = arith.constant 0 : i32
        %parallel_loop3A_708 = arith.index_cast %parallel_loop3A_707 : i32 to index
        %parallel_loop3A_709 = arith.index_cast %parallel_loop3A_492 : i32 to index
        %parallel_loop3A_710 = arith.constant 272 : index
        %parallel_loop3A_711 = tpu.vector_load %arg11[%parallel_loop3A_708, %parallel_loop3A_709, %parallel_loop3A_710] {strides = array<i32>} : memref<2x64x512xf32, #tpu.memory_space<vmem>>, vector<1x1x16xf32>,
        %parallel_loop3A_712 = vector.shape_cast %parallel_loop3A_711 : vector<1x1x16xf32> to vector<16xf32>
        %parallel_loop3A_713 = arith.mulf %parallel_loop3A_498, %parallel_loop3A_712 : vector<16xf32>
        %parallel_loop3A_714 = arith.constant 0 : i32
        %parallel_loop3A_715 = arith.index_cast %parallel_loop3A_714 : i32 to index
        %parallel_loop3A_716 = arith.index_cast %parallel_loop3A_492 : i32 to index
        %parallel_loop3A_717 = arith.constant 336 : index
        %parallel_loop3A_718 = tpu.vector_load %arg11[%parallel_loop3A_715, %parallel_loop3A_716, %parallel_loop3A_717] {strides = array<i32>} : memref<2x64x512xf32, #tpu.memory_space<vmem>>, vector<1x1x16xf32>,
        %parallel_loop3A_719 = vector.shape_cast %parallel_loop3A_718 : vector<1x1x16xf32> to vector<16xf32>
        %parallel_loop3A_720 = arith.mulf %parallel_loop3A_504, %parallel_loop3A_719 : vector<16xf32>
        %parallel_loop3A_721 = arith.addf %parallel_loop3A_713, %parallel_loop3A_720 : vector<16xf32>
        %parallel_loop3A_722 = arith.constant 0 : i32
        %parallel_loop3A_723 = arith.index_cast %parallel_loop3A_722 : i32 to index
        %parallel_loop3A_724 = arith.index_cast %parallel_loop3A_492 : i32 to index
        %parallel_loop3A_725 = arith.constant 400 : index
        %parallel_loop3A_726 = tpu.vector_load %arg11[%parallel_loop3A_723, %parallel_loop3A_724, %parallel_loop3A_725] {strides = array<i32>} : memref<2x64x512xf32, #tpu.memory_space<vmem>>, vector<1x1x16xf32>,
        %parallel_loop3A_727 = vector.shape_cast %parallel_loop3A_726 : vector<1x1x16xf32> to vector<16xf32>
        %parallel_loop3A_728 = arith.mulf %parallel_loop3A_510, %parallel_loop3A_727 : vector<16xf32>
        %parallel_loop3A_729 = arith.addf %parallel_loop3A_721, %parallel_loop3A_728 : vector<16xf32>
        %parallel_loop3A_730 = arith.constant 0 : i32
        %parallel_loop3A_731 = arith.index_cast %parallel_loop3A_730 : i32 to index
        %parallel_loop3A_732 = arith.index_cast %parallel_loop3A_492 : i32 to index
        %parallel_loop3A_733 = arith.constant 464 : index
        %parallel_loop3A_734 = tpu.vector_load %arg11[%parallel_loop3A_731, %parallel_loop3A_732, %parallel_loop3A_733] {strides = array<i32>} : memref<2x64x512xf32, #tpu.memory_space<vmem>>, vector<1x1x16xf32>,
        %parallel_loop3A_735 = vector.shape_cast %parallel_loop3A_734 : vector<1x1x16xf32> to vector<16xf32>
        %parallel_loop3A_736 = arith.mulf %parallel_loop3A_516, %parallel_loop3A_735 : vector<16xf32>
        %parallel_loop3A_737 = arith.addf %parallel_loop3A_729, %parallel_loop3A_736 : vector<16xf32>
        %parallel_loop3A_738 = arith.constant 0 : i32
        %parallel_loop3A_739 = arith.index_cast %parallel_loop3A_738 : i32 to index
        %parallel_loop3A_740 = arith.index_cast %parallel_loop3A_492 : i32 to index
        %parallel_loop3A_741 = arith.constant 80 : index
        %parallel_loop3A_742 = tpu.vector_load %arg12[%parallel_loop3A_739, %parallel_loop3A_740, %parallel_loop3A_741] {strides = array<i32>} : memref<2x64x128xf32, #tpu.memory_space<vmem>>, vector<1x1x16xf32>,
        %parallel_loop3A_743 = vector.shape_cast %parallel_loop3A_742 : vector<1x1x16xf32> to vector<16xf32>
        %parallel_loop3A_744 = vector.shape_cast %parallel_loop3A_737 : vector<16xf32> to vector<1x1x16xf32>
        tpu.vector_store %arg12[%parallel_loop3A_739, %parallel_loop3A_740, %parallel_loop3A_741], %parallel_loop3A_744 {strides = array<i32>} : memref<2x64x128xf32, #tpu.memory_space<vmem>>, vector<1x1x16xf32>,
        %parallel_loop3A_745 = arith.constant 0 : i32
        %parallel_loop3A_746 = arith.index_cast %parallel_loop3A_745 : i32 to index
        %parallel_loop3A_747 = arith.index_cast %parallel_loop3A_492 : i32 to index
        %parallel_loop3A_748 = arith.constant 288 : index
        %parallel_loop3A_749 = tpu.vector_load %arg11[%parallel_loop3A_746, %parallel_loop3A_747, %parallel_loop3A_748] {strides = array<i32>} : memref<2x64x512xf32, #tpu.memory_space<vmem>>, vector<1x1x16xf32>,
        %parallel_loop3A_750 = vector.shape_cast %parallel_loop3A_749 : vector<1x1x16xf32> to vector<16xf32>
        %parallel_loop3A_751 = arith.mulf %parallel_loop3A_498, %parallel_loop3A_750 : vector<16xf32>
        %parallel_loop3A_752 = arith.constant 0 : i32
        %parallel_loop3A_753 = arith.index_cast %parallel_loop3A_752 : i32 to index
        %parallel_loop3A_754 = arith.index_cast %parallel_loop3A_492 : i32 to index
        %parallel_loop3A_755 = arith.constant 352 : index
        %parallel_loop3A_756 = tpu.vector_load %arg11[%parallel_loop3A_753, %parallel_loop3A_754, %parallel_loop3A_755] {strides = array<i32>} : memref<2x64x512xf32, #tpu.memory_space<vmem>>, vector<1x1x16xf32>,
        %parallel_loop3A_757 = vector.shape_cast %parallel_loop3A_756 : vector<1x1x16xf32> to vector<16xf32>
        %parallel_loop3A_758 = arith.mulf %parallel_loop3A_504, %parallel_loop3A_757 : vector<16xf32>
        %parallel_loop3A_759 = arith.addf %parallel_loop3A_751, %parallel_loop3A_758 : vector<16xf32>
        %parallel_loop3A_760 = arith.constant 0 : i32
        %parallel_loop3A_761 = arith.index_cast %parallel_loop3A_760 : i32 to index
        %parallel_loop3A_762 = arith.index_cast %parallel_loop3A_492 : i32 to index
        %parallel_loop3A_763 = arith.constant 416 : index
        %parallel_loop3A_764 = tpu.vector_load %arg11[%parallel_loop3A_761, %parallel_loop3A_762, %parallel_loop3A_763] {strides = array<i32>} : memref<2x64x512xf32, #tpu.memory_space<vmem>>, vector<1x1x16xf32>,
        %parallel_loop3A_765 = vector.shape_cast %parallel_loop3A_764 : vector<1x1x16xf32> to vector<16xf32>
        %parallel_loop3A_766 = arith.mulf %parallel_loop3A_510, %parallel_loop3A_765 : vector<16xf32>
        %parallel_loop3A_767 = arith.addf %parallel_loop3A_759, %parallel_loop3A_766 : vector<16xf32>
        %parallel_loop3A_768 = arith.constant 0 : i32
        %parallel_loop3A_769 = arith.index_cast %parallel_loop3A_768 : i32 to index
        %parallel_loop3A_770 = arith.index_cast %parallel_loop3A_492 : i32 to index
        %parallel_loop3A_771 = arith.constant 480 : index
        %parallel_loop3A_772 = tpu.vector_load %arg11[%parallel_loop3A_769, %parallel_loop3A_770, %parallel_loop3A_771] {strides = array<i32>} : memref<2x64x512xf32, #tpu.memory_space<vmem>>, vector<1x1x16xf32>,
        %parallel_loop3A_773 = vector.shape_cast %parallel_loop3A_772 : vector<1x1x16xf32> to vector<16xf32>
        %parallel_loop3A_774 = arith.mulf %parallel_loop3A_516, %parallel_loop3A_773 : vector<16xf32>
        %parallel_loop3A_775 = arith.addf %parallel_loop3A_767, %parallel_loop3A_774 : vector<16xf32>
        %parallel_loop3A_776 = arith.constant 0 : i32
        %parallel_loop3A_777 = arith.index_cast %parallel_loop3A_776 : i32 to index
        %parallel_loop3A_778 = arith.index_cast %parallel_loop3A_492 : i32 to index
        %parallel_loop3A_779 = arith.constant 96 : index
        %parallel_loop3A_780 = tpu.vector_load %arg12[%parallel_loop3A_777, %parallel_loop3A_778, %parallel_loop3A_779] {strides = array<i32>} : memref<2x64x128xf32, #tpu.memory_space<vmem>>, vector<1x1x16xf32>,
        %parallel_loop3A_781 = vector.shape_cast %parallel_loop3A_780 : vector<1x1x16xf32> to vector<16xf32>
        %parallel_loop3A_782 = vector.shape_cast %parallel_loop3A_775 : vector<16xf32> to vector<1x1x16xf32>
        tpu.vector_store %arg12[%parallel_loop3A_777, %parallel_loop3A_778, %parallel_loop3A_779], %parallel_loop3A_782 {strides = array<i32>} : memref<2x64x128xf32, #tpu.memory_space<vmem>>, vector<1x1x16xf32>,
        %parallel_loop3A_783 = arith.constant 0 : i32
        %parallel_loop3A_784 = arith.index_cast %parallel_loop3A_783 : i32 to index
        %parallel_loop3A_785 = arith.index_cast %parallel_loop3A_492 : i32 to index
        %parallel_loop3A_786 = arith.constant 304 : index
        %parallel_loop3A_787 = tpu.vector_load %arg11[%parallel_loop3A_784, %parallel_loop3A_785, %parallel_loop3A_786] {strides = array<i32>} : memref<2x64x512xf32, #tpu.memory_space<vmem>>, vector<1x1x16xf32>,
        %parallel_loop3A_788 = vector.shape_cast %parallel_loop3A_787 : vector<1x1x16xf32> to vector<16xf32>
        %parallel_loop3A_789 = arith.mulf %parallel_loop3A_498, %parallel_loop3A_788 : vector<16xf32>
        %parallel_loop3A_790 = arith.constant 0 : i32
        %parallel_loop3A_791 = arith.index_cast %parallel_loop3A_790 : i32 to index
        %parallel_loop3A_792 = arith.index_cast %parallel_loop3A_492 : i32 to index
        %parallel_loop3A_793 = arith.constant 368 : index
        %parallel_loop3A_794 = tpu.vector_load %arg11[%parallel_loop3A_791, %parallel_loop3A_792, %parallel_loop3A_793] {strides = array<i32>} : memref<2x64x512xf32, #tpu.memory_space<vmem>>, vector<1x1x16xf32>,
        %parallel_loop3A_795 = vector.shape_cast %parallel_loop3A_794 : vector<1x1x16xf32> to vector<16xf32>
        %parallel_loop3A_796 = arith.mulf %parallel_loop3A_504, %parallel_loop3A_795 : vector<16xf32>
        %parallel_loop3A_797 = arith.addf %parallel_loop3A_789, %parallel_loop3A_796 : vector<16xf32>
        %parallel_loop3A_798 = arith.constant 0 : i32
        %parallel_loop3A_799 = arith.index_cast %parallel_loop3A_798 : i32 to index
        %parallel_loop3A_800 = arith.index_cast %parallel_loop3A_492 : i32 to index
        %parallel_loop3A_801 = arith.constant 432 : index
        %parallel_loop3A_802 = tpu.vector_load %arg11[%parallel_loop3A_799, %parallel_loop3A_800, %parallel_loop3A_801] {strides = array<i32>} : memref<2x64x512xf32, #tpu.memory_space<vmem>>, vector<1x1x16xf32>,
        %parallel_loop3A_803 = vector.shape_cast %parallel_loop3A_802 : vector<1x1x16xf32> to vector<16xf32>
        %parallel_loop3A_804 = arith.mulf %parallel_loop3A_510, %parallel_loop3A_803 : vector<16xf32>
        %parallel_loop3A_805 = arith.addf %parallel_loop3A_797, %parallel_loop3A_804 : vector<16xf32>
        %parallel_loop3A_806 = arith.constant 0 : i32
        %parallel_loop3A_807 = arith.index_cast %parallel_loop3A_806 : i32 to index
        %parallel_loop3A_808 = arith.index_cast %parallel_loop3A_492 : i32 to index
        %parallel_loop3A_809 = arith.constant 496 : index
        %parallel_loop3A_810 = tpu.vector_load %arg11[%parallel_loop3A_807, %parallel_loop3A_808, %parallel_loop3A_809] {strides = array<i32>} : memref<2x64x512xf32, #tpu.memory_space<vmem>>, vector<1x1x16xf32>,
        %parallel_loop3A_811 = vector.shape_cast %parallel_loop3A_810 : vector<1x1x16xf32> to vector<16xf32>
        %parallel_loop3A_812 = arith.mulf %parallel_loop3A_516, %parallel_loop3A_811 : vector<16xf32>
        %parallel_loop3A_813 = arith.addf %parallel_loop3A_805, %parallel_loop3A_812 : vector<16xf32>
        %parallel_loop3A_814 = arith.constant 0 : i32
        %parallel_loop3A_815 = arith.index_cast %parallel_loop3A_814 : i32 to index
        %parallel_loop3A_816 = arith.index_cast %parallel_loop3A_492 : i32 to index
        %parallel_loop3A_817 = arith.constant 112 : index
        %parallel_loop3A_818 = tpu.vector_load %arg12[%parallel_loop3A_815, %parallel_loop3A_816, %parallel_loop3A_817] {strides = array<i32>} : memref<2x64x128xf32, #tpu.memory_space<vmem>>, vector<1x1x16xf32>,
        %parallel_loop3A_819 = vector.shape_cast %parallel_loop3A_818 : vector<1x1x16xf32> to vector<16xf32>
        %parallel_loop3A_820 = vector.shape_cast %parallel_loop3A_813 : vector<16xf32> to vector<1x1x16xf32>
        tpu.vector_store %arg12[%parallel_loop3A_815, %parallel_loop3A_816, %parallel_loop3A_817], %parallel_loop3A_820 {strides = array<i32>} : memref<2x64x128xf32, #tpu.memory_space<vmem>>, vector<1x1x16xf32>,
      } {sc.loop_unroll_factor = 8 : i64, sc.parallel_access}
      %dma_start3A_290 = arith.constant 0 : i32
      %dma_start3A_291 = arith.constant 0 : i32
      %dma_start3A_292 = arith.constant 0 : i32
      %dma_start3A_293 = tpu.memref_slice %arg12[%dma_start3A_290, %dma_start3A_291, %dma_start3A_292] : memref<2x64x128xf32, #tpu.memory_space<vmem>> -> memref<1x64x128xf32, #tpu.memory_space<vmem>>
      %dma_start3A_294 = tpu.memref_squeeze %dma_start3A_293 : memref<1x64x128xf32, #tpu.memory_space<vmem>> -> memref<64x128xf32, #tpu.memory_space<vmem>>
      %dma_start3A_295 = arith.constant 0 : i32
      %dma_start3A_296 = tpu.memref_slice %arg9[%mul3A_90, %dma_start3A_295] : memref<32x64xi32, #tpu.memory_space<vmem>> -> memref<1x64xi32, #tpu.memory_space<vmem>>
      %dma_start3A_297 = tpu.memref_squeeze %dma_start3A_296 : memref<1x64xi32, #tpu.memory_space<vmem>> -> memref<64xi32, #tpu.memory_space<vmem>>
      %dma_start3A_298 = arith.constant 0 : i32
      %dma_start3A_299 = arith.constant 0 : i32
      %dma_start3A_300 = tpu.memref_slice %arg14[%dma_start3A_298, %dma_start3A_299] : memref<2064x128xf32, #tpu.memory_space<vmem_shared>> -> memref<2064x128xf32, #tpu.memory_space<vmem_shared>>
      tpu.enqueue_indirect_dma source(%dma_start3A_294 : memref<64x128xf32, #tpu.memory_space<vmem>>) target(%dma_start3A_300 : memref<2064x128xf32, #tpu.memory_space<vmem_shared>>) offsets(%dma_start3A_297 : memref<64xi32, #tpu.memory_space<vmem>>) semaphore(%arg21 : memref<!tpu.dma_semaphore, #tpu.memory_space<semaphore_mem>>) {add = true}
      %add3A_301 = arith.constant 2 : i32
      %add3A_302 = arith.addi %mul3A_90, %add3A_301 : i32
      %lt3A = arith.constant 32 : i32
      %lt3A_303 = arith.cmpi slt, %add3A_302, %lt3A : i32
      %convert_element_type3A_304 = arith.extui %lt3A_303 : i1 to i32
      %cond3A_305 = arith.constant 0 : i32
      %cond3A_306 = arith.cmpi ne, %convert_element_type3A_304, %cond3A_305 : i32
      scf.if %cond3A_306 {
        %add3A_492 = arith.constant 2 : i32
        %add3A_493 = arith.addi %mul3A_90, %add3A_492 : i32
        %mul3A_494 = arith.constant 64 : i32
        %mul3A_495 = arith.muli %add3A_493, %mul3A_494 : i32
        %add3A_496 = arith.addi %mul3A_2, %mul3A_495 : i32
        %multiple_of3A_497 = tpu.assume_multiple %add3A_496, 64 : i32
        %dma_start3A_498 = arith.constant 0 : i32
        %dma_start3A_499 = arith.constant 0 : i32
        %dma_start3A_500 = arith.constant 0 : i32
        %dma_start3A_501 = tpu.memref_slice %arg10[%dma_start3A_498, %dma_start3A_499, %dma_start3A_500] : memref<2x64x64xf32, #tpu.memory_space<vmem>> -> memref<1x64x64xf32, #tpu.memory_space<vmem>>
        %dma_start3A_502 = tpu.memref_squeeze %dma_start3A_501 : memref<1x64x64xf32, #tpu.memory_space<vmem>> -> memref<64x64xf32, #tpu.memory_space<vmem>>
        %dma_start3A_503 = arith.constant 0 : i32
        %dma_start3A_504 = tpu.memref_slice %arg3[%multiple_of3A_497, %dma_start3A_503] : memref<65536x64xf32, #tpu.memory_space<hbm>> -> memref<64x64xf32, #tpu.memory_space<hbm>>
        %dma_start3A_505 = arith.constant 0 : i32
        %dma_start3A_506 = arith.constant 0 : i32
        %dma_start3A_507 = tpu.memref_slice %arg10[%dma_start3A_498, %dma_start3A_505, %dma_start3A_506] : memref<2x64x64xf32, #tpu.memory_space<vmem>> -> memref<1x64x64xf32, #tpu.memory_space<vmem>>
        %dma_start3A_508 = tpu.memref_squeeze %dma_start3A_507 : memref<1x64x64xf32, #tpu.memory_space<vmem>> -> memref<64x64xf32, #tpu.memory_space<vmem>>
        %dma_start3A_509 = arith.constant 0 : i32
        %dma_start3A_510 = tpu.memref_slice %arg3[%multiple_of3A_497, %dma_start3A_509] : memref<65536x64xf32, #tpu.memory_space<hbm>> -> memref<64x64xf32, #tpu.memory_space<hbm>>
        tpu.enqueue_dma source(%dma_start3A_510 : memref<64x64xf32, #tpu.memory_space<hbm>>) target(%dma_start3A_508 : memref<64x64xf32, #tpu.memory_space<vmem>>) target_semaphore(%arg17 : memref<!tpu.dma_semaphore, #tpu.memory_space<semaphore_mem>>)
        %mul3A_511 = arith.constant 64 : i32
        %mul3A_512 = arith.muli %add3A_493, %mul3A_511 : i32
        %dma_start3A_513 = arith.constant 0 : i32
        %dma_start3A_514 = arith.constant 0 : i32
        %dma_start3A_515 = tpu.memref_slice %arg13[%dma_start3A_513, %dma_start3A_514] : memref<2x64xi32, #tpu.memory_space<vmem>> -> memref<1x64xi32, #tpu.memory_space<vmem>>
        %dma_start3A_516 = tpu.memref_squeeze %dma_start3A_515 : memref<1x64xi32, #tpu.memory_space<vmem>> -> memref<64xi32, #tpu.memory_space<vmem>>
        %dma_start3A_517 = tpu.memref_slice %arg7[%mul3A_512] : memref<2048xi32, #tpu.memory_space<vmem>> -> memref<64xi32, #tpu.memory_space<vmem>>
        %dma_start3A_518 = arith.constant 0 : i32
        %dma_start3A_519 = tpu.memref_slice %arg5[%dma_start3A_518] : memref<4194304xi32, #tpu.memory_space<hbm>> -> memref<4194304xi32, #tpu.memory_space<hbm>>
        tpu.enqueue_indirect_dma source(%dma_start3A_519 : memref<4194304xi32, #tpu.memory_space<hbm>>) target(%dma_start3A_516 : memref<64xi32, #tpu.memory_space<vmem>>) offsets(%dma_start3A_517 : memref<64xi32, #tpu.memory_space<vmem>>) semaphore(%arg19 : memref<!tpu.dma_semaphore, #tpu.memory_space<semaphore_mem>>)
        %mul3A_520 = arith.constant 64 : i32
        %mul3A_521 = arith.muli %add3A_493, %mul3A_520 : i32
        %dma_start3A_522 = arith.constant 0 : i32
        %dma_start3A_523 = arith.constant 0 : i32
        %dma_start3A_524 = arith.constant 0 : i32
        %dma_start3A_525 = tpu.memref_slice %arg11[%dma_start3A_522, %dma_start3A_523, %dma_start3A_524] : memref<2x64x512xf32, #tpu.memory_space<vmem>> -> memref<1x64x512xf32, #tpu.memory_space<vmem>>
        %dma_start3A_526 = tpu.memref_squeeze %dma_start3A_525 : memref<1x64x512xf32, #tpu.memory_space<vmem>> -> memref<64x512xf32, #tpu.memory_space<vmem>>
        %dma_start3A_527 = tpu.memref_slice %arg8[%mul3A_521] : memref<2048xi32, #tpu.memory_space<vmem>> -> memref<64xi32, #tpu.memory_space<vmem>>
        %dma_start3A_528 = arith.constant 0 : i32
        %dma_start3A_529 = arith.constant 0 : i32
        %dma_start3A_530 = tpu.memref_slice %arg4[%dma_start3A_528, %dma_start3A_529] : memref<2048x512xf32, #tpu.memory_space<hbm>> -> memref<2048x512xf32, #tpu.memory_space<hbm>>
        tpu.enqueue_indirect_dma source(%dma_start3A_530 : memref<2048x512xf32, #tpu.memory_space<hbm>>) target(%dma_start3A_526 : memref<64x512xf32, #tpu.memory_space<vmem>>) offsets(%dma_start3A_527 : memref<64xi32, #tpu.memory_space<vmem>>) semaphore(%arg15 : memref<!tpu.dma_semaphore, #tpu.memory_space<semaphore_mem>>)
      } else {
      }
      %ge3A_307 = arith.constant 2 : i32
      %ge3A_308 = arith.cmpi sge, %mul3A_90, %ge3A_307 : i32
      %convert_element_type3A_309 = arith.extui %ge3A_308 : i1 to i32
      %cond3A_310 = arith.constant 0 : i32
      %cond3A_311 = arith.cmpi ne, %convert_element_type3A_309, %cond3A_310 : i32
      scf.if %cond3A_311 {
        %dma_wait3A_492 = arith.constant 1 : i32
        %dma_wait3A_493 = arith.constant 0 : i32
        %dma_wait3A_494 = arith.constant 0 : i32
        %dma_wait3A_495 = arith.constant 0 : i32
        %dma_wait3A_496 = tpu.memref_slice %arg12[%dma_wait3A_492, %dma_wait3A_494, %dma_wait3A_495] : memref<2x64x128xf32, #tpu.memory_space<vmem>> -> memref<1x64x128xf32, #tpu.memory_space<vmem>>
        %dma_wait3A_497 = tpu.memref_squeeze %dma_wait3A_496 : memref<1x64x128xf32, #tpu.memory_space<vmem>> -> memref<64x128xf32, #tpu.memory_space<vmem>>
        %dma_wait3A_498 = arith.constant 0 : i32
        %dma_wait3A_499 = tpu.memref_slice %arg9[%dma_wait3A_493, %dma_wait3A_498] : memref<32x64xi32, #tpu.memory_space<vmem>> -> memref<1x64xi32, #tpu.memory_space<vmem>>
        %dma_wait3A_500 = tpu.memref_squeeze %dma_wait3A_499 : memref<1x64xi32, #tpu.memory_space<vmem>> -> memref<64xi32, #tpu.memory_space<vmem>>
        %dma_wait3A_501 = arith.constant 0 : i32
        %dma_wait3A_502 = arith.constant 0 : i32
        %dma_wait3A_503 = tpu.memref_slice %arg14[%dma_wait3A_501, %dma_wait3A_502] : memref<2064x128xf32, #tpu.memory_space<vmem_shared>> -> memref<2064x128xf32, #tpu.memory_space<vmem_shared>>
        tpu.wait_indirect_dma semaphore(%arg22 : memref<!tpu.dma_semaphore, #tpu.memory_space<semaphore_mem>>) src(%dma_wait3A_497 : memref<64x128xf32, #tpu.memory_space<vmem>>) dst(%dma_wait3A_503 : memref<2064x128xf32, #tpu.memory_space<vmem_shared>>)
      } else {
      }
      %add3A_312 = arith.constant 1 : i32
      %add3A_313 = arith.addi %mul3A_90, %add3A_312 : i32
      %dma_wait3A_314 = arith.constant 1 : i32
      %dma_wait3A_315 = arith.constant 0 : i32
      %dma_wait3A_316 = arith.constant 0 : i32
      %dma_wait3A_317 = tpu.memref_slice %arg11[%dma_wait3A_314, %dma_wait3A_315, %dma_wait3A_316] : memref<2x64x512xf32, #tpu.memory_space<vmem>> -> memref<1x64x512xf32, #tpu.memory_space<vmem>>
      %dma_wait3A_318 = tpu.memref_squeeze %dma_wait3A_317 : memref<1x64x512xf32, #tpu.memory_space<vmem>> -> memref<64x512xf32, #tpu.memory_space<vmem>>
      %dma_wait3A_319 = arith.constant 0 : i32
      %dma_wait3A_320 = tpu.memref_slice %arg8[%dma_wait3A_319] : memref<2048xi32, #tpu.memory_space<vmem>> -> memref<64xi32, #tpu.memory_space<vmem>>
      %dma_wait3A_321 = arith.constant 0 : i32
      %dma_wait3A_322 = arith.constant 0 : i32
      %dma_wait3A_323 = tpu.memref_slice %arg4[%dma_wait3A_321, %dma_wait3A_322] : memref<2048x512xf32, #tpu.memory_space<hbm>> -> memref<2048x512xf32, #tpu.memory_space<hbm>>
      tpu.wait_indirect_dma semaphore(%arg16 : memref<!tpu.dma_semaphore, #tpu.memory_space<semaphore_mem>>) src(%dma_wait3A_323 : memref<2048x512xf32, #tpu.memory_space<hbm>>) dst(%dma_wait3A_318 : memref<64x512xf32, #tpu.memory_space<vmem>>)
      %dma_wait3A_324 = arith.constant 1 : i32
      %dma_wait3A_325 = arith.constant 0 : i32
      %dma_wait3A_326 = arith.constant 0 : i32
      %dma_wait3A_327 = tpu.memref_slice %arg10[%dma_wait3A_324, %dma_wait3A_325, %dma_wait3A_326] : memref<2x64x64xf32, #tpu.memory_space<vmem>> -> memref<1x64x64xf32, #tpu.memory_space<vmem>>
      %dma_wait3A_328 = tpu.memref_squeeze %dma_wait3A_327 : memref<1x64x64xf32, #tpu.memory_space<vmem>> -> memref<64x64xf32, #tpu.memory_space<vmem>>
      %dma_wait3A_329 = arith.constant 0 : i32
      %dma_wait3A_330 = arith.constant 0 : i32
      %dma_wait3A_331 = tpu.memref_slice %arg3[%dma_wait3A_329, %dma_wait3A_330] : memref<65536x64xf32, #tpu.memory_space<hbm>> -> memref<64x64xf32, #tpu.memory_space<hbm>>
      %dma_wait3A_332 = arith.constant 0 : i32
      %dma_wait3A_333 = arith.constant 0 : i32
      %dma_wait3A_334 = tpu.memref_slice %arg10[%dma_wait3A_324, %dma_wait3A_332, %dma_wait3A_333] : memref<2x64x64xf32, #tpu.memory_space<vmem>> -> memref<1x64x64xf32, #tpu.memory_space<vmem>>
      %dma_wait3A_335 = tpu.memref_squeeze %dma_wait3A_334 : memref<1x64x64xf32, #tpu.memory_space<vmem>> -> memref<64x64xf32, #tpu.memory_space<vmem>>
      %dma_wait3A_336 = arith.constant 0 : i32
      %dma_wait3A_337 = arith.constant 0 : i32
      %dma_wait3A_338 = tpu.memref_slice %arg3[%dma_wait3A_336, %dma_wait3A_337] : memref<65536x64xf32, #tpu.memory_space<hbm>> -> memref<64x64xf32, #tpu.memory_space<hbm>>
      tpu.wait_dma2 semaphore(%arg18 : memref<!tpu.dma_semaphore, #tpu.memory_space<semaphore_mem>>) src(%dma_wait3A_338 : memref<64x64xf32, #tpu.memory_space<hbm>>) dst(%dma_wait3A_335 : memref<64x64xf32, #tpu.memory_space<vmem>>)
      %dma_wait3A_339 = arith.constant 1 : i32
      %dma_wait3A_340 = arith.constant 0 : i32
      %dma_wait3A_341 = tpu.memref_slice %arg13[%dma_wait3A_339, %dma_wait3A_340] : memref<2x64xi32, #tpu.memory_space<vmem>> -> memref<1x64xi32, #tpu.memory_space<vmem>>
      %dma_wait3A_342 = tpu.memref_squeeze %dma_wait3A_341 : memref<1x64xi32, #tpu.memory_space<vmem>> -> memref<64xi32, #tpu.memory_space<vmem>>
      %dma_wait3A_343 = arith.constant 0 : i32
      %dma_wait3A_344 = tpu.memref_slice %arg5[%dma_wait3A_343] : memref<4194304xi32, #tpu.memory_space<hbm>> -> memref<64xi32, #tpu.memory_space<hbm>>
      %dma_wait3A_345 = arith.constant 0 : i32
      %dma_wait3A_346 = tpu.memref_slice %arg13[%dma_wait3A_339, %dma_wait3A_345] : memref<2x64xi32, #tpu.memory_space<vmem>> -> memref<1x64xi32, #tpu.memory_space<vmem>>
      %dma_wait3A_347 = tpu.memref_squeeze %dma_wait3A_346 : memref<1x64xi32, #tpu.memory_space<vmem>> -> memref<64xi32, #tpu.memory_space<vmem>>
      %dma_wait3A_348 = arith.constant 0 : i32
      %dma_wait3A_349 = tpu.memref_slice %arg5[%dma_wait3A_348] : memref<4194304xi32, #tpu.memory_space<hbm>> -> memref<64xi32, #tpu.memory_space<hbm>>
      tpu.wait_dma2 semaphore(%arg20 : memref<!tpu.dma_semaphore, #tpu.memory_space<semaphore_mem>>) src(%dma_wait3A_349 : memref<64xi32, #tpu.memory_space<hbm>>) dst(%dma_wait3A_347 : memref<64xi32, #tpu.memory_space<vmem>>)
      %mul3A_350 = arith.constant 64 : i32
      %mul3A_351 = arith.muli %add3A_313, %mul3A_350 : i32
      %add3A_352 = arith.constant 0 : i32
      %add3A_353 = arith.addi %mul3A_351, %add3A_352 : i32
      %get3A_354 = arith.index_cast %add3A_353 : i32 to index
      %get3A_355 = tpu.vector_load %arg7[%get3A_354] {strides = array<i32>} : memref<2048xi32, #tpu.memory_space<vmem>>, vector<16xi32>,
      %get3A_356 = vector.shape_cast %get3A_355 : vector<16xi32> to vector<16xi32>
      %shift_right_logical3A_357 = arith.constant 11 : i32
      %shift_right_logical3A_358 = vector.broadcast %shift_right_logical3A_357 : i32 to vector<16xi32>
      %shift_right_logical3A_359 = arith.shrui %get3A_356, %shift_right_logical3A_358 : vector<16xi32>
      %mul3A_360 = arith.constant 64 : i32
      %mul3A_361 = arith.muli %add3A_313, %mul3A_360 : i32
      %add3A_362 = arith.addi %mul3A_2, %mul3A_361 : i32
      %add3A_363 = arith.constant 0 : i32
      %add3A_364 = arith.addi %add3A_362, %add3A_363 : i32
      %iota3A_365 = tpu.iota {dimensions = array<i32: 0>} : vector<16xi32>
      %add3A_366 = vector.broadcast %add3A_364 : i32 to vector<16xi32>
      %add3A_367 = arith.addi %add3A_366, %iota3A_365 : vector<16xi32>
      %get3A_368 = arith.constant 1 : i32
      %get3A_369 = arith.index_cast %get3A_368 : i32 to index
      %get3A_370 = arith.constant 0 : index
      %get3A_371 = tpu.vector_load %arg13[%get3A_369, %get3A_370] {strides = array<i32>} : memref<2x64xi32, #tpu.memory_space<vmem>>, vector<1x16xi32>,
      %get3A_372 = vector.shape_cast %get3A_371 : vector<1x16xi32> to vector<16xi32>
      %eq3A_373 = arith.cmpi eq, %get3A_372, %add3A_367 : vector<16xi32>
      %jit3A_374 = arith.constant 2048 : i32
      %broadcast_in_dim3A_375 = vector.broadcast %jit3A_374 : i32 to vector<16xi32>
      %select_n3A_376 = arith.select %eq3A_373, %shift_right_logical3A_359, %broadcast_in_dim3A_375 : vector<16xi1>, vector<16xi32>
      %swap3A_377 = arith.index_cast %add3A_313 : i32 to index
      %swap3A_378 = arith.constant 0 : index
      %swap3A_379 = tpu.vector_load %arg9[%swap3A_377, %swap3A_378] {strides = array<i32>} : memref<32x64xi32, #tpu.memory_space<vmem>>, vector<1x16xi32>,
      %swap3A_380 = vector.shape_cast %swap3A_379 : vector<1x16xi32> to vector<16xi32>
      %swap3A_381 = vector.shape_cast %select_n3A_376 : vector<16xi32> to vector<1x16xi32>
      tpu.vector_store %arg9[%swap3A_377, %swap3A_378], %swap3A_381 {strides = array<i32>} : memref<32x64xi32, #tpu.memory_space<vmem>>, vector<1x16xi32>,
      %mul3A_382 = arith.constant 64 : i32
      %mul3A_383 = arith.muli %add3A_313, %mul3A_382 : i32
      %add3A_384 = arith.constant 16 : i32
      %add3A_385 = arith.addi %mul3A_383, %add3A_384 : i32
      %get3A_386 = arith.index_cast %add3A_385 : i32 to index
      %get3A_387 = tpu.vector_load %arg7[%get3A_386] {strides = array<i32>} : memref<2048xi32, #tpu.memory_space<vmem>>, vector<16xi32>,
      %get3A_388 = vector.shape_cast %get3A_387 : vector<16xi32> to vector<16xi32>
      %shift_right_logical3A_389 = arith.constant 11 : i32
      %shift_right_logical3A_390 = vector.broadcast %shift_right_logical3A_389 : i32 to vector<16xi32>
      %shift_right_logical3A_391 = arith.shrui %get3A_388, %shift_right_logical3A_390 : vector<16xi32>
      %mul3A_392 = arith.constant 64 : i32
      %mul3A_393 = arith.muli %add3A_313, %mul3A_392 : i32
      %add3A_394 = arith.addi %mul3A_2, %mul3A_393 : i32
      %add3A_395 = arith.constant 16 : i32
      %add3A_396 = arith.addi %add3A_394, %add3A_395 : i32
      %iota3A_397 = tpu.iota {dimensions = array<i32: 0>} : vector<16xi32>
      %add3A_398 = vector.broadcast %add3A_396 : i32 to vector<16xi32>
      %add3A_399 = arith.addi %add3A_398, %iota3A_397 : vector<16xi32>
      %get3A_400 = arith.constant 1 : i32
      %get3A_401 = arith.index_cast %get3A_400 : i32 to index
      %get3A_402 = arith.constant 16 : index
      %get3A_403 = tpu.vector_load %arg13[%get3A_401, %get3A_402] {strides = array<i32>} : memref<2x64xi32, #tpu.memory_space<vmem>>, vector<1x16xi32>,
      %get3A_404 = vector.shape_cast %get3A_403 : vector<1x16xi32> to vector<16xi32>
      %eq3A_405 = arith.cmpi eq, %get3A_404, %add3A_399 : vector<16xi32>
      %jit3A_406 = arith.constant 2048 : i32
      %broadcast_in_dim3A_407 = vector.broadcast %jit3A_406 : i32 to vector<16xi32>
      %select_n3A_408 = arith.select %eq3A_405, %shift_right_logical3A_391, %broadcast_in_dim3A_407 : vector<16xi1>, vector<16xi32>
      %swap3A_409 = arith.index_cast %add3A_313 : i32 to index
      %swap3A_410 = arith.constant 16 : index
      %swap3A_411 = tpu.vector_load %arg9[%swap3A_409, %swap3A_410] {strides = array<i32>} : memref<32x64xi32, #tpu.memory_space<vmem>>, vector<1x16xi32>,
      %swap3A_412 = vector.shape_cast %swap3A_411 : vector<1x16xi32> to vector<16xi32>
      %swap3A_413 = vector.shape_cast %select_n3A_408 : vector<16xi32> to vector<1x16xi32>
      tpu.vector_store %arg9[%swap3A_409, %swap3A_410], %swap3A_413 {strides = array<i32>} : memref<32x64xi32, #tpu.memory_space<vmem>>, vector<1x16xi32>,
      %mul3A_414 = arith.constant 64 : i32
      %mul3A_415 = arith.muli %add3A_313, %mul3A_414 : i32
      %add3A_416 = arith.constant 32 : i32
      %add3A_417 = arith.addi %mul3A_415, %add3A_416 : i32
      %get3A_418 = arith.index_cast %add3A_417 : i32 to index
      %get3A_419 = tpu.vector_load %arg7[%get3A_418] {strides = array<i32>} : memref<2048xi32, #tpu.memory_space<vmem>>, vector<16xi32>,
      %get3A_420 = vector.shape_cast %get3A_419 : vector<16xi32> to vector<16xi32>
      %shift_right_logical3A_421 = arith.constant 11 : i32
      %shift_right_logical3A_422 = vector.broadcast %shift_right_logical3A_421 : i32 to vector<16xi32>
      %shift_right_logical3A_423 = arith.shrui %get3A_420, %shift_right_logical3A_422 : vector<16xi32>
      %mul3A_424 = arith.constant 64 : i32
      %mul3A_425 = arith.muli %add3A_313, %mul3A_424 : i32
      %add3A_426 = arith.addi %mul3A_2, %mul3A_425 : i32
      %add3A_427 = arith.constant 32 : i32
      %add3A_428 = arith.addi %add3A_426, %add3A_427 : i32
      %iota3A_429 = tpu.iota {dimensions = array<i32: 0>} : vector<16xi32>
      %add3A_430 = vector.broadcast %add3A_428 : i32 to vector<16xi32>
      %add3A_431 = arith.addi %add3A_430, %iota3A_429 : vector<16xi32>
      %get3A_432 = arith.constant 1 : i32
      %get3A_433 = arith.index_cast %get3A_432 : i32 to index
      %get3A_434 = arith.constant 32 : index
      %get3A_435 = tpu.vector_load %arg13[%get3A_433, %get3A_434] {strides = array<i32>} : memref<2x64xi32, #tpu.memory_space<vmem>>, vector<1x16xi32>,
      %get3A_436 = vector.shape_cast %get3A_435 : vector<1x16xi32> to vector<16xi32>
      %eq3A_437 = arith.cmpi eq, %get3A_436, %add3A_431 : vector<16xi32>
      %jit3A_438 = arith.constant 2048 : i32
      %broadcast_in_dim3A_439 = vector.broadcast %jit3A_438 : i32 to vector<16xi32>
      %select_n3A_440 = arith.select %eq3A_437, %shift_right_logical3A_423, %broadcast_in_dim3A_439 : vector<16xi1>, vector<16xi32>
      %swap3A_441 = arith.index_cast %add3A_313 : i32 to index
      %swap3A_442 = arith.constant 32 : index
      %swap3A_443 = tpu.vector_load %arg9[%swap3A_441, %swap3A_442] {strides = array<i32>} : memref<32x64xi32, #tpu.memory_space<vmem>>, vector<1x16xi32>,
      %swap3A_444 = vector.shape_cast %swap3A_443 : vector<1x16xi32> to vector<16xi32>
      %swap3A_445 = vector.shape_cast %select_n3A_440 : vector<16xi32> to vector<1x16xi32>
      tpu.vector_store %arg9[%swap3A_441, %swap3A_442], %swap3A_445 {strides = array<i32>} : memref<32x64xi32, #tpu.memory_space<vmem>>, vector<1x16xi32>,
      %mul3A_446 = arith.constant 64 : i32
      %mul3A_447 = arith.muli %add3A_313, %mul3A_446 : i32
      %add3A_448 = arith.constant 48 : i32
      %add3A_449 = arith.addi %mul3A_447, %add3A_448 : i32
      %get3A_450 = arith.index_cast %add3A_449 : i32 to index
      %get3A_451 = tpu.vector_load %arg7[%get3A_450] {strides = array<i32>} : memref<2048xi32, #tpu.memory_space<vmem>>, vector<16xi32>,
      %get3A_452 = vector.shape_cast %get3A_451 : vector<16xi32> to vector<16xi32>
      %shift_right_logical3A_453 = arith.constant 11 : i32
      %shift_right_logical3A_454 = vector.broadcast %shift_right_logical3A_453 : i32 to vector<16xi32>
      %shift_right_logical3A_455 = arith.shrui %get3A_452, %shift_right_logical3A_454 : vector<16xi32>
      %mul3A_456 = arith.constant 64 : i32
      %mul3A_457 = arith.muli %add3A_313, %mul3A_456 : i32
      %add3A_458 = arith.addi %mul3A_2, %mul3A_457 : i32
      %add3A_459 = arith.constant 48 : i32
      %add3A_460 = arith.addi %add3A_458, %add3A_459 : i32
      %iota3A_461 = tpu.iota {dimensions = array<i32: 0>} : vector<16xi32>
      %add3A_462 = vector.broadcast %add3A_460 : i32 to vector<16xi32>
      %add3A_463 = arith.addi %add3A_462, %iota3A_461 : vector<16xi32>
      %get3A_464 = arith.constant 1 : i32
      %get3A_465 = arith.index_cast %get3A_464 : i32 to index
      %get3A_466 = arith.constant 48 : index
      %get3A_467 = tpu.vector_load %arg13[%get3A_465, %get3A_466] {strides = array<i32>} : memref<2x64xi32, #tpu.memory_space<vmem>>, vector<1x16xi32>,
      %get3A_468 = vector.shape_cast %get3A_467 : vector<1x16xi32> to vector<16xi32>
      %eq3A_469 = arith.cmpi eq, %get3A_468, %add3A_463 : vector<16xi32>
      %jit3A_470 = arith.constant 2048 : i32
      %broadcast_in_dim3A_471 = vector.broadcast %jit3A_470 : i32 to vector<16xi32>
      %select_n3A_472 = arith.select %eq3A_469, %shift_right_logical3A_455, %broadcast_in_dim3A_471 : vector<16xi1>, vector<16xi32>
      %swap3A_473 = arith.index_cast %add3A_313 : i32 to index
      %swap3A_474 = arith.constant 48 : index
      %swap3A_475 = tpu.vector_load %arg9[%swap3A_473, %swap3A_474] {strides = array<i32>} : memref<32x64xi32, #tpu.memory_space<vmem>>, vector<1x16xi32>,
      %swap3A_476 = vector.shape_cast %swap3A_475 : vector<1x16xi32> to vector<16xi32>
      %swap3A_477 = vector.shape_cast %select_n3A_472 : vector<16xi32> to vector<1x16xi32>
      tpu.vector_store %arg9[%swap3A_473, %swap3A_474], %swap3A_477 {strides = array<i32>} : memref<32x64xi32, #tpu.memory_space<vmem>>, vector<1x16xi32>,
      %parallel_loop3A_478 = arith.constant 0 : i32
      %parallel_loop3A_479 = arith.constant 64 : i32
      %parallel_loop3A_480 = arith.constant 1 : i32
      scf.for %parallel_loop3A_492 = %parallel_loop3A_478 to %parallel_loop3A_479 step %parallel_loop3A_480  : i32 {
        %parallel_loop3A_493 = arith.constant 1 : i32
        %parallel_loop3A_494 = arith.index_cast %parallel_loop3A_493 : i32 to index
        %parallel_loop3A_495 = arith.index_cast %parallel_loop3A_492 : i32 to index
        %parallel_loop3A_496 = arith.constant 0 : index
        %parallel_loop3A_497 = tpu.vector_load %arg10[%parallel_loop3A_494, %parallel_loop3A_495, %parallel_loop3A_496] {strides = array<i32>} : memref<2x64x64xf32, #tpu.memory_space<vmem>>, vector<1x1x16xf32>,
        %parallel_loop3A_498 = vector.shape_cast %parallel_loop3A_497 : vector<1x1x16xf32> to vector<16xf32>
        %parallel_loop3A_499 = arith.constant 1 : i32
        %parallel_loop3A_500 = arith.index_cast %parallel_loop3A_499 : i32 to index
        %parallel_loop3A_501 = arith.index_cast %parallel_loop3A_492 : i32 to index
        %parallel_loop3A_502 = arith.constant 16 : index
        %parallel_loop3A_503 = tpu.vector_load %arg10[%parallel_loop3A_500, %parallel_loop3A_501, %parallel_loop3A_502] {strides = array<i32>} : memref<2x64x64xf32, #tpu.memory_space<vmem>>, vector<1x1x16xf32>,
        %parallel_loop3A_504 = vector.shape_cast %parallel_loop3A_503 : vector<1x1x16xf32> to vector<16xf32>
        %parallel_loop3A_505 = arith.constant 1 : i32
        %parallel_loop3A_506 = arith.index_cast %parallel_loop3A_505 : i32 to index
        %parallel_loop3A_507 = arith.index_cast %parallel_loop3A_492 : i32 to index
        %parallel_loop3A_508 = arith.constant 32 : index
        %parallel_loop3A_509 = tpu.vector_load %arg10[%parallel_loop3A_506, %parallel_loop3A_507, %parallel_loop3A_508] {strides = array<i32>} : memref<2x64x64xf32, #tpu.memory_space<vmem>>, vector<1x1x16xf32>,
        %parallel_loop3A_510 = vector.shape_cast %parallel_loop3A_509 : vector<1x1x16xf32> to vector<16xf32>
        %parallel_loop3A_511 = arith.constant 1 : i32
        %parallel_loop3A_512 = arith.index_cast %parallel_loop3A_511 : i32 to index
        %parallel_loop3A_513 = arith.index_cast %parallel_loop3A_492 : i32 to index
        %parallel_loop3A_514 = arith.constant 48 : index
        %parallel_loop3A_515 = tpu.vector_load %arg10[%parallel_loop3A_512, %parallel_loop3A_513, %parallel_loop3A_514] {strides = array<i32>} : memref<2x64x64xf32, #tpu.memory_space<vmem>>, vector<1x1x16xf32>,
        %parallel_loop3A_516 = vector.shape_cast %parallel_loop3A_515 : vector<1x1x16xf32> to vector<16xf32>
        %parallel_loop3A_517 = arith.constant 1 : i32
        %parallel_loop3A_518 = arith.index_cast %parallel_loop3A_517 : i32 to index
        %parallel_loop3A_519 = arith.index_cast %parallel_loop3A_492 : i32 to index
        %parallel_loop3A_520 = arith.constant 0 : index
        %parallel_loop3A_521 = tpu.vector_load %arg11[%parallel_loop3A_518, %parallel_loop3A_519, %parallel_loop3A_520] {strides = array<i32>} : memref<2x64x512xf32, #tpu.memory_space<vmem>>, vector<1x1x16xf32>,
        %parallel_loop3A_522 = vector.shape_cast %parallel_loop3A_521 : vector<1x1x16xf32> to vector<16xf32>
        %parallel_loop3A_523 = arith.mulf %parallel_loop3A_498, %parallel_loop3A_522 : vector<16xf32>
        %parallel_loop3A_524 = arith.constant 1 : i32
        %parallel_loop3A_525 = arith.index_cast %parallel_loop3A_524 : i32 to index
        %parallel_loop3A_526 = arith.index_cast %parallel_loop3A_492 : i32 to index
        %parallel_loop3A_527 = arith.constant 64 : index
        %parallel_loop3A_528 = tpu.vector_load %arg11[%parallel_loop3A_525, %parallel_loop3A_526, %parallel_loop3A_527] {strides = array<i32>} : memref<2x64x512xf32, #tpu.memory_space<vmem>>, vector<1x1x16xf32>,
        %parallel_loop3A_529 = vector.shape_cast %parallel_loop3A_528 : vector<1x1x16xf32> to vector<16xf32>
        %parallel_loop3A_530 = arith.mulf %parallel_loop3A_504, %parallel_loop3A_529 : vector<16xf32>
        %parallel_loop3A_531 = arith.addf %parallel_loop3A_523, %parallel_loop3A_530 : vector<16xf32>
        %parallel_loop3A_532 = arith.constant 1 : i32
        %parallel_loop3A_533 = arith.index_cast %parallel_loop3A_532 : i32 to index
        %parallel_loop3A_534 = arith.index_cast %parallel_loop3A_492 : i32 to index
        %parallel_loop3A_535 = arith.constant 128 : index
        %parallel_loop3A_536 = tpu.vector_load %arg11[%parallel_loop3A_533, %parallel_loop3A_534, %parallel_loop3A_535] {strides = array<i32>} : memref<2x64x512xf32, #tpu.memory_space<vmem>>, vector<1x1x16xf32>,
        %parallel_loop3A_537 = vector.shape_cast %parallel_loop3A_536 : vector<1x1x16xf32> to vector<16xf32>
        %parallel_loop3A_538 = arith.mulf %parallel_loop3A_510, %parallel_loop3A_537 : vector<16xf32>
        %parallel_loop3A_539 = arith.addf %parallel_loop3A_531, %parallel_loop3A_538 : vector<16xf32>
        %parallel_loop3A_540 = arith.constant 1 : i32
        %parallel_loop3A_541 = arith.index_cast %parallel_loop3A_540 : i32 to index
        %parallel_loop3A_542 = arith.index_cast %parallel_loop3A_492 : i32 to index
        %parallel_loop3A_543 = arith.constant 192 : index
        %parallel_loop3A_544 = tpu.vector_load %arg11[%parallel_loop3A_541, %parallel_loop3A_542, %parallel_loop3A_543] {strides = array<i32>} : memref<2x64x512xf32, #tpu.memory_space<vmem>>, vector<1x1x16xf32>,
        %parallel_loop3A_545 = vector.shape_cast %parallel_loop3A_544 : vector<1x1x16xf32> to vector<16xf32>
        %parallel_loop3A_546 = arith.mulf %parallel_loop3A_516, %parallel_loop3A_545 : vector<16xf32>
        %parallel_loop3A_547 = arith.addf %parallel_loop3A_539, %parallel_loop3A_546 : vector<16xf32>
        %parallel_loop3A_548 = arith.constant 1 : i32
        %parallel_loop3A_549 = arith.index_cast %parallel_loop3A_548 : i32 to index
        %parallel_loop3A_550 = arith.index_cast %parallel_loop3A_492 : i32 to index
        %parallel_loop3A_551 = arith.constant 0 : index
        %parallel_loop3A_552 = tpu.vector_load %arg12[%parallel_loop3A_549, %parallel_loop3A_550, %parallel_loop3A_551] {strides = array<i32>} : memref<2x64x128xf32, #tpu.memory_space<vmem>>, vector<1x1x16xf32>,
        %parallel_loop3A_553 = vector.shape_cast %parallel_loop3A_552 : vector<1x1x16xf32> to vector<16xf32>
        %parallel_loop3A_554 = vector.shape_cast %parallel_loop3A_547 : vector<16xf32> to vector<1x1x16xf32>
        tpu.vector_store %arg12[%parallel_loop3A_549, %parallel_loop3A_550, %parallel_loop3A_551], %parallel_loop3A_554 {strides = array<i32>} : memref<2x64x128xf32, #tpu.memory_space<vmem>>, vector<1x1x16xf32>,
        %parallel_loop3A_555 = arith.constant 1 : i32
        %parallel_loop3A_556 = arith.index_cast %parallel_loop3A_555 : i32 to index
        %parallel_loop3A_557 = arith.index_cast %parallel_loop3A_492 : i32 to index
        %parallel_loop3A_558 = arith.constant 16 : index
        %parallel_loop3A_559 = tpu.vector_load %arg11[%parallel_loop3A_556, %parallel_loop3A_557, %parallel_loop3A_558] {strides = array<i32>} : memref<2x64x512xf32, #tpu.memory_space<vmem>>, vector<1x1x16xf32>,
        %parallel_loop3A_560 = vector.shape_cast %parallel_loop3A_559 : vector<1x1x16xf32> to vector<16xf32>
        %parallel_loop3A_561 = arith.mulf %parallel_loop3A_498, %parallel_loop3A_560 : vector<16xf32>
        %parallel_loop3A_562 = arith.constant 1 : i32
        %parallel_loop3A_563 = arith.index_cast %parallel_loop3A_562 : i32 to index
        %parallel_loop3A_564 = arith.index_cast %parallel_loop3A_492 : i32 to index
        %parallel_loop3A_565 = arith.constant 80 : index
        %parallel_loop3A_566 = tpu.vector_load %arg11[%parallel_loop3A_563, %parallel_loop3A_564, %parallel_loop3A_565] {strides = array<i32>} : memref<2x64x512xf32, #tpu.memory_space<vmem>>, vector<1x1x16xf32>,
        %parallel_loop3A_567 = vector.shape_cast %parallel_loop3A_566 : vector<1x1x16xf32> to vector<16xf32>
        %parallel_loop3A_568 = arith.mulf %parallel_loop3A_504, %parallel_loop3A_567 : vector<16xf32>
        %parallel_loop3A_569 = arith.addf %parallel_loop3A_561, %parallel_loop3A_568 : vector<16xf32>
        %parallel_loop3A_570 = arith.constant 1 : i32
        %parallel_loop3A_571 = arith.index_cast %parallel_loop3A_570 : i32 to index
        %parallel_loop3A_572 = arith.index_cast %parallel_loop3A_492 : i32 to index
        %parallel_loop3A_573 = arith.constant 144 : index
        %parallel_loop3A_574 = tpu.vector_load %arg11[%parallel_loop3A_571, %parallel_loop3A_572, %parallel_loop3A_573] {strides = array<i32>} : memref<2x64x512xf32, #tpu.memory_space<vmem>>, vector<1x1x16xf32>,
        %parallel_loop3A_575 = vector.shape_cast %parallel_loop3A_574 : vector<1x1x16xf32> to vector<16xf32>
        %parallel_loop3A_576 = arith.mulf %parallel_loop3A_510, %parallel_loop3A_575 : vector<16xf32>
        %parallel_loop3A_577 = arith.addf %parallel_loop3A_569, %parallel_loop3A_576 : vector<16xf32>
        %parallel_loop3A_578 = arith.constant 1 : i32
        %parallel_loop3A_579 = arith.index_cast %parallel_loop3A_578 : i32 to index
        %parallel_loop3A_580 = arith.index_cast %parallel_loop3A_492 : i32 to index
        %parallel_loop3A_581 = arith.constant 208 : index
        %parallel_loop3A_582 = tpu.vector_load %arg11[%parallel_loop3A_579, %parallel_loop3A_580, %parallel_loop3A_581] {strides = array<i32>} : memref<2x64x512xf32, #tpu.memory_space<vmem>>, vector<1x1x16xf32>,
        %parallel_loop3A_583 = vector.shape_cast %parallel_loop3A_582 : vector<1x1x16xf32> to vector<16xf32>
        %parallel_loop3A_584 = arith.mulf %parallel_loop3A_516, %parallel_loop3A_583 : vector<16xf32>
        %parallel_loop3A_585 = arith.addf %parallel_loop3A_577, %parallel_loop3A_584 : vector<16xf32>
        %parallel_loop3A_586 = arith.constant 1 : i32
        %parallel_loop3A_587 = arith.index_cast %parallel_loop3A_586 : i32 to index
        %parallel_loop3A_588 = arith.index_cast %parallel_loop3A_492 : i32 to index
        %parallel_loop3A_589 = arith.constant 16 : index
        %parallel_loop3A_590 = tpu.vector_load %arg12[%parallel_loop3A_587, %parallel_loop3A_588, %parallel_loop3A_589] {strides = array<i32>} : memref<2x64x128xf32, #tpu.memory_space<vmem>>, vector<1x1x16xf32>,
        %parallel_loop3A_591 = vector.shape_cast %parallel_loop3A_590 : vector<1x1x16xf32> to vector<16xf32>
        %parallel_loop3A_592 = vector.shape_cast %parallel_loop3A_585 : vector<16xf32> to vector<1x1x16xf32>
        tpu.vector_store %arg12[%parallel_loop3A_587, %parallel_loop3A_588, %parallel_loop3A_589], %parallel_loop3A_592 {strides = array<i32>} : memref<2x64x128xf32, #tpu.memory_space<vmem>>, vector<1x1x16xf32>,
        %parallel_loop3A_593 = arith.constant 1 : i32
        %parallel_loop3A_594 = arith.index_cast %parallel_loop3A_593 : i32 to index
        %parallel_loop3A_595 = arith.index_cast %parallel_loop3A_492 : i32 to index
        %parallel_loop3A_596 = arith.constant 32 : index
        %parallel_loop3A_597 = tpu.vector_load %arg11[%parallel_loop3A_594, %parallel_loop3A_595, %parallel_loop3A_596] {strides = array<i32>} : memref<2x64x512xf32, #tpu.memory_space<vmem>>, vector<1x1x16xf32>,
        %parallel_loop3A_598 = vector.shape_cast %parallel_loop3A_597 : vector<1x1x16xf32> to vector<16xf32>
        %parallel_loop3A_599 = arith.mulf %parallel_loop3A_498, %parallel_loop3A_598 : vector<16xf32>
        %parallel_loop3A_600 = arith.constant 1 : i32
        %parallel_loop3A_601 = arith.index_cast %parallel_loop3A_600 : i32 to index
        %parallel_loop3A_602 = arith.index_cast %parallel_loop3A_492 : i32 to index
        %parallel_loop3A_603 = arith.constant 96 : index
        %parallel_loop3A_604 = tpu.vector_load %arg11[%parallel_loop3A_601, %parallel_loop3A_602, %parallel_loop3A_603] {strides = array<i32>} : memref<2x64x512xf32, #tpu.memory_space<vmem>>, vector<1x1x16xf32>,
        %parallel_loop3A_605 = vector.shape_cast %parallel_loop3A_604 : vector<1x1x16xf32> to vector<16xf32>
        %parallel_loop3A_606 = arith.mulf %parallel_loop3A_504, %parallel_loop3A_605 : vector<16xf32>
        %parallel_loop3A_607 = arith.addf %parallel_loop3A_599, %parallel_loop3A_606 : vector<16xf32>
        %parallel_loop3A_608 = arith.constant 1 : i32
        %parallel_loop3A_609 = arith.index_cast %parallel_loop3A_608 : i32 to index
        %parallel_loop3A_610 = arith.index_cast %parallel_loop3A_492 : i32 to index
        %parallel_loop3A_611 = arith.constant 160 : index
        %parallel_loop3A_612 = tpu.vector_load %arg11[%parallel_loop3A_609, %parallel_loop3A_610, %parallel_loop3A_611] {strides = array<i32>} : memref<2x64x512xf32, #tpu.memory_space<vmem>>, vector<1x1x16xf32>,
        %parallel_loop3A_613 = vector.shape_cast %parallel_loop3A_612 : vector<1x1x16xf32> to vector<16xf32>
        %parallel_loop3A_614 = arith.mulf %parallel_loop3A_510, %parallel_loop3A_613 : vector<16xf32>
        %parallel_loop3A_615 = arith.addf %parallel_loop3A_607, %parallel_loop3A_614 : vector<16xf32>
        %parallel_loop3A_616 = arith.constant 1 : i32
        %parallel_loop3A_617 = arith.index_cast %parallel_loop3A_616 : i32 to index
        %parallel_loop3A_618 = arith.index_cast %parallel_loop3A_492 : i32 to index
        %parallel_loop3A_619 = arith.constant 224 : index
        %parallel_loop3A_620 = tpu.vector_load %arg11[%parallel_loop3A_617, %parallel_loop3A_618, %parallel_loop3A_619] {strides = array<i32>} : memref<2x64x512xf32, #tpu.memory_space<vmem>>, vector<1x1x16xf32>,
        %parallel_loop3A_621 = vector.shape_cast %parallel_loop3A_620 : vector<1x1x16xf32> to vector<16xf32>
        %parallel_loop3A_622 = arith.mulf %parallel_loop3A_516, %parallel_loop3A_621 : vector<16xf32>
        %parallel_loop3A_623 = arith.addf %parallel_loop3A_615, %parallel_loop3A_622 : vector<16xf32>
        %parallel_loop3A_624 = arith.constant 1 : i32
        %parallel_loop3A_625 = arith.index_cast %parallel_loop3A_624 : i32 to index
        %parallel_loop3A_626 = arith.index_cast %parallel_loop3A_492 : i32 to index
        %parallel_loop3A_627 = arith.constant 32 : index
        %parallel_loop3A_628 = tpu.vector_load %arg12[%parallel_loop3A_625, %parallel_loop3A_626, %parallel_loop3A_627] {strides = array<i32>} : memref<2x64x128xf32, #tpu.memory_space<vmem>>, vector<1x1x16xf32>,
        %parallel_loop3A_629 = vector.shape_cast %parallel_loop3A_628 : vector<1x1x16xf32> to vector<16xf32>
        %parallel_loop3A_630 = vector.shape_cast %parallel_loop3A_623 : vector<16xf32> to vector<1x1x16xf32>
        tpu.vector_store %arg12[%parallel_loop3A_625, %parallel_loop3A_626, %parallel_loop3A_627], %parallel_loop3A_630 {strides = array<i32>} : memref<2x64x128xf32, #tpu.memory_space<vmem>>, vector<1x1x16xf32>,
        %parallel_loop3A_631 = arith.constant 1 : i32
        %parallel_loop3A_632 = arith.index_cast %parallel_loop3A_631 : i32 to index
        %parallel_loop3A_633 = arith.index_cast %parallel_loop3A_492 : i32 to index
        %parallel_loop3A_634 = arith.constant 48 : index
        %parallel_loop3A_635 = tpu.vector_load %arg11[%parallel_loop3A_632, %parallel_loop3A_633, %parallel_loop3A_634] {strides = array<i32>} : memref<2x64x512xf32, #tpu.memory_space<vmem>>, vector<1x1x16xf32>,
        %parallel_loop3A_636 = vector.shape_cast %parallel_loop3A_635 : vector<1x1x16xf32> to vector<16xf32>
        %parallel_loop3A_637 = arith.mulf %parallel_loop3A_498, %parallel_loop3A_636 : vector<16xf32>
        %parallel_loop3A_638 = arith.constant 1 : i32
        %parallel_loop3A_639 = arith.index_cast %parallel_loop3A_638 : i32 to index
        %parallel_loop3A_640 = arith.index_cast %parallel_loop3A_492 : i32 to index
        %parallel_loop3A_641 = arith.constant 112 : index
        %parallel_loop3A_642 = tpu.vector_load %arg11[%parallel_loop3A_639, %parallel_loop3A_640, %parallel_loop3A_641] {strides = array<i32>} : memref<2x64x512xf32, #tpu.memory_space<vmem>>, vector<1x1x16xf32>,
        %parallel_loop3A_643 = vector.shape_cast %parallel_loop3A_642 : vector<1x1x16xf32> to vector<16xf32>
        %parallel_loop3A_644 = arith.mulf %parallel_loop3A_504, %parallel_loop3A_643 : vector<16xf32>
        %parallel_loop3A_645 = arith.addf %parallel_loop3A_637, %parallel_loop3A_644 : vector<16xf32>
        %parallel_loop3A_646 = arith.constant 1 : i32
        %parallel_loop3A_647 = arith.index_cast %parallel_loop3A_646 : i32 to index
        %parallel_loop3A_648 = arith.index_cast %parallel_loop3A_492 : i32 to index
        %parallel_loop3A_649 = arith.constant 176 : index
        %parallel_loop3A_650 = tpu.vector_load %arg11[%parallel_loop3A_647, %parallel_loop3A_648, %parallel_loop3A_649] {strides = array<i32>} : memref<2x64x512xf32, #tpu.memory_space<vmem>>, vector<1x1x16xf32>,
        %parallel_loop3A_651 = vector.shape_cast %parallel_loop3A_650 : vector<1x1x16xf32> to vector<16xf32>
        %parallel_loop3A_652 = arith.mulf %parallel_loop3A_510, %parallel_loop3A_651 : vector<16xf32>
        %parallel_loop3A_653 = arith.addf %parallel_loop3A_645, %parallel_loop3A_652 : vector<16xf32>
        %parallel_loop3A_654 = arith.constant 1 : i32
        %parallel_loop3A_655 = arith.index_cast %parallel_loop3A_654 : i32 to index
        %parallel_loop3A_656 = arith.index_cast %parallel_loop3A_492 : i32 to index
        %parallel_loop3A_657 = arith.constant 240 : index
        %parallel_loop3A_658 = tpu.vector_load %arg11[%parallel_loop3A_655, %parallel_loop3A_656, %parallel_loop3A_657] {strides = array<i32>} : memref<2x64x512xf32, #tpu.memory_space<vmem>>, vector<1x1x16xf32>,
        %parallel_loop3A_659 = vector.shape_cast %parallel_loop3A_658 : vector<1x1x16xf32> to vector<16xf32>
        %parallel_loop3A_660 = arith.mulf %parallel_loop3A_516, %parallel_loop3A_659 : vector<16xf32>
        %parallel_loop3A_661 = arith.addf %parallel_loop3A_653, %parallel_loop3A_660 : vector<16xf32>
        %parallel_loop3A_662 = arith.constant 1 : i32
        %parallel_loop3A_663 = arith.index_cast %parallel_loop3A_662 : i32 to index
        %parallel_loop3A_664 = arith.index_cast %parallel_loop3A_492 : i32 to index
        %parallel_loop3A_665 = arith.constant 48 : index
        %parallel_loop3A_666 = tpu.vector_load %arg12[%parallel_loop3A_663, %parallel_loop3A_664, %parallel_loop3A_665] {strides = array<i32>} : memref<2x64x128xf32, #tpu.memory_space<vmem>>, vector<1x1x16xf32>,
        %parallel_loop3A_667 = vector.shape_cast %parallel_loop3A_666 : vector<1x1x16xf32> to vector<16xf32>
        %parallel_loop3A_668 = vector.shape_cast %parallel_loop3A_661 : vector<16xf32> to vector<1x1x16xf32>
        tpu.vector_store %arg12[%parallel_loop3A_663, %parallel_loop3A_664, %parallel_loop3A_665], %parallel_loop3A_668 {strides = array<i32>} : memref<2x64x128xf32, #tpu.memory_space<vmem>>, vector<1x1x16xf32>,
        %parallel_loop3A_669 = arith.constant 1 : i32
        %parallel_loop3A_670 = arith.index_cast %parallel_loop3A_669 : i32 to index
        %parallel_loop3A_671 = arith.index_cast %parallel_loop3A_492 : i32 to index
        %parallel_loop3A_672 = arith.constant 256 : index
        %parallel_loop3A_673 = tpu.vector_load %arg11[%parallel_loop3A_670, %parallel_loop3A_671, %parallel_loop3A_672] {strides = array<i32>} : memref<2x64x512xf32, #tpu.memory_space<vmem>>, vector<1x1x16xf32>,
        %parallel_loop3A_674 = vector.shape_cast %parallel_loop3A_673 : vector<1x1x16xf32> to vector<16xf32>
        %parallel_loop3A_675 = arith.mulf %parallel_loop3A_498, %parallel_loop3A_674 : vector<16xf32>
        %parallel_loop3A_676 = arith.constant 1 : i32
        %parallel_loop3A_677 = arith.index_cast %parallel_loop3A_676 : i32 to index
        %parallel_loop3A_678 = arith.index_cast %parallel_loop3A_492 : i32 to index
        %parallel_loop3A_679 = arith.constant 320 : index
        %parallel_loop3A_680 = tpu.vector_load %arg11[%parallel_loop3A_677, %parallel_loop3A_678, %parallel_loop3A_679] {strides = array<i32>} : memref<2x64x512xf32, #tpu.memory_space<vmem>>, vector<1x1x16xf32>,
        %parallel_loop3A_681 = vector.shape_cast %parallel_loop3A_680 : vector<1x1x16xf32> to vector<16xf32>
        %parallel_loop3A_682 = arith.mulf %parallel_loop3A_504, %parallel_loop3A_681 : vector<16xf32>
        %parallel_loop3A_683 = arith.addf %parallel_loop3A_675, %parallel_loop3A_682 : vector<16xf32>
        %parallel_loop3A_684 = arith.constant 1 : i32
        %parallel_loop3A_685 = arith.index_cast %parallel_loop3A_684 : i32 to index
        %parallel_loop3A_686 = arith.index_cast %parallel_loop3A_492 : i32 to index
        %parallel_loop3A_687 = arith.constant 384 : index
        %parallel_loop3A_688 = tpu.vector_load %arg11[%parallel_loop3A_685, %parallel_loop3A_686, %parallel_loop3A_687] {strides = array<i32>} : memref<2x64x512xf32, #tpu.memory_space<vmem>>, vector<1x1x16xf32>,
        %parallel_loop3A_689 = vector.shape_cast %parallel_loop3A_688 : vector<1x1x16xf32> to vector<16xf32>
        %parallel_loop3A_690 = arith.mulf %parallel_loop3A_510, %parallel_loop3A_689 : vector<16xf32>
        %parallel_loop3A_691 = arith.addf %parallel_loop3A_683, %parallel_loop3A_690 : vector<16xf32>
        %parallel_loop3A_692 = arith.constant 1 : i32
        %parallel_loop3A_693 = arith.index_cast %parallel_loop3A_692 : i32 to index
        %parallel_loop3A_694 = arith.index_cast %parallel_loop3A_492 : i32 to index
        %parallel_loop3A_695 = arith.constant 448 : index
        %parallel_loop3A_696 = tpu.vector_load %arg11[%parallel_loop3A_693, %parallel_loop3A_694, %parallel_loop3A_695] {strides = array<i32>} : memref<2x64x512xf32, #tpu.memory_space<vmem>>, vector<1x1x16xf32>,
        %parallel_loop3A_697 = vector.shape_cast %parallel_loop3A_696 : vector<1x1x16xf32> to vector<16xf32>
        %parallel_loop3A_698 = arith.mulf %parallel_loop3A_516, %parallel_loop3A_697 : vector<16xf32>
        %parallel_loop3A_699 = arith.addf %parallel_loop3A_691, %parallel_loop3A_698 : vector<16xf32>
        %parallel_loop3A_700 = arith.constant 1 : i32
        %parallel_loop3A_701 = arith.index_cast %parallel_loop3A_700 : i32 to index
        %parallel_loop3A_702 = arith.index_cast %parallel_loop3A_492 : i32 to index
        %parallel_loop3A_703 = arith.constant 64 : index
        %parallel_loop3A_704 = tpu.vector_load %arg12[%parallel_loop3A_701, %parallel_loop3A_702, %parallel_loop3A_703] {strides = array<i32>} : memref<2x64x128xf32, #tpu.memory_space<vmem>>, vector<1x1x16xf32>,
        %parallel_loop3A_705 = vector.shape_cast %parallel_loop3A_704 : vector<1x1x16xf32> to vector<16xf32>
        %parallel_loop3A_706 = vector.shape_cast %parallel_loop3A_699 : vector<16xf32> to vector<1x1x16xf32>
        tpu.vector_store %arg12[%parallel_loop3A_701, %parallel_loop3A_702, %parallel_loop3A_703], %parallel_loop3A_706 {strides = array<i32>} : memref<2x64x128xf32, #tpu.memory_space<vmem>>, vector<1x1x16xf32>,
        %parallel_loop3A_707 = arith.constant 1 : i32
        %parallel_loop3A_708 = arith.index_cast %parallel_loop3A_707 : i32 to index
        %parallel_loop3A_709 = arith.index_cast %parallel_loop3A_492 : i32 to index
        %parallel_loop3A_710 = arith.constant 272 : index
        %parallel_loop3A_711 = tpu.vector_load %arg11[%parallel_loop3A_708, %parallel_loop3A_709, %parallel_loop3A_710] {strides = array<i32>} : memref<2x64x512xf32, #tpu.memory_space<vmem>>, vector<1x1x16xf32>,
        %parallel_loop3A_712 = vector.shape_cast %parallel_loop3A_711 : vector<1x1x16xf32> to vector<16xf32>
        %parallel_loop3A_713 = arith.mulf %parallel_loop3A_498, %parallel_loop3A_712 : vector<16xf32>
        %parallel_loop3A_714 = arith.constant 1 : i32
        %parallel_loop3A_715 = arith.index_cast %parallel_loop3A_714 : i32 to index
        %parallel_loop3A_716 = arith.index_cast %parallel_loop3A_492 : i32 to index
        %parallel_loop3A_717 = arith.constant 336 : index
        %parallel_loop3A_718 = tpu.vector_load %arg11[%parallel_loop3A_715, %parallel_loop3A_716, %parallel_loop3A_717] {strides = array<i32>} : memref<2x64x512xf32, #tpu.memory_space<vmem>>, vector<1x1x16xf32>,
        %parallel_loop3A_719 = vector.shape_cast %parallel_loop3A_718 : vector<1x1x16xf32> to vector<16xf32>
        %parallel_loop3A_720 = arith.mulf %parallel_loop3A_504, %parallel_loop3A_719 : vector<16xf32>
        %parallel_loop3A_721 = arith.addf %parallel_loop3A_713, %parallel_loop3A_720 : vector<16xf32>
        %parallel_loop3A_722 = arith.constant 1 : i32
        %parallel_loop3A_723 = arith.index_cast %parallel_loop3A_722 : i32 to index
        %parallel_loop3A_724 = arith.index_cast %parallel_loop3A_492 : i32 to index
        %parallel_loop3A_725 = arith.constant 400 : index
        %parallel_loop3A_726 = tpu.vector_load %arg11[%parallel_loop3A_723, %parallel_loop3A_724, %parallel_loop3A_725] {strides = array<i32>} : memref<2x64x512xf32, #tpu.memory_space<vmem>>, vector<1x1x16xf32>,
        %parallel_loop3A_727 = vector.shape_cast %parallel_loop3A_726 : vector<1x1x16xf32> to vector<16xf32>
        %parallel_loop3A_728 = arith.mulf %parallel_loop3A_510, %parallel_loop3A_727 : vector<16xf32>
        %parallel_loop3A_729 = arith.addf %parallel_loop3A_721, %parallel_loop3A_728 : vector<16xf32>
        %parallel_loop3A_730 = arith.constant 1 : i32
        %parallel_loop3A_731 = arith.index_cast %parallel_loop3A_730 : i32 to index
        %parallel_loop3A_732 = arith.index_cast %parallel_loop3A_492 : i32 to index
        %parallel_loop3A_733 = arith.constant 464 : index
        %parallel_loop3A_734 = tpu.vector_load %arg11[%parallel_loop3A_731, %parallel_loop3A_732, %parallel_loop3A_733] {strides = array<i32>} : memref<2x64x512xf32, #tpu.memory_space<vmem>>, vector<1x1x16xf32>,
        %parallel_loop3A_735 = vector.shape_cast %parallel_loop3A_734 : vector<1x1x16xf32> to vector<16xf32>
        %parallel_loop3A_736 = arith.mulf %parallel_loop3A_516, %parallel_loop3A_735 : vector<16xf32>
        %parallel_loop3A_737 = arith.addf %parallel_loop3A_729, %parallel_loop3A_736 : vector<16xf32>
        %parallel_loop3A_738 = arith.constant 1 : i32
        %parallel_loop3A_739 = arith.index_cast %parallel_loop3A_738 : i32 to index
        %parallel_loop3A_740 = arith.index_cast %parallel_loop3A_492 : i32 to index
        %parallel_loop3A_741 = arith.constant 80 : index
        %parallel_loop3A_742 = tpu.vector_load %arg12[%parallel_loop3A_739, %parallel_loop3A_740, %parallel_loop3A_741] {strides = array<i32>} : memref<2x64x128xf32, #tpu.memory_space<vmem>>, vector<1x1x16xf32>,
        %parallel_loop3A_743 = vector.shape_cast %parallel_loop3A_742 : vector<1x1x16xf32> to vector<16xf32>
        %parallel_loop3A_744 = vector.shape_cast %parallel_loop3A_737 : vector<16xf32> to vector<1x1x16xf32>
        tpu.vector_store %arg12[%parallel_loop3A_739, %parallel_loop3A_740, %parallel_loop3A_741], %parallel_loop3A_744 {strides = array<i32>} : memref<2x64x128xf32, #tpu.memory_space<vmem>>, vector<1x1x16xf32>,
        %parallel_loop3A_745 = arith.constant 1 : i32
        %parallel_loop3A_746 = arith.index_cast %parallel_loop3A_745 : i32 to index
        %parallel_loop3A_747 = arith.index_cast %parallel_loop3A_492 : i32 to index
        %parallel_loop3A_748 = arith.constant 288 : index
        %parallel_loop3A_749 = tpu.vector_load %arg11[%parallel_loop3A_746, %parallel_loop3A_747, %parallel_loop3A_748] {strides = array<i32>} : memref<2x64x512xf32, #tpu.memory_space<vmem>>, vector<1x1x16xf32>,
        %parallel_loop3A_750 = vector.shape_cast %parallel_loop3A_749 : vector<1x1x16xf32> to vector<16xf32>
        %parallel_loop3A_751 = arith.mulf %parallel_loop3A_498, %parallel_loop3A_750 : vector<16xf32>
        %parallel_loop3A_752 = arith.constant 1 : i32
        %parallel_loop3A_753 = arith.index_cast %parallel_loop3A_752 : i32 to index
        %parallel_loop3A_754 = arith.index_cast %parallel_loop3A_492 : i32 to index
        %parallel_loop3A_755 = arith.constant 352 : index
        %parallel_loop3A_756 = tpu.vector_load %arg11[%parallel_loop3A_753, %parallel_loop3A_754, %parallel_loop3A_755] {strides = array<i32>} : memref<2x64x512xf32, #tpu.memory_space<vmem>>, vector<1x1x16xf32>,
        %parallel_loop3A_757 = vector.shape_cast %parallel_loop3A_756 : vector<1x1x16xf32> to vector<16xf32>
        %parallel_loop3A_758 = arith.mulf %parallel_loop3A_504, %parallel_loop3A_757 : vector<16xf32>
        %parallel_loop3A_759 = arith.addf %parallel_loop3A_751, %parallel_loop3A_758 : vector<16xf32>
        %parallel_loop3A_760 = arith.constant 1 : i32
        %parallel_loop3A_761 = arith.index_cast %parallel_loop3A_760 : i32 to index
        %parallel_loop3A_762 = arith.index_cast %parallel_loop3A_492 : i32 to index
        %parallel_loop3A_763 = arith.constant 416 : index
        %parallel_loop3A_764 = tpu.vector_load %arg11[%parallel_loop3A_761, %parallel_loop3A_762, %parallel_loop3A_763] {strides = array<i32>} : memref<2x64x512xf32, #tpu.memory_space<vmem>>, vector<1x1x16xf32>,
        %parallel_loop3A_765 = vector.shape_cast %parallel_loop3A_764 : vector<1x1x16xf32> to vector<16xf32>
        %parallel_loop3A_766 = arith.mulf %parallel_loop3A_510, %parallel_loop3A_765 : vector<16xf32>
        %parallel_loop3A_767 = arith.addf %parallel_loop3A_759, %parallel_loop3A_766 : vector<16xf32>
        %parallel_loop3A_768 = arith.constant 1 : i32
        %parallel_loop3A_769 = arith.index_cast %parallel_loop3A_768 : i32 to index
        %parallel_loop3A_770 = arith.index_cast %parallel_loop3A_492 : i32 to index
        %parallel_loop3A_771 = arith.constant 480 : index
        %parallel_loop3A_772 = tpu.vector_load %arg11[%parallel_loop3A_769, %parallel_loop3A_770, %parallel_loop3A_771] {strides = array<i32>} : memref<2x64x512xf32, #tpu.memory_space<vmem>>, vector<1x1x16xf32>,
        %parallel_loop3A_773 = vector.shape_cast %parallel_loop3A_772 : vector<1x1x16xf32> to vector<16xf32>
        %parallel_loop3A_774 = arith.mulf %parallel_loop3A_516, %parallel_loop3A_773 : vector<16xf32>
        %parallel_loop3A_775 = arith.addf %parallel_loop3A_767, %parallel_loop3A_774 : vector<16xf32>
        %parallel_loop3A_776 = arith.constant 1 : i32
        %parallel_loop3A_777 = arith.index_cast %parallel_loop3A_776 : i32 to index
        %parallel_loop3A_778 = arith.index_cast %parallel_loop3A_492 : i32 to index
        %parallel_loop3A_779 = arith.constant 96 : index
        %parallel_loop3A_780 = tpu.vector_load %arg12[%parallel_loop3A_777, %parallel_loop3A_778, %parallel_loop3A_779] {strides = array<i32>} : memref<2x64x128xf32, #tpu.memory_space<vmem>>, vector<1x1x16xf32>,
        %parallel_loop3A_781 = vector.shape_cast %parallel_loop3A_780 : vector<1x1x16xf32> to vector<16xf32>
        %parallel_loop3A_782 = vector.shape_cast %parallel_loop3A_775 : vector<16xf32> to vector<1x1x16xf32>
        tpu.vector_store %arg12[%parallel_loop3A_777, %parallel_loop3A_778, %parallel_loop3A_779], %parallel_loop3A_782 {strides = array<i32>} : memref<2x64x128xf32, #tpu.memory_space<vmem>>, vector<1x1x16xf32>,
        %parallel_loop3A_783 = arith.constant 1 : i32
        %parallel_loop3A_784 = arith.index_cast %parallel_loop3A_783 : i32 to index
        %parallel_loop3A_785 = arith.index_cast %parallel_loop3A_492 : i32 to index
        %parallel_loop3A_786 = arith.constant 304 : index
        %parallel_loop3A_787 = tpu.vector_load %arg11[%parallel_loop3A_784, %parallel_loop3A_785, %parallel_loop3A_786] {strides = array<i32>} : memref<2x64x512xf32, #tpu.memory_space<vmem>>, vector<1x1x16xf32>,
        %parallel_loop3A_788 = vector.shape_cast %parallel_loop3A_787 : vector<1x1x16xf32> to vector<16xf32>
        %parallel_loop3A_789 = arith.mulf %parallel_loop3A_498, %parallel_loop3A_788 : vector<16xf32>
        %parallel_loop3A_790 = arith.constant 1 : i32
        %parallel_loop3A_791 = arith.index_cast %parallel_loop3A_790 : i32 to index
        %parallel_loop3A_792 = arith.index_cast %parallel_loop3A_492 : i32 to index
        %parallel_loop3A_793 = arith.constant 368 : index
        %parallel_loop3A_794 = tpu.vector_load %arg11[%parallel_loop3A_791, %parallel_loop3A_792, %parallel_loop3A_793] {strides = array<i32>} : memref<2x64x512xf32, #tpu.memory_space<vmem>>, vector<1x1x16xf32>,
        %parallel_loop3A_795 = vector.shape_cast %parallel_loop3A_794 : vector<1x1x16xf32> to vector<16xf32>
        %parallel_loop3A_796 = arith.mulf %parallel_loop3A_504, %parallel_loop3A_795 : vector<16xf32>
        %parallel_loop3A_797 = arith.addf %parallel_loop3A_789, %parallel_loop3A_796 : vector<16xf32>
        %parallel_loop3A_798 = arith.constant 1 : i32
        %parallel_loop3A_799 = arith.index_cast %parallel_loop3A_798 : i32 to index
        %parallel_loop3A_800 = arith.index_cast %parallel_loop3A_492 : i32 to index
        %parallel_loop3A_801 = arith.constant 432 : index
        %parallel_loop3A_802 = tpu.vector_load %arg11[%parallel_loop3A_799, %parallel_loop3A_800, %parallel_loop3A_801] {strides = array<i32>} : memref<2x64x512xf32, #tpu.memory_space<vmem>>, vector<1x1x16xf32>,
        %parallel_loop3A_803 = vector.shape_cast %parallel_loop3A_802 : vector<1x1x16xf32> to vector<16xf32>
        %parallel_loop3A_804 = arith.mulf %parallel_loop3A_510, %parallel_loop3A_803 : vector<16xf32>
        %parallel_loop3A_805 = arith.addf %parallel_loop3A_797, %parallel_loop3A_804 : vector<16xf32>
        %parallel_loop3A_806 = arith.constant 1 : i32
        %parallel_loop3A_807 = arith.index_cast %parallel_loop3A_806 : i32 to index
        %parallel_loop3A_808 = arith.index_cast %parallel_loop3A_492 : i32 to index
        %parallel_loop3A_809 = arith.constant 496 : index
        %parallel_loop3A_810 = tpu.vector_load %arg11[%parallel_loop3A_807, %parallel_loop3A_808, %parallel_loop3A_809] {strides = array<i32>} : memref<2x64x512xf32, #tpu.memory_space<vmem>>, vector<1x1x16xf32>,
        %parallel_loop3A_811 = vector.shape_cast %parallel_loop3A_810 : vector<1x1x16xf32> to vector<16xf32>
        %parallel_loop3A_812 = arith.mulf %parallel_loop3A_516, %parallel_loop3A_811 : vector<16xf32>
        %parallel_loop3A_813 = arith.addf %parallel_loop3A_805, %parallel_loop3A_812 : vector<16xf32>
        %parallel_loop3A_814 = arith.constant 1 : i32
        %parallel_loop3A_815 = arith.index_cast %parallel_loop3A_814 : i32 to index
        %parallel_loop3A_816 = arith.index_cast %parallel_loop3A_492 : i32 to index
        %parallel_loop3A_817 = arith.constant 112 : index
        %parallel_loop3A_818 = tpu.vector_load %arg12[%parallel_loop3A_815, %parallel_loop3A_816, %parallel_loop3A_817] {strides = array<i32>} : memref<2x64x128xf32, #tpu.memory_space<vmem>>, vector<1x1x16xf32>,
        %parallel_loop3A_819 = vector.shape_cast %parallel_loop3A_818 : vector<1x1x16xf32> to vector<16xf32>
        %parallel_loop3A_820 = vector.shape_cast %parallel_loop3A_813 : vector<16xf32> to vector<1x1x16xf32>
        tpu.vector_store %arg12[%parallel_loop3A_815, %parallel_loop3A_816, %parallel_loop3A_817], %parallel_loop3A_820 {strides = array<i32>} : memref<2x64x128xf32, #tpu.memory_space<vmem>>, vector<1x1x16xf32>,
      } {sc.loop_unroll_factor = 8 : i64, sc.parallel_access}
      %dma_start3A_481 = arith.constant 1 : i32
      %dma_start3A_482 = arith.constant 0 : i32
      %dma_start3A_483 = arith.constant 0 : i32
      %dma_start3A_484 = tpu.memref_slice %arg12[%dma_start3A_481, %dma_start3A_482, %dma_start3A_483] : memref<2x64x128xf32, #tpu.memory_space<vmem>> -> memref<1x64x128xf32, #tpu.memory_space<vmem>>
      %dma_start3A_485 = tpu.memref_squeeze %dma_start3A_484 : memref<1x64x128xf32, #tpu.memory_space<vmem>> -> memref<64x128xf32, #tpu.memory_space<vmem>>
      %dma_start3A_486 = arith.constant 0 : i32
      %dma_start3A_487 = tpu.memref_slice %arg9[%add3A_313, %dma_start3A_486] : memref<32x64xi32, #tpu.memory_space<vmem>> -> memref<1x64xi32, #tpu.memory_space<vmem>>
      %dma_start3A_488 = tpu.memref_squeeze %dma_start3A_487 : memref<1x64xi32, #tpu.memory_space<vmem>> -> memref<64xi32, #tpu.memory_space<vmem>>
      %dma_start3A_489 = arith.constant 0 : i32
      %dma_start3A_490 = arith.constant 0 : i32
      %dma_start3A_491 = tpu.memref_slice %arg14[%dma_start3A_489, %dma_start3A_490] : memref<2064x128xf32, #tpu.memory_space<vmem_shared>> -> memref<2064x128xf32, #tpu.memory_space<vmem_shared>>
      tpu.enqueue_indirect_dma source(%dma_start3A_485 : memref<64x128xf32, #tpu.memory_space<vmem>>) target(%dma_start3A_491 : memref<2064x128xf32, #tpu.memory_space<vmem_shared>>) offsets(%dma_start3A_488 : memref<64xi32, #tpu.memory_space<vmem>>) semaphore(%arg22 : memref<!tpu.dma_semaphore, #tpu.memory_space<semaphore_mem>>) {add = true}
    }
    %scan3A_59 = arith.constant 16 : i32
    %dma_wait3A = arith.constant 0 : i32
    %dma_wait3A_60 = arith.constant 0 : i32
    %dma_wait3A_61 = arith.constant 0 : i32
    %dma_wait3A_62 = arith.constant 0 : i32
    %dma_wait3A_63 = tpu.memref_slice %arg12[%dma_wait3A, %dma_wait3A_61, %dma_wait3A_62] : memref<2x64x128xf32, #tpu.memory_space<vmem>> -> memref<1x64x128xf32, #tpu.memory_space<vmem>>
    %dma_wait3A_64 = tpu.memref_squeeze %dma_wait3A_63 : memref<1x64x128xf32, #tpu.memory_space<vmem>> -> memref<64x128xf32, #tpu.memory_space<vmem>>
    %dma_wait3A_65 = arith.constant 0 : i32
    %dma_wait3A_66 = tpu.memref_slice %arg9[%dma_wait3A_60, %dma_wait3A_65] : memref<32x64xi32, #tpu.memory_space<vmem>> -> memref<1x64xi32, #tpu.memory_space<vmem>>
    %dma_wait3A_67 = tpu.memref_squeeze %dma_wait3A_66 : memref<1x64xi32, #tpu.memory_space<vmem>> -> memref<64xi32, #tpu.memory_space<vmem>>
    %dma_wait3A_68 = arith.constant 0 : i32
    %dma_wait3A_69 = arith.constant 0 : i32
    %dma_wait3A_70 = tpu.memref_slice %arg14[%dma_wait3A_68, %dma_wait3A_69] : memref<2064x128xf32, #tpu.memory_space<vmem_shared>> -> memref<2064x128xf32, #tpu.memory_space<vmem_shared>>
    tpu.wait_indirect_dma semaphore(%arg21 : memref<!tpu.dma_semaphore, #tpu.memory_space<semaphore_mem>>) src(%dma_wait3A_64 : memref<64x128xf32, #tpu.memory_space<vmem>>) dst(%dma_wait3A_70 : memref<2064x128xf32, #tpu.memory_space<vmem_shared>>)
    %dma_wait3A_71 = arith.constant 1 : i32
    %dma_wait3A_72 = arith.constant 0 : i32
    %dma_wait3A_73 = arith.constant 0 : i32
    %dma_wait3A_74 = arith.constant 0 : i32
    %dma_wait3A_75 = tpu.memref_slice %arg12[%dma_wait3A_71, %dma_wait3A_73, %dma_wait3A_74] : memref<2x64x128xf32, #tpu.memory_space<vmem>> -> memref<1x64x128xf32, #tpu.memory_space<vmem>>
    %dma_wait3A_76 = tpu.memref_squeeze %dma_wait3A_75 : memref<1x64x128xf32, #tpu.memory_space<vmem>> -> memref<64x128xf32, #tpu.memory_space<vmem>>
    %dma_wait3A_77 = arith.constant 0 : i32
    %dma_wait3A_78 = tpu.memref_slice %arg9[%dma_wait3A_72, %dma_wait3A_77] : memref<32x64xi32, #tpu.memory_space<vmem>> -> memref<1x64xi32, #tpu.memory_space<vmem>>
    %dma_wait3A_79 = tpu.memref_squeeze %dma_wait3A_78 : memref<1x64xi32, #tpu.memory_space<vmem>> -> memref<64xi32, #tpu.memory_space<vmem>>
    %dma_wait3A_80 = arith.constant 0 : i32
    %dma_wait3A_81 = arith.constant 0 : i32
    %dma_wait3A_82 = tpu.memref_slice %arg14[%dma_wait3A_80, %dma_wait3A_81] : memref<2064x128xf32, #tpu.memory_space<vmem_shared>> -> memref<2064x128xf32, #tpu.memory_space<vmem_shared>>
    tpu.wait_indirect_dma semaphore(%arg22 : memref<!tpu.dma_semaphore, #tpu.memory_space<semaphore_mem>>) src(%dma_wait3A_76 : memref<64x128xf32, #tpu.memory_space<vmem>>) dst(%dma_wait3A_82 : memref<2064x128xf32, #tpu.memory_space<vmem_shared>>)
    %barrier3A_83 = arith.constant 0 : index
    tpu.barrier barrier_id(%barrier3A_83)
    %mul3A_84 = arith.constant 128 : i32
    %mul3A_85 = arith.muli %arg1, %mul3A_84 : i32
    %mul3A_86 = arith.constant 128 : i32
    %mul3A_87 = arith.muli %arg1, %mul3A_86 : i32
    "tpu.region"() ({
      %run_scoped3A_88 = tpu.sem_alloc : memref<!tpu.dma_semaphore, #tpu.memory_space<semaphore_mem>>
      %dma_start3A_89 = arith.constant 0 : i32
      %dma_start3A_90 = tpu.memref_slice %arg6[%arg0, %mul3A_87, %dma_start3A_89] : memref<2x2048x128xf32, #tpu.memory_space<hbm>> -> memref<1x128x128xf32, #tpu.memory_space<hbm>>
      %dma_start3A_91 = tpu.memref_squeeze %dma_start3A_90 : memref<1x128x128xf32, #tpu.memory_space<hbm>> -> memref<128x128xf32, #tpu.memory_space<hbm>>
      %dma_start3A_92 = arith.constant 0 : i32
      %dma_start3A_93 = tpu.memref_slice %arg14[%mul3A_85, %dma_start3A_92] : memref<2064x128xf32, #tpu.memory_space<vmem_shared>> -> memref<128x128xf32, #tpu.memory_space<vmem_shared>>
      tpu.enqueue_dma source(%dma_start3A_93 : memref<128x128xf32, #tpu.memory_space<vmem_shared>>) target(%dma_start3A_91 : memref<128x128xf32, #tpu.memory_space<hbm>>) target_semaphore(%run_scoped3A_88 : memref<!tpu.dma_semaphore, #tpu.memory_space<semaphore_mem>>)
      %dma_wait3A_94 = arith.constant 0 : i32
      %dma_wait3A_95 = tpu.memref_slice %arg6[%arg0, %mul3A_87, %dma_wait3A_94] : memref<2x2048x128xf32, #tpu.memory_space<hbm>> -> memref<1x128x128xf32, #tpu.memory_space<hbm>>
      %dma_wait3A_96 = tpu.memref_squeeze %dma_wait3A_95 : memref<1x128x128xf32, #tpu.memory_space<hbm>> -> memref<128x128xf32, #tpu.memory_space<hbm>>
      %dma_wait3A_97 = arith.constant 0 : i32
      %dma_wait3A_98 = tpu.memref_slice %arg14[%mul3A_85, %dma_wait3A_97] : memref<2064x128xf32, #tpu.memory_space<vmem_shared>> -> memref<128x128xf32, #tpu.memory_space<vmem_shared>>
      tpu.wait_dma2 semaphore(%run_scoped3A_88 : memref<!tpu.dma_semaphore, #tpu.memory_space<semaphore_mem>>) src(%dma_wait3A_98 : memref<128x128xf32, #tpu.memory_space<vmem_shared>>) dst(%dma_wait3A_96 : memref<128x128xf32, #tpu.memory_space<hbm>>)
      tpu.yield
    }) : () -> ()
    return
  }
}

module attributes {stable_mosaic.version = 14 : i64} {
  func.func @_y_body(%arg0: i32, %arg1: memref<2x256x64xf32, #tpu.memory_space<vmem>>, %arg2: memref<4x64x64xf32, #tpu.memory_space<vmem>>, %arg3: memref<256x512xf32, #tpu.memory_space<vmem>>) attributes {dimension_semantics = [#tpu.dimension_semantics<arbitrary>], iteration_bounds = array<i64: 8>, scalar_prefetch = 0 : i64, scratch_operands = 0 : i64, tpu.core_type = #tpu.core_type<tc>, window_params = [{transform_indices = @transform_0, window_bounds = array<i64: 2, 256, 64>}, {pipeline_mode = #tpu.pipeline_mode<synchronous>, transform_indices = @transform_1, window_bounds = array<i64: 4, 64, 64>}, {transform_indices = @transform_2, window_bounds = array<i64: 256, 512>}]} {
    %get3A = arith.constant 0 : index
    %get3A_0 = arith.constant 0 : index
    %get3A_1 = arith.constant 0 : index
    %get3A_2 = vector.load %arg1[%get3A, %get3A_0, %get3A_1] : memref<2x256x64xf32, #tpu.memory_space<vmem>>, vector<1x256x64xf32>
    %get3A_3 = vector.shape_cast %get3A_2 : vector<1x256x64xf32> to vector<256x64xf32>
    %get3A_4 = arith.constant 0 : index
    %get3A_5 = arith.constant 0 : index
    %get3A_6 = arith.constant 0 : index
    %get3A_7 = vector.load %arg2[%get3A_4, %get3A_5, %get3A_6] : memref<4x64x64xf32, #tpu.memory_space<vmem>>, vector<1x64x64xf32>
    %get3A_8 = vector.shape_cast %get3A_7 : vector<1x64x64xf32> to vector<64x64xf32>
    %dot_general3A = arith.constant dense<0.000000e+00> : vector<256x64xf32>
    %dot_general3A_9 = tpu.matmul %get3A_3, %get3A_8, %dot_general3A {dimension_numbers = #tpu.dot_dimension_numbers<[1], [0], [0], [1], [0, 0, 1, 1], [], []>, transpose_lhs_hint = false} : vector<256x64xf32>, vector<64x64xf32>, vector<256x64xf32> -> vector<256x64xf32>
    %get3A_10 = arith.constant 1 : index
    %get3A_11 = arith.constant 0 : index
    %get3A_12 = arith.constant 0 : index
    %get3A_13 = vector.load %arg2[%get3A_10, %get3A_11, %get3A_12] : memref<4x64x64xf32, #tpu.memory_space<vmem>>, vector<1x64x64xf32>
    %get3A_14 = vector.shape_cast %get3A_13 : vector<1x64x64xf32> to vector<64x64xf32>
    %dot_general3A_15 = arith.constant dense<0.000000e+00> : vector<256x64xf32>
    %dot_general3A_16 = tpu.matmul %get3A_3, %get3A_14, %dot_general3A_15 {dimension_numbers = #tpu.dot_dimension_numbers<[1], [0], [0], [1], [0, 0, 1, 1], [], []>, transpose_lhs_hint = false} : vector<256x64xf32>, vector<64x64xf32>, vector<256x64xf32> -> vector<256x64xf32>
    %get3A_17 = arith.constant 2 : index
    %get3A_18 = arith.constant 0 : index
    %get3A_19 = arith.constant 0 : index
    %get3A_20 = vector.load %arg2[%get3A_17, %get3A_18, %get3A_19] : memref<4x64x64xf32, #tpu.memory_space<vmem>>, vector<1x64x64xf32>
    %get3A_21 = vector.shape_cast %get3A_20 : vector<1x64x64xf32> to vector<64x64xf32>
    %dot_general3A_22 = arith.constant dense<0.000000e+00> : vector<256x64xf32>
    %dot_general3A_23 = tpu.matmul %get3A_3, %get3A_21, %dot_general3A_22 {dimension_numbers = #tpu.dot_dimension_numbers<[1], [0], [0], [1], [0, 0, 1, 1], [], []>, transpose_lhs_hint = false} : vector<256x64xf32>, vector<64x64xf32>, vector<256x64xf32> -> vector<256x64xf32>
    %get3A_24 = arith.constant 3 : index
    %get3A_25 = arith.constant 0 : index
    %get3A_26 = arith.constant 0 : index
    %get3A_27 = vector.load %arg2[%get3A_24, %get3A_25, %get3A_26] : memref<4x64x64xf32, #tpu.memory_space<vmem>>, vector<1x64x64xf32>
    %get3A_28 = vector.shape_cast %get3A_27 : vector<1x64x64xf32> to vector<64x64xf32>
    %dot_general3A_29 = arith.constant dense<0.000000e+00> : vector<256x64xf32>
    %dot_general3A_30 = tpu.matmul %get3A_3, %get3A_28, %dot_general3A_29 {dimension_numbers = #tpu.dot_dimension_numbers<[1], [0], [0], [1], [0, 0, 1, 1], [], []>, transpose_lhs_hint = false} : vector<256x64xf32>, vector<64x64xf32>, vector<256x64xf32> -> vector<256x64xf32>
    %get3A_31 = arith.constant 1 : index
    %get3A_32 = arith.constant 0 : index
    %get3A_33 = arith.constant 0 : index
    %get3A_34 = vector.load %arg1[%get3A_31, %get3A_32, %get3A_33] : memref<2x256x64xf32, #tpu.memory_space<vmem>>, vector<1x256x64xf32>
    %get3A_35 = vector.shape_cast %get3A_34 : vector<1x256x64xf32> to vector<256x64xf32>
    %get3A_36 = arith.constant 0 : index
    %get3A_37 = arith.constant 0 : index
    %get3A_38 = arith.constant 0 : index
    %get3A_39 = vector.load %arg2[%get3A_36, %get3A_37, %get3A_38] : memref<4x64x64xf32, #tpu.memory_space<vmem>>, vector<1x64x64xf32>
    %get3A_40 = vector.shape_cast %get3A_39 : vector<1x64x64xf32> to vector<64x64xf32>
    %dot_general3A_41 = arith.constant dense<0.000000e+00> : vector<256x64xf32>
    %dot_general3A_42 = tpu.matmul %get3A_35, %get3A_40, %dot_general3A_41 {dimension_numbers = #tpu.dot_dimension_numbers<[1], [0], [0], [1], [0, 0, 1, 1], [], []>, transpose_lhs_hint = false} : vector<256x64xf32>, vector<64x64xf32>, vector<256x64xf32> -> vector<256x64xf32>
    %get3A_43 = arith.constant 1 : index
    %get3A_44 = arith.constant 0 : index
    %get3A_45 = arith.constant 0 : index
    %get3A_46 = vector.load %arg2[%get3A_43, %get3A_44, %get3A_45] : memref<4x64x64xf32, #tpu.memory_space<vmem>>, vector<1x64x64xf32>
    %get3A_47 = vector.shape_cast %get3A_46 : vector<1x64x64xf32> to vector<64x64xf32>
    %dot_general3A_48 = arith.constant dense<0.000000e+00> : vector<256x64xf32>
    %dot_general3A_49 = tpu.matmul %get3A_35, %get3A_47, %dot_general3A_48 {dimension_numbers = #tpu.dot_dimension_numbers<[1], [0], [0], [1], [0, 0, 1, 1], [], []>, transpose_lhs_hint = false} : vector<256x64xf32>, vector<64x64xf32>, vector<256x64xf32> -> vector<256x64xf32>
    %get3A_50 = arith.constant 2 : index
    %get3A_51 = arith.constant 0 : index
    %get3A_52 = arith.constant 0 : index
    %get3A_53 = vector.load %arg2[%get3A_50, %get3A_51, %get3A_52] : memref<4x64x64xf32, #tpu.memory_space<vmem>>, vector<1x64x64xf32>
    %get3A_54 = vector.shape_cast %get3A_53 : vector<1x64x64xf32> to vector<64x64xf32>
    %dot_general3A_55 = arith.constant dense<0.000000e+00> : vector<256x64xf32>
    %dot_general3A_56 = tpu.matmul %get3A_35, %get3A_54, %dot_general3A_55 {dimension_numbers = #tpu.dot_dimension_numbers<[1], [0], [0], [1], [0, 0, 1, 1], [], []>, transpose_lhs_hint = false} : vector<256x64xf32>, vector<64x64xf32>, vector<256x64xf32> -> vector<256x64xf32>
    %get3A_57 = arith.constant 3 : index
    %get3A_58 = arith.constant 0 : index
    %get3A_59 = arith.constant 0 : index
    %get3A_60 = vector.load %arg2[%get3A_57, %get3A_58, %get3A_59] : memref<4x64x64xf32, #tpu.memory_space<vmem>>, vector<1x64x64xf32>
    %get3A_61 = vector.shape_cast %get3A_60 : vector<1x64x64xf32> to vector<64x64xf32>
    %dot_general3A_62 = arith.constant dense<0.000000e+00> : vector<256x64xf32>
    %dot_general3A_63 = tpu.matmul %get3A_35, %get3A_61, %dot_general3A_62 {dimension_numbers = #tpu.dot_dimension_numbers<[1], [0], [0], [1], [0, 0, 1, 1], [], []>, transpose_lhs_hint = false} : vector<256x64xf32>, vector<64x64xf32>, vector<256x64xf32> -> vector<256x64xf32>
    %concatenate3A = tpu.concatenate %dot_general3A_9, %dot_general3A_16, %dot_general3A_23, %dot_general3A_30, %dot_general3A_42, %dot_general3A_49, %dot_general3A_56, %dot_general3A_63 in 1 : vector<256x64xf32>, vector<256x64xf32>, vector<256x64xf32>, vector<256x64xf32>, vector<256x64xf32>, vector<256x64xf32>, vector<256x64xf32>, vector<256x64xf32> -> vector<256x512xf32>
    %swap3A = arith.constant 0 : index
    %swap3A_64 = arith.constant 0 : index
    %swap3A_65 = vector.load %arg3[%swap3A, %swap3A_64] : memref<256x512xf32, #tpu.memory_space<vmem>>, vector<256x512xf32>
    tpu.vector_store %arg3[%swap3A, %swap3A_64], %concatenate3A {strides = array<i32>} : memref<256x512xf32, #tpu.memory_space<vmem>>, vector<256x512xf32>,
    return
  }
  func.func @transform_0(%arg0: i32) -> (i32, i32, i32) {
    %c0_i32 = arith.constant 0 : i32
    %c0_i32_0 = arith.constant 0 : i32
    %c0_i32_1 = arith.constant 0 : i32
    return %c0_i32, %arg0, %c0_i32_0 : i32, i32, i32
  }
  func.func @transform_1(%arg0: i32) -> (i32, i32, i32) {
    %c0_i32 = arith.constant 0 : i32
    %c0_i32_0 = arith.constant 0 : i32
    %c0_i32_1 = arith.constant 0 : i32
    %c0_i32_2 = arith.constant 0 : i32
    return %c0_i32, %c0_i32_0, %c0_i32_1 : i32, i32, i32
  }
  func.func @transform_2(%arg0: i32) -> (i32, i32) {
    %c0_i32 = arith.constant 0 : i32
    %c0_i32_0 = arith.constant 0 : i32
    return %arg0, %c0_i32 : i32, i32
  }
}

module attributes {stable_mosaic.version = 14 : i64} {
  func.func @_attn_body(%arg0: i32, %arg1: memref<2048x16xf32, #tpu.memory_space<vmem>>, %arg2: memref<16x512xf32, #tpu.memory_space<vmem>>, %arg3: memref<1x512xf32, #tpu.memory_space<vmem>>, %arg4: memref<4x128xf32, #tpu.memory_space<vmem>>, %arg5: memref<1x4xf32, #tpu.memory_space<vmem>>, %arg6: memref<2048x64xf32, #tpu.memory_space<vmem>>) attributes {dimension_semantics = [#tpu.dimension_semantics<arbitrary>], iteration_bounds = array<i64: 32>, scalar_prefetch = 0 : i64, scratch_operands = 0 : i64, tpu.core_type = #tpu.core_type<tc>, window_params = [{transform_indices = @transform_0, window_bounds = array<i64: 2048, 16>}, {pipeline_mode = #tpu.pipeline_mode<synchronous>, transform_indices = @transform_1, window_bounds = array<i64: 16, 512>}, {pipeline_mode = #tpu.pipeline_mode<synchronous>, transform_indices = @transform_2, window_bounds = array<i64: 1, 512>}, {pipeline_mode = #tpu.pipeline_mode<synchronous>, transform_indices = @transform_3, window_bounds = array<i64: 4, 128>}, {pipeline_mode = #tpu.pipeline_mode<synchronous>, transform_indices = @transform_4, window_bounds = array<i64: 1, 4>}, {transform_indices = @transform_5, window_bounds = array<i64: 2048, 64>}]} {
    %get3A = arith.constant 0 : index
    %get3A_0 = arith.constant 0 : index
    %get3A_1 = vector.load %arg1[%get3A, %get3A_0] : memref<2048x16xf32, #tpu.memory_space<vmem>>, vector<2048x16xf32>
    %get3A_2 = arith.constant 0 : index
    %get3A_3 = arith.constant 0 : index
    %get3A_4 = vector.load %arg2[%get3A_2, %get3A_3] : memref<16x512xf32, #tpu.memory_space<vmem>>, vector<16x512xf32>
    %dot_general3A = arith.constant dense<0.000000e+00> : vector<2048x512xf32>
    %dot_general3A_5 = tpu.matmul %get3A_1, %get3A_4, %dot_general3A {dimension_numbers = #tpu.dot_dimension_numbers<[1], [0], [0], [1], [0, 0, 1, 1], [], []>, transpose_lhs_hint = false} : vector<2048x16xf32>, vector<16x512xf32>, vector<2048x512xf32> -> vector<2048x512xf32>
    %get3A_6 = arith.constant 0 : index
    %get3A_7 = arith.constant 0 : index
    %get3A_8 = vector.load %arg3[%get3A_6, %get3A_7] : memref<1x512xf32, #tpu.memory_space<vmem>>, vector<1x512xf32>
    %add3A = vector.broadcast %get3A_8 : vector<1x512xf32> to vector<2048x512xf32>
    %add3A_9 = arith.addf %dot_general3A_5, %add3A : vector<2048x512xf32>
    %tanh3A = math.tanh %add3A_9 : vector<2048x512xf32>
    %slice3A = vector.extract_strided_slice %tanh3A {offsets = [0, 0], sizes = [2048, 128], strides = [1, 1]} : vector<2048x512xf32> to vector<2048x128xf32>
    %get3A_10 = arith.constant 0 : index
    %get3A_11 = arith.constant 0 : index
    %get3A_12 = vector.load %arg4[%get3A_10, %get3A_11] : memref<4x128xf32, #tpu.memory_space<vmem>>, vector<1x128xf32>
    %mul3A = vector.broadcast %get3A_12 : vector<1x128xf32> to vector<2048x128xf32>
    %mul3A_13 = arith.mulf %slice3A, %mul3A : vector<2048x128xf32>
    %reduce_sum3A = arith.constant dense<0.000000e+00> : vector<2048xf32>
    %reduce_sum3A_14 = vector.multi_reduction <add>, %mul3A_13, %reduce_sum3A [1] : vector<2048x128xf32> to vector<2048xf32>
    %broadcast_in_dim3A = vector.shape_cast %reduce_sum3A_14 : vector<2048xf32> to vector<2048x1xf32>
    %get3A_15 = arith.constant 0 : index
    %get3A_16 = arith.constant 0 : index
    %get3A_17 = vector.load %arg5[%get3A_15, %get3A_16] : memref<1x4xf32, #tpu.memory_space<vmem>>, vector<1x1xf32>
    %add3A_18 = vector.broadcast %get3A_17 : vector<1x1xf32> to vector<2048x1xf32>
    %add3A_19 = arith.addf %broadcast_in_dim3A, %add3A_18 : vector<2048x1xf32>
    %slice3A_20 = vector.extract_strided_slice %tanh3A {offsets = [0, 128], sizes = [2048, 128], strides = [1, 1]} : vector<2048x512xf32> to vector<2048x128xf32>
    %get3A_21 = arith.constant 1 : index
    %get3A_22 = arith.constant 0 : index
    %get3A_23 = vector.load %arg4[%get3A_21, %get3A_22] : memref<4x128xf32, #tpu.memory_space<vmem>>, vector<1x128xf32>
    %mul3A_24 = vector.broadcast %get3A_23 : vector<1x128xf32> to vector<2048x128xf32>
    %mul3A_25 = arith.mulf %slice3A_20, %mul3A_24 : vector<2048x128xf32>
    %reduce_sum3A_26 = arith.constant dense<0.000000e+00> : vector<2048xf32>
    %reduce_sum3A_27 = vector.multi_reduction <add>, %mul3A_25, %reduce_sum3A_26 [1] : vector<2048x128xf32> to vector<2048xf32>
    %broadcast_in_dim3A_28 = vector.shape_cast %reduce_sum3A_27 : vector<2048xf32> to vector<2048x1xf32>
    %get3A_29 = arith.constant 0 : index
    %get3A_30 = arith.constant 1 : index
    %get3A_31 = vector.load %arg5[%get3A_29, %get3A_30] : memref<1x4xf32, #tpu.memory_space<vmem>>, vector<1x1xf32>
    %add3A_32 = vector.broadcast %get3A_31 : vector<1x1xf32> to vector<2048x1xf32>
    %add3A_33 = arith.addf %broadcast_in_dim3A_28, %add3A_32 : vector<2048x1xf32>
    %slice3A_34 = vector.extract_strided_slice %tanh3A {offsets = [0, 256], sizes = [2048, 128], strides = [1, 1]} : vector<2048x512xf32> to vector<2048x128xf32>
    %get3A_35 = arith.constant 2 : index
    %get3A_36 = arith.constant 0 : index
    %get3A_37 = vector.load %arg4[%get3A_35, %get3A_36] : memref<4x128xf32, #tpu.memory_space<vmem>>, vector<1x128xf32>
    %mul3A_38 = vector.broadcast %get3A_37 : vector<1x128xf32> to vector<2048x128xf32>
    %mul3A_39 = arith.mulf %slice3A_34, %mul3A_38 : vector<2048x128xf32>
    %reduce_sum3A_40 = arith.constant dense<0.000000e+00> : vector<2048xf32>
    %reduce_sum3A_41 = vector.multi_reduction <add>, %mul3A_39, %reduce_sum3A_40 [1] : vector<2048x128xf32> to vector<2048xf32>
    %broadcast_in_dim3A_42 = vector.shape_cast %reduce_sum3A_41 : vector<2048xf32> to vector<2048x1xf32>
    %get3A_43 = arith.constant 0 : index
    %get3A_44 = arith.constant 2 : index
    %get3A_45 = vector.load %arg5[%get3A_43, %get3A_44] : memref<1x4xf32, #tpu.memory_space<vmem>>, vector<1x1xf32>
    %add3A_46 = vector.broadcast %get3A_45 : vector<1x1xf32> to vector<2048x1xf32>
    %add3A_47 = arith.addf %broadcast_in_dim3A_42, %add3A_46 : vector<2048x1xf32>
    %slice3A_48 = vector.extract_strided_slice %tanh3A {offsets = [0, 384], sizes = [2048, 128], strides = [1, 1]} : vector<2048x512xf32> to vector<2048x128xf32>
    %get3A_49 = arith.constant 3 : index
    %get3A_50 = arith.constant 0 : index
    %get3A_51 = vector.load %arg4[%get3A_49, %get3A_50] : memref<4x128xf32, #tpu.memory_space<vmem>>, vector<1x128xf32>
    %mul3A_52 = vector.broadcast %get3A_51 : vector<1x128xf32> to vector<2048x128xf32>
    %mul3A_53 = arith.mulf %slice3A_48, %mul3A_52 : vector<2048x128xf32>
    %reduce_sum3A_54 = arith.constant dense<0.000000e+00> : vector<2048xf32>
    %reduce_sum3A_55 = vector.multi_reduction <add>, %mul3A_53, %reduce_sum3A_54 [1] : vector<2048x128xf32> to vector<2048xf32>
    %broadcast_in_dim3A_56 = vector.shape_cast %reduce_sum3A_55 : vector<2048xf32> to vector<2048x1xf32>
    %get3A_57 = arith.constant 0 : index
    %get3A_58 = arith.constant 3 : index
    %get3A_59 = vector.load %arg5[%get3A_57, %get3A_58] : memref<1x4xf32, #tpu.memory_space<vmem>>, vector<1x1xf32>
    %add3A_60 = vector.broadcast %get3A_59 : vector<1x1xf32> to vector<2048x1xf32>
    %add3A_61 = arith.addf %broadcast_in_dim3A_56, %add3A_60 : vector<2048x1xf32>
    %concatenate3A = tpu.concatenate %add3A_19, %add3A_33, %add3A_47, %add3A_61 in 1 : vector<2048x1xf32>, vector<2048x1xf32>, vector<2048x1xf32>, vector<2048x1xf32> -> vector<2048x4xf32>
    %reshape3A = vector.shape_cast %concatenate3A : vector<2048x4xf32> to vector<64x32x4xf32>
    %reduce_max3A = arith.constant dense<0xFF800000> : vector<64x4xf32>
    %reduce_max3A_62 = vector.multi_reduction <maximumf>, %reshape3A, %reduce_max3A [1] : vector<64x32x4xf32> to vector<64x4xf32>
    %broadcast_in_dim3A_63 = vector.shape_cast %reduce_max3A_62 : vector<64x4xf32> to vector<64x1x4xf32>
    %sub3A = vector.broadcast %broadcast_in_dim3A_63 : vector<64x1x4xf32> to vector<64x32x4xf32>
    %sub3A_64 = arith.subf %reshape3A, %sub3A : vector<64x32x4xf32>
    %exp3A = math.exp %sub3A_64 : vector<64x32x4xf32>
    %reduce_sum3A_65 = arith.constant dense<0.000000e+00> : vector<64x4xf32>
    %reduce_sum3A_66 = vector.multi_reduction <add>, %exp3A, %reduce_sum3A_65 [1] : vector<64x32x4xf32> to vector<64x4xf32>
    %broadcast_in_dim3A_67 = vector.shape_cast %reduce_sum3A_66 : vector<64x4xf32> to vector<64x1x4xf32>
    %div3A = vector.broadcast %broadcast_in_dim3A_67 : vector<64x1x4xf32> to vector<64x32x4xf32>
    %div3A_68 = arith.divf %exp3A, %div3A : vector<64x32x4xf32>
    %reshape3A_69 = vector.shape_cast %div3A_68 : vector<64x32x4xf32> to vector<2048x4xf32>
    %iota3A = tpu.iota {dimensions = array<i32: 0>} : vector<4x64xi32>
    %iota3A_70 = tpu.iota {dimensions = array<i32: 1>} : vector<4x64xi32>
    %jit3A = arith.constant 16 : i32
    %div3A_71 = vector.broadcast %jit3A : i32 to vector<4x64xi32>
    %div3A_72 = arith.divsi %iota3A_70, %div3A_71 : vector<4x64xi32>
    %sign3A = arith.constant 0 : i32
    %sign3A_73 = vector.broadcast %sign3A : i32 to vector<4x64xi32>
    %sign3A_74 = arith.cmpi sgt, %iota3A_70, %sign3A_73 : vector<4x64xi32>
    %sign3A_75 = arith.extui %sign3A_74 : vector<4x64xi1> to vector<4x64xi32>
    %sign3A_76 = arith.constant 0 : i32
    %sign3A_77 = vector.broadcast %sign3A_76 : i32 to vector<4x64xi32>
    %sign3A_78 = arith.cmpi slt, %iota3A_70, %sign3A_77 : vector<4x64xi32>
    %sign3A_79 = arith.extui %sign3A_78 : vector<4x64xi1> to vector<4x64xi32>
    %sign3A_80 = arith.subi %sign3A_75, %sign3A_79 : vector<4x64xi32>
    %sign3A_81 = arith.constant 0 : i32
    %sign3A_82 = arith.cmpi sgt, %jit3A, %sign3A_81 : i32
    %sign3A_83 = arith.extui %sign3A_82 : i1 to i32
    %sign3A_84 = arith.constant 0 : i32
    %sign3A_85 = arith.cmpi slt, %jit3A, %sign3A_84 : i32
    %sign3A_86 = arith.extui %sign3A_85 : i1 to i32
    %sign3A_87 = arith.subi %sign3A_83, %sign3A_86 : i32
    %ne3A = vector.broadcast %sign3A_87 : i32 to vector<4x64xi32>
    %ne3A_88 = arith.cmpi ne, %sign3A_80, %ne3A : vector<4x64xi32>
    %rem3A = vector.broadcast %jit3A : i32 to vector<4x64xi32>
    %rem3A_89 = arith.remsi %iota3A_70, %rem3A : vector<4x64xi32>
    %ne3A_90 = arith.constant 0 : i32
    %ne3A_91 = vector.broadcast %ne3A_90 : i32 to vector<4x64xi32>
    %ne3A_92 = arith.cmpi ne, %rem3A_89, %ne3A_91 : vector<4x64xi32>
    %and3A = arith.andi %ne3A_88, %ne3A_92 : vector<4x64xi1>
    %sub3A_93 = arith.constant 1 : i32
    %sub3A_94 = vector.broadcast %sub3A_93 : i32 to vector<4x64xi32>
    %sub3A_95 = arith.subi %div3A_72, %sub3A_94 : vector<4x64xi32>
    %select_n3A = arith.select %and3A, %sub3A_95, %div3A_72 : vector<4x64xi1>, vector<4x64xi32>
    %eq3A = arith.cmpi eq, %iota3A, %select_n3A : vector<4x64xi32>
    %convert_element_type3A = arith.extui %eq3A : vector<4x64xi1> to vector<4x64xi32>
    %convert_element_type3A_96 = arith.sitofp %convert_element_type3A : vector<4x64xi32> to vector<4x64xf32>
    %dot_general3A_97 = arith.constant dense<0.000000e+00> : vector<2048x64xf32>
    %dot_general3A_98 = tpu.matmul %reshape3A_69, %convert_element_type3A_96, %dot_general3A_97 {dimension_numbers = #tpu.dot_dimension_numbers<[1], [0], [0], [1], [0, 0, 1, 1], [], []>, transpose_lhs_hint = false} : vector<2048x4xf32>, vector<4x64xf32>, vector<2048x64xf32> -> vector<2048x64xf32>
    %swap3A = arith.constant 0 : index
    %swap3A_99 = arith.constant 0 : index
    %swap3A_100 = vector.load %arg6[%swap3A, %swap3A_99] : memref<2048x64xf32, #tpu.memory_space<vmem>>, vector<2048x64xf32>
    tpu.vector_store %arg6[%swap3A, %swap3A_99], %dot_general3A_98 {strides = array<i32>} : memref<2048x64xf32, #tpu.memory_space<vmem>>, vector<2048x64xf32>,
    return
  }
  func.func @transform_0(%arg0: i32) -> (i32, i32) {
    %c0_i32 = arith.constant 0 : i32
    %c0_i32_0 = arith.constant 0 : i32
    return %arg0, %c0_i32 : i32, i32
  }
  func.func @transform_1(%arg0: i32) -> (i32, i32) {
    %c0_i32 = arith.constant 0 : i32
    %c0_i32_0 = arith.constant 0 : i32
    %c0_i32_1 = arith.constant 0 : i32
    return %c0_i32, %c0_i32_0 : i32, i32
  }
  func.func @transform_2(%arg0: i32) -> (i32, i32) {
    %c0_i32 = arith.constant 0 : i32
    %c0_i32_0 = arith.constant 0 : i32
    %c0_i32_1 = arith.constant 0 : i32
    return %c0_i32, %c0_i32_0 : i32, i32
  }
  func.func @transform_3(%arg0: i32) -> (i32, i32) {
    %c0_i32 = arith.constant 0 : i32
    %c0_i32_0 = arith.constant 0 : i32
    %c0_i32_1 = arith.constant 0 : i32
    return %c0_i32, %c0_i32_0 : i32, i32
  }
  func.func @transform_4(%arg0: i32) -> (i32, i32) {
    %c0_i32 = arith.constant 0 : i32
    %c0_i32_0 = arith.constant 0 : i32
    %c0_i32_1 = arith.constant 0 : i32
    return %c0_i32, %c0_i32_0 : i32, i32
  }
  func.func @transform_5(%arg0: i32) -> (i32, i32) {
    %c0_i32 = arith.constant 0 : i32
    %c0_i32_0 = arith.constant 0 : i32
    return %arg0, %c0_i32 : i32, i32
  }
}

module attributes {stable_mosaic.version = 14 : i64} {
  func.func @_finish_body(%arg0: i32, %arg1: memref<2x256x128xf32, #tpu.memory_space<vmem>>, %arg2: memref<1x64xf32, #tpu.memory_space<vmem>>, %arg3: memref<2x256x64xf32, #tpu.memory_space<vmem>>) attributes {dimension_semantics = [#tpu.dimension_semantics<arbitrary>], iteration_bounds = array<i64: 8>, scalar_prefetch = 0 : i64, scratch_operands = 0 : i64, tpu.core_type = #tpu.core_type<tc>, window_params = [{transform_indices = @transform_0, window_bounds = array<i64: 2, 256, 128>}, {pipeline_mode = #tpu.pipeline_mode<synchronous>, transform_indices = @transform_1, window_bounds = array<i64: 1, 64>}, {transform_indices = @transform_2, window_bounds = array<i64: 2, 256, 64>}]} {
    %get3A = arith.constant 0 : index
    %get3A_0 = arith.constant 0 : index
    %get3A_1 = arith.constant 0 : index
    %get3A_2 = vector.load %arg1[%get3A, %get3A_0, %get3A_1] : memref<2x256x128xf32, #tpu.memory_space<vmem>>, vector<2x256x128xf32>
    %slice3A = vector.extract_strided_slice %get3A_2 {offsets = [0, 0, 0], sizes = [1, 256, 128], strides = [1, 1, 1]} : vector<2x256x128xf32> to vector<1x256x128xf32>
    %squeeze3A = vector.shape_cast %slice3A : vector<1x256x128xf32> to vector<256x128xf32>
    %slice3A_3 = vector.extract_strided_slice %get3A_2 {offsets = [1, 0, 0], sizes = [1, 256, 128], strides = [1, 1, 1]} : vector<2x256x128xf32> to vector<1x256x128xf32>
    %squeeze3A_4 = vector.shape_cast %slice3A_3 : vector<1x256x128xf32> to vector<256x128xf32>
    %add3A = arith.addf %squeeze3A, %squeeze3A_4 : vector<256x128xf32>
    %slice3A_5 = vector.extract_strided_slice %add3A {offsets = [0, 0], sizes = [256, 64], strides = [1, 1]} : vector<256x128xf32> to vector<256x64xf32>
    %get3A_6 = arith.constant 0 : index
    %get3A_7 = arith.constant 0 : index
    %get3A_8 = vector.load %arg2[%get3A_6, %get3A_7] : memref<1x64xf32, #tpu.memory_space<vmem>>, vector<1x64xf32>
    %add3A_9 = vector.broadcast %get3A_8 : vector<1x64xf32> to vector<256x64xf32>
    %add3A_10 = arith.addf %slice3A_5, %add3A_9 : vector<256x64xf32>
    %slice3A_11 = vector.extract_strided_slice %add3A {offsets = [0, 64], sizes = [256, 64], strides = [1, 1]} : vector<256x128xf32> to vector<256x64xf32>
    %get3A_12 = arith.constant 0 : index
    %get3A_13 = arith.constant 0 : index
    %get3A_14 = vector.load %arg2[%get3A_12, %get3A_13] : memref<1x64xf32, #tpu.memory_space<vmem>>, vector<1x64xf32>
    %add3A_15 = vector.broadcast %get3A_14 : vector<1x64xf32> to vector<256x64xf32>
    %add3A_16 = arith.addf %slice3A_11, %add3A_15 : vector<256x64xf32>
    %stack3A = vector.shape_cast %add3A_10 : vector<256x64xf32> to vector<1x256x64xf32>
    %stack3A_17 = vector.shape_cast %add3A_16 : vector<256x64xf32> to vector<1x256x64xf32>
    %stack3A_18 = tpu.concatenate %stack3A, %stack3A_17 in 0 : vector<1x256x64xf32>, vector<1x256x64xf32> -> vector<2x256x64xf32>
    %swap3A = arith.constant 0 : index
    %swap3A_19 = arith.constant 0 : index
    %swap3A_20 = arith.constant 0 : index
    %swap3A_21 = vector.load %arg3[%swap3A, %swap3A_19, %swap3A_20] : memref<2x256x64xf32, #tpu.memory_space<vmem>>, vector<2x256x64xf32>
    tpu.vector_store %arg3[%swap3A, %swap3A_19, %swap3A_20], %stack3A_18 {strides = array<i32>} : memref<2x256x64xf32, #tpu.memory_space<vmem>>, vector<2x256x64xf32>,
    return
  }
  func.func @transform_0(%arg0: i32) -> (i32, i32, i32) {
    %c0_i32 = arith.constant 0 : i32
    %c0_i32_0 = arith.constant 0 : i32
    %c0_i32_1 = arith.constant 0 : i32
    return %c0_i32, %arg0, %c0_i32_0 : i32, i32, i32
  }
  func.func @transform_1(%arg0: i32) -> (i32, i32) {
    %c0_i32 = arith.constant 0 : i32
    %c0_i32_0 = arith.constant 0 : i32
    %c0_i32_1 = arith.constant 0 : i32
    return %c0_i32, %c0_i32_0 : i32, i32
  }
  func.func @transform_2(%arg0: i32) -> (i32, i32, i32) {
    %c0_i32 = arith.constant 0 : i32
    %c0_i32_0 = arith.constant 0 : i32
    %c0_i32_1 = arith.constant 0 : i32
    return %c0_i32, %arg0, %c0_i32_0 : i32, i32, i32
  }
}

</mosaic_0001>

<sc_bundles>
// kernel: kernel.6.cloned.1.call-start
scs
__scs_entry_jumppad:
0x0: {  	(pc) =	sbr.rel $0x88, $3  }
0x1: {  	(tag) =	ssettag $0x0;
	lr =	simm.s32 $0x1  }
0x2: {  	[smem:$0x3F98] =	sst lr;
	_ =	strace $0xD0000000  }
0x3: {  	_ = 	snop  }
0x4: {  	_ = 	snop  }
0x5: {  	_ = 	snop  }
0x6: {  	_ = 	snop  }
0x7: {  	_ = 	snop  }
__scs_overlays_trampoline_lowered:
0x8: {  	[smem:$0x3FA7] =	sst s0  }
0x9: {  	[smem:$0x3FA8] =	sst s1  }
0xa: {  	[smem:$0x3FA9] =	sst s2  }
0xb: {  	[smem:$0x3FAA] =	sst s3  }
0xc: {  	[smem:$0x3FAB] =	sst s4  }
0xd: {  	[smem:$0x3FAC] =	sst s5  }
0xe: {  	[smem:$0x3FAD] =	sst s6  }
0xf: {  	[smem:$0x3FAE] =	sst s7  }
0x10: {  	[smem:$0x3FAF] =	sst s8  }
0x11: {  	[smem:$0x3FB0] =	sst s9;
	s0 =	simm.s32 @!p0 $0x0  }
0x12: {  	s1 =	sld [smem:$0x3F96];
	s0 =	simm.s32 @p0 $0x1  }
0x13: {  	[smem:$0x3FB1] =	sst s0;
	s0 =	simm.s32 @!p1 $0x0  }
0x14: {  	s2 =	sld [smem:$0x3F95];
	s0 =	simm.s32 @p1 $0x1  }
0x15: {  	[smem:$0x3FB2] =	sst s0;
	s0 =	simm.s32 @!p2 $0x0  }
0x16: {  	s3 =	sld [smem:$0x3FDB];
	s0 =	simm.s32 @p2 $0x1  }
0x17: {  	s4 =	simm.s32 $0x1BF5;
	[smem:$0x3FB4] =	sst s0  }
0x18: {  	s0 =	sld [smem:$0x3F97];
	_ =	swait.ge [sflag:s4], $0x0  }
0x19: {  	s7 =	sld [smem:$0x3F98]  }
0x1a: {  	s8 =	sadd.s32 $0xFFFFE003, lr  }
0x1b: {  	s9 =	sadd.s32 $0xFFFFFEF7, lr;
	s5 =	simm.s32 $0xFFFFFFFF;
	p2 =	slt.u32 s8, $0xFFFFF086  }
0x1c: {  	p1 =	slt.u32 s9, $0xF7A;
	s5 =	simm.s32 @!p2 $0x0  }
0x1d: {  	s5 =	simm.s32 @p1 $0x1;
	p0 =	seq.s32 s7, s2  }
0x1e: {  	s7 =	smul.u32 @!p0 $0xF7A, s2;
	p2 =	seq.s32 @!p0 s5, $0x0  }
0x1f: {  	s9 =	smul.u32 $0xF7A, s1;
	s8 =	simm.s32 @!p0 $0x1BF5;
	p2 =	por !p2, p0  }
0x20: {  	[sflag:s8] =	ssyncset.s32 @!p0 $0xFFFFF086;
	s6 =	sadd.s32 @!p0 s3, s7;
	s7 =	simm.s32 @!p0 $0x108  }
0x21: {  	s3 =	sadd.s32 s3, s9;
	s6 =	sadd.s32 @!p0 $0x88, s6;
	s7 =	simm.s32 @p2 $0x1082  }
0x22: {  	[simem:s7], [sflag:s8] =	dma.local @!p0 [hbm:s6], $0xF7A  }
0x23: {  	s9 =	sor.u32 $0xD0000000, s2;
	s6 =	simm.s32 $0x108;
	_ =	swait.ge @!p0 [sflag:s8], $0x0  }
0x24: {  	s3 =	sadd.s32 $0x88, s3;
	s6 =	simm.s32 @!p1 $0x1082;
	[sflag:s4] =	ssyncset.s32 $0xFFFFF086  }
0x25: {  	[simem:s6], [sflag:s4] =	dma.local [hbm:s3], $0xF7A  }
0x26: {  	[smem:$0x3F98] =	sst s1;
	(tag) =	ssettag s2;
	_ =	strace s9  }
0x27: {  	s1 =	sld [smem:$0x3FA8]  }
0x28: {  	s2 =	sld [smem:$0x3FA9]  }
0x29: {  	s4 =	sld [smem:$0x3FAB]  }
0x2a: {  	p0 =	seq.s32 s5, $0x0;
	s5 =	sld [smem:$0x3FAC]  }
0x2b: {  	s6 =	sld [smem:$0x3FAD]  }
0x2c: {  	s7 =	sld [smem:$0x3FAE]  }
0x2d: {  	s3 =	simm.s32 $0x108;
	s8 =	sld [smem:$0x3FAF]  }
0x2e: {  	s3 =	simm.s32 @!p0 $0x1082;
	s9 =	sld [smem:$0x3FB0]  }
0x2f: {  	lr =	sadd.s32 s0, s3;
	s0 =	sld [smem:$0x3FA7]  }
0x30: {  	s3 =	sld [smem:$0x3FAA]  }
0x31: {  	[smem:$0x3FB3] =	sst s10  }
0x32: {  	s10 =	sld [smem:$0x3FB1];
	_ =	sdelay $0x3  }
0x33: {  	p0 =	seq.s32 s10, $0x1;
	s10 =	sld [smem:$0x3FB3];
	_ =	sdelay $0x3  }
0x34: {  	[smem:$0x3FB3] =	sst s10  }
0x35: {  	s10 =	sld [smem:$0x3FB2];
	_ =	sdelay $0x3  }
0x36: {  	p1 =	seq.s32 s10, $0x1;
	s10 =	sld [smem:$0x3FB3];
	_ =	sdelay $0x3  }
0x37: {  	[smem:$0x3FB3] =	sst s10  }
0x38: {  	s10 =	sld [smem:$0x3FB4]  }
0x39: {  	_ = 	snop;
	(pc) =	sbr.ind lr, $3  }
0x3a: {  	_ = 	snop  }
0x3b: {  	_ = 	snop  }
0x3c: {  	p2 =	seq.s32 s10, $0x1;
	s10 =	sld [smem:$0x3FB3]  }
0x3d: {  	_ =	shalt  }
0x3e: {  	_ =	shalt  }
0x3f: {  	_ =	shalt  }
0x40: {  	_ =	shalt  }
0x41: {  	_ =	shalt  }
0x42: {  	_ =	shalt  }
0x43: {  	_ =	shalt  }
0x44: {  	_ =	shalt  }
0x45: {  	_ =	shalt  }
0x46: {  	_ =	shalt  }
0x47: {  	_ =	shalt  }
0x48: {  	_ =	shalt  }
0x49: {  	_ =	shalt  }
0x4a: {  	_ =	shalt  }
0x4b: {  	_ =	shalt  }
0x4c: {  	_ =	shalt  }
0x4d: {  	_ =	shalt  }
0x4e: {  	_ =	shalt  }
0x4f: {  	_ =	shalt  }
0x50: {  	_ =	shalt  }
0x51: {  	_ =	shalt  }
0x52: {  	_ =	shalt  }
0x53: {  	_ =	shalt  }
0x54: {  	_ =	shalt  }
0x55: {  	_ =	shalt  }
0x56: {  	_ =	shalt  }
0x57: {  	_ =	shalt  }
0x58: {  	_ =	shalt  }
0x59: {  	_ =	shalt  }
0x5a: {  	_ =	shalt  }
0x5b: {  	_ =	shalt  }
0x5c: {  	_ =	shalt  }
0x5d: {  	_ =	shalt  }
0x5e: {  	_ =	shalt  }
0x5f: {  	_ =	shalt  }
0x60: {  	_ =	shalt  }
0x61: {  	_ =	shalt  }
0x62: {  	_ =	shalt  }
0x63: {  	_ =	shalt  }
0x64: {  	_ =	shalt  }
0x65: {  	_ =	shalt  }
0x66: {  	_ =	shalt  }
0x67: {  	_ =	shalt  }
0x68: {  	_ =	shalt  }
0x69: {  	_ =	shalt  }
0x6a: {  	_ =	shalt  }
0x6b: {  	_ =	shalt  }
0x6c: {  	_ =	shalt  }
0x6d: {  	_ =	shalt  }
0x6e: {  	_ =	shalt  }
0x6f: {  	_ =	shalt  }
0x70: {  	_ =	shalt  }
0x71: {  	_ =	shalt  }
0x72: {  	_ =	shalt  }
0x73: {  	_ =	shalt  }
0x74: {  	_ =	shalt  }
0x75: {  	_ =	shalt  }
0x76: {  	_ =	shalt  }
0x77: {  	_ =	shalt  }
0x78: {  	_ =	shalt  }
0x79: {  	_ =	shalt  }
0x7a: {  	_ =	shalt  }
0x7b: {  	_ =	shalt  }
0x7c: {  	_ =	shalt  }
0x7d: {  	_ =	shalt  }
0x7e: {  	_ =	shalt  }
0x7f: {  	_ =	shalt  }
0x80: {  	_ =	shalt  }
0x81: {  	_ =	shalt  }
0x82: {  	_ =	shalt  }
0x83: {  	_ =	shalt  }
0x84: {  	_ =	shalt  }
0x85: {  	_ =	shalt  }
0x86: {  	_ =	shalt  }
0x87: {  	_ =	shalt  }
.Lfunc_end0:
.L_simem_size_0:
called_computation.1_lowered:
.L_overlay_start_0:
0x88: {  	s2 =	sld [smem:$0x3FD9]  }
0x89: {  	s3 =	sld [smem:$0x3FFE];
	_ =	sdelay $0x1  }
0x8a: {  	s1 =	srdreg.scid  }
0x8b: {  	s0 =	sand.u32 $0x1, s1  }
0x8c: {  	s17 =	sshll.u32 s0, $0xA;
	s2 =	sadd.s32 s3, s2  }
0x8d: {  	s2 =	sadd.s32 s2, s17  }
0x8e: {  	[smem:$0x3FBF] =	sst s2  }
0x8f: {  	_ = 	snop  }
0x90: {  	s2 =	sld [smem:$0x3FC7];
	(tm) =	ssettm $0x1  }
0x91: {  	s18 =	sld [smem:$0x3FFB];
	_ =	sdelay $0x3  }
0x92: {  	_ =	strace s18  }
0x93: {  	s3 =	sld [smem:$0x3FFC];
	_ =	sdelay $0x3  }
0x94: {  	_ =	strace s3  }
0x95: {  	s3 =	sld [smem:$0x3FFD];
	_ =	sdelay $0x3  }
0x96: {  	_ =	strace s3  }
0x97: {  	_ =	strace $0x8FFFFFFF  }
0x98: {  	s19 =	sld [smem:$0x3FDB];
	_ =	sdelay $0x1  }
0x99: {  	s4 =	simm.s32 $_scs_section_size  }
0x9a: {  	s5 =	simm.s32 $_size__tile_overlayer_lowered;
	s6 =	simm.s32 $_tile_overlayer_lowered  }
0x9b: {  	s22 =	simm.s32 $0x1BFF;
	s21 =	sshll.u32 s6, $0x1;
	s3 =	sadd.s32 s4, s19  }
0x9c: {  	s7 =	simm.s32 $0x0;
	s20 =	sshll.u32 s5, $0x1;
	s5 =	sadd.s32 s21, s3  }
0x9d: {  	[timem:s7], [sflag:s22] =	dma.local [hbm:s5], s20  }
0x9e: {  	_ =	swait.ge [sflag:s22], s20  }
0x9f: {  	s4 =	ssub.s32 $0x0, s20;
	[sflag:s22] =	ssyncset.done $0x0  }
0xa0: {  	[sflag:s22] =	ssyncadd.s32 s4;
	_ =	sdelay $0x1  }
0xa1: {  	s23 =	simm.s32 $0x1B8B  }
0xa2: {  	_ =	swait.ge [sflag:s23], $0x1  }
0xa3: {  	[sflag:s23] =	ssyncset.done $0x0  }
0xa4: {  	s25 =	simm.s32 $0x1B8E;
	s24 =	sld [smem:$0x3FFE];
	[sflag:s23] =	ssyncadd.s32 $0xFFFFFFFF  }
0xa5: {  	s26 =	simm.s32 $execute0_lowered;
	[smem:$0x3FD2] =	sst s25  }
0xa6: {  	s5 =	sshll.u32 s26, $0x1;
	_ =	strace $0x80000049;
	[dreg:$0x1] =	wrdreg $0xFFFFFFFF  }
0xa7: {  	s28 =	simm.s32 $_size_execute0_lowered;
	s3 =	sadd.s32 s3, s5;
	[dreg:$0x0] =	wrdreg $0x0  }
0xa8: {  	s5 =	sshll.u32 s28, $0x1;
	[dreg:$0x2] =	wrdreg s3  }
0xa9: {  	[dreg:$0x3] =	wrdreg s5  }
0xaa: {  	[dreg:$0x4] =	wrdreg $0xC0  }
0xab: {  	_ =	task [dreg:s7], $0x5FFFF  }
0xac: {  	[dreg:$0x1] =	wrdreg $0xFFFFFFFF  }
0xad: {  	[dreg:$0x0] =	wrdreg $0x60  }
0xae: {  	[dreg:$0x2] =	wrdreg s2  }
0xaf: {  	[dreg:$0x3] =	wrdreg s24  }
0xb0: {  	[dreg:$0x4] =	wrdreg $0x1A1000  }
0xb1: {  	[dreg:$0x5] =	wrdreg $0x9  }
0xb2: {  	_ =	task.clear_ibuf [dreg:s7], $0x6FFFF;
	_ =	strace $0x90000049  }
0xb3: {  	s29 =	simm.s32 $0x9;
	_ =	strace $0x8000004B  }
0xb4: {  	_ =	swait.ge [sflag:s29], $0x1  }
0xb5: {  	[sflag:s29] =	ssyncadd.s32 $0xFFFFFFFF  }
0xb6: {  	_ =	strace $0x9000004B  }
0xb7: {  	_ =	sfence  }
0xb8: {  	s30 =	sld [smem:$0x0];
	_ =	sdelay $0x2  }
0xb9: {  	s31 =	sshll.u32 s1, $0xD;
	s1 =	sshrl.u32 s1, $0x2  }
0xba: {  	s3 =	sand.u32 $0x4000, s31;
	s1 =	sadd.s32 s1, s30  }
0xbb: {  	s0 =	sor.u32 s3, s0;
	s1 =	sshll.u32 s1, $0x11  }
0xbc: {  	s0 =	sor.u32 s1, s0  }
0xbd: {  	s0 =	sadd.s32 $0x8F2B, s0  }
0xbe: {  	[sflag:s0] =	ssyncadd.remote.s32 $0x1  }
0xbf: {  	_ =	sfence.sel $0xFFFF  }
0xc0: {  	[dreg:$0x0] =	wrdreg $0xFFFFFFFF;
	(pc) =	sbr.abs _section_cstart, $3  }
0xc1: {  	[dreg:$0x1] =	wrdreg $0xFFFFFFFF  }
0xc2: {  	_ =	task.clear_ibuf [dreg:s7], $0x2FFFF;
	_ =	strace $0x9FFFFFFF  }
0xc3: {  	(tm) =	ssettm $0x7FFFFFFF  }
tec
execute0_lowered:
.L_overlay_start_1:
0x0: {  	(tag) =	ssettag $0x1  }
0x1: {  	s0 =	rddreg [dreg:$0x0]  }
0x2: {  	s3 =	rddreg [dreg:$0x1]  }
0x3: {  	s1 =	rddreg [dreg:$0x2];
	s2 =	simm.s32 $0x0;
	s13 =	stileid.u32  }
0x4: {  	s7 =	srdreg.scid;
	s15 =	simm.s32 $0x16000;
	s21 =	simm.s32 $0x9  }
0x5: {  	s17 =	simm.s32 $0x18000;
	s19 =	simm.s32 $0x40;
	s14 =	simm.s32 $0x1  }
0x6: {  	s16 =	simm.s32 $0x5;
	s28 =	simm.s32 $0x8;
	[smem:$0x7FF] =	sst s2  }
0x7: {  	s18 =	simm.s32 $0x0;
	s4 =	sadd.s32 $0x1A3800, s3;
	s5 =	sadd.s32 $0x101800, s3  }
0x8: {  	s6 =	sadd.s32 $0x123800, s3;
	s8 =	sshll.u32 s13, $0xB;
	s7 =	sand.u32 $0x1, s7  }
0x9: {  	s24 =	sshll.u32 s13, $0xE;
	s13 =	simm.s32 $0x15800;
	_ =	strace $0x8000004A  }
0xa: {  	s9 =	sadd.s32 s8, s3;
	s10 =	ssub.s32 $0x2, s7;
	s11 =	sshll.u32 s7, $0xF  }
0xb: {  	s20 =	sadd.s32 s24, s1;
	s24 =	simm.s32 $0x2;
	s12 =	sshrl.u32 s10, $0x1  }
0xc: {  	s7 =	sor.u32 s8, s11;
	s26 =	sadd.s32 $0x2000, s20;
	s30 =	sadd.s32 s11, s9  }
0xd: {  	s9 =	simm.s32 $0x14000;
	s11 =	simm.s32 $0x15000;
	s8 =	simm.s32 $0x3  }
0xe: {  	[dreg:$0x4] =	wrdreg s20;
	s10 =	ssub.s32 s10, s12;
	s25 =	sshrl.u32 s7, $0x3  }
0xf: {  	[dreg:$0x5] =	wrdreg s26;
	s29 =	sshll.u32 s7, $0x4;
	s0 =	sadd.s32 s0, s25  }
0x10: {  	s12 =	sadd.s32 $0x101900, s3;
	s31 =	smax.u32 s10, $0x1;
	[dreg:$0x6] =	wrdreg s0  }
0x11: {  	v0 =	vlaneseq.u32;
	s3 =	simm.s32 $0x13800;
	s0 =	sadd.s32 s4, s29;
	[dreg:$0x9] =	wrdreg s31  }
0x12: {  	v1 =	vimm.f32 $0.0e+00;
	vm0 =	vmmov $0xffff;
	v3 =	vshrl.u32 v0, $0x3;
	s26 =	simm.s32 $0x6;
	[dreg:$0x7] =	wrdreg s0;
	s0 =	sadd.s32 $0x1400, s30  }
0x13: {  	v2 =	vand.u32 $0x7, v0;
	v4 =	vor.u32 $0x8, v0;
	v3 =	vmul.u32 $0x8, v3;
	s10 =	simm.s32 $0x14800;
	s25 =	simm.s32 $0x4;
	[dreg:$0x8] =	wrdreg s0  }
.LBB2_1:
0x14: {  	[dreg:$0xa] =	wrdreg s18;
	s0 =	simm.s32 $0x40;
	s18 =	simm.s32 $0x300  }
.LBB2_2:
0x15: {  	p0 =	sne.s32 s18, $0x7F00;
	[tilespmem:s0+$0x18030] =	vst v1  }
0x16: {  	[tilespmem:s0+$0x15FC0] =	vst v1  }
0x17: {  	[tilespmem:s0+$0x17FC0] =	vst v1  }
0x18: {  	[tilespmem:s0+$0x15FD0] =	vst v1  }
0x19: {  	[tilespmem:s0+$0x17FD0] =	vst v1  }
0x1a: {  	[tilespmem:s0+$0x15FE0] =	vst v1  }
0x1b: {  	[tilespmem:s0+$0x17FE0] =	vst v1  }
0x1c: {  	[tilespmem:s0+$0x15FF0] =	vst v1  }
0x1d: {  	[tilespmem:s0+$0x17FF0] =	vst v1  }
0x1e: {  	[tilespmem:s0+$0x16000] =	vst v1  }
0x1f: {  	[tilespmem:s0+$0x18000] =	vst v1  }
.Ltmp0:
0x20: {  	[tilespmem:s0+$0x16010] =	vst v1;
	(pc) =	sbr.rel @p0 .LBB2_2-.Ltmp0, $4  }
0x21: {  	[tilespmem:s0+$0x18010] =	vst v1  }
0x22: {  	[tilespmem:s0+$0x16020] =	vst v1  }
0x23: {  	[tilespmem:s0+$0x18020] =	vst v1  }
0x24: {  	[tilespmem:s0+$0x16030] =	vst v1;
	s0 =	sshra.s32 s18, $0x2;
	s18 =	sadd.s32 $0x200, s18  }
0x25: {  	[tilespmem:s0+$0x18030] =	vst v1  }
0x26: {  	[tilespmem:s0+$0x15FC0] =	vst v1  }
0x27: {  	[tilespmem:s0+$0x17FC0] =	vst v1  }
0x28: {  	[tilespmem:s0+$0x15FD0] =	vst v1  }
0x29: {  	[tilespmem:s0+$0x17FD0] =	vst v1  }
0x2a: {  	[tilespmem:s0+$0x15FE0] =	vst v1  }
0x2b: {  	[tilespmem:s0+$0x17FE0] =	vst v1  }
0x2c: {  	[tilespmem:s0+$0x15FF0] =	vst v1  }
0x2d: {  	[tilespmem:s0+$0x17FF0] =	vst v1  }
0x2e: {  	[tilespmem:s0+$0x16000] =	vst v1  }
0x2f: {  	[tilespmem:s0+$0x18000] =	vst v1  }
0x30: {  	[tilespmem:s0+$0x16010] =	vst v1  }
0x31: {  	[tilespmem:s0+$0x18010] =	vst v1  }
0x32: {  	[tilespmem:s0+$0x16020] =	vst v1  }
0x33: {  	[tilespmem:s0+$0x18020] =	vst v1  }
0x34: {  	[tilespmem:s0+$0x16030] =	vst v1  }
0x35: {  	[spmem:s20] =	stream.linear.scatter [tilespmem:s15], [sflag:$0x9], $0x2000, $0x38;
	[tilespmem:$0x1E180] =	vst v63  }
0x36: {  	_ =	swait.ge [sflag:s21], $0x2000  }
0x37: {  	[sflag:s21] =	ssyncset.done $0x0  }
0x38: {  	s30 =	rddreg [dreg:$0x5];
	[sflag:s21] =	ssyncadd.s32 $0xFFFFE000  }
0x39: {  	[spmem:s30] =	stream.linear.scatter [tilespmem:s17], [sflag:$0x9], $0x2000, $0x38;
	[tilespmem:$0x1E180] =	vst v63  }
0x3a: {  	_ =	swait.ge [sflag:s21], $0x2000  }
0x3b: {  	[sflag:s21] =	ssyncset.done $0x0  }
0x3c: {  	s31 =	simm.s32 $0x0;
	s18 =	rddreg [dreg:$0x6];
	[sflag:s21] =	ssyncadd.s32 $0xFFFFE000  }
0x3d: {  	[tilespmem:s31], [sflag:$0x9] =	stream.linear.gather [hbm4b:s18+s31], $0x800, $0x38;
	[tilespmem:$0x1E180] =	vst v63  }
0x3e: {  	_ =	swait.ge [sflag:s21], $0x800  }
0x3f: {  	[sflag:s21] =	ssyncset.done $0x0  }
0x40: {  	s0 =	simm.s32 $0x0;
	[sflag:s21] =	ssyncadd.s32 $0xFFFFF800  }
0x41: {  	v7 =	vld [tilespmem:s0+$0x30]  }
0x42: {  	v8 =	vld [tilespmem:s0+$0x0]  }
0x43: {  	v5 =	vld [tilespmem:s0+$0x10]  }
0x44: {  	s18 =	simm.s32 $0x100;
	v6 =	vld [tilespmem:s0+$0x20]  }
.LBB2_4:
0x45: {  	p0 =	sne.s32 s18, $0x1F00  }
.Ltmp1:
0x46: {  	s20 =	sshra.s32 s18, $0x2;
	s18 =	sadd.s32 $0x100, s18;
	v9 =	vand.u32 $0x7FF, v7;
	(pc) =	sbr.rel @p0 .LBB2_4-.Ltmp1, $4  }
0x47: {  	v7 =	vld [tilespmem:s20+$0x30];
	v10 =	vand.u32 $0x7FF, v8;
	[tilespmem:s0+$0x830] =	vst v9  }
0x48: {  	v8 =	vld [tilespmem:s20+$0x0];
	[tilespmem:s0+$0x800] =	vst v10;
	v9 =	vand.u32 $0x7FF, v5  }
0x49: {  	v5 =	vld [tilespmem:s20+$0x10];
	[tilespmem:s0+$0x810] =	vst v9;
	v9 =	vand.u32 $0x7FF, v6  }
0x4a: {  	v6 =	vld [tilespmem:s20+$0x20];
	[tilespmem:s0+$0x820] =	vst v9;
	s0 =	smov.u32 s20  }
0x4b: {  	_ = 	snop  }
0x4c: {  	v7 =	vand.u32 $0x7FF, v7  }
0x4d: {  	v8 =	vand.u32 $0x7FF, v8;
	[tilespmem:s0+$0x830] =	vst v7  }
0x4e: {  	[tilespmem:s0+$0x800] =	vst v8;
	v5 =	vand.u32 $0x7FF, v5  }
0x4f: {  	[tilespmem:s0+$0x810] =	vst v5;
	v5 =	vand.u32 $0x7FF, v6  }
0x50: {  	[tilespmem:s0+$0x820] =	vst v5  }
0x51: {  	[bflag:$0x0] =	sbarrier.arrive $0xFFFF  }
0x52: {  	s29 =	simm.s32 $0x0;
	s18 =	simm.s32 $0x2000;
	s22 =	rddreg [dreg:$0x7]  }
0x53: {  	[tilespmem:s18], [sflag:$0x3] =	stream.linear.gather [hbm4b:s22+s29], $0x2000, $0x38;
	[tilespmem:$0x1E180] =	vst v63  }
0x54: {  	s23 =	simm.s32 $0x1A000  }
0x55: {  	[tilespmem:s23], [sflag:$0x5] =	stream.indirect.gather [hbm4b:s6+s19], $0x1, s29, s19, $0xb8;
	[tilespmem:$0x1E180] =	vst v63  }
0x56: {  	v5 =	vld [tilespmem:$0x800];
	_ =	sdelay $0x4  }
0x57: {  	v6 =	vshll.u32 v5, $0x2  }
0x58: {  	v5 =	vand.u32 $0x7, v5;
	v6 =	vand.u32 $0xFFFFFFE0, v6  }
0x59: {  	v5 =	vor.u32 v5, v6  }
0x5a: {  	v6 =	vperm.xlane v5, v2;
	_ =	sdelay $0x1  }
0x5b: {  	v6 =	vadd.s32 v3, v6;
	_ =	sdelay $0x1  }
0x5c: {  	v5 =	vperm.xlane v5, v4;
	_ =	sdelay $0x1  }
0x5d: {  	s30 =	simm.s32 $0x6000;
	v5 =	vadd.s32 v3, v5  }
0x5e: {  	[tilespmem:s30], [sflag:$0x1] =	stream.indirect_vreg.gather [hbm4b:s5+s29], $0x80, v6, vm0, $0xb8;
	[tilespmem:$0x1E180] =	vst v63  }
0x5f: {  	s31 =	simm.s32 $0x6800  }
0x60: {  	[tilespmem:s31], [sflag:$0x1] =	stream.indirect_vreg.gather [hbm4b:s12+s29], $0x80, v6, vm0, $0xb8;
	[tilespmem:$0x1E180] =	vst v63  }
0x61: {  	s18 =	simm.s32 $0x7000  }
0x62: {  	[tilespmem:s18], [sflag:$0x1] =	stream.indirect_vreg.gather [hbm4b:s5+s29], $0x80, v5, vm0, $0xb8;
	[tilespmem:$0x1E180] =	vst v63  }
0x63: {  	s20 =	simm.s32 $0x7800  }
0x64: {  	[tilespmem:s20], [sflag:$0x1] =	stream.indirect_vreg.gather [hbm4b:s12+s29], $0x80, v5, vm0, $0xb8;
	[tilespmem:$0x1E180] =	vst v63  }
0x65: {  	v5 =	vld [tilespmem:$0x810];
	_ =	sdelay $0x4  }
0x66: {  	v6 =	vshll.u32 v5, $0x2  }
0x67: {  	v5 =	vand.u32 $0x7, v5;
	v6 =	vand.u32 $0xFFFFFFE0, v6  }
0x68: {  	v5 =	vor.u32 v5, v6  }
0x69: {  	v6 =	vperm.xlane v5, v2;
	_ =	sdelay $0x1  }
0x6a: {  	v6 =	vadd.s32 v3, v6;
	_ =	sdelay $0x1  }
0x6b: {  	v5 =	vperm.xlane v5, v4;
	_ =	sdelay $0x1  }
0x6c: {  	s21 =	simm.s32 $0x8000;
	v5 =	vadd.s32 v3, v5  }
0x6d: {  	[tilespmem:s21], [sflag:$0x1] =	stream.indirect_vreg.gather [hbm4b:s5+s29], $0x80, v6, vm0, $0xb8;
	[tilespmem:$0x1E180] =	vst v63  }
0x6e: {  	s22 =	simm.s32 $0x8800  }
0x6f: {  	[tilespmem:s22], [sflag:$0x1] =	stream.indirect_vreg.gather [hbm4b:s12+s29], $0x80, v6, vm0, $0xb8;
	[tilespmem:$0x1E180] =	vst v63  }
0x70: {  	s23 =	simm.s32 $0x9000  }
0x71: {  	[tilespmem:s23], [sflag:$0x1] =	stream.indirect_vreg.gather [hbm4b:s5+s29], $0x80, v5, vm0, $0xb8;
	[tilespmem:$0x1E180] =	vst v63  }
0x72: {  	s30 =	simm.s32 $0x9800  }
0x73: {  	[tilespmem:s30], [sflag:$0x1] =	stream.indirect_vreg.gather [hbm4b:s12+s29], $0x80, v5, vm0, $0xb8;
	[tilespmem:$0x1E180] =	vst v63  }
0x74: {  	v5 =	vld [tilespmem:$0x820];
	_ =	sdelay $0x4  }
0x75: {  	v6 =	vshll.u32 v5, $0x2  }
0x76: {  	v5 =	vand.u32 $0x7, v5;
	v6 =	vand.u32 $0xFFFFFFE0, v6  }
0x77: {  	v5 =	vor.u32 v5, v6  }
0x78: {  	v6 =	vperm.xlane v5, v2;
	_ =	sdelay $0x1  }
0x79: {  	v6 =	vadd.s32 v3, v6;
	_ =	sdelay $0x1  }
0x7a: {  	v5 =	vperm.xlane v5, v4;
	_ =	sdelay $0x1  }
0x7b: {  	s31 =	simm.s32 $0xA000;
	v5 =	vadd.s32 v3, v5  }
0x7c: {  	[tilespmem:s31], [sflag:$0x1] =	stream.indirect_vreg.gather [hbm4b:s5+s29], $0x80, v6, vm0, $0xb8;
	[tilespmem:$0x1E180] =	vst v63  }
0x7d: {  	s18 =	simm.s32 $0xA800  }
0x7e: {  	[tilespmem:s18], [sflag:$0x1] =	stream.indirect_vreg.gather [hbm4b:s12+s29], $0x80, v6, vm0, $0xb8;
	[tilespmem:$0x1E180] =	vst v63  }
0x7f: {  	s20 =	simm.s32 $0xB000  }
0x80: {  	[tilespmem:s20], [sflag:$0x1] =	stream.indirect_vreg.gather [hbm4b:s5+s29], $0x80, v5, vm0, $0xb8;
	[tilespmem:$0x1E180] =	vst v63  }
0x81: {  	s21 =	simm.s32 $0xB800  }
0x82: {  	[tilespmem:s21], [sflag:$0x1] =	stream.indirect_vreg.gather [hbm4b:s12+s29], $0x80, v5, vm0, $0xb8;
	[tilespmem:$0x1E180] =	vst v63  }
0x83: {  	v5 =	vld [tilespmem:$0x830];
	_ =	sdelay $0x4  }
0x84: {  	v6 =	vshll.u32 v5, $0x2  }
0x85: {  	v5 =	vand.u32 $0x7, v5;
	v6 =	vand.u32 $0xFFFFFFE0, v6  }
0x86: {  	v5 =	vor.u32 v5, v6  }
0x87: {  	v6 =	vperm.xlane v5, v2;
	_ =	sdelay $0x1  }
0x88: {  	v6 =	vadd.s32 v3, v6;
	_ =	sdelay $0x1  }
0x89: {  	v5 =	vperm.xlane v5, v4;
	_ =	sdelay $0x1  }
0x8a: {  	s22 =	simm.s32 $0xC000;
	v5 =	vadd.s32 v3, v5  }
0x8b: {  	[tilespmem:s22], [sflag:$0x1] =	stream.indirect_vreg.gather [hbm4b:s5+s29], $0x80, v6, vm0, $0xb8;
	[tilespmem:$0x1E180] =	vst v63  }
0x8c: {  	s23 =	simm.s32 $0xC800  }
0x8d: {  	[tilespmem:s23], [sflag:$0x1] =	stream.indirect_vreg.gather [hbm4b:s12+s29], $0x80, v6, vm0, $0xb8;
	[tilespmem:$0x1E180] =	vst v63  }
0x8e: {  	s30 =	simm.s32 $0xD000  }
0x8f: {  	[tilespmem:s30], [sflag:$0x1] =	stream.indirect_vreg.gather [hbm4b:s5+s29], $0x80, v5, vm0, $0xb8;
	[tilespmem:$0x1E180] =	vst v63  }
0x90: {  	s31 =	simm.s32 $0xD800  }
0x91: {  	[tilespmem:s31], [sflag:$0x1] =	stream.indirect_vreg.gather [hbm4b:s12+s29], $0x80, v5, vm0, $0xb8;
	[tilespmem:$0x1E180] =	vst v63  }
.LBB2_6:
0x92: {  	s0 =	sshllo.u32 s29, $0x1  }
0x93: {  	s31 =	sshll.u32 s0, $0x6  }
0x94: {  	s30 =	sor.u32 s7, s31  }
0x95: {  	s18 =	sshll.u32 s30, $0x4  }
0x96: {  	s20 =	simm.s32 $0x4000;
	s18 =	sadd.s32 s4, s18  }
0x97: {  	[tilespmem:s20], [sflag:$0x4] =	stream.linear.gather [hbm4b:s18+s2], $0x2000, $0x38;
	[tilespmem:$0x1E180] =	vst v63  }
0x98: {  	s23 =	simm.s32 $0x1A080  }
0x99: {  	[tilespmem:s23], [sflag:$0x6] =	stream.indirect.gather [hbm4b:s6+s19], $0x1, s31, s19, $0xb8;
	[tilespmem:$0x1E180] =	vst v63  }
0x9a: {  	v5 =	vld [tilespmem:s31+$0x800];
	_ =	sdelay $0x4  }
0x9b: {  	v6 =	vshll.u32 v5, $0x2  }
0x9c: {  	v5 =	vand.u32 $0x7, v5;
	v6 =	vand.u32 $0xFFFFFFE0, v6  }
0x9d: {  	v5 =	vor.u32 v5, v6  }
0x9e: {  	v6 =	vperm.xlane v5, v2;
	_ =	sdelay $0x1  }
0x9f: {  	v6 =	vadd.s32 v3, v6;
	_ =	sdelay $0x1  }
0xa0: {  	v5 =	vperm.xlane v5, v4;
	_ =	sdelay $0x1  }
0xa1: {  	s20 =	simm.s32 $0xE000;
	v5 =	vadd.s32 v3, v5  }
0xa2: {  	[tilespmem:s20], [sflag:$0x2] =	stream.indirect_vreg.gather [hbm4b:s5+s2], $0x80, v6, vm0, $0xb8;
	[tilespmem:$0x1E180] =	vst v63  }
0xa3: {  	s21 =	simm.s32 $0xE800  }
0xa4: {  	[tilespmem:s21], [sflag:$0x2] =	stream.indirect_vreg.gather [hbm4b:s12+s2], $0x80, v6, vm0, $0xb8;
	[tilespmem:$0x1E180] =	vst v63  }
0xa5: {  	s22 =	simm.s32 $0xF000  }
0xa6: {  	[tilespmem:s22], [sflag:$0x2] =	stream.indirect_vreg.gather [hbm4b:s5+s2], $0x80, v5, vm0, $0xb8;
	[tilespmem:$0x1E180] =	vst v63  }
0xa7: {  	s23 =	simm.s32 $0xF800  }
0xa8: {  	[tilespmem:s23], [sflag:$0x2] =	stream.indirect_vreg.gather [hbm4b:s12+s2], $0x80, v5, vm0, $0xb8;
	[tilespmem:$0x1E180] =	vst v63  }
0xa9: {  	v5 =	vld [tilespmem:s31+$0x810];
	_ =	sdelay $0x4  }
0xaa: {  	v6 =	vshll.u32 v5, $0x2  }
0xab: {  	v5 =	vand.u32 $0x7, v5;
	v6 =	vand.u32 $0xFFFFFFE0, v6  }
0xac: {  	v5 =	vor.u32 v5, v6  }
0xad: {  	v6 =	vperm.xlane v5, v2;
	_ =	sdelay $0x1  }
0xae: {  	v6 =	vadd.s32 v3, v6;
	_ =	sdelay $0x1  }
0xaf: {  	v5 =	vperm.xlane v5, v4;
	_ =	sdelay $0x1  }
0xb0: {  	s20 =	simm.s32 $0x10000;
	v5 =	vadd.s32 v3, v5  }
0xb1: {  	[tilespmem:s20], [sflag:$0x2] =	stream.indirect_vreg.gather [hbm4b:s5+s2], $0x80, v6, vm0, $0xb8;
	[tilespmem:$0x1E180] =	vst v63  }
0xb2: {  	s21 =	simm.s32 $0x10800  }
0xb3: {  	[tilespmem:s21], [sflag:$0x2] =	stream.indirect_vreg.gather [hbm4b:s12+s2], $0x80, v6, vm0, $0xb8;
	[tilespmem:$0x1E180] =	vst v63  }
0xb4: {  	s22 =	simm.s32 $0x11000  }
0xb5: {  	[tilespmem:s22], [sflag:$0x2] =	stream.indirect_vreg.gather [hbm4b:s5+s2], $0x80, v5, vm0, $0xb8;
	[tilespmem:$0x1E180] =	vst v63  }
0xb6: {  	s23 =	simm.s32 $0x11800  }
0xb7: {  	[tilespmem:s23], [sflag:$0x2] =	stream.indirect_vreg.gather [hbm4b:s12+s2], $0x80, v5, vm0, $0xb8;
	[tilespmem:$0x1E180] =	vst v63  }
0xb8: {  	v5 =	vld [tilespmem:s31+$0x820];
	_ =	sdelay $0x4  }
0xb9: {  	v6 =	vshll.u32 v5, $0x2  }
0xba: {  	v5 =	vand.u32 $0x7, v5;
	v6 =	vand.u32 $0xFFFFFFE0, v6  }
0xbb: {  	v5 =	vor.u32 v5, v6  }
0xbc: {  	v6 =	vperm.xlane v5, v2;
	_ =	sdelay $0x1  }
0xbd: {  	v6 =	vadd.s32 v3, v6;
	_ =	sdelay $0x1  }
0xbe: {  	v5 =	vperm.xlane v5, v4;
	_ =	sdelay $0x1  }
0xbf: {  	s20 =	simm.s32 $0x12000;
	v5 =	vadd.s32 v3, v5  }
0xc0: {  	[tilespmem:s20], [sflag:$0x2] =	stream.indirect_vreg.gather [hbm4b:s5+s2], $0x80, v6, vm0, $0xb8;
	[tilespmem:$0x1E180] =	vst v63  }
0xc1: {  	s21 =	simm.s32 $0x12800  }
0xc2: {  	[tilespmem:s21], [sflag:$0x2] =	stream.indirect_vreg.gather [hbm4b:s12+s2], $0x80, v6, vm0, $0xb8;
	[tilespmem:$0x1E180] =	vst v63  }
0xc3: {  	s22 =	simm.s32 $0x13000  }
0xc4: {  	[tilespmem:s22], [sflag:$0x2] =	stream.indirect_vreg.gather [hbm4b:s5+s2], $0x80, v5, vm0, $0xb8;
	[tilespmem:$0x1E180] =	vst v63  }
0xc5: {  	_ = 	snop  }
0xc6: {  	[tilespmem:s3], [sflag:$0x2] =	stream.indirect_vreg.gather [hbm4b:s12+s2], $0x80, v5, vm0, $0xb8;
	[tilespmem:$0x1E180] =	vst v63  }
0xc7: {  	v5 =	vld [tilespmem:s31+$0x830];
	_ =	sdelay $0x4  }
0xc8: {  	v6 =	vshll.u32 v5, $0x2  }
0xc9: {  	v5 =	vand.u32 $0x7, v5;
	v6 =	vand.u32 $0xFFFFFFE0, v6  }
0xca: {  	v5 =	vor.u32 v5, v6  }
0xcb: {  	v6 =	vperm.xlane v5, v2;
	_ =	sdelay $0x1  }
0xcc: {  	v6 =	vadd.s32 v3, v6;
	_ =	sdelay $0x1  }
0xcd: {  	v5 =	vperm.xlane v5, v4;
	_ =	sdelay $0x1  }
0xce: {  	v5 =	vadd.s32 v3, v5  }
0xcf: {  	[tilespmem:s9], [sflag:$0x2] =	stream.indirect_vreg.gather [hbm4b:s5+s2], $0x80, v6, vm0, $0xb8;
	[tilespmem:$0x1E180] =	vst v63  }
0xd0: {  	_ = 	snop  }
0xd1: {  	[tilespmem:s10], [sflag:$0x2] =	stream.indirect_vreg.gather [hbm4b:s12+s2], $0x80, v6, vm0, $0xb8;
	[tilespmem:$0x1E180] =	vst v63  }
0xd2: {  	p0 =	seq.s32 s29, $0x0  }
0xd3: {  	[tilespmem:s11], [sflag:$0x2] =	stream.indirect_vreg.gather [hbm4b:s5+s2], $0x80, v5, vm0, $0xb8;
	[tilespmem:$0x1E180] =	vst v63  }
0xd4: {  	s18 =	simm.s32 @!p0 $0x7  }
0xd5: {  	[tilespmem:s13], [sflag:$0x2] =	stream.indirect_vreg.gather [hbm4b:s12+s2], $0x80, v5, vm0, $0xb8;
	[tilespmem:$0x1E180] =	vst v63  }
0xd6: {  	_ =	swait.ge @!p0 [sflag:s18], $0x2000  }
0xd7: {  	[sflag:s18] =	ssyncset.done @!p0 $0x0  }
0xd8: {  	[sflag:s18] =	ssyncadd.s32 @!p0 $0xFFFFE000  }
0xd9: {  	_ =	swait.ge [sflag:s14], $0x8000  }
0xda: {  	[sflag:s14] =	ssyncset.done $0x0  }
0xdb: {  	[sflag:s14] =	ssyncadd.s32 $0xFFFF8000  }
0xdc: {  	_ =	swait.ge [sflag:s8], $0x2000  }
0xdd: {  	[sflag:s8] =	ssyncset.done $0x0  }
0xde: {  	[sflag:s8] =	ssyncadd.s32 $0xFFFFE000  }
0xdf: {  	_ =	swait.ge [sflag:s16], $0x40  }
0xe0: {  	s18 =	sshll.u32 s29, $0x7;
	[sflag:s16] =	ssyncset.done $0x0  }
0xe1: {  	s20 =	sand.u32 $0x3FFFFF80, s18;
	[sflag:s16] =	ssyncadd.s32 $0xFFFFFFC0  }
0xe2: {  	v5 =	vld [tilespmem:s20+$0x0]  }
0xe3: {  	v6 =	vld [tilespmem:$0x1A000];
	_ =	sdelay $0x2  }
0xe4: {  	s21 =	sor.u32 s7, s18  }
0xe5: {  	v7 =	vor.u32 s21, v0  }
0xe6: {  	s22 =	sshll.u32 s29, $0x8;
	v5 =	vshrl.u32 v5, $0xB;
	vm1 =	veq.s32 v6, v7  }
0xe7: {  	s22 =	sand.u32 $0x3FFFFF00, s22;
	v5 =	vnsel vm1, $0x800, v5  }
0xe8: {  	[tilespmem:s22+$0x1000] =	vst v5  }
0xe9: {  	v5 =	vld [tilespmem:s20+$0x10]  }
0xea: {  	v6 =	vld [tilespmem:$0x1A010];
	_ =	sdelay $0x2  }
0xeb: {  	s23 =	sor.u32 $0x10, s21  }
0xec: {  	v7 =	vor.u32 s23, v0  }
0xed: {  	v5 =	vshrl.u32 v5, $0xB;
	vm1 =	veq.s32 v6, v7  }
0xee: {  	v5 =	vnsel vm1, $0x800, v5  }
0xef: {  	[tilespmem:s22+$0x1010] =	vst v5  }
0xf0: {  	v5 =	vld [tilespmem:s20+$0x20]  }
0xf1: {  	v6 =	vld [tilespmem:$0x1A020];
	_ =	sdelay $0x2  }
0xf2: {  	s23 =	sor.u32 $0x20, s21  }
0xf3: {  	v7 =	vor.u32 s23, v0  }
0xf4: {  	v5 =	vshrl.u32 v5, $0xB;
	vm1 =	veq.s32 v6, v7  }
0xf5: {  	v5 =	vnsel vm1, $0x800, v5  }
0xf6: {  	[tilespmem:s22+$0x1020] =	vst v5  }
0xf7: {  	v5 =	vld [tilespmem:s20+$0x30]  }
0xf8: {  	v6 =	vld [tilespmem:$0x1A030];
	_ =	sdelay $0x2  }
0xf9: {  	s23 =	sor.u32 $0x30, s21  }
0xfa: {  	v7 =	vor.u32 s23, v0  }
0xfb: {  	v5 =	vshrl.u32 v5, $0xB;
	vm1 =	veq.s32 v6, v7  }
0xfc: {  	v5 =	vnsel vm1, $0x800, v5  }
0xfd: {  	s21 =	simm.s32 $0x0;
	s20 =	sadd.s32 $0x1000, s22;
	[tilespmem:s22+$0x1030] =	vst v5  }
.LBB2_7:
0xfe: {  	s22 =	sshll.u32 s21, $0x7  }
0xff: {  	s23 =	sshll.u32 s21, $0x9;
	v7 =	vld [tilespmem:s22+$0x2000]  }
0x100: {  	v8 =	vld [tilespmem:s22+$0x2010];
	s23 =	sand.u32 $0x3FFFFE00, s23  }
0x101: {  	v6 =	vld [tilespmem:s23+$0x6000]  }
0x102: {  	v10 =	vld [tilespmem:s23+$0x6040]  }
0x103: {  	v9 =	vld [tilespmem:s22+$0x2020]  }
0x104: {  	v11 =	vld [tilespmem:s23+$0x6400]  }
0x105: {  	v5 =	vld [tilespmem:s22+$0x2030]  }
0x106: {  	v12 =	vld [tilespmem:s23+$0x6440]  }
0x107: {  	v6 =	vmul.f32 v6, v7;
	v10 =	vmul.f32 v10, v8;
	_ =	sdelay $0x1  }
0x108: {  	v16 =	vmul.f32 v11, v9;
	v6 =	vadd.f32 v10, v6;
	_ =	sdelay $0x1  }
0x109: {  	v17 =	vmul.f32 v12, v5;
	v6 =	vadd.f32 v16, v6;
	_ =	sdelay $0x1  }
0x10a: {  	v6 =	vadd.f32 v17, v6;
	_ =	sdelay $0x1  }
0x10b: {  	[tilespmem:s22+$0x16000] =	vst v6  }
0x10c: {  	v6 =	vld [tilespmem:s23+$0x6010]  }
0x10d: {  	v18 =	vld [tilespmem:s23+$0x6050];
	_ =	sdelay $0x1  }
0x10e: {  	v19 =	vld [tilespmem:s23+$0x6410];
	_ =	sdelay $0x1  }
0x10f: {  	v20 =	vld [tilespmem:s23+$0x6450]  }
0x110: {  	v6 =	vmul.f32 v6, v7;
	v10 =	vmul.f32 v18, v8;
	_ =	sdelay $0x1  }
0x111: {  	v21 =	vmul.f32 v19, v9;
	v6 =	vadd.f32 v10, v6;
	_ =	sdelay $0x1  }
0x112: {  	v22 =	vmul.f32 v20, v5;
	v6 =	vadd.f32 v21, v6;
	_ =	sdelay $0x1  }
0x113: {  	v6 =	vadd.f32 v22, v6  }
0x114: {  	v15 =	vld [tilespmem:s23+$0x6080]  }
0x115: {  	v11 =	vld [tilespmem:s22+$0x2080];
	[tilespmem:s22+$0x16010] =	vst v6  }
0x116: {  	v6 =	vld [tilespmem:s23+$0x6020]  }
0x117: {  	v23 =	vld [tilespmem:s23+$0x6060]  }
0x118: {  	v12 =	vld [tilespmem:s22+$0x2090]  }
0x119: {  	v13 =	vld [tilespmem:s23+$0x6420]  }
0x11a: {  	v16 =	vld [tilespmem:s23+$0x60C0]  }
0x11b: {  	v14 =	vld [tilespmem:s23+$0x6460]  }
0x11c: {  	v18 =	vld [tilespmem:s23+$0x6480];
	v6 =	vmul.f32 v6, v7;
	v17 =	vmul.f32 v23, v8  }
0x11d: {  	v10 =	vld [tilespmem:s22+$0x20A0]  }
0x11e: {  	v19 =	vld [tilespmem:s23+$0x64C0];
	v13 =	vmul.f32 v13, v9;
	v17 =	vadd.f32 v17, v6  }
0x11f: {  	v15 =	vmul.f32 v15, v11;
	v6 =	vld [tilespmem:s22+$0x20B0]  }
0x120: {  	v16 =	vmul.f32 v16, v12;
	v14 =	vmul.f32 v14, v5;
	v13 =	vadd.f32 v13, v17;
	_ =	sdelay $0x1  }
0x121: {  	v24 =	vadd.f32 v16, v15;
	v25 =	vmul.f32 v18, v10;
	v13 =	vadd.f32 v14, v13;
	_ =	sdelay $0x1  }
0x122: {  	v26 =	vadd.f32 v25, v24;
	v27 =	vmul.f32 v19, v6;
	[tilespmem:s22+$0x16020] =	vst v13  }
0x123: {  	v28 =	vld [tilespmem:s23+$0x6030]  }
0x124: {  	v29 =	vld [tilespmem:s23+$0x6070];
	v13 =	vadd.f32 v27, v26  }
0x125: {  	v30 =	vld [tilespmem:s23+$0x6430]  }
0x126: {  	v31 =	vld [tilespmem:s23+$0x6470];
	[tilespmem:s22+$0x16080] =	vst v13  }
0x127: {  	v13 =	vld [tilespmem:s23+$0x6090]  }
0x128: {  	v32 =	vld [tilespmem:s23+$0x60D0]  }
0x129: {  	v15 =	vmul.f32 v28, v7;
	v16 =	vmul.f32 v29, v8  }
0x12a: {  	v33 =	vld [tilespmem:s23+$0x6490]  }
0x12b: {  	v14 =	vmul.f32 v30, v9;
	v15 =	vadd.f32 v16, v15  }
0x12c: {  	v35 =	vld [tilespmem:s23+$0x64D0];
	v34 =	vmul.f32 v31, v5  }
0x12d: {  	v13 =	vmul.f32 v13, v11;
	v36 =	vmul.f32 v32, v12;
	v14 =	vadd.f32 v14, v15;
	_ =	sdelay $0x1  }
0x12e: {  	v44 =	vld [tilespmem:s23+$0x6100];
	v37 =	vmul.f32 v33, v10;
	v13 =	vadd.f32 v36, v13;
	v14 =	vadd.f32 v34, v14  }
0x12f: {  	v48 =	vld [tilespmem:s23+$0x6540]  }
0x130: {  	v23 =	vld [tilespmem:s23+$0x6140];
	v38 =	vmul.f32 v35, v6;
	v13 =	vadd.f32 v37, v13;
	[tilespmem:s22+$0x16030] =	vst v14  }
0x131: {  	v39 =	vld [tilespmem:s23+$0x6800]  }
0x132: {  	v40 =	vld [tilespmem:s23+$0x6840];
	v13 =	vadd.f32 v38, v13  }
0x133: {  	v41 =	vld [tilespmem:s23+$0x6C00]  }
0x134: {  	v42 =	vld [tilespmem:s23+$0x6C40];
	[tilespmem:s22+$0x16090] =	vst v13  }
0x135: {  	v13 =	vld [tilespmem:s23+$0x60A0]  }
0x136: {  	v43 =	vld [tilespmem:s23+$0x60E0]  }
0x137: {  	v15 =	vld [tilespmem:s22+$0x2110];
	v22 =	vmul.f32 v39, v7;
	v16 =	vmul.f32 v40, v8  }
0x138: {  	v20 =	vld [tilespmem:s23+$0x64A0]  }
0x139: {  	v14 =	vld [tilespmem:s22+$0x2100];
	v17 =	vmul.f32 v41, v9;
	v16 =	vadd.f32 v16, v22  }
0x13a: {  	v21 =	vld [tilespmem:s23+$0x64E0];
	v18 =	vmul.f32 v42, v5  }
0x13b: {  	v24 =	vld [tilespmem:s23+$0x6500];
	v13 =	vmul.f32 v13, v11;
	v19 =	vmul.f32 v43, v12;
	v17 =	vadd.f32 v17, v16  }
0x13c: {  	v16 =	vld [tilespmem:s22+$0x2120]  }
0x13d: {  	v62 =	vld [tilespmem:s23+$0x6180];
	v46 =	vmul.f32 v20, v10;
	v45 =	vadd.f32 v19, v13;
	v17 =	vadd.f32 v18, v17  }
0x13e: {  	v51 =	vmul.f32 v23, v15;
	v13 =	vld [tilespmem:s22+$0x2130]  }
0x13f: {  	v63 =	vld [tilespmem:s23+$0x61C0];
	v50 =	vmul.f32 v44, v14;
	v47 =	vmul.f32 v21, v6;
	v49 =	vadd.f32 v46, v45;
	[tilespmem:s22+$0x16040] =	vst v17  }
0x140: {  	v52 =	vld [tilespmem:s23+$0x6810]  }
0x141: {  	v18 =	vadd.f32 v51, v50;
	v53 =	vld [tilespmem:s23+$0x6850];
	v17 =	vadd.f32 v47, v49;
	v54 =	vmul.f32 v24, v16  }
0x142: {  	v55 =	vld [tilespmem:s23+$0x6C10]  }
0x143: {  	v56 =	vld [tilespmem:s23+$0x6C50];
	v58 =	vmul.f32 v48, v13;
	[tilespmem:s22+$0x160A0] =	vst v17;
	v57 =	vadd.f32 v54, v18  }
0x144: {  	v59 =	vld [tilespmem:s23+$0x60B0]  }
0x145: {  	v60 =	vld [tilespmem:s23+$0x60F0];
	v17 =	vadd.f32 v58, v57  }
0x146: {  	v61 =	vld [tilespmem:s23+$0x64B0]  }
0x147: {  	v25 =	vld [tilespmem:s23+$0x64F0];
	[tilespmem:s22+$0x16100] =	vst v17  }
0x148: {  	v26 =	vld [tilespmem:s23+$0x6110]  }
0x149: {  	v22 =	vmul.f32 v52, v7;
	v23 =	vmul.f32 v53, v8;
	v27 =	vld [tilespmem:s23+$0x6150]  }
0x14a: {  	v33 =	vld [tilespmem:s23+$0x6580];
	v30 =	vmul.f32 v59, v11;
	v21 =	vmul.f32 v60, v12  }
0x14b: {  	v20 =	vmul.f32 v55, v9;
	v28 =	vld [tilespmem:s23+$0x6510];
	v22 =	vadd.f32 v23, v22  }
0x14c: {  	v19 =	vld [tilespmem:s22+$0x2190];
	v18 =	vmul.f32 v61, v10;
	v21 =	vadd.f32 v21, v30  }
0x14d: {  	v24 =	vmul.f32 v56, v5;
	v29 =	vld [tilespmem:s23+$0x6550];
	v25 =	vmul.f32 v25, v6;
	v22 =	vadd.f32 v20, v22  }
0x14e: {  	v17 =	vld [tilespmem:s22+$0x2180];
	v18 =	vadd.f32 v18, v21;
	v31 =	vmul.f32 v26, v14;
	v32 =	vmul.f32 v27, v15  }
0x14f: {  	v36 =	vld [tilespmem:s23+$0x65C0];
	v22 =	vadd.f32 v24, v22  }
0x150: {  	v20 =	vld [tilespmem:s22+$0x21A0];
	v34 =	vmul.f32 v28, v16;
	v25 =	vadd.f32 v25, v18;
	v21 =	vadd.f32 v32, v31  }
0x151: {  	[tilespmem:s22+$0x16050] =	vst v22;
	v18 =	vld [tilespmem:s22+$0x21B0]  }
0x152: {  	v35 =	vmul.f32 v29, v13;
	v28 =	vld [tilespmem:s23+$0x6820];
	[tilespmem:s22+$0x160B0] =	vst v25;
	v21 =	vadd.f32 v34, v21  }
0x153: {  	v37 =	vmul.f32 v63, v19;
	v23 =	vmul.f32 v62, v17;
	v38 =	vld [tilespmem:s23+$0x6880]  }
0x154: {  	v39 =	vld [tilespmem:s23+$0x68C0];
	v21 =	vadd.f32 v35, v21  }
0x155: {  	v40 =	vadd.f32 v37, v23;
	v41 =	vmul.f32 v33, v20;
	v42 =	vld [tilespmem:s23+$0x6C80]  }
0x156: {  	v43 =	vld [tilespmem:s23+$0x6CC0];
	[tilespmem:s22+$0x16110] =	vst v21  }
0x157: {  	v44 =	vadd.f32 v41, v40;
	v45 =	vmul.f32 v36, v18;
	v46 =	vld [tilespmem:s23+$0x6120]  }
0x158: {  	v47 =	vld [tilespmem:s23+$0x6160]  }
0x159: {  	v31 =	vld [tilespmem:s23+$0x6860];
	v21 =	vadd.f32 v45, v44;
	v48 =	vmul.f32 v38, v11;
	v49 =	vmul.f32 v39, v12  }
0x15a: {  	v50 =	vld [tilespmem:s23+$0x6520]  }
0x15b: {  	v51 =	vld [tilespmem:s23+$0x6560];
	v53 =	vmul.f32 v42, v10;
	[tilespmem:s22+$0x16180] =	vst v21;
	v52 =	vadd.f32 v49, v48  }
0x15c: {  	v25 =	vmul.f32 v43, v6;
	v54 =	vld [tilespmem:s23+$0x6190]  }
0x15d: {  	v55 =	vld [tilespmem:s23+$0x61D0];
	v21 =	vadd.f32 v53, v52;
	v56 =	vmul.f32 v46, v14;
	v57 =	vmul.f32 v47, v15  }
0x15e: {  	v32 =	vld [tilespmem:s23+$0x6C20]  }
0x15f: {  	v58 =	vld [tilespmem:s23+$0x6590];
	v59 =	vmul.f32 v50, v16;
	v21 =	vadd.f32 v25, v21;
	v22 =	vadd.f32 v57, v56  }
0x160: {  	v62 =	vld [tilespmem:s23+$0x6C60]  }
0x161: {  	v61 =	vld [tilespmem:s23+$0x65D0];
	v60 =	vmul.f32 v51, v13;
	[tilespmem:s22+$0x160C0] =	vst v21;
	v63 =	vadd.f32 v59, v22  }
0x162: {  	v33 =	vmul.f32 v54, v17;
	v34 =	vmul.f32 v55, v19;
	v35 =	vld [tilespmem:s23+$0x6890]  }
0x163: {  	v36 =	vld [tilespmem:s23+$0x68D0];
	v21 =	vadd.f32 v60, v63  }
0x164: {  	v37 =	vmul.f32 v58, v20;
	v22 =	vadd.f32 v34, v33;
	v38 =	vld [tilespmem:s23+$0x6C90]  }
0x165: {  	v44 =	vmul.f32 v28, v7;
	v39 =	vld [tilespmem:s23+$0x6CD0];
	[tilespmem:s22+$0x16120] =	vst v21  }
0x166: {  	v45 =	vmul.f32 v31, v8;
	v41 =	vmul.f32 v61, v18;
	v40 =	vadd.f32 v37, v22;
	v42 =	vld [tilespmem:s23+$0x6130]  }
0x167: {  	v43 =	vld [tilespmem:s23+$0x6170]  }
0x168: {  	v48 =	vmul.f32 v32, v9;
	v47 =	vadd.f32 v45, v44;
	v21 =	vadd.f32 v41, v40;
	v46 =	vld [tilespmem:s23+$0x6530]  }
0x169: {  	v33 =	vld [tilespmem:s23+$0x6570];
	v24 =	vmul.f32 v35, v11;
	v26 =	vmul.f32 v36, v12  }
0x16a: {  	v30 =	vmul.f32 v62, v5;
	v35 =	vld [tilespmem:s23+$0x6200];
	[tilespmem:s22+$0x16190] =	vst v21;
	v21 =	vadd.f32 v48, v47  }
0x16b: {  	v25 =	vmul.f32 v38, v10;
	v49 =	vld [tilespmem:s23+$0x61A0];
	v24 =	vadd.f32 v26, v24  }
0x16c: {  	v53 =	vmul.f32 v39, v6;
	v50 =	vld [tilespmem:s23+$0x61E0];
	v21 =	vadd.f32 v30, v21  }
0x16d: {  	v47 =	vld [tilespmem:s23+$0x6640];
	v51 =	vmul.f32 v42, v14;
	v52 =	vmul.f32 v43, v15;
	v24 =	vadd.f32 v25, v24  }
0x16e: {  	v54 =	vld [tilespmem:s23+$0x65A0]  }
0x16f: {  	v57 =	vld [tilespmem:s23+$0x65E0];
	v55 =	vmul.f32 v46, v16;
	[tilespmem:s22+$0x16060] =	vst v21;
	v22 =	vadd.f32 v52, v51;
	v24 =	vadd.f32 v53, v24  }
0x170: {  	v56 =	vmul.f32 v33, v13;
	v25 =	vld [tilespmem:s23+$0x6830]  }
0x171: {  	v26 =	vld [tilespmem:s23+$0x6870];
	v59 =	vmul.f32 v49, v17;
	v60 =	vmul.f32 v50, v19;
	v58 =	vadd.f32 v55, v22;
	[tilespmem:s22+$0x160D0] =	vst v24  }
0x172: {  	v62 =	vld [tilespmem:s23+$0x68A0]  }
0x173: {  	v61 =	vmul.f32 v54, v20;
	v22 =	vadd.f32 v60, v59;
	v63 =	vld [tilespmem:s23+$0x68E0];
	v21 =	vadd.f32 v56, v58  }
0x174: {  	v48 =	vld [tilespmem:s23+$0x6CA0]  }
0x175: {  	v36 =	vadd.f32 v61, v22;
	v22 =	vld [tilespmem:s22+$0x2210];
	[tilespmem:s22+$0x16130] =	vst v21  }
0x176: {  	v38 =	vld [tilespmem:s23+$0x6900]  }
0x177: {  	v37 =	vmul.f32 v57, v18;
	v39 =	vld [tilespmem:s23+$0x6940]  }
0x178: {  	v40 =	vld [tilespmem:s23+$0x6D00]  }
0x179: {  	v21 =	vadd.f32 v37, v36;
	v41 =	vld [tilespmem:s23+$0x6D40]  }
0x17a: {  	v36 =	vld [tilespmem:s23+$0x6240]  }
0x17b: {  	v37 =	vld [tilespmem:s23+$0x6600];
	[tilespmem:s22+$0x161A0] =	vst v21  }
0x17c: {  	v42 =	vld [tilespmem:s23+$0x61B0]  }
0x17d: {  	v43 =	vld [tilespmem:s23+$0x61F0];
	v23 =	vmul.f32 v38, v14;
	v24 =	vmul.f32 v39, v15  }
0x17e: {  	v27 =	vmul.f32 v62, v11;
	v38 =	vld [tilespmem:s23+$0x6CE0]  }
0x17f: {  	v28 =	vmul.f32 v63, v12;
	v44 =	vld [tilespmem:s23+$0x65B0];
	v29 =	vmul.f32 v40, v16;
	v23 =	vadd.f32 v24, v23  }
0x180: {  	v59 =	vmul.f32 v48, v10;
	v21 =	vld [tilespmem:s22+$0x2200]  }
0x181: {  	v34 =	vld [tilespmem:s23+$0x65F0];
	v27 =	vadd.f32 v28, v27;
	v30 =	vmul.f32 v41, v13;
	v29 =	vadd.f32 v29, v23  }
0x182: {  	v24 =	vld [tilespmem:s22+$0x2220];
	v31 =	vmul.f32 v42, v17;
	v32 =	vmul.f32 v43, v19  }
0x183: {  	v27 =	vadd.f32 v59, v27;
	v23 =	vld [tilespmem:s22+$0x2230];
	v62 =	vmul.f32 v38, v6;
	v29 =	vadd.f32 v30, v29  }
0x184: {  	v46 =	vmul.f32 v44, v20;
	v45 =	vadd.f32 v32, v31;
	v38 =	vld [tilespmem:s22+$0x2300]  }
0x185: {  	v36 =	vmul.f32 v36, v22;
	v28 =	vadd.f32 v62, v27;
	v27 =	vld [tilespmem:s23+$0x6C70];
	[tilespmem:s22+$0x16140] =	vst v29  }
0x186: {  	v35 =	vmul.f32 v35, v21;
	v50 =	vmul.f32 v34, v18;
	v49 =	vadd.f32 v46, v45;
	v51 =	vld [tilespmem:s23+$0x6910]  }
0x187: {  	v54 =	vld [tilespmem:s23+$0x6950]  }
0x188: {  	v52 =	vadd.f32 v36, v35;
	v53 =	vmul.f32 v37, v24;
	v37 =	vld [tilespmem:s22+$0x2290];
	v29 =	vadd.f32 v50, v49  }
0x189: {  	v55 =	vld [tilespmem:s23+$0x6D10]  }
0x18a: {  	v34 =	vadd.f32 v53, v52;
	v32 =	vmul.f32 v47, v23;
	v56 =	vld [tilespmem:s23+$0x6D50];
	[tilespmem:s22+$0x161B0] =	vst v29  }
0x18b: {  	v29 =	vld [tilespmem:s23+$0x6980]  }
0x18c: {  	v32 =	vadd.f32 v32, v34;
	v57 =	vld [tilespmem:s23+$0x69C0];
	v31 =	vmul.f32 v51, v14;
	v36 =	vmul.f32 v54, v15  }
0x18d: {  	v58 =	vld [tilespmem:s23+$0x6D80]  }
0x18e: {  	v63 =	vld [tilespmem:s23+$0x6DC0];
	[tilespmem:s22+$0x16200] =	vst v32;
	v30 =	vmul.f32 v55, v16;
	v31 =	vadd.f32 v36, v31  }
0x18f: {  	v60 =	vld [tilespmem:s23+$0x6210]  }
0x190: {  	v61 =	vld [tilespmem:s23+$0x6250];
	v35 =	vmul.f32 v56, v13;
	v30 =	vadd.f32 v30, v31  }
0x191: {  	v32 =	vld [tilespmem:s23+$0x6C30]  }
0x192: {  	v40 =	vld [tilespmem:s23+$0x6610];
	v29 =	vmul.f32 v29, v17;
	v39 =	vmul.f32 v57, v19;
	v30 =	vadd.f32 v35, v30  }
0x193: {  	[tilespmem:s22+$0x160E0] =	vst v28;
	v42 =	vld [tilespmem:s23+$0x6650]  }
0x194: {  	v41 =	vmul.f32 v58, v20;
	v31 =	vadd.f32 v39, v29;
	v29 =	vld [tilespmem:s23+$0x68B0];
	[tilespmem:s22+$0x16150] =	vst v30  }
0x195: {  	v43 =	vmul.f32 v60, v21;
	v44 =	vmul.f32 v61, v22;
	v47 =	vld [tilespmem:s23+$0x6920]  }
0x196: {  	v46 =	vmul.f32 v63, v18;
	v45 =	vadd.f32 v41, v31;
	v49 =	vld [tilespmem:s23+$0x6960]  }
0x197: {  	v48 =	vmul.f32 v40, v24;
	v28 =	vadd.f32 v44, v43;
	v50 =	vld [tilespmem:s23+$0x6D20]  }
0x198: {  	v30 =	vadd.f32 v46, v45;
	v52 =	vld [tilespmem:s23+$0x6D60]  }
0x199: {  	v28 =	vadd.f32 v48, v28;
	v48 =	vld [tilespmem:s23+$0x68F0]  }
0x19a: {  	v51 =	vmul.f32 v42, v23;
	v45 =	vld [tilespmem:s23+$0x6CB0];
	[tilespmem:s22+$0x161C0] =	vst v30  }
0x19b: {  	v30 =	vld [tilespmem:s23+$0x6990]  }
0x19c: {  	v28 =	vadd.f32 v51, v28;
	v53 =	vld [tilespmem:s23+$0x69D0]  }
0x19d: {  	v54 =	vld [tilespmem:s23+$0x6D90]  }
0x19e: {  	v56 =	vld [tilespmem:s23+$0x6DD0];
	[tilespmem:s22+$0x16210] =	vst v28  }
0x19f: {  	v28 =	vld [tilespmem:s23+$0x6220]  }
0x1a0: {  	v55 =	vld [tilespmem:s23+$0x6260]  }
0x1a1: {  	v39 =	vld [tilespmem:s23+$0x6620]  }
0x1a2: {  	v35 =	vmul.f32 v47, v14;
	v58 =	vld [tilespmem:s23+$0x6660]  }
0x1a3: {  	v34 =	vmul.f32 v49, v15;
	v36 =	vmul.f32 v52, v13;
	v52 =	vld [tilespmem:s23+$0x6280]  }
0x1a4: {  	v33 =	vmul.f32 v53, v19;
	v53 =	vld [tilespmem:s23+$0x62C0]  }
0x1a5: {  	v31 =	vmul.f32 v50, v16;
	v34 =	vadd.f32 v34, v35;
	v57 =	vmul.f32 v54, v20;
	v54 =	vld [tilespmem:s23+$0x6680]  }
0x1a6: {  	v30 =	vmul.f32 v30, v17;
	v59 =	vmul.f32 v56, v18;
	v56 =	vld [tilespmem:s23+$0x6300]  }
0x1a7: {  	v31 =	vadd.f32 v31, v34;
	v34 =	vld [tilespmem:s23+$0x6CF0]  }
0x1a8: {  	v30 =	vadd.f32 v33, v30;
	v33 =	vld [tilespmem:s22+$0x22A0]  }
0x1a9: {  	v35 =	vmul.f32 v55, v22;
	v55 =	vld [tilespmem:s23+$0x66C0]  }
0x1aa: {  	v60 =	vmul.f32 v39, v24;
	v39 =	vld [tilespmem:s22+$0x2310]  }
0x1ab: {  	v61 =	vmul.f32 v58, v23;
	v58 =	vld [tilespmem:s23+$0x6700]  }
0x1ac: {  	v31 =	vadd.f32 v36, v31;
	v36 =	vld [tilespmem:s22+$0x2280]  }
0x1ad: {  	v30 =	vadd.f32 v57, v30;
	v57 =	vld [tilespmem:s23+$0x6340]  }
0x1ae: {  	v28 =	vmul.f32 v28, v21;
	[tilespmem:s22+$0x16160] =	vst v31;
	v31 =	vld [tilespmem:s22+$0x2320]  }
0x1af: {  	v46 =	vld [tilespmem:s23+$0x6930]  }
0x1b0: {  	v28 =	vadd.f32 v35, v28;
	v47 =	vld [tilespmem:s23+$0x6970]  }
0x1b1: {  	v40 =	vld [tilespmem:s23+$0x6D30]  }
0x1b2: {  	v30 =	vadd.f32 v59, v30;
	v28 =	vadd.f32 v60, v28;
	v35 =	vld [tilespmem:s23+$0x6D70]  }
0x1b3: {  	v59 =	vld [tilespmem:s23+$0x6740]  }
0x1b4: {  	[tilespmem:s22+$0x161D0] =	vst v30;
	v28 =	vadd.f32 v61, v28;
	v30 =	vld [tilespmem:s22+$0x2330]  }
0x1b5: {  	v49 =	vld [tilespmem:s23+$0x69A0]  }
0x1b6: {  	v50 =	vld [tilespmem:s23+$0x69E0];
	[tilespmem:s22+$0x16220] =	vst v28  }
0x1b7: {  	v41 =	vld [tilespmem:s23+$0x6230]  }
0x1b8: {  	v42 =	vld [tilespmem:s23+$0x6270]  }
0x1b9: {  	v51 =	vld [tilespmem:s23+$0x6DA0]  }
0x1ba: {  	v53 =	vmul.f32 v53, v37;
	v52 =	vmul.f32 v52, v36;
	v43 =	vld [tilespmem:s23+$0x6630]  }
0x1bb: {  	v28 =	vld [tilespmem:s22+$0x22B0]  }
0x1bc: {  	v52 =	vadd.f32 v53, v52;
	v53 =	vmul.f32 v54, v33;
	v44 =	vld [tilespmem:s23+$0x6670]  }
0x1bd: {  	v54 =	vld [tilespmem:s23+$0x63C0];
	v60 =	vmul.f32 v41, v21;
	v61 =	vmul.f32 v42, v22  }
0x1be: {  	v52 =	vadd.f32 v53, v52;
	v41 =	vld [tilespmem:s22+$0x2380]  }
0x1bf: {  	v53 =	vmul.f32 v56, v38;
	v42 =	vld [tilespmem:s22+$0x2390];
	v43 =	vmul.f32 v43, v24;
	v60 =	vadd.f32 v61, v60  }
0x1c0: {  	v56 =	vmul.f32 v57, v39;
	v55 =	vmul.f32 v55, v28;
	v61 =	vld [tilespmem:s23+$0x6380]  }
0x1c1: {  	v57 =	vld [tilespmem:s23+$0x6780];
	v43 =	vadd.f32 v43, v60;
	v60 =	vmul.f32 v44, v23  }
0x1c2: {  	v53 =	vadd.f32 v56, v53;
	v52 =	vadd.f32 v55, v52;
	v55 =	vmul.f32 v58, v31;
	v44 =	vld [tilespmem:s22+$0x23A0]  }
0x1c3: {  	v56 =	vld [tilespmem:s23+$0x67C0];
	v60 =	vadd.f32 v60, v43  }
0x1c4: {  	[tilespmem:s22+$0x16280] =	vst v52;
	v52 =	vadd.f32 v55, v53;
	v53 =	vmul.f32 v59, v30;
	v43 =	vld [tilespmem:s22+$0x23B0]  }
0x1c5: {  	v58 =	vld [tilespmem:s23+$0x6DE0];
	v54 =	vmul.f32 v54, v42;
	[tilespmem:s22+$0x16230] =	vst v60;
	v60 =	vmul.f32 v61, v41  }
0x1c6: {  	v62 =	vld [tilespmem:s23+$0x6290];
	v52 =	vadd.f32 v53, v52  }
0x1c7: {  	v63 =	vld [tilespmem:s23+$0x62D0];
	v57 =	vmul.f32 v57, v44;
	v54 =	vadd.f32 v54, v60  }
0x1c8: {  	v53 =	vld [tilespmem:s23+$0x6690];
	[tilespmem:s22+$0x16300] =	vst v52  }
0x1c9: {  	v52 =	vld [tilespmem:s23+$0x6310];
	v56 =	vmul.f32 v56, v43;
	v54 =	vadd.f32 v57, v54  }
0x1ca: {  	v61 =	vld [tilespmem:s23+$0x6A00]  }
0x1cb: {  	v57 =	vld [tilespmem:s23+$0x66D0];
	v54 =	vadd.f32 v56, v54  }
0x1cc: {  	v56 =	vld [tilespmem:s23+$0x6350]  }
0x1cd: {  	v55 =	vmul.f32 v62, v36;
	v59 =	vmul.f32 v63, v37;
	v60 =	vld [tilespmem:s23+$0x6710];
	[tilespmem:s22+$0x16380] =	vst v54  }
0x1ce: {  	v54 =	vld [tilespmem:s23+$0x6390]  }
0x1cf: {  	v53 =	vmul.f32 v53, v33;
	v55 =	vadd.f32 v59, v55;
	v59 =	vld [tilespmem:s23+$0x63D0]  }
0x1d0: {  	v62 =	vld [tilespmem:s23+$0x6750];
	v52 =	vmul.f32 v52, v38  }
0x1d1: {  	v53 =	vadd.f32 v53, v55;
	v57 =	vmul.f32 v57, v28;
	v55 =	vmul.f32 v56, v39;
	v56 =	vld [tilespmem:s23+$0x6790]  }
0x1d2: {  	v63 =	vld [tilespmem:s23+$0x6A40]  }
0x1d3: {  	v53 =	vadd.f32 v57, v53;
	v57 =	vld [tilespmem:s23+$0x67D0];
	v52 =	vadd.f32 v55, v52;
	v55 =	vmul.f32 v60, v31  }
0x1d4: {  	v60 =	vld [tilespmem:s23+$0x6E00];
	v54 =	vmul.f32 v54, v41;
	v59 =	vmul.f32 v59, v42  }
0x1d5: {  	v49 =	vmul.f32 v49, v17;
	[tilespmem:s22+$0x16290] =	vst v53;
	v53 =	vld [tilespmem:s23+$0x6E40];
	v52 =	vadd.f32 v55, v52;
	v55 =	vmul.f32 v62, v30  }
0x1d6: {  	v50 =	vmul.f32 v50, v19;
	v62 =	vld [tilespmem:s23+$0x62A0];
	v54 =	vadd.f32 v59, v54;
	v56 =	vmul.f32 v56, v44  }
0x1d7: {  	v59 =	vld [tilespmem:s23+$0x62E0];
	v52 =	vadd.f32 v55, v52  }
0x1d8: {  	v49 =	vadd.f32 v50, v49;
	v50 =	vld [tilespmem:s23+$0x66E0];
	v54 =	vadd.f32 v56, v54;
	v56 =	vmul.f32 v57, v43  }
0x1d9: {  	v55 =	vld [tilespmem:s23+$0x66A0];
	[tilespmem:s22+$0x16310] =	vst v52  }
0x1da: {  	v51 =	vmul.f32 v51, v20;
	v52 =	vmul.f32 v58, v18;
	v57 =	vld [tilespmem:s23+$0x6320];
	v54 =	vadd.f32 v56, v54  }
0x1db: {  	v58 =	vmul.f32 v63, v22;
	v56 =	vmul.f32 v61, v21;
	v61 =	vld [tilespmem:s23+$0x6360]  }
0x1dc: {  	v49 =	vadd.f32 v51, v49;
	v51 =	vmul.f32 v62, v36;
	v62 =	vld [tilespmem:s23+$0x6720];
	v59 =	vmul.f32 v59, v37;
	[tilespmem:s22+$0x16390] =	vst v54  }
0x1dd: {  	v60 =	vmul.f32 v60, v24;
	v54 =	vadd.f32 v58, v56;
	v58 =	vld [tilespmem:s23+$0x63A0]  }
0x1de: {  	v49 =	vadd.f32 v52, v49;
	v63 =	vmul.f32 v55, v33;
	v51 =	vadd.f32 v59, v51;
	v55 =	vld [tilespmem:s23+$0x63E0]  }
0x1df: {  	v53 =	vmul.f32 v53, v23;
	v50 =	vmul.f32 v50, v28;
	v56 =	vld [tilespmem:s23+$0x6760];
	v54 =	vadd.f32 v60, v54  }
0x1e0: {  	[tilespmem:s22+$0x161E0] =	vst v49;
	v59 =	vld [tilespmem:s23+$0x67A0];
	v51 =	vadd.f32 v63, v51;
	v60 =	vmul.f32 v57, v38;
	v61 =	vmul.f32 v61, v39  }
0x1e1: {  	v49 =	vld [tilespmem:s23+$0x69B0];
	v53 =	vadd.f32 v53, v54  }
0x1e2: {  	v62 =	vmul.f32 v62, v31;
	v57 =	vld [tilespmem:s23+$0x67E0];
	v51 =	vadd.f32 v50, v51;
	v52 =	vadd.f32 v61, v60  }
0x1e3: {  	v50 =	vld [tilespmem:s23+$0x69F0];
	[tilespmem:s22+$0x16240] =	vst v53;
	v63 =	vmul.f32 v58, v41;
	v55 =	vmul.f32 v55, v42  }
0x1e4: {  	v61 =	vmul.f32 v56, v30;
	v58 =	vld [tilespmem:s23+$0x6A10];
	[tilespmem:s22+$0x162A0] =	vst v51;
	v60 =	vadd.f32 v62, v52  }
0x1e5: {  	v62 =	vmul.f32 v59, v44;
	v54 =	vld [tilespmem:s23+$0x62B0];
	v53 =	vadd.f32 v55, v63  }
0x1e6: {  	v63 =	vld [tilespmem:s23+$0x62F0];
	v51 =	vadd.f32 v61, v60  }
0x1e7: {  	v60 =	vld [tilespmem:s23+$0x66B0];
	v61 =	vmul.f32 v57, v43;
	v53 =	vadd.f32 v62, v53  }
0x1e8: {  	v62 =	vld [tilespmem:s23+$0x66F0];
	[tilespmem:s22+$0x16320] =	vst v51  }
0x1e9: {  	v51 =	vld [tilespmem:s23+$0x6330];
	v53 =	vadd.f32 v61, v53  }
0x1ea: {  	v55 =	vld [tilespmem:s23+$0x6370]  }
0x1eb: {  	v59 =	vld [tilespmem:s23+$0x6730];
	v54 =	vmul.f32 v54, v36;
	v56 =	vmul.f32 v63, v37;
	[tilespmem:s22+$0x163A0] =	vst v53  }
0x1ec: {  	v53 =	vld [tilespmem:s23+$0x63B0]  }
0x1ed: {  	v52 =	vmul.f32 v60, v33;
	v54 =	vadd.f32 v56, v54;
	v56 =	vld [tilespmem:s23+$0x63F0]  }
0x1ee: {  	v60 =	vld [tilespmem:s23+$0x6770];
	v57 =	vmul.f32 v62, v28  }
0x1ef: {  	v52 =	vadd.f32 v52, v54;
	v51 =	vmul.f32 v51, v38;
	v54 =	vmul.f32 v55, v39;
	v55 =	vld [tilespmem:s23+$0x67B0]  }
0x1f0: {  	v61 =	vld [tilespmem:s23+$0x6A50]  }
0x1f1: {  	v52 =	vadd.f32 v57, v52;
	v51 =	vadd.f32 v54, v51;
	v54 =	vmul.f32 v59, v31;
	v57 =	vld [tilespmem:s23+$0x67F0]  }
0x1f2: {  	v62 =	vld [tilespmem:s23+$0x6E50];
	v53 =	vmul.f32 v53, v41;
	v56 =	vmul.f32 v56, v42  }
0x1f3: {  	v59 =	vld [tilespmem:s23+$0x6E10];
	v63 =	vmul.f32 v60, v30;
	[tilespmem:s22+$0x162B0] =	vst v52;
	v51 =	vadd.f32 v54, v51  }
0x1f4: {  	v54 =	vld [tilespmem:s23+$0x6A80];
	v53 =	vadd.f32 v56, v53;
	v55 =	vmul.f32 v55, v44  }
0x1f5: {  	v56 =	vld [tilespmem:s23+$0x6AC0];
	v51 =	vadd.f32 v63, v51  }
0x1f6: {  	v52 =	vld [tilespmem:s23+$0x6E80];
	v53 =	vadd.f32 v55, v53;
	v60 =	vmul.f32 v57, v43  }
0x1f7: {  	v57 =	vld [tilespmem:s23+$0x6EC0];
	[tilespmem:s22+$0x16330] =	vst v51  }
0x1f8: {  	v51 =	vld [tilespmem:s23+$0x6B00];
	v53 =	vadd.f32 v60, v53  }
0x1f9: {  	v55 =	vmul.f32 v58, v21;
	v58 =	vmul.f32 v61, v22;
	v60 =	vld [tilespmem:s23+$0x6B40]  }
0x1fa: {  	v61 =	vld [tilespmem:s23+$0x6F00];
	v54 =	vmul.f32 v54, v36;
	v56 =	vmul.f32 v56, v37;
	[tilespmem:s22+$0x163B0] =	vst v53  }
0x1fb: {  	v63 =	vmul.f32 v59, v24;
	v53 =	vadd.f32 v58, v55;
	v58 =	vld [tilespmem:s23+$0x6B80]  }
0x1fc: {  	v52 =	vmul.f32 v52, v33;
	v54 =	vadd.f32 v56, v54;
	v56 =	vld [tilespmem:s23+$0x6BC0]  }
0x1fd: {  	v59 =	vld [tilespmem:s23+$0x6F40];
	v55 =	vmul.f32 v62, v23;
	v57 =	vmul.f32 v57, v28;
	v53 =	vadd.f32 v63, v53  }
0x1fe: {  	v62 =	vld [tilespmem:s23+$0x6F80];
	v54 =	vadd.f32 v52, v54;
	v51 =	vmul.f32 v51, v38;
	v60 =	vmul.f32 v60, v39  }
0x1ff: {  	v52 =	vld [tilespmem:s23+$0x6DB0];
	v53 =	vadd.f32 v55, v53  }
0x200: {  	v54 =	vadd.f32 v57, v54;
	v55 =	vadd.f32 v60, v51;
	v57 =	vmul.f32 v61, v31;
	v60 =	vld [tilespmem:s23+$0x6FC0]  }
0x201: {  	v51 =	vld [tilespmem:s23+$0x6DF0];
	[tilespmem:s22+$0x16250] =	vst v53;
	v61 =	vmul.f32 v58, v41;
	v56 =	vmul.f32 v56, v42  }
0x202: {  	v63 =	vmul.f32 v59, v30;
	v58 =	vld [tilespmem:s23+$0x6A20];
	[tilespmem:s22+$0x162C0] =	vst v54;
	v54 =	vadd.f32 v57, v55  }
0x203: {  	v57 =	vld [tilespmem:s23+$0x6A90];
	v53 =	vadd.f32 v56, v61;
	v61 =	vmul.f32 v62, v44  }
0x204: {  	v59 =	vld [tilespmem:s23+$0x6AD0];
	v54 =	vadd.f32 v63, v54  }
0x205: {  	v55 =	vld [tilespmem:s23+$0x6E90];
	v53 =	vadd.f32 v61, v53;
	v56 =	vmul.f32 v60, v43  }
0x206: {  	v60 =	vld [tilespmem:s23+$0x6ED0];
	[tilespmem:s22+$0x16340] =	vst v54  }
0x207: {  	v54 =	vld [tilespmem:s23+$0x6B10];
	v53 =	vadd.f32 v56, v53  }
0x208: {  	v56 =	vld [tilespmem:s23+$0x6B50]  }
0x209: {  	v61 =	vld [tilespmem:s23+$0x6F10];
	v57 =	vmul.f32 v57, v36;
	v59 =	vmul.f32 v59, v37;
	[tilespmem:s22+$0x163C0] =	vst v53  }
0x20a: {  	v53 =	vld [tilespmem:s23+$0x6B90]  }
0x20b: {  	v55 =	vmul.f32 v55, v33;
	v57 =	vadd.f32 v59, v57;
	v59 =	vld [tilespmem:s23+$0x6BD0]  }
0x20c: {  	v62 =	vld [tilespmem:s23+$0x6F50];
	v60 =	vmul.f32 v60, v28  }
0x20d: {  	v55 =	vadd.f32 v55, v57;
	v54 =	vmul.f32 v54, v38;
	v56 =	vmul.f32 v56, v39;
	v57 =	vld [tilespmem:s23+$0x6F90]  }
0x20e: {  	v63 =	vld [tilespmem:s23+$0x6A60]  }
0x20f: {  	v55 =	vadd.f32 v60, v55;
	v54 =	vadd.f32 v56, v54;
	v56 =	vmul.f32 v61, v31;
	v60 =	vld [tilespmem:s23+$0x6FD0]  }
0x210: {  	v61 =	vld [tilespmem:s23+$0x6E20];
	v53 =	vmul.f32 v53, v41;
	v59 =	vmul.f32 v59, v42  }
0x211: {  	v62 =	vmul.f32 v62, v30;
	[tilespmem:s22+$0x162D0] =	vst v55;
	v54 =	vadd.f32 v56, v54;
	v55 =	vld [tilespmem:s23+$0x6E60]  }
0x212: {  	v53 =	vadd.f32 v59, v53;
	v59 =	vld [tilespmem:s23+$0x6AA0];
	v57 =	vmul.f32 v57, v44  }
0x213: {  	v58 =	vmul.f32 v58, v21;
	v56 =	vld [tilespmem:s23+$0x6AE0];
	v54 =	vadd.f32 v62, v54  }
0x214: {  	v62 =	vmul.f32 v63, v22;
	v53 =	vadd.f32 v57, v53;
	v57 =	vld [tilespmem:s23+$0x6EA0];
	v60 =	vmul.f32 v60, v43  }
0x215: {  	[tilespmem:s22+$0x16350] =	vst v54;
	v54 =	vld [tilespmem:s23+$0x6EE0]  }
0x216: {  	v61 =	vmul.f32 v61, v24;
	v58 =	vadd.f32 v62, v58;
	v62 =	vld [tilespmem:s23+$0x6B20];
	v53 =	vadd.f32 v60, v53  }
0x217: {  	v60 =	vld [tilespmem:s23+$0x6B60]  }
0x218: {  	v55 =	vmul.f32 v55, v23;
	v58 =	vadd.f32 v61, v58;
	v61 =	vld [tilespmem:s23+$0x6F20];
	[tilespmem:s22+$0x163D0] =	vst v53  }
0x219: {  	v63 =	vmul.f32 v59, v36;
	v56 =	vmul.f32 v56, v37;
	v59 =	vld [tilespmem:s23+$0x6BA0]  }
0x21a: {  	v7 =	vmul.f32 v25, v7;
	v8 =	vmul.f32 v26, v8;
	v58 =	vadd.f32 v55, v58;
	v26 =	vld [tilespmem:s23+$0x6BE0]  }
0x21b: {  	v9 =	vmul.f32 v32, v9;
	v32 =	vadd.f32 v56, v63;
	v53 =	vmul.f32 v57, v33;
	v55 =	vld [tilespmem:s23+$0x6F60]  }
0x21c: {  	v7 =	vadd.f32 v8, v7;
	[tilespmem:s22+$0x16260] =	vst v58;
	v62 =	vmul.f32 v62, v38;
	v63 =	vmul.f32 v60, v39;
	v60 =	vld [tilespmem:s23+$0x6FA0]  }
0x21d: {  	v5 =	vmul.f32 v27, v5;
	v54 =	vmul.f32 v54, v28;
	v32 =	vadd.f32 v53, v32;
	v53 =	vld [tilespmem:s23+$0x6A30]  }
0x21e: {  	v7 =	vadd.f32 v9, v7;
	v61 =	vmul.f32 v61, v31;
	v8 =	vadd.f32 v63, v62;
	v62 =	vld [tilespmem:s23+$0x6FE0]  }
0x21f: {  	v9 =	vld [tilespmem:s23+$0x6E30];
	v32 =	vadd.f32 v54, v32;
	v63 =	vmul.f32 v59, v41;
	v26 =	vmul.f32 v26, v42  }
0x220: {  	v11 =	vmul.f32 v29, v11;
	v29 =	vld [tilespmem:s23+$0x6E70];
	v55 =	vmul.f32 v55, v30  }
0x221: {  	v54 =	vld [tilespmem:s23+$0x6A70];
	v8 =	vadd.f32 v61, v8;
	[tilespmem:s22+$0x162E0] =	vst v32;
	v26 =	vadd.f32 v26, v63;
	v56 =	vmul.f32 v60, v44  }
0x222: {  	v5 =	vadd.f32 v5, v7;
	v12 =	vmul.f32 v48, v12;
	v10 =	vmul.f32 v45, v10;
	v57 =	vld [tilespmem:s23+$0x6AB0]  }
0x223: {  	v58 =	vld [tilespmem:s23+$0x6AF0];
	v8 =	vadd.f32 v55, v8;
	v26 =	vadd.f32 v56, v26;
	v25 =	vmul.f32 v62, v43  }
0x224: {  	v11 =	vadd.f32 v12, v11;
	v6 =	vmul.f32 v34, v6;
	v17 =	vmul.f32 v49, v17;
	v61 =	vld [tilespmem:s23+$0x6EB0]  }
0x225: {  	v19 =	vmul.f32 v50, v19;
	v34 =	vmul.f32 v52, v20;
	v63 =	vld [tilespmem:s23+$0x6EF0];
	[tilespmem:s22+$0x16360] =	vst v8;
	v62 =	vadd.f32 v25, v26  }
0x226: {  	v10 =	vadd.f32 v10, v11;
	v48 =	vmul.f32 v51, v18;
	v59 =	vmul.f32 v46, v14;
	v32 =	vld [tilespmem:s23+$0x6B30]  }
0x227: {  	v7 =	vadd.f32 v19, v17;
	v46 =	vmul.f32 v35, v13;
	v26 =	vmul.f32 v40, v16;
	v40 =	vld [tilespmem:s23+$0x6B70];
	[tilespmem:s22+$0x163E0] =	vst v62  }
0x228: {  	v6 =	vadd.f32 v6, v10;
	v60 =	vmul.f32 v47, v15;
	v49 =	vmul.f32 v53, v21;
	v47 =	vld [tilespmem:s23+$0x6BB0]  }
0x229: {  	v7 =	vadd.f32 v34, v7;
	v9 =	vmul.f32 v9, v24;
	v55 =	vmul.f32 v29, v23;
	v50 =	vld [tilespmem:s23+$0x6BF0]  }
0x22a: {  	v11 =	vadd.f32 v60, v59;
	v51 =	vmul.f32 v54, v22;
	v52 =	vld [tilespmem:s23+$0x6F30];
	v12 =	vmul.f32 v57, v36  }
0x22b: {  	v7 =	vadd.f32 v48, v7;
	v53 =	vmul.f32 v58, v37;
	v15 =	vmul.f32 v61, v33;
	v54 =	vld [tilespmem:s23+$0x6FB0]  }
0x22c: {  	[tilespmem:s22+$0x160F0] =	vst v6;
	v56 =	vld [tilespmem:s23+$0x6F70];
	v6 =	vmul.f32 v63, v28;
	v45 =	vadd.f32 v26, v11;
	v11 =	vadd.f32 v51, v49  }
0x22d: {  	v12 =	vadd.f32 v53, v12;
	v58 =	vld [tilespmem:s23+$0x6FF0];
	v57 =	vmul.f32 v32, v38;
	v8 =	vmul.f32 v40, v39  }
0x22e: {  	v10 =	vadd.f32 v46, v45;
	v59 =	vmul.f32 v47, v41;
	v60 =	vmul.f32 v50, v42  }
0x22f: {  	v9 =	vadd.f32 v9, v11;
	v61 =	vmul.f32 v52, v31;
	v8 =	vadd.f32 v8, v57  }
0x230: {  	[tilespmem:s22+$0x16070] =	vst v5;
	v5 =	vadd.f32 v15, v12;
	v62 =	vmul.f32 v54, v44;
	v11 =	vadd.f32 v60, v59  }
0x231: {  	p0 =	slt.u32 s21, $0x38;
	[tilespmem:s22+$0x161F0] =	vst v7;
	v63 =	vmul.f32 v56, v30;
	v9 =	vadd.f32 v55, v9;
	v8 =	vadd.f32 v61, v8  }
.Ltmp2:
0x232: {  	[tilespmem:s22+$0x16170] =	vst v10;
	v5 =	vadd.f32 v6, v5;
	v7 =	vmul.f32 v58, v43;
	v6 =	vadd.f32 v62, v11;
	(pc) =	sbr.rel @p0 .LBB2_7-.Ltmp2, $4  }
0x233: {  	[tilespmem:s22+$0x16270] =	vst v9;
	v8 =	vadd.f32 v63, v8  }
0x234: {  	[tilespmem:s22+$0x162F0] =	vst v5;
	v5 =	vadd.f32 v7, v6  }
0x235: {  	s23 =	sadd.s32 $0x8, s21;
	[tilespmem:s22+$0x16370] =	vst v8  }
0x236: {  	s21 =	smov.u32 s23;
	[tilespmem:s22+$0x163F0] =	vst v5  }
0x237: {  	[spmem:s1] =	stream.indirect.scatter.add.f32 [tilespmem:s15], [sflag:$0x7], $0x80, s20, s19, $0xb8;
	[tilespmem:$0x1E180] =	vst v63  }
0x238: {  	p0 =	seq.s32 s29, $0xF  }
0x239: {  	s21 =	sadd.s32 @!p0 $0x80, s18  }
0x23a: {  	s20 =	sadd.s32 @!p0 s7, s21  }
0x23b: {  	s20 =	sshll.u32 @!p0 s20, $0x4  }
0x23c: {  	s23 =	simm.s32 @!p0 $0x2000;
	s22 =	sadd.s32 @!p0 s4, s20;
	s20 =	simm.s32 @!p0 $0x0  }
0x23d: {  	[tilespmem:s23], [sflag:$0x3] =	stream.linear.gather @!p0 [hbm4b:s22+s20], $0x2000, $0x38;
	[tilespmem:$0x1E180] =	vst v63  }
0x23e: {  	s22 =	simm.s32 @!p0 $0x40;
	s23 =	simm.s32 @!p0 $0x1A000  }
0x23f: {  	[tilespmem:s23], [sflag:$0x5] =	stream.indirect.gather @!p0 [hbm4b:s6+s22], $0x1, s21, s22, $0xb8;
	[tilespmem:$0x1E180] =	vst v63  }
0x240: {  	v5 =	vld @!p0 [tilespmem:s18+$0x880];
	_ =	sdelay $0x4  }
0x241: {  	v6 =	vshll.u32 @!p0 v5, $0x2  }
0x242: {  	v7 =	vlaneseq.u32 @!p0;
	v5 =	vand.u32 @!p0 $0x7, v5;
	v6 =	vand.u32 @!p0 $0xFFFFFFE0, v6  }
0x243: {  	v8 =	vshrl.u32 @!p0 v7, $0x3;
	v5 =	vor.u32 @!p0 v5, v6;
	v6 =	vand.u32 @!p0 $0x7, v7  }
0x244: {  	v8 =	vmul.u32 @!p0 $0x8, v8;
	v9 =	vperm.xlane @!p0 v5, v6;
	_ =	sdelay $0x1  }
0x245: {  	v9 =	vadd.s32 @!p0 v8, v9  }
0x246: {  	v7 =	vor.u32 @!p0 $0x8, v7  }
0x247: {  	v5 =	vperm.xlane @!p0 v5, v7;
	_ =	sdelay $0x1  }
0x248: {  	vm1 =	vmmov @!p0 $0xffff;
	s21 =	simm.s32 @!p0 $0x6000;
	v5 =	vadd.s32 @!p0 v8, v5  }
0x249: {  	[tilespmem:s21], [sflag:$0x1] =	stream.indirect_vreg.gather @!p0 [hbm4b:s5+s20], $0x80, v9, vm1, $0xb8;
	[tilespmem:$0x1E180] =	vst v63  }
0x24a: {  	s21 =	simm.s32 @!p0 $0x6800  }
0x24b: {  	[tilespmem:s21], [sflag:$0x1] =	stream.indirect_vreg.gather @!p0 [hbm4b:s12+s20], $0x80, v9, vm1, $0xb8;
	[tilespmem:$0x1E180] =	vst v63  }
0x24c: {  	s21 =	simm.s32 @!p0 $0x7000  }
0x24d: {  	[tilespmem:s21], [sflag:$0x1] =	stream.indirect_vreg.gather @!p0 [hbm4b:s5+s20], $0x80, v5, vm1, $0xb8;
	[tilespmem:$0x1E180] =	vst v63  }
0x24e: {  	s21 =	simm.s32 @!p0 $0x7800  }
0x24f: {  	[tilespmem:s21], [sflag:$0x1] =	stream.indirect_vreg.gather @!p0 [hbm4b:s12+s20], $0x80, v5, vm1, $0xb8;
	[tilespmem:$0x1E180] =	vst v63  }
0x250: {  	v5 =	vld @!p0 [tilespmem:s18+$0x890];
	_ =	sdelay $0x4  }
0x251: {  	v9 =	vshll.u32 @!p0 v5, $0x2  }
0x252: {  	v5 =	vand.u32 @!p0 $0x7, v5;
	v9 =	vand.u32 @!p0 $0xFFFFFFE0, v9  }
0x253: {  	v5 =	vor.u32 @!p0 v5, v9  }
0x254: {  	v9 =	vperm.xlane @!p0 v5, v6;
	_ =	sdelay $0x1  }
0x255: {  	v9 =	vadd.s32 @!p0 v8, v9;
	_ =	sdelay $0x1  }
0x256: {  	v5 =	vperm.xlane @!p0 v5, v7;
	_ =	sdelay $0x1  }
0x257: {  	s21 =	simm.s32 @!p0 $0x8000;
	v5 =	vadd.s32 @!p0 v8, v5  }
0x258: {  	[tilespmem:s21], [sflag:$0x1] =	stream.indirect_vreg.gather @!p0 [hbm4b:s5+s20], $0x80, v9, vm1, $0xb8;
	[tilespmem:$0x1E180] =	vst v63  }
0x259: {  	s21 =	simm.s32 @!p0 $0x8800  }
0x25a: {  	[tilespmem:s21], [sflag:$0x1] =	stream.indirect_vreg.gather @!p0 [hbm4b:s12+s20], $0x80, v9, vm1, $0xb8;
	[tilespmem:$0x1E180] =	vst v63  }
0x25b: {  	s21 =	simm.s32 @!p0 $0x9000  }
0x25c: {  	[tilespmem:s21], [sflag:$0x1] =	stream.indirect_vreg.gather @!p0 [hbm4b:s5+s20], $0x80, v5, vm1, $0xb8;
	[tilespmem:$0x1E180] =	vst v63  }
0x25d: {  	s21 =	simm.s32 @!p0 $0x9800  }
0x25e: {  	[tilespmem:s21], [sflag:$0x1] =	stream.indirect_vreg.gather @!p0 [hbm4b:s12+s20], $0x80, v5, vm1, $0xb8;
	[tilespmem:$0x1E180] =	vst v63  }
0x25f: {  	v5 =	vld @!p0 [tilespmem:s18+$0x8A0];
	_ =	sdelay $0x4  }
0x260: {  	v9 =	vshll.u32 @!p0 v5, $0x2  }
0x261: {  	v5 =	vand.u32 @!p0 $0x7, v5;
	v9 =	vand.u32 @!p0 $0xFFFFFFE0, v9  }
0x262: {  	v5 =	vor.u32 @!p0 v5, v9  }
0x263: {  	v9 =	vperm.xlane @!p0 v5, v6;
	_ =	sdelay $0x1  }
0x264: {  	v9 =	vadd.s32 @!p0 v8, v9;
	_ =	sdelay $0x1  }
0x265: {  	v5 =	vperm.xlane @!p0 v5, v7;
	_ =	sdelay $0x1  }
0x266: {  	s21 =	simm.s32 @!p0 $0xA000;
	v5 =	vadd.s32 @!p0 v8, v5  }
0x267: {  	[tilespmem:s21], [sflag:$0x1] =	stream.indirect_vreg.gather @!p0 [hbm4b:s5+s20], $0x80, v9, vm1, $0xb8;
	[tilespmem:$0x1E180] =	vst v63  }
0x268: {  	s21 =	simm.s32 @!p0 $0xA800  }
0x269: {  	[tilespmem:s21], [sflag:$0x1] =	stream.indirect_vreg.gather @!p0 [hbm4b:s12+s20], $0x80, v9, vm1, $0xb8;
	[tilespmem:$0x1E180] =	vst v63  }
0x26a: {  	s21 =	simm.s32 @!p0 $0xB000  }
0x26b: {  	[tilespmem:s21], [sflag:$0x1] =	stream.indirect_vreg.gather @!p0 [hbm4b:s5+s20], $0x80, v5, vm1, $0xb8;
	[tilespmem:$0x1E180] =	vst v63  }
0x26c: {  	s21 =	simm.s32 @!p0 $0xB800  }
0x26d: {  	[tilespmem:s21], [sflag:$0x1] =	stream.indirect_vreg.gather @!p0 [hbm4b:s12+s20], $0x80, v5, vm1, $0xb8;
	[tilespmem:$0x1E180] =	vst v63  }
0x26e: {  	v5 =	vld @!p0 [tilespmem:s18+$0x8B0];
	_ =	sdelay $0x4  }
0x26f: {  	v9 =	vshll.u32 @!p0 v5, $0x2  }
0x270: {  	v5 =	vand.u32 @!p0 $0x7, v5;
	v9 =	vand.u32 @!p0 $0xFFFFFFE0, v9  }
0x271: {  	v5 =	vor.u32 @!p0 v5, v9  }
0x272: {  	v6 =	vperm.xlane @!p0 v5, v6;
	_ =	sdelay $0x1  }
0x273: {  	v6 =	vadd.s32 @!p0 v8, v6;
	_ =	sdelay $0x1  }
0x274: {  	v5 =	vperm.xlane @!p0 v5, v7;
	_ =	sdelay $0x1  }
0x275: {  	s18 =	simm.s32 @!p0 $0xC000;
	v5 =	vadd.s32 @!p0 v8, v5  }
0x276: {  	[tilespmem:s18], [sflag:$0x1] =	stream.indirect_vreg.gather @!p0 [hbm4b:s5+s20], $0x80, v6, vm1, $0xb8;
	[tilespmem:$0x1E180] =	vst v63  }
0x277: {  	s18 =	simm.s32 @!p0 $0xC800  }
0x278: {  	[tilespmem:s18], [sflag:$0x1] =	stream.indirect_vreg.gather @!p0 [hbm4b:s12+s20], $0x80, v6, vm1, $0xb8;
	[tilespmem:$0x1E180] =	vst v63  }
0x279: {  	s18 =	simm.s32 @!p0 $0xD000  }
0x27a: {  	[tilespmem:s18], [sflag:$0x1] =	stream.indirect_vreg.gather @!p0 [hbm4b:s5+s20], $0x80, v5, vm1, $0xb8;
	[tilespmem:$0x1E180] =	vst v63  }
0x27b: {  	p1 =	seq.s32 @!p0 s29, $0x0;
	s18 =	simm.s32 @!p0 $0xD800  }
0x27c: {  	[tilespmem:s18], [sflag:$0x1] =	stream.indirect_vreg.gather @!p0 [hbm4b:s12+s20], $0x80, v5, vm1, $0xb8;
	[tilespmem:$0x1E180] =	vst v63  }
0x27d: {  	p0 =	por p0, !p1  }
0x27e: {  	_ =	swait.ge @p0 [sflag:s28], $0x2000  }
0x27f: {  	[sflag:s28] =	ssyncset.done @p0 $0x0  }
0x280: {  	[sflag:s28] =	ssyncadd.s32 @p0 $0xFFFFE000  }
0x281: {  	_ =	swait.ge [sflag:s24], $0x8000  }
0x282: {  	[sflag:s24] =	ssyncset.done $0x0  }
0x283: {  	[sflag:s24] =	ssyncadd.s32 $0xFFFF8000  }
0x284: {  	_ =	swait.ge [sflag:s25], $0x2000  }
0x285: {  	[sflag:s25] =	ssyncset.done $0x0  }
0x286: {  	[sflag:s25] =	ssyncadd.s32 $0xFFFFE000  }
0x287: {  	_ =	swait.ge [sflag:s26], $0x40  }
0x288: {  	[sflag:s26] =	ssyncset.done $0x0  }
0x289: {  	[sflag:s26] =	ssyncadd.s32 $0xFFFFFFC0  }
0x28a: {  	v5 =	vld [tilespmem:s31+$0x0]  }
0x28b: {  	v6 =	vld [tilespmem:$0x1A080];
	_ =	sdelay $0x3  }
0x28c: {  	v7 =	vor.u32 s30, v0  }
0x28d: {  	s0 =	sshll.u32 s0, $0x7;
	v5 =	vshrl.u32 v5, $0xB;
	vm1 =	veq.s32 v6, v7  }
0x28e: {  	s18 =	sand.u32 $0x3FFFFF80, s0;
	v5 =	vnsel vm1, $0x800, v5  }
0x28f: {  	s23 =	sor.u32 $0x50, s31;
	[tilespmem:s18+$0x1000] =	vst v5  }
0x290: {  	v5 =	vld [tilespmem:s23+$0x0]  }
0x291: {  	v6 =	vld [tilespmem:$0x1A090];
	_ =	sdelay $0x2  }
0x292: {  	s20 =	sor.u32 $0x10, s30  }
0x293: {  	v7 =	vor.u32 s20, v0  }
0x294: {  	v5 =	vshrl.u32 v5, $0xB;
	vm1 =	veq.s32 v6, v7  }
0x295: {  	v5 =	vnsel vm1, $0x800, v5  }
0x296: {  	s21 =	sor.u32 $0x60, s31;
	[tilespmem:s18+$0x1010] =	vst v5  }
0x297: {  	v5 =	vld [tilespmem:s21+$0x0]  }
0x298: {  	v6 =	vld [tilespmem:$0x1A0A0];
	_ =	sdelay $0x2  }
0x299: {  	s22 =	sor.u32 $0x20, s30  }
0x29a: {  	v7 =	vor.u32 s22, v0  }
0x29b: {  	v5 =	vshrl.u32 v5, $0xB;
	vm1 =	veq.s32 v6, v7  }
0x29c: {  	v5 =	vnsel vm1, $0x800, v5  }
0x29d: {  	s23 =	sor.u32 $0x70, s31;
	[tilespmem:s18+$0x1020] =	vst v5  }
0x29e: {  	v5 =	vld [tilespmem:s23+$0x0]  }
0x29f: {  	v6 =	vld [tilespmem:$0x1A0B0];
	_ =	sdelay $0x2  }
0x2a0: {  	s31 =	sor.u32 $0x30, s30  }
0x2a1: {  	v7 =	vor.u32 s31, v0  }
0x2a2: {  	v5 =	vshrl.u32 v5, $0xB;
	vm1 =	veq.s32 v6, v7  }
0x2a3: {  	v5 =	vnsel vm1, $0x800, v5  }
0x2a4: {  	s0 =	sadd.s32 $0x1000, s18;
	[tilespmem:s18+$0x1030] =	vst v5;
	s18 =	simm.s32 $0x0  }
.LBB2_9:
0x2a5: {  	s20 =	sshll.u32 s18, $0x7  }
0x2a6: {  	s21 =	sshll.u32 s18, $0x9;
	v7 =	vld [tilespmem:s20+$0x4000]  }
0x2a7: {  	v8 =	vld [tilespmem:s20+$0x4010];
	s21 =	sand.u32 $0x3FFFFE00, s21  }
0x2a8: {  	v6 =	vld [tilespmem:s21+$0xE000]  }
0x2a9: {  	v10 =	vld [tilespmem:s21+$0xE040]  }
0x2aa: {  	v9 =	vld [tilespmem:s20+$0x4020]  }
0x2ab: {  	v11 =	vld [tilespmem:s21+$0xE400]  }
0x2ac: {  	v5 =	vld [tilespmem:s20+$0x4030]  }
0x2ad: {  	v12 =	vld [tilespmem:s21+$0xE440]  }
0x2ae: {  	v6 =	vmul.f32 v6, v7;
	v10 =	vmul.f32 v10, v8;
	_ =	sdelay $0x1  }
0x2af: {  	v16 =	vmul.f32 v11, v9;
	v6 =	vadd.f32 v10, v6;
	_ =	sdelay $0x1  }
0x2b0: {  	v17 =	vmul.f32 v12, v5;
	v6 =	vadd.f32 v16, v6;
	_ =	sdelay $0x1  }
0x2b1: {  	v6 =	vadd.f32 v17, v6;
	_ =	sdelay $0x1  }
0x2b2: {  	[tilespmem:s20+$0x18000] =	vst v6  }
0x2b3: {  	v6 =	vld [tilespmem:s21+$0xE010]  }
0x2b4: {  	v18 =	vld [tilespmem:s21+$0xE050];
	_ =	sdelay $0x1  }
0x2b5: {  	v19 =	vld [tilespmem:s21+$0xE410];
	_ =	sdelay $0x1  }
0x2b6: {  	v20 =	vld [tilespmem:s21+$0xE450]  }
0x2b7: {  	v6 =	vmul.f32 v6, v7;
	v10 =	vmul.f32 v18, v8;
	_ =	sdelay $0x1  }
0x2b8: {  	v21 =	vmul.f32 v19, v9;
	v6 =	vadd.f32 v10, v6;
	_ =	sdelay $0x1  }
0x2b9: {  	v22 =	vmul.f32 v20, v5;
	v6 =	vadd.f32 v21, v6;
	_ =	sdelay $0x1  }
0x2ba: {  	v6 =	vadd.f32 v22, v6  }
0x2bb: {  	v15 =	vld [tilespmem:s21+$0xE080]  }
0x2bc: {  	v11 =	vld [tilespmem:s20+$0x4080];
	[tilespmem:s20+$0x18010] =	vst v6  }
0x2bd: {  	v6 =	vld [tilespmem:s21+$0xE020]  }
0x2be: {  	v23 =	vld [tilespmem:s21+$0xE060]  }
0x2bf: {  	v12 =	vld [tilespmem:s20+$0x4090]  }
0x2c0: {  	v13 =	vld [tilespmem:s21+$0xE420]  }
0x2c1: {  	v16 =	vld [tilespmem:s21+$0xE0C0]  }
0x2c2: {  	v14 =	vld [tilespmem:s21+$0xE460]  }
0x2c3: {  	v18 =	vld [tilespmem:s21+$0xE480];
	v6 =	vmul.f32 v6, v7;
	v17 =	vmul.f32 v23, v8  }
0x2c4: {  	v10 =	vld [tilespmem:s20+$0x40A0]  }
0x2c5: {  	v19 =	vld [tilespmem:s21+$0xE4C0];
	v13 =	vmul.f32 v13, v9;
	v17 =	vadd.f32 v17, v6  }
0x2c6: {  	v15 =	vmul.f32 v15, v11;
	v6 =	vld [tilespmem:s20+$0x40B0]  }
0x2c7: {  	v16 =	vmul.f32 v16, v12;
	v14 =	vmul.f32 v14, v5;
	v13 =	vadd.f32 v13, v17;
	_ =	sdelay $0x1  }
0x2c8: {  	v24 =	vadd.f32 v16, v15;
	v25 =	vmul.f32 v18, v10;
	v13 =	vadd.f32 v14, v13;
	_ =	sdelay $0x1  }
0x2c9: {  	v26 =	vadd.f32 v25, v24;
	v27 =	vmul.f32 v19, v6;
	[tilespmem:s20+$0x18020] =	vst v13  }
0x2ca: {  	v28 =	vld [tilespmem:s21+$0xE030]  }
0x2cb: {  	v29 =	vld [tilespmem:s21+$0xE070];
	v13 =	vadd.f32 v27, v26  }
0x2cc: {  	v30 =	vld [tilespmem:s21+$0xE430]  }
0x2cd: {  	v31 =	vld [tilespmem:s21+$0xE470];
	[tilespmem:s20+$0x18080] =	vst v13  }
0x2ce: {  	v13 =	vld [tilespmem:s21+$0xE090]  }
0x2cf: {  	v32 =	vld [tilespmem:s21+$0xE0D0]  }
0x2d0: {  	v15 =	vmul.f32 v28, v7;
	v16 =	vmul.f32 v29, v8  }
0x2d1: {  	v33 =	vld [tilespmem:s21+$0xE490]  }
0x2d2: {  	v14 =	vmul.f32 v30, v9;
	v15 =	vadd.f32 v16, v15  }
0x2d3: {  	v35 =	vld [tilespmem:s21+$0xE4D0];
	v34 =	vmul.f32 v31, v5  }
0x2d4: {  	v13 =	vmul.f32 v13, v11;
	v36 =	vmul.f32 v32, v12;
	v14 =	vadd.f32 v14, v15;
	_ =	sdelay $0x1  }
0x2d5: {  	v44 =	vld [tilespmem:s21+$0xE100];
	v37 =	vmul.f32 v33, v10;
	v13 =	vadd.f32 v36, v13;
	v14 =	vadd.f32 v34, v14  }
0x2d6: {  	v48 =	vld [tilespmem:s21+$0xE540]  }
0x2d7: {  	v23 =	vld [tilespmem:s21+$0xE140];
	v38 =	vmul.f32 v35, v6;
	v13 =	vadd.f32 v37, v13;
	[tilespmem:s20+$0x18030] =	vst v14  }
0x2d8: {  	v39 =	vld [tilespmem:s21+$0xE800]  }
0x2d9: {  	v40 =	vld [tilespmem:s21+$0xE840];
	v13 =	vadd.f32 v38, v13  }
0x2da: {  	v41 =	vld [tilespmem:s21+$0xEC00]  }
0x2db: {  	v42 =	vld [tilespmem:s21+$0xEC40];
	[tilespmem:s20+$0x18090] =	vst v13  }
0x2dc: {  	v13 =	vld [tilespmem:s21+$0xE0A0]  }
0x2dd: {  	v43 =	vld [tilespmem:s21+$0xE0E0]  }
0x2de: {  	v15 =	vld [tilespmem:s20+$0x4110];
	v22 =	vmul.f32 v39, v7;
	v16 =	vmul.f32 v40, v8  }
0x2df: {  	v20 =	vld [tilespmem:s21+$0xE4A0]  }
0x2e0: {  	v14 =	vld [tilespmem:s20+$0x4100];
	v17 =	vmul.f32 v41, v9;
	v16 =	vadd.f32 v16, v22  }
0x2e1: {  	v21 =	vld [tilespmem:s21+$0xE4E0];
	v18 =	vmul.f32 v42, v5  }
0x2e2: {  	v24 =	vld [tilespmem:s21+$0xE500];
	v13 =	vmul.f32 v13, v11;
	v19 =	vmul.f32 v43, v12;
	v17 =	vadd.f32 v17, v16  }
0x2e3: {  	v16 =	vld [tilespmem:s20+$0x4120]  }
0x2e4: {  	v62 =	vld [tilespmem:s21+$0xE180];
	v46 =	vmul.f32 v20, v10;
	v45 =	vadd.f32 v19, v13;
	v17 =	vadd.f32 v18, v17  }
0x2e5: {  	v51 =	vmul.f32 v23, v15;
	v13 =	vld [tilespmem:s20+$0x4130]  }
0x2e6: {  	v63 =	vld [tilespmem:s21+$0xE1C0];
	v50 =	vmul.f32 v44, v14;
	v47 =	vmul.f32 v21, v6;
	v49 =	vadd.f32 v46, v45;
	[tilespmem:s20+$0x18040] =	vst v17  }
0x2e7: {  	v52 =	vld [tilespmem:s21+$0xE810]  }
0x2e8: {  	v18 =	vadd.f32 v51, v50;
	v53 =	vld [tilespmem:s21+$0xE850];
	v17 =	vadd.f32 v47, v49;
	v54 =	vmul.f32 v24, v16  }
0x2e9: {  	v55 =	vld [tilespmem:s21+$0xEC10]  }
0x2ea: {  	v56 =	vld [tilespmem:s21+$0xEC50];
	v58 =	vmul.f32 v48, v13;
	[tilespmem:s20+$0x180A0] =	vst v17;
	v57 =	vadd.f32 v54, v18  }
0x2eb: {  	v59 =	vld [tilespmem:s21+$0xE0B0]  }
0x2ec: {  	v60 =	vld [tilespmem:s21+$0xE0F0];
	v17 =	vadd.f32 v58, v57  }
0x2ed: {  	v61 =	vld [tilespmem:s21+$0xE4B0]  }
0x2ee: {  	v25 =	vld [tilespmem:s21+$0xE4F0];
	[tilespmem:s20+$0x18100] =	vst v17  }
0x2ef: {  	v26 =	vld [tilespmem:s21+$0xE110]  }
0x2f0: {  	v22 =	vmul.f32 v52, v7;
	v23 =	vmul.f32 v53, v8;
	v27 =	vld [tilespmem:s21+$0xE150]  }
0x2f1: {  	v33 =	vld [tilespmem:s21+$0xE580];
	v30 =	vmul.f32 v59, v11;
	v21 =	vmul.f32 v60, v12  }
0x2f2: {  	v20 =	vmul.f32 v55, v9;
	v28 =	vld [tilespmem:s21+$0xE510];
	v22 =	vadd.f32 v23, v22  }
0x2f3: {  	v19 =	vld [tilespmem:s20+$0x4190];
	v18 =	vmul.f32 v61, v10;
	v21 =	vadd.f32 v21, v30  }
0x2f4: {  	v24 =	vmul.f32 v56, v5;
	v29 =	vld [tilespmem:s21+$0xE550];
	v25 =	vmul.f32 v25, v6;
	v22 =	vadd.f32 v20, v22  }
0x2f5: {  	v17 =	vld [tilespmem:s20+$0x4180];
	v18 =	vadd.f32 v18, v21;
	v31 =	vmul.f32 v26, v14;
	v32 =	vmul.f32 v27, v15  }
0x2f6: {  	v36 =	vld [tilespmem:s21+$0xE5C0];
	v22 =	vadd.f32 v24, v22  }
0x2f7: {  	v20 =	vld [tilespmem:s20+$0x41A0];
	v34 =	vmul.f32 v28, v16;
	v25 =	vadd.f32 v25, v18;
	v21 =	vadd.f32 v32, v31  }
0x2f8: {  	[tilespmem:s20+$0x18050] =	vst v22;
	v18 =	vld [tilespmem:s20+$0x41B0]  }
0x2f9: {  	v35 =	vmul.f32 v29, v13;
	v28 =	vld [tilespmem:s21+$0xE820];
	[tilespmem:s20+$0x180B0] =	vst v25;
	v21 =	vadd.f32 v34, v21  }
0x2fa: {  	v37 =	vmul.f32 v63, v19;
	v23 =	vmul.f32 v62, v17;
	v38 =	vld [tilespmem:s21+$0xE880]  }
0x2fb: {  	v39 =	vld [tilespmem:s21+$0xE8C0];
	v21 =	vadd.f32 v35, v21  }
0x2fc: {  	v40 =	vadd.f32 v37, v23;
	v41 =	vmul.f32 v33, v20;
	v42 =	vld [tilespmem:s21+$0xEC80]  }
0x2fd: {  	v43 =	vld [tilespmem:s21+$0xECC0];
	[tilespmem:s20+$0x18110] =	vst v21  }
0x2fe: {  	v44 =	vadd.f32 v41, v40;
	v45 =	vmul.f32 v36, v18;
	v46 =	vld [tilespmem:s21+$0xE120]  }
0x2ff: {  	v47 =	vld [tilespmem:s21+$0xE160]  }
0x300: {  	v31 =	vld [tilespmem:s21+$0xE860];
	v21 =	vadd.f32 v45, v44;
	v48 =	vmul.f32 v38, v11;
	v49 =	vmul.f32 v39, v12  }
0x301: {  	v50 =	vld [tilespmem:s21+$0xE520]  }
0x302: {  	v51 =	vld [tilespmem:s21+$0xE560];
	v53 =	vmul.f32 v42, v10;
	[tilespmem:s20+$0x18180] =	vst v21;
	v52 =	vadd.f32 v49, v48  }
0x303: {  	v25 =	vmul.f32 v43, v6;
	v54 =	vld [tilespmem:s21+$0xE190]  }
0x304: {  	v55 =	vld [tilespmem:s21+$0xE1D0];
	v21 =	vadd.f32 v53, v52;
	v56 =	vmul.f32 v46, v14;
	v57 =	vmul.f32 v47, v15  }
0x305: {  	v32 =	vld [tilespmem:s21+$0xEC20]  }
0x306: {  	v58 =	vld [tilespmem:s21+$0xE590];
	v59 =	vmul.f32 v50, v16;
	v21 =	vadd.f32 v25, v21;
	v22 =	vadd.f32 v57, v56  }
0x307: {  	v62 =	vld [tilespmem:s21+$0xEC60]  }
0x308: {  	v61 =	vld [tilespmem:s21+$0xE5D0];
	v60 =	vmul.f32 v51, v13;
	[tilespmem:s20+$0x180C0] =	vst v21;
	v63 =	vadd.f32 v59, v22  }
0x309: {  	v33 =	vmul.f32 v54, v17;
	v34 =	vmul.f32 v55, v19;
	v35 =	vld [tilespmem:s21+$0xE890]  }
0x30a: {  	v36 =	vld [tilespmem:s21+$0xE8D0];
	v21 =	vadd.f32 v60, v63  }
0x30b: {  	v37 =	vmul.f32 v58, v20;
	v22 =	vadd.f32 v34, v33;
	v38 =	vld [tilespmem:s21+$0xEC90]  }
0x30c: {  	v44 =	vmul.f32 v28, v7;
	v39 =	vld [tilespmem:s21+$0xECD0];
	[tilespmem:s20+$0x18120] =	vst v21  }
0x30d: {  	v45 =	vmul.f32 v31, v8;
	v41 =	vmul.f32 v61, v18;
	v40 =	vadd.f32 v37, v22;
	v42 =	vld [tilespmem:s21+$0xE130]  }
0x30e: {  	v43 =	vld [tilespmem:s21+$0xE170]  }
0x30f: {  	v48 =	vmul.f32 v32, v9;
	v47 =	vadd.f32 v45, v44;
	v21 =	vadd.f32 v41, v40;
	v46 =	vld [tilespmem:s21+$0xE530]  }
0x310: {  	v33 =	vld [tilespmem:s21+$0xE570];
	v24 =	vmul.f32 v35, v11;
	v26 =	vmul.f32 v36, v12  }
0x311: {  	v30 =	vmul.f32 v62, v5;
	v35 =	vld [tilespmem:s21+$0xE200];
	[tilespmem:s20+$0x18190] =	vst v21;
	v21 =	vadd.f32 v48, v47  }
0x312: {  	v25 =	vmul.f32 v38, v10;
	v49 =	vld [tilespmem:s21+$0xE1A0];
	v24 =	vadd.f32 v26, v24  }
0x313: {  	v53 =	vmul.f32 v39, v6;
	v50 =	vld [tilespmem:s21+$0xE1E0];
	v21 =	vadd.f32 v30, v21  }
0x314: {  	v47 =	vld [tilespmem:s21+$0xE640];
	v51 =	vmul.f32 v42, v14;
	v52 =	vmul.f32 v43, v15;
	v24 =	vadd.f32 v25, v24  }
0x315: {  	v54 =	vld [tilespmem:s21+$0xE5A0]  }
0x316: {  	v57 =	vld [tilespmem:s21+$0xE5E0];
	v55 =	vmul.f32 v46, v16;
	[tilespmem:s20+$0x18060] =	vst v21;
	v22 =	vadd.f32 v52, v51;
	v24 =	vadd.f32 v53, v24  }
0x317: {  	v56 =	vmul.f32 v33, v13;
	v25 =	vld [tilespmem:s21+$0xE830]  }
0x318: {  	v26 =	vld [tilespmem:s21+$0xE870];
	v59 =	vmul.f32 v49, v17;
	v60 =	vmul.f32 v50, v19;
	v58 =	vadd.f32 v55, v22;
	[tilespmem:s20+$0x180D0] =	vst v24  }
0x319: {  	v62 =	vld [tilespmem:s21+$0xE8A0]  }
0x31a: {  	v61 =	vmul.f32 v54, v20;
	v22 =	vadd.f32 v60, v59;
	v63 =	vld [tilespmem:s21+$0xE8E0];
	v21 =	vadd.f32 v56, v58  }
0x31b: {  	v48 =	vld [tilespmem:s21+$0xECA0]  }
0x31c: {  	v36 =	vadd.f32 v61, v22;
	v22 =	vld [tilespmem:s20+$0x4210];
	[tilespmem:s20+$0x18130] =	vst v21  }
0x31d: {  	v38 =	vld [tilespmem:s21+$0xE900]  }
0x31e: {  	v37 =	vmul.f32 v57, v18;
	v39 =	vld [tilespmem:s21+$0xE940]  }
0x31f: {  	v40 =	vld [tilespmem:s21+$0xED00]  }
0x320: {  	v21 =	vadd.f32 v37, v36;
	v41 =	vld [tilespmem:s21+$0xED40]  }
0x321: {  	v36 =	vld [tilespmem:s21+$0xE240]  }
0x322: {  	v37 =	vld [tilespmem:s21+$0xE600];
	[tilespmem:s20+$0x181A0] =	vst v21  }
0x323: {  	v42 =	vld [tilespmem:s21+$0xE1B0]  }
0x324: {  	v43 =	vld [tilespmem:s21+$0xE1F0];
	v23 =	vmul.f32 v38, v14;
	v24 =	vmul.f32 v39, v15  }
0x325: {  	v27 =	vmul.f32 v62, v11;
	v38 =	vld [tilespmem:s21+$0xECE0]  }
0x326: {  	v28 =	vmul.f32 v63, v12;
	v44 =	vld [tilespmem:s21+$0xE5B0];
	v29 =	vmul.f32 v40, v16;
	v23 =	vadd.f32 v24, v23  }
0x327: {  	v59 =	vmul.f32 v48, v10;
	v21 =	vld [tilespmem:s20+$0x4200]  }
0x328: {  	v34 =	vld [tilespmem:s21+$0xE5F0];
	v27 =	vadd.f32 v28, v27;
	v30 =	vmul.f32 v41, v13;
	v29 =	vadd.f32 v29, v23  }
0x329: {  	v24 =	vld [tilespmem:s20+$0x4220];
	v31 =	vmul.f32 v42, v17;
	v32 =	vmul.f32 v43, v19  }
0x32a: {  	v27 =	vadd.f32 v59, v27;
	v23 =	vld [tilespmem:s20+$0x4230];
	v62 =	vmul.f32 v38, v6;
	v29 =	vadd.f32 v30, v29  }
0x32b: {  	v46 =	vmul.f32 v44, v20;
	v45 =	vadd.f32 v32, v31;
	v38 =	vld [tilespmem:s20+$0x4300]  }
0x32c: {  	v36 =	vmul.f32 v36, v22;
	v28 =	vadd.f32 v62, v27;
	v27 =	vld [tilespmem:s21+$0xEC70];
	[tilespmem:s20+$0x18140] =	vst v29  }
0x32d: {  	v35 =	vmul.f32 v35, v21;
	v50 =	vmul.f32 v34, v18;
	v49 =	vadd.f32 v46, v45;
	v51 =	vld [tilespmem:s21+$0xE910]  }
0x32e: {  	v54 =	vld [tilespmem:s21+$0xE950]  }
0x32f: {  	v52 =	vadd.f32 v36, v35;
	v53 =	vmul.f32 v37, v24;
	v37 =	vld [tilespmem:s20+$0x4290];
	v29 =	vadd.f32 v50, v49  }
0x330: {  	v55 =	vld [tilespmem:s21+$0xED10]  }
0x331: {  	v34 =	vadd.f32 v53, v52;
	v32 =	vmul.f32 v47, v23;
	v56 =	vld [tilespmem:s21+$0xED50];
	[tilespmem:s20+$0x181B0] =	vst v29  }
0x332: {  	v29 =	vld [tilespmem:s21+$0xE980]  }
0x333: {  	v32 =	vadd.f32 v32, v34;
	v57 =	vld [tilespmem:s21+$0xE9C0];
	v31 =	vmul.f32 v51, v14;
	v36 =	vmul.f32 v54, v15  }
0x334: {  	v58 =	vld [tilespmem:s21+$0xED80]  }
0x335: {  	v63 =	vld [tilespmem:s21+$0xEDC0];
	[tilespmem:s20+$0x18200] =	vst v32;
	v30 =	vmul.f32 v55, v16;
	v31 =	vadd.f32 v36, v31  }
0x336: {  	v60 =	vld [tilespmem:s21+$0xE210]  }
0x337: {  	v61 =	vld [tilespmem:s21+$0xE250];
	v35 =	vmul.f32 v56, v13;
	v30 =	vadd.f32 v30, v31  }
0x338: {  	v32 =	vld [tilespmem:s21+$0xEC30]  }
0x339: {  	v40 =	vld [tilespmem:s21+$0xE610];
	v29 =	vmul.f32 v29, v17;
	v39 =	vmul.f32 v57, v19;
	v30 =	vadd.f32 v35, v30  }
0x33a: {  	[tilespmem:s20+$0x180E0] =	vst v28;
	v42 =	vld [tilespmem:s21+$0xE650]  }
0x33b: {  	v41 =	vmul.f32 v58, v20;
	v31 =	vadd.f32 v39, v29;
	v29 =	vld [tilespmem:s21+$0xE8B0];
	[tilespmem:s20+$0x18150] =	vst v30  }
0x33c: {  	v43 =	vmul.f32 v60, v21;
	v44 =	vmul.f32 v61, v22;
	v47 =	vld [tilespmem:s21+$0xE920]  }
0x33d: {  	v46 =	vmul.f32 v63, v18;
	v45 =	vadd.f32 v41, v31;
	v49 =	vld [tilespmem:s21+$0xE960]  }
0x33e: {  	v48 =	vmul.f32 v40, v24;
	v28 =	vadd.f32 v44, v43;
	v50 =	vld [tilespmem:s21+$0xED20]  }
0x33f: {  	v30 =	vadd.f32 v46, v45;
	v52 =	vld [tilespmem:s21+$0xED60]  }
0x340: {  	v28 =	vadd.f32 v48, v28;
	v48 =	vld [tilespmem:s21+$0xE8F0]  }
0x341: {  	v51 =	vmul.f32 v42, v23;
	v45 =	vld [tilespmem:s21+$0xECB0];
	[tilespmem:s20+$0x181C0] =	vst v30  }
0x342: {  	v30 =	vld [tilespmem:s21+$0xE990]  }
0x343: {  	v28 =	vadd.f32 v51, v28;
	v53 =	vld [tilespmem:s21+$0xE9D0]  }
0x344: {  	v54 =	vld [tilespmem:s21+$0xED90]  }
0x345: {  	v56 =	vld [tilespmem:s21+$0xEDD0];
	[tilespmem:s20+$0x18210] =	vst v28  }
0x346: {  	v28 =	vld [tilespmem:s21+$0xE220]  }
0x347: {  	v55 =	vld [tilespmem:s21+$0xE260]  }
0x348: {  	v39 =	vld [tilespmem:s21+$0xE620]  }
0x349: {  	v35 =	vmul.f32 v47, v14;
	v58 =	vld [tilespmem:s21+$0xE660]  }
0x34a: {  	v34 =	vmul.f32 v49, v15;
	v36 =	vmul.f32 v52, v13;
	v52 =	vld [tilespmem:s21+$0xE280]  }
0x34b: {  	v33 =	vmul.f32 v53, v19;
	v53 =	vld [tilespmem:s21+$0xE2C0]  }
0x34c: {  	v31 =	vmul.f32 v50, v16;
	v34 =	vadd.f32 v34, v35;
	v57 =	vmul.f32 v54, v20;
	v54 =	vld [tilespmem:s21+$0xE680]  }
0x34d: {  	v30 =	vmul.f32 v30, v17;
	v59 =	vmul.f32 v56, v18;
	v56 =	vld [tilespmem:s21+$0xE300]  }
0x34e: {  	v31 =	vadd.f32 v31, v34;
	v34 =	vld [tilespmem:s21+$0xECF0]  }
0x34f: {  	v30 =	vadd.f32 v33, v30;
	v33 =	vld [tilespmem:s20+$0x42A0]  }
0x350: {  	v35 =	vmul.f32 v55, v22;
	v55 =	vld [tilespmem:s21+$0xE6C0]  }
0x351: {  	v60 =	vmul.f32 v39, v24;
	v39 =	vld [tilespmem:s20+$0x4310]  }
0x352: {  	v61 =	vmul.f32 v58, v23;
	v58 =	vld [tilespmem:s21+$0xE700]  }
0x353: {  	v31 =	vadd.f32 v36, v31;
	v36 =	vld [tilespmem:s20+$0x4280]  }
0x354: {  	v30 =	vadd.f32 v57, v30;
	v57 =	vld [tilespmem:s21+$0xE340]  }
0x355: {  	v28 =	vmul.f32 v28, v21;
	[tilespmem:s20+$0x18160] =	vst v31;
	v31 =	vld [tilespmem:s20+$0x4320]  }
0x356: {  	v46 =	vld [tilespmem:s21+$0xE930]  }
0x357: {  	v28 =	vadd.f32 v35, v28;
	v47 =	vld [tilespmem:s21+$0xE970]  }
0x358: {  	v40 =	vld [tilespmem:s21+$0xED30]  }
0x359: {  	v30 =	vadd.f32 v59, v30;
	v28 =	vadd.f32 v60, v28;
	v35 =	vld [tilespmem:s21+$0xED70]  }
0x35a: {  	v59 =	vld [tilespmem:s21+$0xE740]  }
0x35b: {  	[tilespmem:s20+$0x181D0] =	vst v30;
	v28 =	vadd.f32 v61, v28;
	v30 =	vld [tilespmem:s20+$0x4330]  }
0x35c: {  	v49 =	vld [tilespmem:s21+$0xE9A0]  }
0x35d: {  	v50 =	vld [tilespmem:s21+$0xE9E0];
	[tilespmem:s20+$0x18220] =	vst v28  }
0x35e: {  	v41 =	vld [tilespmem:s21+$0xE230]  }
0x35f: {  	v42 =	vld [tilespmem:s21+$0xE270]  }
0x360: {  	v51 =	vld [tilespmem:s21+$0xEDA0]  }
0x361: {  	v53 =	vmul.f32 v53, v37;
	v52 =	vmul.f32 v52, v36;
	v43 =	vld [tilespmem:s21+$0xE630]  }
0x362: {  	v28 =	vld [tilespmem:s20+$0x42B0]  }
0x363: {  	v52 =	vadd.f32 v53, v52;
	v53 =	vmul.f32 v54, v33;
	v44 =	vld [tilespmem:s21+$0xE670]  }
0x364: {  	v54 =	vld [tilespmem:s21+$0xE3C0];
	v60 =	vmul.f32 v41, v21;
	v61 =	vmul.f32 v42, v22  }
0x365: {  	v52 =	vadd.f32 v53, v52;
	v41 =	vld [tilespmem:s20+$0x4380]  }
0x366: {  	v53 =	vmul.f32 v56, v38;
	v42 =	vld [tilespmem:s20+$0x4390];
	v43 =	vmul.f32 v43, v24;
	v60 =	vadd.f32 v61, v60  }
0x367: {  	v56 =	vmul.f32 v57, v39;
	v55 =	vmul.f32 v55, v28;
	v61 =	vld [tilespmem:s21+$0xE380]  }
0x368: {  	v57 =	vld [tilespmem:s21+$0xE780];
	v43 =	vadd.f32 v43, v60;
	v60 =	vmul.f32 v44, v23  }
0x369: {  	v53 =	vadd.f32 v56, v53;
	v52 =	vadd.f32 v55, v52;
	v55 =	vmul.f32 v58, v31;
	v44 =	vld [tilespmem:s20+$0x43A0]  }
0x36a: {  	v56 =	vld [tilespmem:s21+$0xE7C0];
	v60 =	vadd.f32 v60, v43  }
0x36b: {  	[tilespmem:s20+$0x18280] =	vst v52;
	v52 =	vadd.f32 v55, v53;
	v53 =	vmul.f32 v59, v30;
	v43 =	vld [tilespmem:s20+$0x43B0]  }
0x36c: {  	v58 =	vld [tilespmem:s21+$0xEDE0];
	v54 =	vmul.f32 v54, v42;
	[tilespmem:s20+$0x18230] =	vst v60;
	v60 =	vmul.f32 v61, v41  }
0x36d: {  	v62 =	vld [tilespmem:s21+$0xE290];
	v52 =	vadd.f32 v53, v52  }
0x36e: {  	v63 =	vld [tilespmem:s21+$0xE2D0];
	v57 =	vmul.f32 v57, v44;
	v54 =	vadd.f32 v54, v60  }
0x36f: {  	v53 =	vld [tilespmem:s21+$0xE690];
	[tilespmem:s20+$0x18300] =	vst v52  }
0x370: {  	v52 =	vld [tilespmem:s21+$0xE310];
	v56 =	vmul.f32 v56, v43;
	v54 =	vadd.f32 v57, v54  }
0x371: {  	v61 =	vld [tilespmem:s21+$0xEA00]  }
0x372: {  	v57 =	vld [tilespmem:s21+$0xE6D0];
	v54 =	vadd.f32 v56, v54  }
0x373: {  	v56 =	vld [tilespmem:s21+$0xE350]  }
0x374: {  	v55 =	vmul.f32 v62, v36;
	v59 =	vmul.f32 v63, v37;
	v60 =	vld [tilespmem:s21+$0xE710];
	[tilespmem:s20+$0x18380] =	vst v54  }
0x375: {  	v54 =	vld [tilespmem:s21+$0xE390]  }
0x376: {  	v53 =	vmul.f32 v53, v33;
	v55 =	vadd.f32 v59, v55;
	v59 =	vld [tilespmem:s21+$0xE3D0]  }
0x377: {  	v62 =	vld [tilespmem:s21+$0xE750];
	v52 =	vmul.f32 v52, v38  }
0x378: {  	v53 =	vadd.f32 v53, v55;
	v57 =	vmul.f32 v57, v28;
	v55 =	vmul.f32 v56, v39;
	v56 =	vld [tilespmem:s21+$0xE790]  }
0x379: {  	v63 =	vld [tilespmem:s21+$0xEA40]  }
0x37a: {  	v53 =	vadd.f32 v57, v53;
	v57 =	vld [tilespmem:s21+$0xE7D0];
	v52 =	vadd.f32 v55, v52;
	v55 =	vmul.f32 v60, v31  }
0x37b: {  	v60 =	vld [tilespmem:s21+$0xEE00];
	v54 =	vmul.f32 v54, v41;
	v59 =	vmul.f32 v59, v42  }
0x37c: {  	v49 =	vmul.f32 v49, v17;
	[tilespmem:s20+$0x18290] =	vst v53;
	v53 =	vld [tilespmem:s21+$0xEE40];
	v52 =	vadd.f32 v55, v52;
	v55 =	vmul.f32 v62, v30  }
0x37d: {  	v50 =	vmul.f32 v50, v19;
	v62 =	vld [tilespmem:s21+$0xE2A0];
	v54 =	vadd.f32 v59, v54;
	v56 =	vmul.f32 v56, v44  }
0x37e: {  	v59 =	vld [tilespmem:s21+$0xE2E0];
	v52 =	vadd.f32 v55, v52  }
0x37f: {  	v49 =	vadd.f32 v50, v49;
	v50 =	vld [tilespmem:s21+$0xE6E0];
	v54 =	vadd.f32 v56, v54;
	v56 =	vmul.f32 v57, v43  }
0x380: {  	v55 =	vld [tilespmem:s21+$0xE6A0];
	[tilespmem:s20+$0x18310] =	vst v52  }
0x381: {  	v51 =	vmul.f32 v51, v20;
	v52 =	vmul.f32 v58, v18;
	v57 =	vld [tilespmem:s21+$0xE320];
	v54 =	vadd.f32 v56, v54  }
0x382: {  	v58 =	vmul.f32 v63, v22;
	v56 =	vmul.f32 v61, v21;
	v61 =	vld [tilespmem:s21+$0xE360]  }
0x383: {  	v49 =	vadd.f32 v51, v49;
	v51 =	vmul.f32 v62, v36;
	v62 =	vld [tilespmem:s21+$0xE720];
	v59 =	vmul.f32 v59, v37;
	[tilespmem:s20+$0x18390] =	vst v54  }
0x384: {  	v60 =	vmul.f32 v60, v24;
	v54 =	vadd.f32 v58, v56;
	v58 =	vld [tilespmem:s21+$0xE3A0]  }
0x385: {  	v49 =	vadd.f32 v52, v49;
	v63 =	vmul.f32 v55, v33;
	v51 =	vadd.f32 v59, v51;
	v55 =	vld [tilespmem:s21+$0xE3E0]  }
0x386: {  	v53 =	vmul.f32 v53, v23;
	v50 =	vmul.f32 v50, v28;
	v56 =	vld [tilespmem:s21+$0xE760];
	v54 =	vadd.f32 v60, v54  }
0x387: {  	[tilespmem:s20+$0x181E0] =	vst v49;
	v59 =	vld [tilespmem:s21+$0xE7A0];
	v51 =	vadd.f32 v63, v51;
	v60 =	vmul.f32 v57, v38;
	v61 =	vmul.f32 v61, v39  }
0x388: {  	v49 =	vld [tilespmem:s21+$0xE9B0];
	v53 =	vadd.f32 v53, v54  }
0x389: {  	v62 =	vmul.f32 v62, v31;
	v57 =	vld [tilespmem:s21+$0xE7E0];
	v51 =	vadd.f32 v50, v51;
	v52 =	vadd.f32 v61, v60  }
0x38a: {  	v50 =	vld [tilespmem:s21+$0xE9F0];
	[tilespmem:s20+$0x18240] =	vst v53;
	v63 =	vmul.f32 v58, v41;
	v55 =	vmul.f32 v55, v42  }
0x38b: {  	v61 =	vmul.f32 v56, v30;
	v58 =	vld [tilespmem:s21+$0xEA10];
	[tilespmem:s20+$0x182A0] =	vst v51;
	v60 =	vadd.f32 v62, v52  }
0x38c: {  	v62 =	vmul.f32 v59, v44;
	v54 =	vld [tilespmem:s21+$0xE2B0];
	v53 =	vadd.f32 v55, v63  }
0x38d: {  	v63 =	vld [tilespmem:s21+$0xE2F0];
	v51 =	vadd.f32 v61, v60  }
0x38e: {  	v60 =	vld [tilespmem:s21+$0xE6B0];
	v61 =	vmul.f32 v57, v43;
	v53 =	vadd.f32 v62, v53  }
0x38f: {  	v62 =	vld [tilespmem:s21+$0xE6F0];
	[tilespmem:s20+$0x18320] =	vst v51  }
0x390: {  	v51 =	vld [tilespmem:s21+$0xE330];
	v53 =	vadd.f32 v61, v53  }
0x391: {  	v55 =	vld [tilespmem:s21+$0xE370]  }
0x392: {  	v59 =	vld [tilespmem:s21+$0xE730];
	v54 =	vmul.f32 v54, v36;
	v56 =	vmul.f32 v63, v37;
	[tilespmem:s20+$0x183A0] =	vst v53  }
0x393: {  	v53 =	vld [tilespmem:s21+$0xE3B0]  }
0x394: {  	v52 =	vmul.f32 v60, v33;
	v54 =	vadd.f32 v56, v54;
	v56 =	vld [tilespmem:s21+$0xE3F0]  }
0x395: {  	v60 =	vld [tilespmem:s21+$0xE770];
	v57 =	vmul.f32 v62, v28  }
0x396: {  	v52 =	vadd.f32 v52, v54;
	v51 =	vmul.f32 v51, v38;
	v54 =	vmul.f32 v55, v39;
	v55 =	vld [tilespmem:s21+$0xE7B0]  }
0x397: {  	v61 =	vld [tilespmem:s21+$0xEA50]  }
0x398: {  	v52 =	vadd.f32 v57, v52;
	v51 =	vadd.f32 v54, v51;
	v54 =	vmul.f32 v59, v31;
	v57 =	vld [tilespmem:s21+$0xE7F0]  }
0x399: {  	v62 =	vld [tilespmem:s21+$0xEE50];
	v53 =	vmul.f32 v53, v41;
	v56 =	vmul.f32 v56, v42  }
0x39a: {  	v59 =	vld [tilespmem:s21+$0xEE10];
	v63 =	vmul.f32 v60, v30;
	[tilespmem:s20+$0x182B0] =	vst v52;
	v51 =	vadd.f32 v54, v51  }
0x39b: {  	v54 =	vld [tilespmem:s21+$0xEA80];
	v53 =	vadd.f32 v56, v53;
	v55 =	vmul.f32 v55, v44  }
0x39c: {  	v56 =	vld [tilespmem:s21+$0xEAC0];
	v51 =	vadd.f32 v63, v51  }
0x39d: {  	v52 =	vld [tilespmem:s21+$0xEE80];
	v53 =	vadd.f32 v55, v53;
	v60 =	vmul.f32 v57, v43  }
0x39e: {  	v57 =	vld [tilespmem:s21+$0xEEC0];
	[tilespmem:s20+$0x18330] =	vst v51  }
0x39f: {  	v51 =	vld [tilespmem:s21+$0xEB00];
	v53 =	vadd.f32 v60, v53  }
0x3a0: {  	v55 =	vmul.f32 v58, v21;
	v58 =	vmul.f32 v61, v22;
	v60 =	vld [tilespmem:s21+$0xEB40]  }
0x3a1: {  	v61 =	vld [tilespmem:s21+$0xEF00];
	v54 =	vmul.f32 v54, v36;
	v56 =	vmul.f32 v56, v37;
	[tilespmem:s20+$0x183B0] =	vst v53  }
0x3a2: {  	v63 =	vmul.f32 v59, v24;
	v53 =	vadd.f32 v58, v55;
	v58 =	vld [tilespmem:s21+$0xEB80]  }
0x3a3: {  	v52 =	vmul.f32 v52, v33;
	v54 =	vadd.f32 v56, v54;
	v56 =	vld [tilespmem:s21+$0xEBC0]  }
0x3a4: {  	v59 =	vld [tilespmem:s21+$0xEF40];
	v55 =	vmul.f32 v62, v23;
	v57 =	vmul.f32 v57, v28;
	v53 =	vadd.f32 v63, v53  }
0x3a5: {  	v62 =	vld [tilespmem:s21+$0xEF80];
	v54 =	vadd.f32 v52, v54;
	v51 =	vmul.f32 v51, v38;
	v60 =	vmul.f32 v60, v39  }
0x3a6: {  	v52 =	vld [tilespmem:s21+$0xEDB0];
	v53 =	vadd.f32 v55, v53  }
0x3a7: {  	v54 =	vadd.f32 v57, v54;
	v55 =	vadd.f32 v60, v51;
	v57 =	vmul.f32 v61, v31;
	v60 =	vld [tilespmem:s21+$0xEFC0]  }
0x3a8: {  	v51 =	vld [tilespmem:s21+$0xEDF0];
	[tilespmem:s20+$0x18250] =	vst v53;
	v61 =	vmul.f32 v58, v41;
	v56 =	vmul.f32 v56, v42  }
0x3a9: {  	v63 =	vmul.f32 v59, v30;
	v58 =	vld [tilespmem:s21+$0xEA20];
	[tilespmem:s20+$0x182C0] =	vst v54;
	v54 =	vadd.f32 v57, v55  }
0x3aa: {  	v57 =	vld [tilespmem:s21+$0xEA90];
	v53 =	vadd.f32 v56, v61;
	v61 =	vmul.f32 v62, v44  }
0x3ab: {  	v59 =	vld [tilespmem:s21+$0xEAD0];
	v54 =	vadd.f32 v63, v54  }
0x3ac: {  	v55 =	vld [tilespmem:s21+$0xEE90];
	v53 =	vadd.f32 v61, v53;
	v56 =	vmul.f32 v60, v43  }
0x3ad: {  	v60 =	vld [tilespmem:s21+$0xEED0];
	[tilespmem:s20+$0x18340] =	vst v54  }
0x3ae: {  	v54 =	vld [tilespmem:s21+$0xEB10];
	v53 =	vadd.f32 v56, v53  }
0x3af: {  	v56 =	vld [tilespmem:s21+$0xEB50]  }
0x3b0: {  	v61 =	vld [tilespmem:s21+$0xEF10];
	v57 =	vmul.f32 v57, v36;
	v59 =	vmul.f32 v59, v37;
	[tilespmem:s20+$0x183C0] =	vst v53  }
0x3b1: {  	v53 =	vld [tilespmem:s21+$0xEB90]  }
0x3b2: {  	v55 =	vmul.f32 v55, v33;
	v57 =	vadd.f32 v59, v57;
	v59 =	vld [tilespmem:s21+$0xEBD0]  }
0x3b3: {  	v62 =	vld [tilespmem:s21+$0xEF50];
	v60 =	vmul.f32 v60, v28  }
0x3b4: {  	v55 =	vadd.f32 v55, v57;
	v54 =	vmul.f32 v54, v38;
	v56 =	vmul.f32 v56, v39;
	v57 =	vld [tilespmem:s21+$0xEF90]  }
0x3b5: {  	v63 =	vld [tilespmem:s21+$0xEA60]  }
0x3b6: {  	v55 =	vadd.f32 v60, v55;
	v54 =	vadd.f32 v56, v54;
	v56 =	vmul.f32 v61, v31;
	v60 =	vld [tilespmem:s21+$0xEFD0]  }
0x3b7: {  	v61 =	vld [tilespmem:s21+$0xEE20];
	v53 =	vmul.f32 v53, v41;
	v59 =	vmul.f32 v59, v42  }
0x3b8: {  	v62 =	vmul.f32 v62, v30;
	[tilespmem:s20+$0x182D0] =	vst v55;
	v54 =	vadd.f32 v56, v54;
	v55 =	vld [tilespmem:s21+$0xEE60]  }
0x3b9: {  	v53 =	vadd.f32 v59, v53;
	v59 =	vld [tilespmem:s21+$0xEAA0];
	v57 =	vmul.f32 v57, v44  }
0x3ba: {  	v58 =	vmul.f32 v58, v21;
	v56 =	vld [tilespmem:s21+$0xEAE0];
	v54 =	vadd.f32 v62, v54  }
0x3bb: {  	v62 =	vmul.f32 v63, v22;
	v53 =	vadd.f32 v57, v53;
	v57 =	vld [tilespmem:s21+$0xEEA0];
	v60 =	vmul.f32 v60, v43  }
0x3bc: {  	[tilespmem:s20+$0x18350] =	vst v54;
	v54 =	vld [tilespmem:s21+$0xEEE0]  }
0x3bd: {  	v61 =	vmul.f32 v61, v24;
	v58 =	vadd.f32 v62, v58;
	v62 =	vld [tilespmem:s21+$0xEB20];
	v53 =	vadd.f32 v60, v53  }
0x3be: {  	v60 =	vld [tilespmem:s21+$0xEB60]  }
0x3bf: {  	v55 =	vmul.f32 v55, v23;
	v58 =	vadd.f32 v61, v58;
	v61 =	vld [tilespmem:s21+$0xEF20];
	[tilespmem:s20+$0x183D0] =	vst v53  }
0x3c0: {  	v63 =	vmul.f32 v59, v36;
	v56 =	vmul.f32 v56, v37;
	v59 =	vld [tilespmem:s21+$0xEBA0]  }
0x3c1: {  	v7 =	vmul.f32 v25, v7;
	v8 =	vmul.f32 v26, v8;
	v58 =	vadd.f32 v55, v58;
	v26 =	vld [tilespmem:s21+$0xEBE0]  }
0x3c2: {  	v9 =	vmul.f32 v32, v9;
	v32 =	vadd.f32 v56, v63;
	v53 =	vmul.f32 v57, v33;
	v55 =	vld [tilespmem:s21+$0xEF60]  }
0x3c3: {  	v7 =	vadd.f32 v8, v7;
	[tilespmem:s20+$0x18260] =	vst v58;
	v62 =	vmul.f32 v62, v38;
	v63 =	vmul.f32 v60, v39;
	v60 =	vld [tilespmem:s21+$0xEFA0]  }
0x3c4: {  	v5 =	vmul.f32 v27, v5;
	v54 =	vmul.f32 v54, v28;
	v32 =	vadd.f32 v53, v32;
	v53 =	vld [tilespmem:s21+$0xEA30]  }
0x3c5: {  	v7 =	vadd.f32 v9, v7;
	v61 =	vmul.f32 v61, v31;
	v8 =	vadd.f32 v63, v62;
	v62 =	vld [tilespmem:s21+$0xEFE0]  }
0x3c6: {  	v9 =	vld [tilespmem:s21+$0xEE30];
	v32 =	vadd.f32 v54, v32;
	v63 =	vmul.f32 v59, v41;
	v26 =	vmul.f32 v26, v42  }
0x3c7: {  	v11 =	vmul.f32 v29, v11;
	v29 =	vld [tilespmem:s21+$0xEE70];
	v55 =	vmul.f32 v55, v30  }
0x3c8: {  	v54 =	vld [tilespmem:s21+$0xEA70];
	v8 =	vadd.f32 v61, v8;
	[tilespmem:s20+$0x182E0] =	vst v32;
	v26 =	vadd.f32 v26, v63;
	v56 =	vmul.f32 v60, v44  }
0x3c9: {  	v5 =	vadd.f32 v5, v7;
	v12 =	vmul.f32 v48, v12;
	v10 =	vmul.f32 v45, v10;
	v57 =	vld [tilespmem:s21+$0xEAB0]  }
0x3ca: {  	v58 =	vld [tilespmem:s21+$0xEAF0];
	v8 =	vadd.f32 v55, v8;
	v26 =	vadd.f32 v56, v26;
	v25 =	vmul.f32 v62, v43  }
0x3cb: {  	v11 =	vadd.f32 v12, v11;
	v6 =	vmul.f32 v34, v6;
	v17 =	vmul.f32 v49, v17;
	v61 =	vld [tilespmem:s21+$0xEEB0]  }
0x3cc: {  	v19 =	vmul.f32 v50, v19;
	v34 =	vmul.f32 v52, v20;
	v63 =	vld [tilespmem:s21+$0xEEF0];
	[tilespmem:s20+$0x18360] =	vst v8;
	v62 =	vadd.f32 v25, v26  }
0x3cd: {  	v10 =	vadd.f32 v10, v11;
	v48 =	vmul.f32 v51, v18;
	v59 =	vmul.f32 v46, v14;
	v32 =	vld [tilespmem:s21+$0xEB30]  }
0x3ce: {  	v7 =	vadd.f32 v19, v17;
	v46 =	vmul.f32 v35, v13;
	v26 =	vmul.f32 v40, v16;
	v40 =	vld [tilespmem:s21+$0xEB70];
	[tilespmem:s20+$0x183E0] =	vst v62  }
0x3cf: {  	v6 =	vadd.f32 v6, v10;
	v60 =	vmul.f32 v47, v15;
	v49 =	vmul.f32 v53, v21;
	v47 =	vld [tilespmem:s21+$0xEBB0]  }
0x3d0: {  	v7 =	vadd.f32 v34, v7;
	v9 =	vmul.f32 v9, v24;
	v55 =	vmul.f32 v29, v23;
	v50 =	vld [tilespmem:s21+$0xEBF0]  }
0x3d1: {  	v11 =	vadd.f32 v60, v59;
	v51 =	vmul.f32 v54, v22;
	v52 =	vld [tilespmem:s21+$0xEF30];
	v12 =	vmul.f32 v57, v36  }
0x3d2: {  	v7 =	vadd.f32 v48, v7;
	v53 =	vmul.f32 v58, v37;
	v15 =	vmul.f32 v61, v33;
	v54 =	vld [tilespmem:s21+$0xEFB0]  }
0x3d3: {  	[tilespmem:s20+$0x180F0] =	vst v6;
	v56 =	vld [tilespmem:s21+$0xEF70];
	v6 =	vmul.f32 v63, v28;
	v45 =	vadd.f32 v26, v11;
	v11 =	vadd.f32 v51, v49  }
0x3d4: {  	v12 =	vadd.f32 v53, v12;
	v58 =	vld [tilespmem:s21+$0xEFF0];
	v57 =	vmul.f32 v32, v38;
	v8 =	vmul.f32 v40, v39  }
0x3d5: {  	v10 =	vadd.f32 v46, v45;
	v59 =	vmul.f32 v47, v41;
	v60 =	vmul.f32 v50, v42  }
0x3d6: {  	v9 =	vadd.f32 v9, v11;
	v61 =	vmul.f32 v52, v31;
	v8 =	vadd.f32 v8, v57  }
0x3d7: {  	[tilespmem:s20+$0x18070] =	vst v5;
	v5 =	vadd.f32 v15, v12;
	v62 =	vmul.f32 v54, v44;
	v11 =	vadd.f32 v60, v59  }
0x3d8: {  	p0 =	slt.u32 s18, $0x38;
	[tilespmem:s20+$0x181F0] =	vst v7;
	v63 =	vmul.f32 v56, v30;
	v9 =	vadd.f32 v55, v9;
	v8 =	vadd.f32 v61, v8  }
.Ltmp3:
0x3d9: {  	[tilespmem:s20+$0x18170] =	vst v10;
	v5 =	vadd.f32 v6, v5;
	v7 =	vmul.f32 v58, v43;
	v6 =	vadd.f32 v62, v11;
	(pc) =	sbr.rel @p0 .LBB2_9-.Ltmp3, $4  }
0x3da: {  	[tilespmem:s20+$0x18270] =	vst v9;
	v8 =	vadd.f32 v63, v8  }
0x3db: {  	[tilespmem:s20+$0x182F0] =	vst v5;
	v5 =	vadd.f32 v7, v6  }
0x3dc: {  	s31 =	sadd.s32 $0x8, s18;
	[tilespmem:s20+$0x18370] =	vst v8  }
0x3dd: {  	s18 =	smov.u32 s31;
	[tilespmem:s20+$0x183F0] =	vst v5  }
0x3de: {  	s29 =	sadd.s32 $0x1, s29  }
0x3df: {  	p0 =	sne.s32 s29, $0x10  }
.Ltmp4:
0x3e0: {  	_ = 	snop;
	(pc) =	sbr.rel @p0 .LBB2_6-.Ltmp4, $2  }
0x3e1: {  	_ =	sdelay $0x2  }
0x3e2: {  	[spmem:s1] =	stream.indirect.scatter.add.f32 [tilespmem:s17], [sflag:$0x8], $0x80, s0, s19, $0xb8;
	[tilespmem:$0x1E180] =	vst v63  }
0x3e3: {  	s0 =	simm.s32 $0x7  }
0x3e4: {  	_ =	swait.ge [sflag:s0], $0x2000  }
0x3e5: {  	[sflag:s0] =	ssyncset.done $0x0  }
0x3e6: {  	[sflag:s0] =	ssyncadd.s32 $0xFFFFE000  }
0x3e7: {  	_ =	swait.ge [sflag:s28], $0x2000  }
0x3e8: {  	[sflag:s28] =	ssyncset.done $0x0  }
0x3e9: {  	[sflag:s28] =	ssyncadd.s32 $0xFFFFE000  }
0x3ea: {  	s29 =	stileid.u32;
	[bflag:$0x0] =	sbarrier.arrive $0xFFFF  }
0x3eb: {  	s0 =	sshll.u32 s29, $0x6;
	s20 =	rddreg [dreg:$0x4]  }
0x3ec: {  	s0 =	sor.u32 $0x1C09, s0;
	s21 =	rddreg [dreg:$0x8];
	s18 =	sshrl.u32 s20, $0x3  }
0x3ed: {  	[hbm:s21], [sflag:s0] =	dma.local [spmem:s18], $0x800  }
0x3ee: {  	s21 =	simm.s32 $0x9  }
0x3ef: {  	_ =	swait.ge [sflag:s21], $0x800  }
0x3f0: {  	s30 =	rddreg [dreg:$0xa]  }
0x3f1: {  	s31 =	rddreg [dreg:$0x9];
	s18 =	sadd.s32 $0x1, s30  }
0x3f2: {  	p0 =	sne.s32 s18, s31  }
.Ltmp5:
0x3f3: {  	_ = 	snop;
	(pc) =	sbr.rel @p0 .LBB2_1-.Ltmp5, $3  }
0x3f4: {  	_ =	sdelay $0x1  }
0x3f5: {  	[sflag:s21] =	ssyncset.done $0x0  }
0x3f6: {  	[sflag:s21] =	ssyncadd.s32 $0xFFFFF800  }
0x3f7: {  	_ =	sfence.sel $0x180000  }
0x3f8: {  	[bflag:$0x0] =	sbarrier.arrive $0xFFFF  }
0x3f9: {  	_ =	strace $0x9000004A  }
0x3fa: {  	s0 =	stileid.u32;
	[bflag:$0x2] =	sbarrier.arrive $0xFFFF  }
0x3fb: {  	p0 =	sne.s32 s0, $0x0;
	s0 =	rddreg [dreg:$0x3]  }
0x3fc: {  	s0 =	sadd.s32 @!p0 $0x100000, s0  }
0x3fd: {  	[sflag:s0] =	ssyncadd.tile.s32 @!p0 $0x1;
	_ =	shalt  }
.Lfunc_end2:
_tile_overlayer_lowered:
.L_overlay_start_2:
0x3fe: {  	(tag) =	ssettag $0x2  }
0x3ff: {  	s0 =	rddreg [dreg:$0x0];
	s2 =	stileid.u32  }
0x400: {  	s1 =	rddreg [dreg:$0x1];
	p0 =	sne.s32 s2, $0x0  }
0x401: {  	s3 =	rddreg [dreg:$0x2];
	[bflag:$0x3] =	sbarrier.arrive $0xFFFF;
	s2 =	simm.s32 @!p0 $0x1C09  }
0x402: {  	[timem:s3], [sflag:s2] =	dma.local @!p0 [hbm:s0], s1  }
0x403: {  	s0 =	simm.s32 @!p0 $0x9  }
0x404: {  	_ =	swait.ge @!p0 [sflag:s0], s1  }
0x405: {  	s1 =	ssub.s32 @!p0 $0x0, s1;
	[sflag:s0] =	ssyncset.done @!p0 $0x0  }
0x406: {  	[sflag:s0] =	ssyncadd.s32 @!p0 s1  }
0x407: {  	[bflag:$0x3] =	sbarrier.arrive $0xFFFF  }
0x408: {  	_ =	shalt  }

// kernel: scatter_offload_async_start
scs
__scs_entry_jumppad:
0x0: {  	(pc) =	sbr.rel $0x88, $3  }
0x1: {  	(tag) =	ssettag $0x0;
	lr =	simm.s32 $0x1  }
0x2: {  	[smem:$0x3F98] =	sst lr;
	_ =	strace $0xD0000000  }
0x3: {  	_ = 	snop  }
0x4: {  	_ = 	snop  }
0x5: {  	_ = 	snop  }
0x6: {  	_ = 	snop  }
0x7: {  	_ = 	snop  }
__scs_overlays_trampoline_lowered:
0x8: {  	[smem:$0x3FA7] =	sst s0  }
0x9: {  	[smem:$0x3FA8] =	sst s1  }
0xa: {  	[smem:$0x3FA9] =	sst s2  }
0xb: {  	[smem:$0x3FAA] =	sst s3  }
0xc: {  	[smem:$0x3FAB] =	sst s4  }
0xd: {  	[smem:$0x3FAC] =	sst s5  }
0xe: {  	[smem:$0x3FAD] =	sst s6  }
0xf: {  	[smem:$0x3FAE] =	sst s7  }
0x10: {  	[smem:$0x3FAF] =	sst s8  }
0x11: {  	[smem:$0x3FB0] =	sst s9;
	s0 =	simm.s32 @!p0 $0x0  }
0x12: {  	s1 =	sld [smem:$0x3F96];
	s0 =	simm.s32 @p0 $0x1  }
0x13: {  	[smem:$0x3FB1] =	sst s0;
	s0 =	simm.s32 @!p1 $0x0  }
0x14: {  	s2 =	sld [smem:$0x3F95];
	s0 =	simm.s32 @p1 $0x1  }
0x15: {  	[smem:$0x3FB2] =	sst s0;
	s0 =	simm.s32 @!p2 $0x0  }
0x16: {  	s3 =	sld [smem:$0x3FDB];
	s0 =	simm.s32 @p2 $0x1  }
0x17: {  	s4 =	simm.s32 $0x1BF5;
	[smem:$0x3FB4] =	sst s0  }
0x18: {  	s0 =	sld [smem:$0x3F97];
	_ =	swait.ge [sflag:s4], $0x0  }
0x19: {  	s7 =	sld [smem:$0x3F98]  }
0x1a: {  	s8 =	sadd.s32 $0xFFFFE003, lr  }
0x1b: {  	s9 =	sadd.s32 $0xFFFFFEF7, lr;
	s5 =	simm.s32 $0xFFFFFFFF;
	p2 =	slt.u32 s8, $0xFFFFF086  }
0x1c: {  	p1 =	slt.u32 s9, $0xF7A;
	s5 =	simm.s32 @!p2 $0x0  }
0x1d: {  	s5 =	simm.s32 @p1 $0x1;
	p0 =	seq.s32 s7, s2  }
0x1e: {  	s7 =	smul.u32 @!p0 $0xF7A, s2;
	p2 =	seq.s32 @!p0 s5, $0x0  }
0x1f: {  	s9 =	smul.u32 $0xF7A, s1;
	s8 =	simm.s32 @!p0 $0x1BF5;
	p2 =	por !p2, p0  }
0x20: {  	[sflag:s8] =	ssyncset.s32 @!p0 $0xFFFFF086;
	s6 =	sadd.s32 @!p0 s3, s7;
	s7 =	simm.s32 @!p0 $0x108  }
0x21: {  	s3 =	sadd.s32 s3, s9;
	s6 =	sadd.s32 @!p0 $0x88, s6;
	s7 =	simm.s32 @p2 $0x1082  }
0x22: {  	[simem:s7], [sflag:s8] =	dma.local @!p0 [hbm:s6], $0xF7A  }
0x23: {  	s9 =	sor.u32 $0xD0000000, s2;
	s6 =	simm.s32 $0x108;
	_ =	swait.ge @!p0 [sflag:s8], $0x0  }
0x24: {  	s3 =	sadd.s32 $0x88, s3;
	s6 =	simm.s32 @!p1 $0x1082;
	[sflag:s4] =	ssyncset.s32 $0xFFFFF086  }
0x25: {  	[simem:s6], [sflag:s4] =	dma.local [hbm:s3], $0xF7A  }
0x26: {  	[smem:$0x3F98] =	sst s1;
	(tag) =	ssettag s2;
	_ =	strace s9  }
0x27: {  	s1 =	sld [smem:$0x3FA8]  }
0x28: {  	s2 =	sld [smem:$0x3FA9]  }
0x29: {  	s4 =	sld [smem:$0x3FAB]  }
0x2a: {  	p0 =	seq.s32 s5, $0x0;
	s5 =	sld [smem:$0x3FAC]  }
0x2b: {  	s6 =	sld [smem:$0x3FAD]  }
0x2c: {  	s7 =	sld [smem:$0x3FAE]  }
0x2d: {  	s3 =	simm.s32 $0x108;
	s8 =	sld [smem:$0x3FAF]  }
0x2e: {  	s3 =	simm.s32 @!p0 $0x1082;
	s9 =	sld [smem:$0x3FB0]  }
0x2f: {  	lr =	sadd.s32 s0, s3;
	s0 =	sld [smem:$0x3FA7]  }
0x30: {  	s3 =	sld [smem:$0x3FAA]  }
0x31: {  	[smem:$0x3FB3] =	sst s10  }
0x32: {  	s10 =	sld [smem:$0x3FB1];
	_ =	sdelay $0x3  }
0x33: {  	p0 =	seq.s32 s10, $0x1;
	s10 =	sld [smem:$0x3FB3];
	_ =	sdelay $0x3  }
0x34: {  	[smem:$0x3FB3] =	sst s10  }
0x35: {  	s10 =	sld [smem:$0x3FB2];
	_ =	sdelay $0x3  }
0x36: {  	p1 =	seq.s32 s10, $0x1;
	s10 =	sld [smem:$0x3FB3];
	_ =	sdelay $0x3  }
0x37: {  	[smem:$0x3FB3] =	sst s10  }
0x38: {  	s10 =	sld [smem:$0x3FB4]  }
0x39: {  	_ = 	snop;
	(pc) =	sbr.ind lr, $3  }
0x3a: {  	_ = 	snop  }
0x3b: {  	_ = 	snop  }
0x3c: {  	p2 =	seq.s32 s10, $0x1;
	s10 =	sld [smem:$0x3FB3]  }
0x3d: {  	_ =	shalt  }
0x3e: {  	_ =	shalt  }
0x3f: {  	_ =	shalt  }
0x40: {  	_ =	shalt  }
0x41: {  	_ =	shalt  }
0x42: {  	_ =	shalt  }
0x43: {  	_ =	shalt  }
0x44: {  	_ =	shalt  }
0x45: {  	_ =	shalt  }
0x46: {  	_ =	shalt  }
0x47: {  	_ =	shalt  }
0x48: {  	_ =	shalt  }
0x49: {  	_ =	shalt  }
0x4a: {  	_ =	shalt  }
0x4b: {  	_ =	shalt  }
0x4c: {  	_ =	shalt  }
0x4d: {  	_ =	shalt  }
0x4e: {  	_ =	shalt  }
0x4f: {  	_ =	shalt  }
0x50: {  	_ =	shalt  }
0x51: {  	_ =	shalt  }
0x52: {  	_ =	shalt  }
0x53: {  	_ =	shalt  }
0x54: {  	_ =	shalt  }
0x55: {  	_ =	shalt  }
0x56: {  	_ =	shalt  }
0x57: {  	_ =	shalt  }
0x58: {  	_ =	shalt  }
0x59: {  	_ =	shalt  }
0x5a: {  	_ =	shalt  }
0x5b: {  	_ =	shalt  }
0x5c: {  	_ =	shalt  }
0x5d: {  	_ =	shalt  }
0x5e: {  	_ =	shalt  }
0x5f: {  	_ =	shalt  }
0x60: {  	_ =	shalt  }
0x61: {  	_ =	shalt  }
0x62: {  	_ =	shalt  }
0x63: {  	_ =	shalt  }
0x64: {  	_ =	shalt  }
0x65: {  	_ =	shalt  }
0x66: {  	_ =	shalt  }
0x67: {  	_ =	shalt  }
0x68: {  	_ =	shalt  }
0x69: {  	_ =	shalt  }
0x6a: {  	_ =	shalt  }
0x6b: {  	_ =	shalt  }
0x6c: {  	_ =	shalt  }
0x6d: {  	_ =	shalt  }
0x6e: {  	_ =	shalt  }
0x6f: {  	_ =	shalt  }
0x70: {  	_ =	shalt  }
0x71: {  	_ =	shalt  }
0x72: {  	_ =	shalt  }
0x73: {  	_ =	shalt  }
0x74: {  	_ =	shalt  }
0x75: {  	_ =	shalt  }
0x76: {  	_ =	shalt  }
0x77: {  	_ =	shalt  }
0x78: {  	_ =	shalt  }
0x79: {  	_ =	shalt  }
0x7a: {  	_ =	shalt  }
0x7b: {  	_ =	shalt  }
0x7c: {  	_ =	shalt  }
0x7d: {  	_ =	shalt  }
0x7e: {  	_ =	shalt  }
0x7f: {  	_ =	shalt  }
0x80: {  	_ =	shalt  }
0x81: {  	_ =	shalt  }
0x82: {  	_ =	shalt  }
0x83: {  	_ =	shalt  }
0x84: {  	_ =	shalt  }
0x85: {  	_ =	shalt  }
0x86: {  	_ =	shalt  }
0x87: {  	_ =	shalt  }
.Lfunc_end0:
.L_simem_size_0:
called_computation_lowered:
.L_overlay_start_0:
0x88: {  	s0 =	sld [smem:$0x3FD9]  }
0x89: {  	s1 =	sld [smem:$0x3FFE];
	_ =	sdelay $0x3  }
0x8a: {  	s0 =	sadd.s32 s1, s0  }
0x8b: {  	[smem:$0x3FBF] =	sst s0  }
0x8c: {  	_ = 	snop  }
0x8d: {  	s0 =	sld [smem:$0x3FD0];
	(tm) =	ssettm $0x1  }
0x8e: {  	s16 =	sld [smem:$0x3FFB];
	_ =	sdelay $0x3  }
0x8f: {  	_ =	strace s16  }
0x90: {  	s1 =	sld [smem:$0x3FFC];
	_ =	sdelay $0x3  }
0x91: {  	_ =	strace s1  }
0x92: {  	s1 =	sld [smem:$0x3FFD];
	_ =	sdelay $0x3  }
0x93: {  	_ =	strace s1  }
0x94: {  	_ =	strace $0x8FFFFFFF  }
0x95: {  	s17 =	sld [smem:$0x3FDB];
	_ =	sdelay $0x1  }
0x96: {  	s2 =	simm.s32 $_scs_section_size  }
0x97: {  	s3 =	simm.s32 $_size__tile_overlayer_lowered;
	s4 =	simm.s32 $_tile_overlayer_lowered  }
0x98: {  	s20 =	simm.s32 $0x1BFF;
	s19 =	sshll.u32 s4, $0x1;
	s1 =	sadd.s32 s2, s17  }
0x99: {  	s5 =	simm.s32 $0x0;
	s18 =	sshll.u32 s3, $0x1;
	s3 =	sadd.s32 s19, s1  }
0x9a: {  	[timem:s5], [sflag:s20] =	dma.local [hbm:s3], s18  }
0x9b: {  	_ =	swait.ge [sflag:s20], s18  }
0x9c: {  	s2 =	ssub.s32 $0x0, s18;
	[sflag:s20] =	ssyncset.done $0x0  }
0x9d: {  	[sflag:s20] =	ssyncadd.s32 s2;
	_ =	sdelay $0x1  }
0x9e: {  	s21 =	simm.s32 $0x1B8B  }
0x9f: {  	_ =	swait.ge [sflag:s21], $0x1  }
0xa0: {  	[sflag:s21] =	ssyncset.done $0x0  }
0xa1: {  	s23 =	simm.s32 $0x1B8E;
	s22 =	sld [smem:$0x3FFE];
	[sflag:s21] =	ssyncadd.s32 $0xFFFFFFFF  }
0xa2: {  	s24 =	simm.s32 $execute0_lowered;
	[smem:$0x3FD2] =	sst s23  }
0xa3: {  	s3 =	sshll.u32 s24, $0x1;
	_ =	strace $0x80000046;
	[dreg:$0x1] =	wrdreg $0xFFFFFFFF  }
0xa4: {  	s25 =	simm.s32 $_size_execute0_lowered;
	s1 =	sadd.s32 s1, s3;
	[dreg:$0x0] =	wrdreg $0x0  }
0xa5: {  	s3 =	sshll.u32 s25, $0x1;
	[dreg:$0x2] =	wrdreg s1  }
0xa6: {  	[dreg:$0x3] =	wrdreg s3  }
0xa7: {  	[dreg:$0x4] =	wrdreg $0xC0  }
0xa8: {  	_ =	task [dreg:s5], $0x5FFFF  }
0xa9: {  	[dreg:$0x1] =	wrdreg $0xFFFFFFFF  }
0xaa: {  	[dreg:$0x0] =	wrdreg $0x60  }
0xab: {  	[dreg:$0x2] =	wrdreg s22  }
0xac: {  	[dreg:$0x3] =	wrdreg s0  }
0xad: {  	[dreg:$0x4] =	wrdreg $0x9  }
0xae: {  	_ =	task.clear_ibuf [dreg:s5], $0x5FFFF;
	_ =	strace $0x90000046  }
0xaf: {  	s26 =	simm.s32 $0x9;
	_ =	strace $0x80000048  }
0xb0: {  	_ =	swait.ge [sflag:s26], $0x1  }
0xb1: {  	[sflag:s26] =	ssyncadd.s32 $0xFFFFFFFF  }
0xb2: {  	_ =	strace $0x90000048  }
0xb3: {  	_ =	sfence  }
0xb4: {  	s28 =	sld [smem:$0x0];
	_ =	sdelay $0x1  }
0xb5: {  	s29 =	srdreg.scid  }
0xb6: {  	s30 =	sshll.u32 s29, $0xD;
	s31 =	sshrl.u32 s29, $0x2  }
0xb7: {  	s2 =	sand.u32 $0x4000, s30;
	s1 =	sand.u32 $0x1, s29;
	s0 =	sadd.s32 s31, s28  }
0xb8: {  	s1 =	sor.u32 s2, s1;
	s0 =	sshll.u32 s0, $0x11  }
0xb9: {  	s0 =	sor.u32 s0, s1  }
0xba: {  	s0 =	sadd.s32 $0x8F2B, s0  }
0xbb: {  	[sflag:s0] =	ssyncadd.remote.s32 $0x1  }
0xbc: {  	_ =	sfence.sel $0xFFFF  }
0xbd: {  	[dreg:$0x0] =	wrdreg $0xFFFFFFFF;
	(pc) =	sbr.abs _section_cstart, $3  }
0xbe: {  	[dreg:$0x1] =	wrdreg $0xFFFFFFFF  }
0xbf: {  	_ =	task.clear_ibuf [dreg:s5], $0x2FFFF;
	_ =	strace $0x9FFFFFFF  }
0xc0: {  	(tm) =	ssettm $0x7FFFFFFF  }
0xc1: {  	_ =	shalt  }
tec
execute0_lowered:
.L_overlay_start_1:
0x0: {  	(tag) =	ssettag $0x1  }
0x1: {  	s0 =	rddreg [dreg:$0x0];
	_ =	strace $0x80000047;
	s4 =	simm.s32 $0x1  }
0x2: {  	v1 =	vimm.s32 $0xFFFFFFFF;
	[sflag:s4] =	ssyncpa.u1 $0x0  }
0x3: {  	[tilespmem:$0x10] =	vst v1  }
0x4: {  	v0 =	vimm.s32 $0x80000000;
	[tilespmem:$0x20] =	vst v1  }
0x5: {  	[tilespmem:$0x30] =	vst v0  }
0x6: {  	s2 =	simm.s32 $0x2;
	s6 =	simm.s32 $0x7;
	[tilespmem:$0x40] =	vst v0  }
0x7: {  	s26 =	stileid.u32;
	s7 =	simm.s32 $0x8;
	s31 =	simm.s32 $0x9;
	[tilespmem:$0x50] =	vst v0  }
0x8: {  	s14 =	simm.s32 $0x0;
	s15 =	simm.s32 $0x100;
	s18 =	simm.s32 $0x10;
	[tilespmem:$0x60] =	vst v1  }
0x9: {  	s19 =	simm.s32 $0x9100;
	s20 =	simm.s32 $0xF;
	s21 =	simm.s32 $0x50;
	[tilespmem:$0x70] =	vst v1  }
0xa: {  	s22 =	simm.s32 $0x40FF;
	s23 =	simm.s32 $0x20;
	s24 =	simm.s32 $0x30;
	[tilespmem:$0x80] =	vst v1  }
0xb: {  	s25 =	simm.s32 $0x80FF;
	s30 =	simm.s32 $0x0;
	s1 =	sadd.s32 $0x123800, s0;
	v1 =	vimm.s32 $0x0;
	[tilespmem:$0xB0] =	vst v0  }
.Ltmp0:
0xc: {  	s29 =	simm.s32 $0x0;
	s5 =	sadd.s32 $0x121800, s0;
	[tilespmem:$0x90] =	vst v1;
	(pc) =	sbr.rel .LBB2_1-.Ltmp0, $4  }
0xd: {  	s8 =	sshll.u32 s26, $0xC;
	s10 =	sshll.u32 s26, $0x1;
	[tilespmem:$0xA0] =	vst v1;
	[sflag:s2] =	ssyncpa.u1 $0x0  }
0xe: {  	s12 =	sshllo.u32 s26, $0x1;
	s26 =	simm.s32 $0x80;
	[sflag:s6] =	ssyncpa.u1 $0x0  }
0xf: {  	vm0 =	vmmov $0xffff;
	v2 =	vlaneseq.u32;
	s9 =	sadd.s32 $0x1000, s8;
	s11 =	sor.u32 $0x81, s10;
	[sflag:s7] =	ssyncpa.u1 $0x0  }
0x10: {  	vm1 =	vmxor vm1, vm1;
	vm2 =	vmmov $0x1;
	vm3 =	vcmask $0x3F3C;
	s13 =	sor.u32 $0x80, s10;
	s28 =	smov.u32 s8;
	[sflag:s31] =	ssyncpa.u1 $0x0  }
.LBB2_3:
0x11: {  	s0 =	sshrl.u32 s28, $0x3;
	s2 =	rddreg [dreg:$0x1]  }
0x12: {  	s31 =	sand.u32 $0x7, s28;
	s0 =	sadd.s32 s2, s0  }
0x13: {  	[tilespmem:s15], [sflag:$0x7] =	stream.linear.gather [hbm4b:s0+s31], $0x1000, $0x38;
	[tilespmem:$0x9120] =	vst v63  }
.LBB2_4:
0x14: {  	s0 =	sadd.s32 $0x1000, s28  }
0x15: {  	s2 =	smov.u32 s8;
	s29 =	sadd.s32 $0x1, s29;
	p0 =	slt.s32 s0, s9  }
0x16: {  	s2 =	smov.u32 @p0 s0;
	p0 =	sne.s32 s29, $0x4  }
.Ltmp1:
0x17: {  	_ = 	snop;
	(pc) =	sbr.rel @!p0 .LBB2_13-.Ltmp1, $2  }
0x18: {  	_ =	sdelay $0x2  }
0x19: {  	s30 =	smov.u32 s28;
	s28 =	smov.u32 s2  }
.LBB2_1:
0x1a: {  	p0 =	sgt.s32 s29, $0x1  }
.Ltmp2:
0x1b: {  	_ = 	snop;
	(pc) =	sbr.rel @p0 .LBB2_11-.Ltmp2, $1  }
0x1c: {  	_ =	sdelay $0x3  }
0x1d: {  	p0 =	seq.s32 s29, $0x0  }
.Ltmp3:
0x1e: {  	_ = 	snop;
	(pc) =	sbr.rel @p0 .LBB2_3-.Ltmp3, $1  }
0x1f: {  	_ =	sdelay $0x3  }
0x20: {  	_ =	swait.ge [sflag:s6], $0x1000  }
0x21: {  	[sflag:s6] =	ssyncset.done $0x0  }
0x22: {  	[sflag:s6] =	ssyncadd.s32 $0xFFFFF000;
	(ifvalue) =	ssetifvalue $0xFFFFFFFF;
	v3 =	vld.msk [tilespmem:s15+$0x0 ss:$0x1], $0xffff;
	_ =	sdelay $0x4  }
0x23: {  	v4 =	vperm.xlane v3, v1  }
0x24: {  	vm4 =	vlt.u32 v3, $0x400000  }
0x25: {  	v3 =	vnsel vm4, $0xFFFFFFFE, v3;
	vm4 =	vlt.u32 v4, $0x400000  }
0x26: {  	[tilespmem:$0x70] =	vst v3;
	v3 =	vnsel vm4, $0xFFFFFFFE, v4  }
0x27: {  	s16 =	simm.s32 $0x10F0;
	[tilespmem:$0x80] =	vst v3  }
0x28: {  	v3 =	vld.msk [tilespmem:s16+$0x0 ss:$0x1], $0xffff;
	_ =	sdelay $0x4  }
0x29: {  	(xrf1) =	vunique.msk.u32 $0xffff, v3;
	_ =	sdelay $0xd  }
0x2a: {  	v4 =	vimm.s32 $0xFFFFFFFF;
	v5, _, _ =	vpop (xrf1)  }
0x2b: {  	vm5 =	vne.s32 v3, v4;
	vm4 =	veq.s32 v5, v2  }
0x2c: {  	vm6 =	vlt.u32 v3, $0x400000;
	vm4 =	vmand vm5, vm4  }
0x2d: {  	vm4 =	vmand vm6, vm4  }
0x2e: {  	v4 =	vnsel vm4, $0xFFFFFFFF, v3;
	_ =	sdelay $0x3  }
0x2f: {  	s0 =	simm.s32 $0x40F0;
	(ifvalue) =	ssetifvalue $0xFFFFFFFF  }
0x30: {  	v3 =	vperm.xlane v3, v1;
	[tilespmem:s0], [sflag:$0x8] =	stream.indirect_vreg.gather [hbm4b:s1+s14], $0x1, v4, vm0, $0x4038;
	v4 =	vnsel vm6, $0xFFFFFFFE, v4;
	[tilespmem:$0x9120] =	vst v63  }
0x31: {  	s2 =	simm.s32 $0x0;
	s3 =	simm.s32 $0x10E0;
	[tilespmem:s16+$0x0] =	vst v4  }
.LBB2_6:
0x32: {  	v4 =	vld.msk [tilespmem:s3+$0x0 ss:$0x1], $0xffff;
	s2 =	sadd.s32 $0x10, s2;
	v5 =	vmov v3;
	s16 =	smov.u32 s3  }
0x33: {  	p0 =	slt.u32 s2, $0xFF0;
	_ =	sdelay $0x4  }
0x34: {  	v3 =	vperm.xlane v4, v1;
	(xrf1) =	vunique.msk.u32 $0xffff, v4;
	_ =	sdelay $0xd  }
0x35: {  	v6, _, _ =	vpop (xrf1)  }
0x36: {  	vm5 =	vne.s32 v4, v5;
	vm4 =	veq.s32 v6, v2  }
0x37: {  	vm6 =	vlt.u32 v4, $0x400000;
	vm4 =	vmand vm5, vm4  }
0x38: {  	vm4 =	vmand vm6, vm4  }
0x39: {  	v4 =	vnsel vm4, $0xFFFFFFFF, v4  }
.Ltmp4:
0x3a: {  	v5 =	vnsel vm6, $0xFFFFFFFE, v4;
	(pc) =	sbr.rel @p0 .LBB2_6-.Ltmp4, $3  }
0x3b: {  	_ =	sdelay $0x1  }
0x3c: {  	s3 =	sadd.s32 $0xFFFFFFF0, s3;
	s0 =	sadd.s32 $0xFFFFFFF0, s0;
	(ifvalue) =	ssetifvalue $0xFFFFFFFF  }
0x3d: {  	[tilespmem:s0], [sflag:$0x8] =	stream.indirect_vreg.gather [hbm4b:s1+s14], $0x1, v4, vm0, $0x4038;
	[tilespmem:s16+$0x0] =	vst v5  }
.Ltmp5:
0x3e: {  	(pc) =	sbr.rel .LBB2_4-.Ltmp5, $4  }
0x3f: {  	_ = 	snop  }
0x40: {  	s0 =	sshrl.u32 s30, $0x3  }
0x41: {  	s2 =	simm.s32 $0x5100;
	s0 =	sadd.s32 s5, s0  }
0x42: {  	[tilespmem:s2], [sflag:$0x8] =	stream.linear.gather [hbm:s0], $0x1000, $0x38;
	[tilespmem:$0x9120] =	vst v63  }
.LBB2_11:
0x43: {  	p0 =	seq.s32 s29, $0x2  }
.Ltmp6:
0x44: {  	_ = 	snop;
	(pc) =	sbr.rel @!p0 .LBB2_12-.Ltmp6, $1  }
0x45: {  	_ =	sdelay $0x3  }
0x46: {  	_ =	swait.ge [sflag:s7], $0x2000  }
0x47: {  	[sflag:s7] =	ssyncset.done $0x0  }
0x48: {  	s0 =	simm.s32 $0x10FF;
	[sflag:s7] =	ssyncadd.s32 $0xFFFFE000  }
0x49: {  	[spmem:s11] =	stream.linear.scatter [tilespmem:s0], [sflag:$0x1], $0x1, $0x38;
	[tilespmem:$0x9120] =	vst v63  }
0x4a: {  	_ =	swait.ge [sflag:s4], $0x1  }
0x4b: {  	[sflag:s4] =	ssyncset.done $0x0  }
0x4c: {  	[sflag:s4] =	ssyncadd.s32 $0xFFFFFFFF  }
0x4d: {  	v4 =	vld [tilespmem:$0x10]  }
0x4e: {  	v5 =	vld [tilespmem:$0x70]  }
0x4f: {  	v3 =	vld [tilespmem:$0x80];
	_ =	sdelay $0x2  }
0x50: {  	(v2sf) =	vpush v4, $0x0  }
0x51: {  	(v2sf) =	vpush v5, $0x0  }
0x52: {  	(v2sf) =	vpush v3, $0x0;
	_ =	sdelay $0xc  }
0x53: {  	s17 =	spop (v2sf)  }
0x54: {  	s2 =	spop (v2sf)  }
0x55: {  	s30 =	spop (v2sf)  }
0x56: {  	p0 =	seq.s32 s17, s2;
	p1 =	seq.s32 s30, s17  }
0x57: {  	p1 =	por p0, p1  }
0x58: {  	v4 =	vpsel p1, $0xFFFFFFFF, v4  }
0x59: {  	[tilespmem:s18+$0x0] =	vst.msk $0x1, v4  }
0x5a: {  	v4 =	vld [tilespmem:$0x30]  }
0x5b: {  	v5 =	vld [tilespmem:$0x5100]  }
0x5c: {  	v6 =	vld [tilespmem:$0x40];
	_ =	sdelay $0x3  }
0x5d: {  	vm4 =	vmmov vm1;
	vm6 =	vmmov vm2;
	vm5 =	vgt.s32 v4, v5  }
0x5e: {  	s3 =	simm.s32 $0x5100;
	vm4 =	vmmov @p0 vm2;
	v5 =	vsel vm5, v4, v5;
	vm5 =	vgt.s32 v4, v6  }
0x5f: {  	vm6 =	vmmov @p1 vm1;
	v4 =	vsel vm5, v4, v6;
	[tilespmem:s3+$0x0] =	vst.msk vm4, v5  }
0x60: {  	[tilespmem:s19+$0x0] =	vst.msk vm6, v4  }
0x61: {  	v4 =	vld [tilespmem:$0x40F0];
	_ =	sdelay $0x4  }
0x62: {  	v4 =	vshift.insert v4, v1, s20;
	_ =	sdelay $0x1  }
0x63: {  	v5 =	vimm.s32 $0x80000000;
	[tilespmem:s21+$0x0] =	vst.msk $0x1, v4  }
0x64: {  	[tilespmem:s22+$0x0] =	vst.msk $0x1, v5  }
0x65: {  	v4 =	vld [tilespmem:$0x10F0];
	_ =	sdelay $0x4  }
0x66: {  	v4 =	vshift.insert v4, v1, s20;
	_ =	sdelay $0x1  }
0x67: {  	[tilespmem:s23+$0x0] =	vst.msk $0x1, v4  }
0x68: {  	v6 =	vld [tilespmem:s3+$0x0]  }
0x69: {  	s16 =	simm.s32 $0x100  }
0x6a: {  	v7 =	vld [tilespmem:s16+$0x0];
	_ =	sdelay $0x2  }
0x6b: {  	vm4 =	vgt.s32 v6, v5  }
0x6c: {  	v5 =	vsel vm4, v6, v5  }
0x6d: {  	vm4 =	vne.s32 v7, $0xFFFFFFFF;
	v5 =	vxor.u32 $0x80000000, v5  }
0x6e: {  	(xrf0) =	vmax.seg.scan.u32 vm4, v5  }
0x6f: {  	s17 =	simm.s32 $0x3100  }
0x70: {  	v8 =	vld [tilespmem:s17+$0x0]  }
0x71: {  	v6 =	vld [tilespmem:$0xA0];
	_ =	sdelay $0x2  }
0x72: {  	v5 =	vperm.xlane v4, v1;
	v9, _, _ =	vpop (xrf0)  }
0x73: {  	vm6 =	veq.s32 v7, v3;
	v9 =	vxor.u32 $0x80000000, v9  }
0x74: {  	vm8 =	veq.s32 v7, v5;
	vm5 =	veq.s32 v6, $0x1;
	vm7 =	vgt.s32 v9, v8  }
0x75: {  	vm8 =	vmor vm8, vm6;
	v6 =	vsel vm7, v9, v8;
	vm7 =	vgt.u32 v7, $0xFFFFFFFD  }
0x76: {  	v10 =	vld [tilespmem:$0x90];
	vm9 =	vmand vm4, vm3;
	vm4 =	vmor vm5, vm6;
	vm5 =	vmor vm8, vm7  }
0x77: {  	v8 =	vsel vm5, $0xFFFFFFFF, v7;
	_ =	sdelay $0x1  }
0x78: {  	s31 =	simm.s32 $0x7100  }
0x79: {  	s0 =	simm.s32 $0x0;
	s2 =	simm.s32 $0x5110;
	s3 =	simm.s32 $0x110;
	v11 =	vsel vm9, $0x80000000, v9;
	v6 =	vsel vm6, v9, v6  }
0x7a: {  	s16 =	simm.s32 $0x7110;
	s17 =	simm.s32 $0x3110;
	[tilespmem:s31+$0x0] =	vst v6;
	v6 =	vsel vm6, v9, v10;
	v7 =	vshift.insert v11, v0, s20;
	(ifvalue) =	ssetifvalue $0xFFFFFFFF  }
.LBB2_9:
0x7b: {  	[hbm4b:s1+s14] =	stream.indirect_vreg.scatter [tilespmem:s31], [sflag:$0x2], $0x1, v8, vm0, $0x4038;
	[tilespmem:$0x9120] =	vst v63  }
0x7c: {  	s0 =	sadd.s32 $0x10, s0;
	s31 =	smov.u32 s16;
	v8 =	vld [tilespmem:s2+$0x0]  }
0x7d: {  	p0 =	slt.u32 s0, $0xFF0  }
0x7e: {  	v9 =	vld [tilespmem:s3+$0x0];
	_ =	sdelay $0x2  }
0x7f: {  	vm5 =	vgt.s32 v8, v7  }
0x80: {  	v7 =	vsel vm5, v8, v7  }
0x81: {  	vm5 =	vne.s32 v9, $0xFFFFFFFF;
	v7 =	vxor.u32 $0x80000000, v7  }
0x82: {  	(xrf0) =	vmax.seg.scan.u32 vm5, v7;
	_ =	sdelay $0x2  }
0x83: {  	v7 =	vld [tilespmem:s17+$0x0];
	_ =	sdelay $0x1  }
0x84: {  	vm6 =	veq.s32 v9, v3;
	vm7 =	veq.s32 v9, v5  }
0x85: {  	vm8 =	vgt.u32 v9, $0xFFFFFFFD;
	vm4 =	vmor vm4, vm6;
	vm7 =	vmor vm7, vm6;
	v8, _, _ =	vpop (xrf0)  }
0x86: {  	vm5 =	vmand vm5, vm3;
	vm7 =	vmor vm7, vm8;
	v10 =	vxor.u32 $0x80000000, v8  }
.Ltmp7:
0x87: {  	v8 =	vsel vm7, $0xFFFFFFFF, v9;
	vm7 =	vgt.s32 v10, v7;
	v9 =	vsel vm5, $0x80000000, v10;
	(pc) =	sbr.rel @p0 .LBB2_9-.Ltmp7, $4  }
0x88: {  	v6 =	vsel vm6, v10, v6;
	v11 =	vsel vm7, v10, v7;
	v7 =	vshift.insert v9, v0, s20  }
0x89: {  	v9 =	vsel vm6, v10, v11  }
0x8a: {  	s2 =	sadd.s32 $0x10, s2;
	s3 =	sadd.s32 $0x10, s3;
	[tilespmem:s16+$0x0] =	vst v9  }
0x8b: {  	s17 =	sadd.s32 $0x10, s17;
	s16 =	sadd.s32 $0x10, s16;
	(ifvalue) =	ssetifvalue $0xFFFFFFFF  }
0x8c: {  	_ =	sdelay $0x3  }
0x8d: {  	[hbm4b:s1+s14] =	stream.indirect_vreg.scatter [tilespmem:s31], [sflag:$0x2], $0x1, v8, vm0, $0x4038;
	[tilespmem:$0x9120] =	vst v63  }
0x8e: {  	v3 =	vld [tilespmem:$0x80F0];
	_ =	sdelay $0x4  }
0x8f: {  	v3 =	vshift.insert v3, v1, s20;
	_ =	sdelay $0x1  }
0x90: {  	[tilespmem:s24+$0x0] =	vst.msk $0x1, v3  }
0x91: {  	v3 =	vsel vm4, $0x1, v1;
	[tilespmem:$0x90] =	vst v6  }
0x92: {  	[tilespmem:$0xA0] =	vst v3  }
0x93: {  	[spmem:s12] =	stream.linear.scatter [tilespmem:s25], [sflag:$0x1], $0x1, $0x38;
	[tilespmem:$0x9120] =	vst v63  }
0x94: {  	v3 =	vmctz.xlane vm4;
	_ =	swait.ge [sflag:s4], $0x1  }
0x95: {  	(v2sf) =	vpush v4, $0x0  }
0x96: {  	(v2sf) =	vpush v3, $0x0;
	_ =	sdelay $0xd  }
0x97: {  	s0 =	spop (v2sf)  }
0x98: {  	s2 =	spop (v2sf)  }
0x99: {  	[sflag:s4] =	ssyncset.done $0x0;
	p0 =	sne.s32 s30, s0;
	p1 =	slt.s32 s2, $0xF  }
0x9a: {  	[sflag:s4] =	ssyncadd.s32 $0xFFFFFFFF;
	v3 =	vimm.s32 @!p0 $0xFFFFFFFF;
	s2 =	simm.s32 @!p1 $0xF  }
0x9b: {  	[tilespmem:$0x80] =	vst @!p0 v3;
	s31 =	sadd.s32 $0x90, s2  }
0x9c: {  	[spmem:s10] =	stream.linear.scatter [tilespmem:s31], [sflag:$0x1], $0x1, $0x38;
	[tilespmem:$0x9120] =	vst v63  }
0x9d: {  	_ =	swait.ge [sflag:s4], $0x1  }
0x9e: {  	[sflag:s4] =	ssyncset.done $0x0  }
0x9f: {  	[sflag:s4] =	ssyncadd.s32 $0xFFFFFFFF  }
0xa0: {  	[spmem:s13] =	stream.linear.scatter [tilespmem:s26], [sflag:$0x1], $0x1, $0x38;
	[tilespmem:$0x9120] =	vst v63  }
0xa1: {  	_ =	swait.ge [sflag:s4], $0x1  }
0xa2: {  	[sflag:s4] =	ssyncset.done $0x0  }
0xa3: {  	[sflag:s4] =	ssyncadd.s32 $0xFFFFFFFF;
	(ifvalue) =	ssetifvalue $0xFFFFFFFF;
	v3 =	vld [tilespmem:$0x10];
	_ =	sdelay $0x3  }
.Ltmp8:
0xa4: {  	_ = 	snop;
	(pc) =	sbr.rel .LBB2_4-.Ltmp8, $3  }
0xa5: {  	_ =	sdelay $0x1  }
0xa6: {  	(ifvalue) =	ssetifvalue $0xFFFFFFFF  }
0xa7: {  	[hbm4b:s1+s14] =	stream.indirect_vreg.scatter [tilespmem:s19], [sflag:$0x9], $0x1, v3, vm0, $0x4038;
	[tilespmem:$0x9120] =	vst v63  }
.LBB2_12:
0xa8: {  	s0 =	simm.s32 $0x2  }
0xa9: {  	_ =	swait.ge [sflag:s0], $0x1000  }
0xaa: {  	[sflag:s0] =	ssyncset.done $0x0  }
0xab: {  	s31 =	simm.s32 $0x9;
	[sflag:s0] =	ssyncadd.s32 $0xFFFFF000  }
0xac: {  	_ =	swait.ge [sflag:s31], $0x10  }
0xad: {  	[sflag:s31] =	ssyncset.done $0x0  }
0xae: {  	[sflag:s31] =	ssyncadd.s32 $0xFFFFFFF0  }
.LBB2_13:
0xaf: {  	_ =	sfence.sel $0x180000  }
0xb0: {  	s0 =	simm.s32 $0x7;
	[bflag:$0x0] =	sbarrier.arrive $0xFFFF  }
0xb1: {  	s26 =	simm.s32 $0x8;
	[sflag:s0] =	ssyncpa.u1 $0x1  }
0xb2: {  	s28 =	simm.s32 $0x9;
	[sflag:s26] =	ssyncpa.u1 $0x1  }
0xb3: {  	[sflag:s28] =	ssyncpa.u1 $0x1  }
0xb4: {  	_ =	sfence.stream.spmem  }
0xb5: {  	s29 =	simm.s32 $0x3;
	[bflag:$0x0] =	sbarrier.arrive $0xFFFF  }
0xb6: {  	s30 =	simm.s32 $0x4;
	[sflag:s29] =	ssyncpa.u1 $0x1  }
0xb7: {  	s31 =	simm.s32 $0x3C;
	s2 =	stileid.u32;
	[sflag:s30] =	ssyncpa.u1 $0x1  }
0xb8: {  	p0 =	sne.s32 s2, $0x0;
	[sflag:s31] =	ssyncpa.u1 $0x1  }
0xb9: {  	s0 =	simm.s32 @p0 $0x1;
	_ =	sfence @p0  }
0xba: {  	[sflag:s0] =	ssyncpa.u1 @p0 $0x1;
	s0 =	simm.s32 @p0 $0x2  }
0xbb: {  	[sflag:s0] =	ssyncpa.u1 @p0 $0x1  }
0xbc: {  	_ =	strace @p0 $0x90000047  }
0xbd: {  	[bflag:$0x2] =	sbarrier.arrive @p0 $0xFFFF  }
0xbe: {  	_ =	shalt @p0  }
.LBB2_14:
0xbf: {  	_ =	sfence.stream.spmem;
	s0 =	simm.s32 $0x5  }
0xc0: {  	s2 =	simm.s32 $0x80;
	s3 =	simm.s32 $0xC0;
	[sflag:s0] =	ssyncpa.u1 $0x0  }
0xc1: {  	[tilespmem:s3], [sflag:$0x5] =	stream.linear.gather [spmem:s2], $0x20, $0x38;
	[tilespmem:$0x9120] =	vst v63  }
0xc2: {  	s30 =	simm.s32 $0xE0;
	s2 =	simm.s32 $0x0  }
0xc3: {  	[tilespmem:s30], [sflag:$0x5] =	stream.linear.gather [spmem:s2], $0x20, $0x38;
	[tilespmem:$0x9120] =	vst v63  }
.Ltmp9:
0xc4: {  	_ = 	snop;
	(pc) =	sbr.rel .LBB2_15-.Ltmp9, $4  }
0xc5: {  	_ =	swait.ge [sflag:s0], $0x40  }
0xc6: {  	[sflag:s0] =	ssyncset.done $0x0  }
0xc7: {  	s31 =	simm.s32 $0x6;
	[sflag:s0] =	ssyncadd.s32 $0xFFFFFFC0  }
0xc8: {  	s3 =	simm.s32 $0x0;
	[sflag:s31] =	ssyncpa.u1 $0x0  }
.LBB2_20:
0xc9: {  	p0 =	sgt.u32 s4, $0x3FFFFF  }
0xca: {  	s0 =	sshrl.u32 @!p0 s4, $0x3  }
0xcb: {  	s4 =	sand.u32 @!p0 $0x7, s4;
	s5 =	simm.s32 @!p0 $0xB0;
	s0 =	sadd.s32 @!p0 s1, s0  }
0xcc: {  	[tilespmem:s5], [sflag:$0x6] =	stream.linear.gather @!p0 [hbm4b:s0+s4], $0x1, $0x38;
	[tilespmem:$0x9120] =	vst v63  }
0xcd: {  	s0 =	simm.s32 @!p0 $0x6  }
0xce: {  	_ =	swait.ge @!p0 [sflag:s0], $0x1  }
0xcf: {  	[sflag:s0] =	ssyncset.done @!p0 $0x0  }
0xd0: {  	[sflag:s0] =	ssyncadd.s32 @!p0 $0xFFFFFFFF  }
0xd1: {  	v1 =	vld.msk @!p0 [tilespmem:$0xB0], $0x1  }
0xd2: {  	v2 =	vld.msk @!p0 [tilespmem:s3+$0xE0], $0x1;
	_ =	sdelay $0x4  }
0xd3: {  	vm0 =	vgt.s32 @!p0 v2, v1  }
0xd4: {  	v1 =	vsel @!p0 vm0, v2, v1  }
0xd5: {  	[tilespmem:s3+$0xE0] =	vst.msk @!p0 $0x1, v1  }
0xd6: {  	[tilespmem:s2+$0xC0] =	vst.msk $0x1, v0  }
0xd7: {  	v0 =	vld.msk [tilespmem:s3+$0xE0], $0x1;
	_ =	sdelay $0x4  }
0xd8: {  	[tilespmem:s2+$0xE0] =	vst.msk $0x1, v0;
	s2 =	sadd.s32 $0x1, s2  }
.LBB2_22:
0xd9: {  	s3 =	sadd.s32 $0x1, s3  }
0xda: {  	p0 =	sne.s32 s3, $0x20  }
.Ltmp10:
0xdb: {  	_ = 	snop;
	(pc) =	sbr.rel @!p0 .LBB2_23-.Ltmp10, $1  }
0xdc: {  	_ =	sdelay $0x3  }
.LBB2_15:
0xdd: {  	v0 =	vld.msk [tilespmem:s3+$0xC0], $0x1;
	_ =	sdelay $0x4  }
0xde: {  	(v2sf) =	vpush v0, $0x0;
	_ =	sdelay $0xe  }
0xdf: {  	s4 =	spop (v2sf)  }
0xe0: {  	p0 =	seq.s32 s4, $0xFFFFFFFF  }
.Ltmp11:
0xe1: {  	_ = 	snop;
	(pc) =	sbr.rel @p0 .LBB2_22-.Ltmp11, $1  }
0xe2: {  	_ =	sdelay $0x3  }
0xe3: {  	p0 =	slt.s32 s2, $0x1  }
.Ltmp12:
0xe4: {  	_ = 	snop;
	(pc) =	sbr.rel @p0 .LBB2_20-.Ltmp12, $1  }
0xe5: {  	_ =	sdelay $0x3  }
0xe6: {  	s0 =	simm.s32 $0xC0;
	p0 =	por $0x0, $0x0  }
0xe7: {  	v1 =	vld.msk @!p0 [tilespmem:s0+$0x0], $0x1;
	_ =	sdelay $0x4  }
0xe8: {  	(v2sf) =	vpush @!p0 v1, $0x0;
	_ =	sdelay $0xd  }
0xe9: {  	p2 =	sne.s32 s2, $0x1  }
.Ltmp13:
0xea: {  	s5 =	spop @!p0 (v2sf);
	(pc) =	sbr.rel @!p2 .LBB2_19-.Ltmp13, $4  }
0xeb: {  	p1 =	seq.s32 @!p0 s4, s5  }
0xec: {  	s5 =	simm.s32 $0x0;
	p1 =	por !p1, p0  }
0xed: {  	s7 =	simm.s32 $0xFFFFFFFF;
	s5 =	simm.s32 @p1 $0xFFFFFFFF  }
0xee: {  	s6 =	simm.s32 $0x1;
	s5 =	smov.u32 @p0 s7  }
.LBB2_18:
0xef: {  	s7 =	smov.u32 s5;
	p0 =	sne.s32 s5, $0xFFFFFFFF  }
0xf0: {  	s0 =	sadd.s32 $0x1, s0;
	s5 =	smov.u32 s6;
	s6 =	sadd.s32 $0x1, s6  }
0xf1: {  	p1 =	sne.s32 s2, s6;
	v1 =	vld.msk @!p0 [tilespmem:s0+$0x0], $0x1;
	_ =	sdelay $0x4  }
0xf2: {  	(v2sf) =	vpush @!p0 v1, $0x0;
	_ =	sdelay $0xe  }
.Ltmp14:
0xf3: {  	s8 =	spop @!p0 (v2sf);
	(pc) =	sbr.rel @p1 .LBB2_18-.Ltmp14, $4  }
0xf4: {  	p2 =	seq.s32 @!p0 s4, s8  }
0xf5: {  	p2 =	por !p2, p0  }
0xf6: {  	s5 =	simm.s32 @p2 $0xFFFFFFFF  }
0xf7: {  	s5 =	smov.u32 @p0 s7  }
.LBB2_19:
0xf8: {  	p0 =	sne.s32 s5, $0xFFFFFFFF  }
.Ltmp15:
0xf9: {  	_ = 	snop;
	(pc) =	sbr.rel @!p0 .LBB2_20-.Ltmp15, $1  }
0xfa: {  	_ =	sdelay $0x3  }
0xfb: {  	v0 =	vld.msk [tilespmem:s3+$0xE0], $0x1  }
0xfc: {  	v1 =	vld.msk [tilespmem:s5+$0xE0], $0x1;
	_ =	sdelay $0x2  }
.Ltmp16:
0xfd: {  	_ = 	snop;
	(pc) =	sbr.rel .LBB2_22-.Ltmp16, $4  }
0xfe: {  	_ = 	snop  }
0xff: {  	vm0 =	vgt.s32 v1, v0  }
0x100: {  	v0 =	vsel vm0, v1, v0  }
0x101: {  	[tilespmem:s5+$0xE0] =	vst.msk $0x1, v0  }
.LBB2_23:
0x102: {  	p0 =	slt.s32 s2, $0x1  }
.Ltmp17:
0x103: {  	_ = 	snop;
	(pc) =	sbr.rel @p0 .LBB2_27-.Ltmp17, $3  }
0x104: {  	_ =	sdelay $0x1  }
0x105: {  	s0 =	simm.s32 $0x6  }
0x106: {  	[sflag:s0] =	ssyncpa.u1 $0x1;
	s0 =	simm.s32 $0x0  }
0x107: {  	s3 =	simm.s32 $0xC0  }
0x108: {  	v0 =	vld.msk [tilespmem:s3+$0x0], $0x1;
	_ =	sdelay $0x4  }
0x109: {  	(v2sf) =	vpush v0, $0x0;
	_ =	sdelay $0xe  }
0x10a: {  	s2 =	sadd.s32 $0xFFFFFFFF, s2;
	s4 =	spop (v2sf)  }
0x10b: {  	p1 =	sne.s32 s2, $0x0;
	p0 =	sgt.u32 s4, $0x3FFFFF  }
.Ltmp18:
0x10c: {  	s5 =	sshrl.u32 @!p0 s4, $0x3;
	(pc) =	sbr.rel @!p1 .LBB2_26-.Ltmp18, $4  }
0x10d: {  	s3 =	simm.s32 $0xE0;
	s4 =	sand.u32 @!p0 $0x7, s4;
	s5 =	sadd.s32 @!p0 s1, s5  }
0x10e: {  	[hbm4b:s5+s4] =	stream.linear.scatter @!p0 [tilespmem:s3], [sflag:$0x5], $0x1, $0x38;
	[tilespmem:$0x9120] =	vst v63  }
0x10f: {  	s5 =	simm.s32 $0x0  }
0x110: {  	s4 =	simm.s32 $0xC1;
	s5 =	simm.s32 @!p0 $0x4  }
.LBB2_25:
0x111: {  	v0 =	vld.msk [tilespmem:s4+$0x0], $0x1;
	s2 =	sadd.s32 $0xFFFFFFFF, s2;
	s0 =	sadd.s32 s0, s5  }
0x112: {  	p0 =	sne.s32 s2, $0x0;
	_ =	sdelay $0x3  }
0x113: {  	(v2sf) =	vpush v0, $0x0;
	_ =	sdelay $0xe  }
.Ltmp19:
0x114: {  	s6 =	spop (v2sf);
	(pc) =	sbr.rel @p0 .LBB2_25-.Ltmp19, $4  }
0x115: {  	s5 =	simm.s32 $0x0;
	p1 =	sgt.u32 s6, $0x3FFFFF  }
0x116: {  	s3 =	sadd.s32 $0x1, s3;
	s5 =	simm.s32 @!p1 $0x4;
	s7 =	sshrl.u32 @!p1 s6, $0x3  }
0x117: {  	s4 =	sadd.s32 $0x1, s4;
	s6 =	sand.u32 @!p1 $0x7, s6;
	s7 =	sadd.s32 @!p1 s1, s7  }
0x118: {  	[hbm4b:s7+s6] =	stream.linear.scatter @!p1 [tilespmem:s3], [sflag:$0x5], $0x1, $0x38;
	[tilespmem:$0x9120] =	vst v63  }
.LBB2_26:
0x119: {  	s0 =	sadd.s32 s0, s5  }
0x11a: {  	s0 =	sshrl.u32 s0, $0x2  }
.LBB2_27:
0x11b: {  	s1 =	simm.s32 $0x5  }
0x11c: {  	_ =	swait.ge [sflag:s1], s0  }
0x11d: {  	s28 =	ssub.s32 $0x0, s0;
	[sflag:s1] =	ssyncset.done $0x0  }
0x11e: {  	[sflag:s1] =	ssyncadd.s32 s28  }
0x11f: {  	[sflag:s1] =	ssyncpa.u1 $0x1  }
0x120: {  	s29 =	simm.s32 $0x1;
	_ =	sfence  }
0x121: {  	s30 =	simm.s32 $0x2;
	[sflag:s29] =	ssyncpa.u1 $0x1  }
0x122: {  	[sflag:s30] =	ssyncpa.u1 $0x1  }
0x123: {  	_ =	strace $0x90000047  }
0x124: {  	[bflag:$0x2] =	sbarrier.arrive $0xFFFF  }
0x125: {  	s31 =	rddreg [dreg:$0x2]  }
0x126: {  	s0 =	sadd.s32 $0x100000, s31  }
0x127: {  	[sflag:s0] =	ssyncadd.tile.s32 $0x1;
	_ =	shalt  }
.Lfunc_end2:
_tile_overlayer_lowered:
.L_overlay_start_2:
0x128: {  	(tag) =	ssettag $0x2  }
0x129: {  	s0 =	rddreg [dreg:$0x0];
	s2 =	stileid.u32  }
0x12a: {  	s1 =	rddreg [dreg:$0x1];
	p0 =	sne.s32 s2, $0x0  }
0x12b: {  	s3 =	rddreg [dreg:$0x2];
	[bflag:$0x3] =	sbarrier.arrive $0xFFFF;
	s2 =	simm.s32 @!p0 $0x1C01  }
0x12c: {  	[timem:s3], [sflag:s2] =	dma.local @!p0 [hbm:s0], s1  }
0x12d: {  	s0 =	simm.s32 @!p0 $0x1  }
0x12e: {  	_ =	swait.ge @!p0 [sflag:s0], s1  }
0x12f: {  	s1 =	ssub.s32 @!p0 $0x0, s1;
	[sflag:s0] =	ssyncset.done @!p0 $0x0  }
0x130: {  	[sflag:s0] =	ssyncadd.s32 @!p0 s1  }
0x131: {  	[bflag:$0x3] =	sbarrier.arrive $0xFFFF  }
0x132: {  	_ =	shalt  }

</sc_bundles>
